<compile_context>
chip_gen: v7x
topology: tpu7x:2x2x1
jax: 0.10.2.dev20260603
libtpu: 0.0.44.dev20260713+nightly
codegen_flags: <defaults>
</compile_context>

<pallas_src>
import jax
import jax.numpy as jnp
from jax import lax
from jax.experimental import pallas as pl
from jax.experimental.pallas import tpu as pltpu
from jax.experimental.pallas import tpu_sc as plsc

N = 10000
E = 320000
D = 128
G = 64

NC = 2
NS = 16
NW = NC * NS

CHUNK = 16
CPT = E // (NW * CHUNK)
NBUF = 12
LOOK = 6
MAIN_CH = (CPT // NBUF) * NBUF

ROWS_MAIN = 624
ROWS_TAIL = N - NS * ROWS_MAIN


EPT = E // NW


def _edge_pass_body(h4_hbm, pk_hbm, out_hbm, pk_v, rows_v, agg_sh, gsem, ssem):
    c = lax.axis_index("c")
    s = lax.axis_index("s")
    wid = c * NS + s

    cbase = wid * EPT
    pltpu.sync_copy(pk_hbm.at[pl.ds(cbase, EPT)], pk_v)

    def pk_at(j):
        if isinstance(j, int):
            off = j * CHUNK
        else:
            off = pl.multiple_of(j * CHUNK, CHUNK)
        return pk_v[pl.ds(off, CHUNK)]

    def gidx_at(j):
        return jnp.bitwise_and(pk_at(j), 0xFFFF)

    def sidx_at(j):
        return lax.shift_right_logical(pk_at(j), 16)

    for zb in (NBUF - 2, NBUF - 1):
        @pl.loop(0, CHUNK)
        def _(r):
            for g in range(D // 16):
                rows_v[zb][r, pl.ds(g * 16, 16)] = jnp.zeros((16,),
                                                             jnp.float32)

    base_r = s * ROWS_MAIN
    NZ = ROWS_MAIN // CHUNK
    for b in range(NZ):
        zb = NBUF - 2 + (b % 2)
        pltpu.async_copy(rows_v[zb],
                         agg_sh.at[pl.ds(base_r + b * CHUNK, CHUNK)],
                         ssem[zb])

    @pl.when(s == NS - 1)
    def _():
        pltpu.async_copy(rows_v[NBUF - 1],
                         agg_sh.at[pl.ds(NS * ROWS_MAIN, ROWS_TAIL)],
                         ssem[NBUF - 1])

    for jp in range(LOOK):
        pltpu.async_copy(h4_hbm.at[gidx_at(jp)], rows_v[jp], gsem[jp])

    for b in range(NZ):
        zb = NBUF - 2 + (b % 2)
        pltpu.make_async_copy(rows_v[zb],
                              agg_sh.at[pl.ds(base_r + b * CHUNK, CHUNK)],
                              ssem[zb]).wait()

    @pl.when(s == NS - 1)
    def _():
        pltpu.make_async_copy(rows_v[NBUF - 1],
                              agg_sh.at[pl.ds(NS * ROWS_MAIN, ROWS_TAIL)],
                              ssem[NBUF - 1]).wait()

    plsc.subcore_barrier()

    @pl.loop(0, MAIN_CH // NBUF)
    def _(j0):
        for d in range(NBUF):
            j = j0 * NBUF + d
            bn = (d + LOOK) % NBUF
            jn = j + LOOK

            @pl.when(j >= NBUF - LOOK)
            def _():
                pltpu.make_async_copy(
                    rows_v[bn], agg_sh.at[sidx_at(j - (NBUF - LOOK))],
                    ssem[bn]).wait()

            @pl.when(jn < CPT)
            def _():
                pltpu.async_copy(h4_hbm.at[gidx_at(jn)], rows_v[bn],
                                 gsem[bn])

            pltpu.make_async_copy(h4_hbm.at[gidx_at(j)], rows_v[d],
                                  gsem[d]).wait()

            pltpu.async_copy(rows_v[d], agg_sh.at[sidx_at(j)], ssem[d],
                             add=True)

    for j in range(MAIN_CH, CPT):
        d = j % NBUF
        bn = (d + LOOK) % NBUF
        pltpu.make_async_copy(rows_v[bn],
                              agg_sh.at[sidx_at(j - (NBUF - LOOK))],
                              ssem[bn]).wait()
        pltpu.make_async_copy(h4_hbm.at[gidx_at(j)], rows_v[d],
                              gsem[d]).wait()
        pltpu.async_copy(rows_v[d], agg_sh.at[sidx_at(j)], ssem[d], add=True)

    for jj in range(CPT - (NBUF - LOOK), CPT):
        pltpu.make_async_copy(rows_v[jj % NBUF], agg_sh.at[sidx_at(jj)],
                              ssem[jj % NBUF]).wait()

    plsc.subcore_barrier()

    @pl.when(s < NS - 1)
    def _():
        pltpu.sync_copy(agg_sh.at[pl.ds(base_r, ROWS_MAIN)],
                        out_hbm.at[c, pl.ds(base_r, ROWS_MAIN)])

    @pl.when(s == NS - 1)
    def _():
        pltpu.sync_copy(
            agg_sh.at[pl.ds((NS - 1) * ROWS_MAIN, ROWS_MAIN + ROWS_TAIL)],
            out_hbm.at[c, pl.ds((NS - 1) * ROWS_MAIN, ROWS_MAIN + ROWS_TAIL)])


_edge_pass = pl.kernel(
    _edge_pass_body,
    mesh=plsc.VectorSubcoreMesh(core_axis_name="c", subcore_axis_name="s"),
    out_type=jax.ShapeDtypeStruct((NC, N, D), jnp.float32),
    scratch_types=[
        pltpu.VMEM((E // NW,), jnp.int32),
        [pltpu.VMEM((CHUNK, D), jnp.float32) for _ in range(NBUF)],
        pltpu.VMEM_SHARED((N, D), jnp.float32),
        [pltpu.SemaphoreType.DMA for _ in range(NBUF)],
        [pltpu.SemaphoreType.DMA for _ in range(NBUF)],
    ],
)


BLK = 1000
NBLK = N // BLK
EBLK = E // NBLK


def _h4_body(x_ref, t_ref, o_ref):
    xv = x_ref[...]
    tv = t_ref[...]
    for a in range(4):
        o_ref[a] = jnp.maximum(xv + tv[a], 0.0)


def _h4(x, table):
    return pl.pallas_call(
        _h4_body,
        grid=(NBLK,),
        in_specs=[
            pl.BlockSpec((BLK, D), lambda i: (i, 0)),
            pl.BlockSpec((4, D), lambda i: (0, 0)),
        ],
        out_specs=pl.BlockSpec((4, BLK, D), lambda i: (0, i, 0)),
        out_shape=jax.ShapeDtypeStruct((4, N, D), jnp.float32),
    )(x, table)


def _idx_prep_body(ei_ref, attr_ref, pk_ref):
    ei = ei_ref[...]
    pk_ref[...] = (jnp.left_shift(ei[1], 16)
                   + attr_ref[...] * N + ei[0])


def _idx_prep(edge_index, edge_attr):
    return pl.pallas_call(
        _idx_prep_body,
        out_shape=jax.ShapeDtypeStruct((E // 128, 128), jnp.int32),
    )(edge_index.reshape(2, E // 128, 128), edge_attr.reshape(E // 128, 128))


def _mlp_h4_body(x_ref, agg_ref, w1_ref, b1_ref, w2_ref, b2_ref, t_ref,
                 h_ref, h4_ref):
    a = agg_ref[...]
    t = x_ref[...] + a[0] + a[1]
    z = jnp.maximum(
        jnp.dot(t, w1_ref[...], preferred_element_type=jnp.float32)
        + b1_ref[...], 0.0)
    h = (jnp.dot(z, w2_ref[...], preferred_element_type=jnp.float32)
         + b2_ref[...])
    h_ref[...] = h
    tv = t_ref[...]
    for k in range(4):
        h4_ref[k] = jnp.maximum(h + tv[k], 0.0)


def _mlp_h4(x, agg, W1, b1, W2, b2, table):
    return pl.pallas_call(
        _mlp_h4_body,
        grid=(NBLK,),
        in_specs=[
            pl.BlockSpec((BLK, D), lambda i: (i, 0)),
            pl.BlockSpec((NC, BLK, D), lambda i: (0, i, 0)),
            pl.BlockSpec((D, D), lambda i: (0, 0)),
            pl.BlockSpec((1, D), lambda i: (0, 0)),
            pl.BlockSpec((D, D), lambda i: (0, 0)),
            pl.BlockSpec((1, D), lambda i: (0, 0)),
            pl.BlockSpec((4, D), lambda i: (0, 0)),
        ],
        out_specs=[
            pl.BlockSpec((BLK, D), lambda i: (i, 0)),
            pl.BlockSpec((4, BLK, D), lambda i: (0, i, 0)),
        ],
        out_shape=[
            jax.ShapeDtypeStruct((N, D), jnp.float32),
            jax.ShapeDtypeStruct((4, N, D), jnp.float32),
        ],
    )(x, agg, W1, b1.reshape(1, D), W2, b2.reshape(1, D), table)


def _mlp_pool_body(x_ref, agg_ref, batch_ref, w1_ref, b1_ref, w2_ref, b2_ref,
                   o_ref, sum_scr, cnt_scr):
    i = pl.program_id(0)
    a = agg_ref[...]
    t = x_ref[...] + a[0] + a[1]
    z = jnp.maximum(
        jnp.dot(t, w1_ref[...], preferred_element_type=jnp.float32)
        + b1_ref[...], 0.0)
    h2 = (jnp.dot(z, w2_ref[...], preferred_element_type=jnp.float32)
          + b2_ref[...])

    bids = batch_ref[0, 0, :]
    oh = (lax.broadcasted_iota(jnp.int32, (G, BLK), 0)
          == bids[None, :]).astype(jnp.float32)
    psum = jnp.dot(oh, h2, preferred_element_type=jnp.float32)
    pcnt = jnp.sum(oh, axis=1)

    @pl.when(i == 0)
    def _():
        sum_scr[...] = jnp.zeros_like(sum_scr)
        cnt_scr[...] = jnp.zeros_like(cnt_scr)

    sum_scr[...] += psum
    cnt_scr[...] += pcnt[:, None]

    @pl.when(i == NBLK - 1)
    def _():
        o_ref[...] = sum_scr[...] / jnp.maximum(cnt_scr[...], 1.0)


def _mlp_pool(x, agg, batch_r, W1, b1, W2, b2):
    return pl.pallas_call(
        _mlp_pool_body,
        grid=(NBLK,),
        in_specs=[
            pl.BlockSpec((BLK, D), lambda i: (i, 0)),
            pl.BlockSpec((NC, BLK, D), lambda i: (0, i, 0)),
            pl.BlockSpec((1, 1, BLK), lambda i: (i, 0, 0)),
            pl.BlockSpec((D, D), lambda i: (0, 0)),
            pl.BlockSpec((1, D), lambda i: (0, 0)),
            pl.BlockSpec((D, D), lambda i: (0, 0)),
            pl.BlockSpec((1, D), lambda i: (0, 0)),
        ],
        out_specs=pl.BlockSpec((G, D), lambda i: (0, 0)),
        out_shape=jax.ShapeDtypeStruct((G, D), jnp.float32),
        scratch_shapes=[
            pltpu.VMEM((G, D), jnp.float32),
            pltpu.VMEM((G, D), jnp.float32),
        ],
    )(x, agg, batch_r, W1, b1.reshape(1, D), W2, b2.reshape(1, D))


def kernel(x, edge_index, edge_attr, batch, edge_table,
           W11, b11, W12, b12, W21, b21, W22, b22):
    batch_r = batch.reshape(NBLK, 1, BLK)

    pk = _idx_prep(edge_index, edge_attr).reshape(E)
    h4a = _h4(x, edge_table).reshape(4 * N, D)
    agg1 = _edge_pass(h4a, pk)
    h1, h4b = _mlp_h4(x, agg1, W11, b11, W12, b12, edge_table)
    agg2 = _edge_pass(h4b.reshape(4 * N, D), pk)
    return _mlp_pool(h1, agg2, batch_r, W21, b21, W22, b22)

# --- scband reference (transcript-rebuilt; emitter-appended) ---
"""Pipeline reference for scband-feature-extractor-gin-58299886076525 (READ-ONLY COPY).

The authoritative reference and input builder live on the scoring server;
editing this copy changes nothing except your own understanding.
"""

import jax, jax.numpy as jnp
import numpy as np

N = 10000
E = 320000
D = 128
G = 64


def setup_inputs(seed: int = 0) -> dict:
    key = jax.random.key(seed)
    ks = jax.random.split(key, 14)
    s = 1.0 / np.sqrt(D)
    x = jax.random.normal(ks[0], (N, D), dtype=jnp.float32)
    edge_index = jax.random.randint(ks[1], (2, E), 0, N, dtype=jnp.int32)
    edge_attr = jax.random.randint(ks[2], (E,), 0, 4, dtype=jnp.int32)
    batch = jnp.sort(jax.random.randint(ks[3], (N,), 0, G, dtype=jnp.int32))
    edge_table = jax.random.normal(ks[4], (4, D), dtype=jnp.float32) * s
    W11 = jax.random.normal(ks[5], (D, D), dtype=jnp.float32) * s
    b11 = jnp.zeros((D,), dtype=jnp.float32)
    W12 = jax.random.normal(ks[6], (D, D), dtype=jnp.float32) * s
    b12 = jnp.zeros((D,), dtype=jnp.float32)
    W21 = jax.random.normal(ks[7], (D, D), dtype=jnp.float32) * s
    b21 = jnp.zeros((D,), dtype=jnp.float32)
    W22 = jax.random.normal(ks[8], (D, D), dtype=jnp.float32) * s
    b22 = jnp.zeros((D,), dtype=jnp.float32)
    return {"x": x, "edge_index": edge_index, "edge_attr": edge_attr, "batch": batch,
            "edge_table": edge_table,
            "W11": W11, "b11": b11, "W12": W12, "b12": b12,
            "W21": W21, "b21": b21, "W22": W22, "b22": b22}


def _gine_conv(h, edge_index, e, Wa, ba, Wb, bb):
    src = edge_index[0]
    dst = edge_index[1]
    # GINE message: ReLU(x_j + edge_emb), scatter-add to destination nodes
    msg = jax.nn.relu(jnp.take(h, src, axis=0) + e)
    agg = jax.ops.segment_sum(msg, dst, num_segments=N)
    out = h + agg  # (1 + eps) * x with eps = 0
    out = jax.nn.relu(out @ Wa + ba) @ Wb + bb
    return out


def reference(x, edge_index, edge_attr, batch, edge_table,
              W11, b11, W12, b12, W21, b21, W22, b22):
    edge_emb = jnp.take(edge_table, edge_attr, axis=0)
    h = _gine_conv(x, edge_index, edge_emb, W11, b11, W12, b12)
    h = _gine_conv(h, edge_index, edge_emb, W21, b21, W22, b22)
    # global_mean_pool over graph ids
    sums = jax.ops.segment_sum(h, batch, num_segments=G)
    counts = jax.ops.segment_sum(jnp.ones((N, 1), dtype=jnp.float32), batch, num_segments=G)
    return sums / jnp.maximum(counts, 1.0)

if __name__ == "__main__":
    import jax
    _d = setup_inputs()
    print(jax.jit(kernel)(*tuple(_d.values())))

</pallas_src>

<mosaic_0001>
#map = affine_map<(d0, d1) -> (0, 0)>
#map1 = affine_map<(d0, d1) -> (0)>
#map2 = affine_map<(d0, d1) -> (0, 0, 0)>
module attributes {stable_mosaic.version = 14 : i64} {
  func.func @_edge_pass_body(%arg0: i32, %arg1: i32, %arg2: memref<40000x128xf32, #tpu.memory_space<hbm>>, %arg3: memref<320000xi32, #tpu.memory_space<hbm>>, %arg4: memref<2x10000x128xf32, #tpu.memory_space<hbm>>, %arg5: memref<10000xi32, #tpu.memory_space<vmem>>, %arg6: memref<16x128xf32, #tpu.memory_space<vmem>>, %arg7: memref<16x128xf32, #tpu.memory_space<vmem>>, %arg8: memref<16x128xf32, #tpu.memory_space<vmem>>, %arg9: memref<16x128xf32, #tpu.memory_space<vmem>>, %arg10: memref<16x128xf32, #tpu.memory_space<vmem>>, %arg11: memref<16x128xf32, #tpu.memory_space<vmem>>, %arg12: memref<16x128xf32, #tpu.memory_space<vmem>>, %arg13: memref<16x128xf32, #tpu.memory_space<vmem>>, %arg14: memref<16x128xf32, #tpu.memory_space<vmem>>, %arg15: memref<16x128xf32, #tpu.memory_space<vmem>>, %arg16: memref<16x128xf32, #tpu.memory_space<vmem>>, %arg17: memref<16x128xf32, #tpu.memory_space<vmem>>, %arg18: memref<10000x128xf32, #tpu.memory_space<vmem_shared>>, %arg19: memref<!tpu.dma_semaphore, #tpu.memory_space<semaphore_mem>>, %arg20: memref<!tpu.dma_semaphore, #tpu.memory_space<semaphore_mem>>, %arg21: memref<!tpu.dma_semaphore, #tpu.memory_space<semaphore_mem>>, %arg22: memref<!tpu.dma_semaphore, #tpu.memory_space<semaphore_mem>>, %arg23: memref<!tpu.dma_semaphore, #tpu.memory_space<semaphore_mem>>, %arg24: memref<!tpu.dma_semaphore, #tpu.memory_space<semaphore_mem>>, %arg25: memref<!tpu.dma_semaphore, #tpu.memory_space<semaphore_mem>>, %arg26: memref<!tpu.dma_semaphore, #tpu.memory_space<semaphore_mem>>, %arg27: memref<!tpu.dma_semaphore, #tpu.memory_space<semaphore_mem>>, %arg28: memref<!tpu.dma_semaphore, #tpu.memory_space<semaphore_mem>>, %arg29: memref<!tpu.dma_semaphore, #tpu.memory_space<semaphore_mem>>, %arg30: memref<!tpu.dma_semaphore, #tpu.memory_space<semaphore_mem>>, %arg31: memref<!tpu.dma_semaphore, #tpu.memory_space<semaphore_mem>>, %arg32: memref<!tpu.dma_semaphore, #tpu.memory_space<semaphore_mem>>, %arg33: memref<!tpu.dma_semaphore, #tpu.memory_space<semaphore_mem>>, %arg34: memref<!tpu.dma_semaphore, #tpu.memory_space<semaphore_mem>>, %arg35: memref<!tpu.dma_semaphore, #tpu.memory_space<semaphore_mem>>, %arg36: memref<!tpu.dma_semaphore, #tpu.memory_space<semaphore_mem>>, %arg37: memref<!tpu.dma_semaphore, #tpu.memory_space<semaphore_mem>>, %arg38: memref<!tpu.dma_semaphore, #tpu.memory_space<semaphore_mem>>, %arg39: memref<!tpu.dma_semaphore, #tpu.memory_space<semaphore_mem>>, %arg40: memref<!tpu.dma_semaphore, #tpu.memory_space<semaphore_mem>>, %arg41: memref<!tpu.dma_semaphore, #tpu.memory_space<semaphore_mem>>, %arg42: memref<!tpu.dma_semaphore, #tpu.memory_space<semaphore_mem>>) attributes {dimension_semantics = [#tpu.dimension_semantics<core_parallel>, #tpu.dimension_semantics<subcore_parallel>], iteration_bounds = array<i64: 2, 16>, scalar_prefetch = 0 : i64, scratch_operands = 38 : i64, tpu.core_type = #tpu.core_type<sc_vector_subcore>, window_params = [{transform_indices = #map}, {transform_indices = #map1}, {transform_indices = #map2}]} {
    %mul3A = arith.constant 16 : i32
    %mul3A_0 = arith.muli %arg0, %mul3A : i32
    %add3A = arith.addi %mul3A_0, %arg1 : i32
    %mul3A_1 = arith.constant 10000 : i32
    %mul3A_2 = arith.muli %add3A, %mul3A_1 : i32
    "tpu.region"() ({
      %run_scoped3A = tpu.sem_alloc : memref<!tpu.dma_semaphore, #tpu.memory_space<semaphore_mem>>
      %dma_start3A_634 = tpu.memref_slice %arg3[%mul3A_2] : memref<320000xi32, #tpu.memory_space<hbm>> -> memref<10000xi32, #tpu.memory_space<hbm>>
      %dma_start3A_635 = tpu.memref_slice %arg3[%mul3A_2] : memref<320000xi32, #tpu.memory_space<hbm>> -> memref<10000xi32, #tpu.memory_space<hbm>>
      tpu.enqueue_dma source(%dma_start3A_635 : memref<10000xi32, #tpu.memory_space<hbm>>) target(%arg5 : memref<10000xi32, #tpu.memory_space<vmem>>) target_semaphore(%run_scoped3A : memref<!tpu.dma_semaphore, #tpu.memory_space<semaphore_mem>>)
      %dma_wait3A_636 = tpu.memref_slice %arg3[%mul3A_2] : memref<320000xi32, #tpu.memory_space<hbm>> -> memref<10000xi32, #tpu.memory_space<hbm>>
      %dma_wait3A_637 = tpu.memref_slice %arg3[%mul3A_2] : memref<320000xi32, #tpu.memory_space<hbm>> -> memref<10000xi32, #tpu.memory_space<hbm>>
      tpu.wait_dma2 semaphore(%run_scoped3A : memref<!tpu.dma_semaphore, #tpu.memory_space<semaphore_mem>>) src(%dma_wait3A_637 : memref<10000xi32, #tpu.memory_space<hbm>>) dst(%arg5 : memref<10000xi32, #tpu.memory_space<vmem>>)
      tpu.yield
    }) : () -> ()
    %scan3A = arith.constant 0 : i32
    %scan3A_3 = arith.constant 16 : i32
    %scan3A_4 = arith.addi %scan3A, %scan3A_3 : i32
    %scan3A_5 = arith.constant 1 : i32
    scf.for %scan3A_634 = %scan3A to %scan3A_4 step %scan3A_5  : i32 {
      %mul3A_635 = arith.constant 1 : i32
      %mul3A_636 = arith.muli %scan3A_634, %mul3A_635 : i32
      %add3A_637 = arith.constant 0 : i32
      %add3A_638 = arith.addi %add3A_637, %mul3A_636 : i32
      %broadcast_in_dim3A = arith.constant 0.000000e+00 : f32
      %broadcast_in_dim3A_639 = vector.broadcast %broadcast_in_dim3A : f32 to vector<16xf32>
      %swap3A = arith.index_cast %add3A_638 : i32 to index
      %swap3A_640 = arith.constant 0 : index
      %swap3A_641 = tpu.vector_load %arg16[%swap3A, %swap3A_640] {strides = array<i32>} : memref<16x128xf32, #tpu.memory_space<vmem>>, vector<1x16xf32>,
      %swap3A_642 = vector.shape_cast %swap3A_641 : vector<1x16xf32> to vector<16xf32>
      %swap3A_643 = vector.shape_cast %broadcast_in_dim3A_639 : vector<16xf32> to vector<1x16xf32>
      tpu.vector_store %arg16[%swap3A, %swap3A_640], %swap3A_643 {strides = array<i32>} : memref<16x128xf32, #tpu.memory_space<vmem>>, vector<1x16xf32>,
      %broadcast_in_dim3A_644 = arith.constant 0.000000e+00 : f32
      %broadcast_in_dim3A_645 = vector.broadcast %broadcast_in_dim3A_644 : f32 to vector<16xf32>
      %swap3A_646 = arith.index_cast %add3A_638 : i32 to index
      %swap3A_647 = arith.constant 16 : index
      %swap3A_648 = tpu.vector_load %arg16[%swap3A_646, %swap3A_647] {strides = array<i32>} : memref<16x128xf32, #tpu.memory_space<vmem>>, vector<1x16xf32>,
      %swap3A_649 = vector.shape_cast %swap3A_648 : vector<1x16xf32> to vector<16xf32>
      %swap3A_650 = vector.shape_cast %broadcast_in_dim3A_645 : vector<16xf32> to vector<1x16xf32>
      tpu.vector_store %arg16[%swap3A_646, %swap3A_647], %swap3A_650 {strides = array<i32>} : memref<16x128xf32, #tpu.memory_space<vmem>>, vector<1x16xf32>,
      %broadcast_in_dim3A_651 = arith.constant 0.000000e+00 : f32
      %broadcast_in_dim3A_652 = vector.broadcast %broadcast_in_dim3A_651 : f32 to vector<16xf32>
      %swap3A_653 = arith.index_cast %add3A_638 : i32 to index
      %swap3A_654 = arith.constant 32 : index
      %swap3A_655 = tpu.vector_load %arg16[%swap3A_653, %swap3A_654] {strides = array<i32>} : memref<16x128xf32, #tpu.memory_space<vmem>>, vector<1x16xf32>,
      %swap3A_656 = vector.shape_cast %swap3A_655 : vector<1x16xf32> to vector<16xf32>
      %swap3A_657 = vector.shape_cast %broadcast_in_dim3A_652 : vector<16xf32> to vector<1x16xf32>
      tpu.vector_store %arg16[%swap3A_653, %swap3A_654], %swap3A_657 {strides = array<i32>} : memref<16x128xf32, #tpu.memory_space<vmem>>, vector<1x16xf32>,
      %broadcast_in_dim3A_658 = arith.constant 0.000000e+00 : f32
      %broadcast_in_dim3A_659 = vector.broadcast %broadcast_in_dim3A_658 : f32 to vector<16xf32>
      %swap3A_660 = arith.index_cast %add3A_638 : i32 to index
      %swap3A_661 = arith.constant 48 : index
      %swap3A_662 = tpu.vector_load %arg16[%swap3A_660, %swap3A_661] {strides = array<i32>} : memref<16x128xf32, #tpu.memory_space<vmem>>, vector<1x16xf32>,
      %swap3A_663 = vector.shape_cast %swap3A_662 : vector<1x16xf32> to vector<16xf32>
      %swap3A_664 = vector.shape_cast %broadcast_in_dim3A_659 : vector<16xf32> to vector<1x16xf32>
      tpu.vector_store %arg16[%swap3A_660, %swap3A_661], %swap3A_664 {strides = array<i32>} : memref<16x128xf32, #tpu.memory_space<vmem>>, vector<1x16xf32>,
      %broadcast_in_dim3A_665 = arith.constant 0.000000e+00 : f32
      %broadcast_in_dim3A_666 = vector.broadcast %broadcast_in_dim3A_665 : f32 to vector<16xf32>
      %swap3A_667 = arith.index_cast %add3A_638 : i32 to index
      %swap3A_668 = arith.constant 64 : index
      %swap3A_669 = tpu.vector_load %arg16[%swap3A_667, %swap3A_668] {strides = array<i32>} : memref<16x128xf32, #tpu.memory_space<vmem>>, vector<1x16xf32>,
      %swap3A_670 = vector.shape_cast %swap3A_669 : vector<1x16xf32> to vector<16xf32>
      %swap3A_671 = vector.shape_cast %broadcast_in_dim3A_666 : vector<16xf32> to vector<1x16xf32>
      tpu.vector_store %arg16[%swap3A_667, %swap3A_668], %swap3A_671 {strides = array<i32>} : memref<16x128xf32, #tpu.memory_space<vmem>>, vector<1x16xf32>,
      %broadcast_in_dim3A_672 = arith.constant 0.000000e+00 : f32
      %broadcast_in_dim3A_673 = vector.broadcast %broadcast_in_dim3A_672 : f32 to vector<16xf32>
      %swap3A_674 = arith.index_cast %add3A_638 : i32 to index
      %swap3A_675 = arith.constant 80 : index
      %swap3A_676 = tpu.vector_load %arg16[%swap3A_674, %swap3A_675] {strides = array<i32>} : memref<16x128xf32, #tpu.memory_space<vmem>>, vector<1x16xf32>,
      %swap3A_677 = vector.shape_cast %swap3A_676 : vector<1x16xf32> to vector<16xf32>
      %swap3A_678 = vector.shape_cast %broadcast_in_dim3A_673 : vector<16xf32> to vector<1x16xf32>
      tpu.vector_store %arg16[%swap3A_674, %swap3A_675], %swap3A_678 {strides = array<i32>} : memref<16x128xf32, #tpu.memory_space<vmem>>, vector<1x16xf32>,
      %broadcast_in_dim3A_679 = arith.constant 0.000000e+00 : f32
      %broadcast_in_dim3A_680 = vector.broadcast %broadcast_in_dim3A_679 : f32 to vector<16xf32>
      %swap3A_681 = arith.index_cast %add3A_638 : i32 to index
      %swap3A_682 = arith.constant 96 : index
      %swap3A_683 = tpu.vector_load %arg16[%swap3A_681, %swap3A_682] {strides = array<i32>} : memref<16x128xf32, #tpu.memory_space<vmem>>, vector<1x16xf32>,
      %swap3A_684 = vector.shape_cast %swap3A_683 : vector<1x16xf32> to vector<16xf32>
      %swap3A_685 = vector.shape_cast %broadcast_in_dim3A_680 : vector<16xf32> to vector<1x16xf32>
      tpu.vector_store %arg16[%swap3A_681, %swap3A_682], %swap3A_685 {strides = array<i32>} : memref<16x128xf32, #tpu.memory_space<vmem>>, vector<1x16xf32>,
      %broadcast_in_dim3A_686 = arith.constant 0.000000e+00 : f32
      %broadcast_in_dim3A_687 = vector.broadcast %broadcast_in_dim3A_686 : f32 to vector<16xf32>
      %swap3A_688 = arith.index_cast %add3A_638 : i32 to index
      %swap3A_689 = arith.constant 112 : index
      %swap3A_690 = tpu.vector_load %arg16[%swap3A_688, %swap3A_689] {strides = array<i32>} : memref<16x128xf32, #tpu.memory_space<vmem>>, vector<1x16xf32>,
      %swap3A_691 = vector.shape_cast %swap3A_690 : vector<1x16xf32> to vector<16xf32>
      %swap3A_692 = vector.shape_cast %broadcast_in_dim3A_687 : vector<16xf32> to vector<1x16xf32>
      tpu.vector_store %arg16[%swap3A_688, %swap3A_689], %swap3A_692 {strides = array<i32>} : memref<16x128xf32, #tpu.memory_space<vmem>>, vector<1x16xf32>,
    }
    %scan3A_6 = arith.constant 16 : i32
    %scan3A_7 = arith.constant 0 : i32
    %scan3A_8 = arith.constant 16 : i32
    %scan3A_9 = arith.addi %scan3A_7, %scan3A_8 : i32
    %scan3A_10 = arith.constant 1 : i32
    scf.for %scan3A_634 = %scan3A_7 to %scan3A_9 step %scan3A_10  : i32 {
      %mul3A_635 = arith.constant 1 : i32
      %mul3A_636 = arith.muli %scan3A_634, %mul3A_635 : i32
      %add3A_637 = arith.constant 0 : i32
      %add3A_638 = arith.addi %add3A_637, %mul3A_636 : i32
      %broadcast_in_dim3A = arith.constant 0.000000e+00 : f32
      %broadcast_in_dim3A_639 = vector.broadcast %broadcast_in_dim3A : f32 to vector<16xf32>
      %swap3A = arith.index_cast %add3A_638 : i32 to index
      %swap3A_640 = arith.constant 0 : index
      %swap3A_641 = tpu.vector_load %arg17[%swap3A, %swap3A_640] {strides = array<i32>} : memref<16x128xf32, #tpu.memory_space<vmem>>, vector<1x16xf32>,
      %swap3A_642 = vector.shape_cast %swap3A_641 : vector<1x16xf32> to vector<16xf32>
      %swap3A_643 = vector.shape_cast %broadcast_in_dim3A_639 : vector<16xf32> to vector<1x16xf32>
      tpu.vector_store %arg17[%swap3A, %swap3A_640], %swap3A_643 {strides = array<i32>} : memref<16x128xf32, #tpu.memory_space<vmem>>, vector<1x16xf32>,
      %broadcast_in_dim3A_644 = arith.constant 0.000000e+00 : f32
      %broadcast_in_dim3A_645 = vector.broadcast %broadcast_in_dim3A_644 : f32 to vector<16xf32>
      %swap3A_646 = arith.index_cast %add3A_638 : i32 to index
      %swap3A_647 = arith.constant 16 : index
      %swap3A_648 = tpu.vector_load %arg17[%swap3A_646, %swap3A_647] {strides = array<i32>} : memref<16x128xf32, #tpu.memory_space<vmem>>, vector<1x16xf32>,
      %swap3A_649 = vector.shape_cast %swap3A_648 : vector<1x16xf32> to vector<16xf32>
      %swap3A_650 = vector.shape_cast %broadcast_in_dim3A_645 : vector<16xf32> to vector<1x16xf32>
      tpu.vector_store %arg17[%swap3A_646, %swap3A_647], %swap3A_650 {strides = array<i32>} : memref<16x128xf32, #tpu.memory_space<vmem>>, vector<1x16xf32>,
      %broadcast_in_dim3A_651 = arith.constant 0.000000e+00 : f32
      %broadcast_in_dim3A_652 = vector.broadcast %broadcast_in_dim3A_651 : f32 to vector<16xf32>
      %swap3A_653 = arith.index_cast %add3A_638 : i32 to index
      %swap3A_654 = arith.constant 32 : index
      %swap3A_655 = tpu.vector_load %arg17[%swap3A_653, %swap3A_654] {strides = array<i32>} : memref<16x128xf32, #tpu.memory_space<vmem>>, vector<1x16xf32>,
      %swap3A_656 = vector.shape_cast %swap3A_655 : vector<1x16xf32> to vector<16xf32>
      %swap3A_657 = vector.shape_cast %broadcast_in_dim3A_652 : vector<16xf32> to vector<1x16xf32>
      tpu.vector_store %arg17[%swap3A_653, %swap3A_654], %swap3A_657 {strides = array<i32>} : memref<16x128xf32, #tpu.memory_space<vmem>>, vector<1x16xf32>,
      %broadcast_in_dim3A_658 = arith.constant 0.000000e+00 : f32
      %broadcast_in_dim3A_659 = vector.broadcast %broadcast_in_dim3A_658 : f32 to vector<16xf32>
      %swap3A_660 = arith.index_cast %add3A_638 : i32 to index
      %swap3A_661 = arith.constant 48 : index
      %swap3A_662 = tpu.vector_load %arg17[%swap3A_660, %swap3A_661] {strides = array<i32>} : memref<16x128xf32, #tpu.memory_space<vmem>>, vector<1x16xf32>,
      %swap3A_663 = vector.shape_cast %swap3A_662 : vector<1x16xf32> to vector<16xf32>
      %swap3A_664 = vector.shape_cast %broadcast_in_dim3A_659 : vector<16xf32> to vector<1x16xf32>
      tpu.vector_store %arg17[%swap3A_660, %swap3A_661], %swap3A_664 {strides = array<i32>} : memref<16x128xf32, #tpu.memory_space<vmem>>, vector<1x16xf32>,
      %broadcast_in_dim3A_665 = arith.constant 0.000000e+00 : f32
      %broadcast_in_dim3A_666 = vector.broadcast %broadcast_in_dim3A_665 : f32 to vector<16xf32>
      %swap3A_667 = arith.index_cast %add3A_638 : i32 to index
      %swap3A_668 = arith.constant 64 : index
      %swap3A_669 = tpu.vector_load %arg17[%swap3A_667, %swap3A_668] {strides = array<i32>} : memref<16x128xf32, #tpu.memory_space<vmem>>, vector<1x16xf32>,
      %swap3A_670 = vector.shape_cast %swap3A_669 : vector<1x16xf32> to vector<16xf32>
      %swap3A_671 = vector.shape_cast %broadcast_in_dim3A_666 : vector<16xf32> to vector<1x16xf32>
      tpu.vector_store %arg17[%swap3A_667, %swap3A_668], %swap3A_671 {strides = array<i32>} : memref<16x128xf32, #tpu.memory_space<vmem>>, vector<1x16xf32>,
      %broadcast_in_dim3A_672 = arith.constant 0.000000e+00 : f32
      %broadcast_in_dim3A_673 = vector.broadcast %broadcast_in_dim3A_672 : f32 to vector<16xf32>
      %swap3A_674 = arith.index_cast %add3A_638 : i32 to index
      %swap3A_675 = arith.constant 80 : index
      %swap3A_676 = tpu.vector_load %arg17[%swap3A_674, %swap3A_675] {strides = array<i32>} : memref<16x128xf32, #tpu.memory_space<vmem>>, vector<1x16xf32>,
      %swap3A_677 = vector.shape_cast %swap3A_676 : vector<1x16xf32> to vector<16xf32>
      %swap3A_678 = vector.shape_cast %broadcast_in_dim3A_673 : vector<16xf32> to vector<1x16xf32>
      tpu.vector_store %arg17[%swap3A_674, %swap3A_675], %swap3A_678 {strides = array<i32>} : memref<16x128xf32, #tpu.memory_space<vmem>>, vector<1x16xf32>,
      %broadcast_in_dim3A_679 = arith.constant 0.000000e+00 : f32
      %broadcast_in_dim3A_680 = vector.broadcast %broadcast_in_dim3A_679 : f32 to vector<16xf32>
      %swap3A_681 = arith.index_cast %add3A_638 : i32 to index
      %swap3A_682 = arith.constant 96 : index
      %swap3A_683 = tpu.vector_load %arg17[%swap3A_681, %swap3A_682] {strides = array<i32>} : memref<16x128xf32, #tpu.memory_space<vmem>>, vector<1x16xf32>,
      %swap3A_684 = vector.shape_cast %swap3A_683 : vector<1x16xf32> to vector<16xf32>
      %swap3A_685 = vector.shape_cast %broadcast_in_dim3A_680 : vector<16xf32> to vector<1x16xf32>
      tpu.vector_store %arg17[%swap3A_681, %swap3A_682], %swap3A_685 {strides = array<i32>} : memref<16x128xf32, #tpu.memory_space<vmem>>, vector<1x16xf32>,
      %broadcast_in_dim3A_686 = arith.constant 0.000000e+00 : f32
      %broadcast_in_dim3A_687 = vector.broadcast %broadcast_in_dim3A_686 : f32 to vector<16xf32>
      %swap3A_688 = arith.index_cast %add3A_638 : i32 to index
      %swap3A_689 = arith.constant 112 : index
      %swap3A_690 = tpu.vector_load %arg17[%swap3A_688, %swap3A_689] {strides = array<i32>} : memref<16x128xf32, #tpu.memory_space<vmem>>, vector<1x16xf32>,
      %swap3A_691 = vector.shape_cast %swap3A_690 : vector<1x16xf32> to vector<16xf32>
      %swap3A_692 = vector.shape_cast %broadcast_in_dim3A_687 : vector<16xf32> to vector<1x16xf32>
      tpu.vector_store %arg17[%swap3A_688, %swap3A_689], %swap3A_692 {strides = array<i32>} : memref<16x128xf32, #tpu.memory_space<vmem>>, vector<1x16xf32>,
    }
    %scan3A_11 = arith.constant 16 : i32
    %mul3A_12 = arith.constant 624 : i32
    %mul3A_13 = arith.muli %arg1, %mul3A_12 : i32
    %add3A_14 = arith.constant 0 : i32
    %add3A_15 = arith.addi %mul3A_13, %add3A_14 : i32
    %dma_start3A = arith.constant 0 : i32
    %dma_start3A_16 = tpu.memref_slice %arg18[%add3A_15, %dma_start3A] : memref<10000x128xf32, #tpu.memory_space<vmem_shared>> -> memref<16x128xf32, #tpu.memory_space<vmem_shared>>
    %dma_start3A_17 = arith.constant 0 : i32
    %dma_start3A_18 = tpu.memref_slice %arg18[%add3A_15, %dma_start3A_17] : memref<10000x128xf32, #tpu.memory_space<vmem_shared>> -> memref<16x128xf32, #tpu.memory_space<vmem_shared>>
    tpu.enqueue_dma source(%arg16 : memref<16x128xf32, #tpu.memory_space<vmem>>) target(%dma_start3A_18 : memref<16x128xf32, #tpu.memory_space<vmem_shared>>) target_semaphore(%arg41 : memref<!tpu.dma_semaphore, #tpu.memory_space<semaphore_mem>>)
    %add3A_19 = arith.constant 16 : i32
    %add3A_20 = arith.addi %mul3A_13, %add3A_19 : i32
    %dma_start3A_21 = arith.constant 0 : i32
    %dma_start3A_22 = tpu.memref_slice %arg18[%add3A_20, %dma_start3A_21] : memref<10000x128xf32, #tpu.memory_space<vmem_shared>> -> memref<16x128xf32, #tpu.memory_space<vmem_shared>>
    %dma_start3A_23 = arith.constant 0 : i32
    %dma_start3A_24 = tpu.memref_slice %arg18[%add3A_20, %dma_start3A_23] : memref<10000x128xf32, #tpu.memory_space<vmem_shared>> -> memref<16x128xf32, #tpu.memory_space<vmem_shared>>
    tpu.enqueue_dma source(%arg17 : memref<16x128xf32, #tpu.memory_space<vmem>>) target(%dma_start3A_24 : memref<16x128xf32, #tpu.memory_space<vmem_shared>>) target_semaphore(%arg42 : memref<!tpu.dma_semaphore, #tpu.memory_space<semaphore_mem>>)
    %add3A_25 = arith.constant 32 : i32
    %add3A_26 = arith.addi %mul3A_13, %add3A_25 : i32
    %dma_start3A_27 = arith.constant 0 : i32
    %dma_start3A_28 = tpu.memref_slice %arg18[%add3A_26, %dma_start3A_27] : memref<10000x128xf32, #tpu.memory_space<vmem_shared>> -> memref<16x128xf32, #tpu.memory_space<vmem_shared>>
    %dma_start3A_29 = arith.constant 0 : i32
    %dma_start3A_30 = tpu.memref_slice %arg18[%add3A_26, %dma_start3A_29] : memref<10000x128xf32, #tpu.memory_space<vmem_shared>> -> memref<16x128xf32, #tpu.memory_space<vmem_shared>>
    tpu.enqueue_dma source(%arg16 : memref<16x128xf32, #tpu.memory_space<vmem>>) target(%dma_start3A_30 : memref<16x128xf32, #tpu.memory_space<vmem_shared>>) target_semaphore(%arg41 : memref<!tpu.dma_semaphore, #tpu.memory_space<semaphore_mem>>)
    %add3A_31 = arith.constant 48 : i32
    %add3A_32 = arith.addi %mul3A_13, %add3A_31 : i32
    %dma_start3A_33 = arith.constant 0 : i32
    %dma_start3A_34 = tpu.memref_slice %arg18[%add3A_32, %dma_start3A_33] : memref<10000x128xf32, #tpu.memory_space<vmem_shared>> -> memref<16x128xf32, #tpu.memory_space<vmem_shared>>
    %dma_start3A_35 = arith.constant 0 : i32
    %dma_start3A_36 = tpu.memref_slice %arg18[%add3A_32, %dma_start3A_35] : memref<10000x128xf32, #tpu.memory_space<vmem_shared>> -> memref<16x128xf32, #tpu.memory_space<vmem_shared>>
    tpu.enqueue_dma source(%arg17 : memref<16x128xf32, #tpu.memory_space<vmem>>) target(%dma_start3A_36 : memref<16x128xf32, #tpu.memory_space<vmem_shared>>) target_semaphore(%arg42 : memref<!tpu.dma_semaphore, #tpu.memory_space<semaphore_mem>>)
    %add3A_37 = arith.constant 64 : i32
    %add3A_38 = arith.addi %mul3A_13, %add3A_37 : i32
    %dma_start3A_39 = arith.constant 0 : i32
    %dma_start3A_40 = tpu.memref_slice %arg18[%add3A_38, %dma_start3A_39] : memref<10000x128xf32, #tpu.memory_space<vmem_shared>> -> memref<16x128xf32, #tpu.memory_space<vmem_shared>>
    %dma_start3A_41 = arith.constant 0 : i32
    %dma_start3A_42 = tpu.memref_slice %arg18[%add3A_38, %dma_start3A_41] : memref<10000x128xf32, #tpu.memory_space<vmem_shared>> -> memref<16x128xf32, #tpu.memory_space<vmem_shared>>
    tpu.enqueue_dma source(%arg16 : memref<16x128xf32, #tpu.memory_space<vmem>>) target(%dma_start3A_42 : memref<16x128xf32, #tpu.memory_space<vmem_shared>>) target_semaphore(%arg41 : memref<!tpu.dma_semaphore, #tpu.memory_space<semaphore_mem>>)
    %add3A_43 = arith.constant 80 : i32
    %add3A_44 = arith.addi %mul3A_13, %add3A_43 : i32
    %dma_start3A_45 = arith.constant 0 : i32
    %dma_start3A_46 = tpu.memref_slice %arg18[%add3A_44, %dma_start3A_45] : memref<10000x128xf32, #tpu.memory_space<vmem_shared>> -> memref<16x128xf32, #tpu.memory_space<vmem_shared>>
    %dma_start3A_47 = arith.constant 0 : i32
    %dma_start3A_48 = tpu.memref_slice %arg18[%add3A_44, %dma_start3A_47] : memref<10000x128xf32, #tpu.memory_space<vmem_shared>> -> memref<16x128xf32, #tpu.memory_space<vmem_shared>>
    tpu.enqueue_dma source(%arg17 : memref<16x128xf32, #tpu.memory_space<vmem>>) target(%dma_start3A_48 : memref<16x128xf32, #tpu.memory_space<vmem_shared>>) target_semaphore(%arg42 : memref<!tpu.dma_semaphore, #tpu.memory_space<semaphore_mem>>)
    %add3A_49 = arith.constant 96 : i32
    %add3A_50 = arith.addi %mul3A_13, %add3A_49 : i32
    %dma_start3A_51 = arith.constant 0 : i32
    %dma_start3A_52 = tpu.memref_slice %arg18[%add3A_50, %dma_start3A_51] : memref<10000x128xf32, #tpu.memory_space<vmem_shared>> -> memref<16x128xf32, #tpu.memory_space<vmem_shared>>
    %dma_start3A_53 = arith.constant 0 : i32
    %dma_start3A_54 = tpu.memref_slice %arg18[%add3A_50, %dma_start3A_53] : memref<10000x128xf32, #tpu.memory_space<vmem_shared>> -> memref<16x128xf32, #tpu.memory_space<vmem_shared>>
    tpu.enqueue_dma source(%arg16 : memref<16x128xf32, #tpu.memory_space<vmem>>) target(%dma_start3A_54 : memref<16x128xf32, #tpu.memory_space<vmem_shared>>) target_semaphore(%arg41 : memref<!tpu.dma_semaphore, #tpu.memory_space<semaphore_mem>>)
    %add3A_55 = arith.constant 112 : i32
    %add3A_56 = arith.addi %mul3A_13, %add3A_55 : i32
    %dma_start3A_57 = arith.constant 0 : i32
    %dma_start3A_58 = tpu.memref_slice %arg18[%add3A_56, %dma_start3A_57] : memref<10000x128xf32, #tpu.memory_space<vmem_shared>> -> memref<16x128xf32, #tpu.memory_space<vmem_shared>>
    %dma_start3A_59 = arith.constant 0 : i32
    %dma_start3A_60 = tpu.memref_slice %arg18[%add3A_56, %dma_start3A_59] : memref<10000x128xf32, #tpu.memory_space<vmem_shared>> -> memref<16x128xf32, #tpu.memory_space<vmem_shared>>
    tpu.enqueue_dma source(%arg17 : memref<16x128xf32, #tpu.memory_space<vmem>>) target(%dma_start3A_60 : memref<16x128xf32, #tpu.memory_space<vmem_shared>>) target_semaphore(%arg42 : memref<!tpu.dma_semaphore, #tpu.memory_space<semaphore_mem>>)
    %add3A_61 = arith.constant 128 : i32
    %add3A_62 = arith.addi %mul3A_13, %add3A_61 : i32
    %dma_start3A_63 = arith.constant 0 : i32
    %dma_start3A_64 = tpu.memref_slice %arg18[%add3A_62, %dma_start3A_63] : memref<10000x128xf32, #tpu.memory_space<vmem_shared>> -> memref<16x128xf32, #tpu.memory_space<vmem_shared>>
    %dma_start3A_65 = arith.constant 0 : i32
    %dma_start3A_66 = tpu.memref_slice %arg18[%add3A_62, %dma_start3A_65] : memref<10000x128xf32, #tpu.memory_space<vmem_shared>> -> memref<16x128xf32, #tpu.memory_space<vmem_shared>>
    tpu.enqueue_dma source(%arg16 : memref<16x128xf32, #tpu.memory_space<vmem>>) target(%dma_start3A_66 : memref<16x128xf32, #tpu.memory_space<vmem_shared>>) target_semaphore(%arg41 : memref<!tpu.dma_semaphore, #tpu.memory_space<semaphore_mem>>)
    %add3A_67 = arith.constant 144 : i32
    %add3A_68 = arith.addi %mul3A_13, %add3A_67 : i32
    %dma_start3A_69 = arith.constant 0 : i32
    %dma_start3A_70 = tpu.memref_slice %arg18[%add3A_68, %dma_start3A_69] : memref<10000x128xf32, #tpu.memory_space<vmem_shared>> -> memref<16x128xf32, #tpu.memory_space<vmem_shared>>
    %dma_start3A_71 = arith.constant 0 : i32
    %dma_start3A_72 = tpu.memref_slice %arg18[%add3A_68, %dma_start3A_71] : memref<10000x128xf32, #tpu.memory_space<vmem_shared>> -> memref<16x128xf32, #tpu.memory_space<vmem_shared>>
    tpu.enqueue_dma source(%arg17 : memref<16x128xf32, #tpu.memory_space<vmem>>) target(%dma_start3A_72 : memref<16x128xf32, #tpu.memory_space<vmem_shared>>) target_semaphore(%arg42 : memref<!tpu.dma_semaphore, #tpu.memory_space<semaphore_mem>>)
    %add3A_73 = arith.constant 160 : i32
    %add3A_74 = arith.addi %mul3A_13, %add3A_73 : i32
    %dma_start3A_75 = arith.constant 0 : i32
    %dma_start3A_76 = tpu.memref_slice %arg18[%add3A_74, %dma_start3A_75] : memref<10000x128xf32, #tpu.memory_space<vmem_shared>> -> memref<16x128xf32, #tpu.memory_space<vmem_shared>>
    %dma_start3A_77 = arith.constant 0 : i32
    %dma_start3A_78 = tpu.memref_slice %arg18[%add3A_74, %dma_start3A_77] : memref<10000x128xf32, #tpu.memory_space<vmem_shared>> -> memref<16x128xf32, #tpu.memory_space<vmem_shared>>
    tpu.enqueue_dma source(%arg16 : memref<16x128xf32, #tpu.memory_space<vmem>>) target(%dma_start3A_78 : memref<16x128xf32, #tpu.memory_space<vmem_shared>>) target_semaphore(%arg41 : memref<!tpu.dma_semaphore, #tpu.memory_space<semaphore_mem>>)
    %add3A_79 = arith.constant 176 : i32
    %add3A_80 = arith.addi %mul3A_13, %add3A_79 : i32
    %dma_start3A_81 = arith.constant 0 : i32
    %dma_start3A_82 = tpu.memref_slice %arg18[%add3A_80, %dma_start3A_81] : memref<10000x128xf32, #tpu.memory_space<vmem_shared>> -> memref<16x128xf32, #tpu.memory_space<vmem_shared>>
    %dma_start3A_83 = arith.constant 0 : i32
    %dma_start3A_84 = tpu.memref_slice %arg18[%add3A_80, %dma_start3A_83] : memref<10000x128xf32, #tpu.memory_space<vmem_shared>> -> memref<16x128xf32, #tpu.memory_space<vmem_shared>>
    tpu.enqueue_dma source(%arg17 : memref<16x128xf32, #tpu.memory_space<vmem>>) target(%dma_start3A_84 : memref<16x128xf32, #tpu.memory_space<vmem_shared>>) target_semaphore(%arg42 : memref<!tpu.dma_semaphore, #tpu.memory_space<semaphore_mem>>)
    %add3A_85 = arith.constant 192 : i32
    %add3A_86 = arith.addi %mul3A_13, %add3A_85 : i32
    %dma_start3A_87 = arith.constant 0 : i32
    %dma_start3A_88 = tpu.memref_slice %arg18[%add3A_86, %dma_start3A_87] : memref<10000x128xf32, #tpu.memory_space<vmem_shared>> -> memref<16x128xf32, #tpu.memory_space<vmem_shared>>
    %dma_start3A_89 = arith.constant 0 : i32
    %dma_start3A_90 = tpu.memref_slice %arg18[%add3A_86, %dma_start3A_89] : memref<10000x128xf32, #tpu.memory_space<vmem_shared>> -> memref<16x128xf32, #tpu.memory_space<vmem_shared>>
    tpu.enqueue_dma source(%arg16 : memref<16x128xf32, #tpu.memory_space<vmem>>) target(%dma_start3A_90 : memref<16x128xf32, #tpu.memory_space<vmem_shared>>) target_semaphore(%arg41 : memref<!tpu.dma_semaphore, #tpu.memory_space<semaphore_mem>>)
    %add3A_91 = arith.constant 208 : i32
    %add3A_92 = arith.addi %mul3A_13, %add3A_91 : i32
    %dma_start3A_93 = arith.constant 0 : i32
    %dma_start3A_94 = tpu.memref_slice %arg18[%add3A_92, %dma_start3A_93] : memref<10000x128xf32, #tpu.memory_space<vmem_shared>> -> memref<16x128xf32, #tpu.memory_space<vmem_shared>>
    %dma_start3A_95 = arith.constant 0 : i32
    %dma_start3A_96 = tpu.memref_slice %arg18[%add3A_92, %dma_start3A_95] : memref<10000x128xf32, #tpu.memory_space<vmem_shared>> -> memref<16x128xf32, #tpu.memory_space<vmem_shared>>
    tpu.enqueue_dma source(%arg17 : memref<16x128xf32, #tpu.memory_space<vmem>>) target(%dma_start3A_96 : memref<16x128xf32, #tpu.memory_space<vmem_shared>>) target_semaphore(%arg42 : memref<!tpu.dma_semaphore, #tpu.memory_space<semaphore_mem>>)
    %add3A_97 = arith.constant 224 : i32
    %add3A_98 = arith.addi %mul3A_13, %add3A_97 : i32
    %dma_start3A_99 = arith.constant 0 : i32
    %dma_start3A_100 = tpu.memref_slice %arg18[%add3A_98, %dma_start3A_99] : memref<10000x128xf32, #tpu.memory_space<vmem_shared>> -> memref<16x128xf32, #tpu.memory_space<vmem_shared>>
    %dma_start3A_101 = arith.constant 0 : i32
    %dma_start3A_102 = tpu.memref_slice %arg18[%add3A_98, %dma_start3A_101] : memref<10000x128xf32, #tpu.memory_space<vmem_shared>> -> memref<16x128xf32, #tpu.memory_space<vmem_shared>>
    tpu.enqueue_dma source(%arg16 : memref<16x128xf32, #tpu.memory_space<vmem>>) target(%dma_start3A_102 : memref<16x128xf32, #tpu.memory_space<vmem_shared>>) target_semaphore(%arg41 : memref<!tpu.dma_semaphore, #tpu.memory_space<semaphore_mem>>)
    %add3A_103 = arith.constant 240 : i32
    %add3A_104 = arith.addi %mul3A_13, %add3A_103 : i32
    %dma_start3A_105 = arith.constant 0 : i32
    %dma_start3A_106 = tpu.memref_slice %arg18[%add3A_104, %dma_start3A_105] : memref<10000x128xf32, #tpu.memory_space<vmem_shared>> -> memref<16x128xf32, #tpu.memory_space<vmem_shared>>
    %dma_start3A_107 = arith.constant 0 : i32
    %dma_start3A_108 = tpu.memref_slice %arg18[%add3A_104, %dma_start3A_107] : memref<10000x128xf32, #tpu.memory_space<vmem_shared>> -> memref<16x128xf32, #tpu.memory_space<vmem_shared>>
    tpu.enqueue_dma source(%arg17 : memref<16x128xf32, #tpu.memory_space<vmem>>) target(%dma_start3A_108 : memref<16x128xf32, #tpu.memory_space<vmem_shared>>) target_semaphore(%arg42 : memref<!tpu.dma_semaphore, #tpu.memory_space<semaphore_mem>>)
    %add3A_109 = arith.constant 256 : i32
    %add3A_110 = arith.addi %mul3A_13, %add3A_109 : i32
    %dma_start3A_111 = arith.constant 0 : i32
    %dma_start3A_112 = tpu.memref_slice %arg18[%add3A_110, %dma_start3A_111] : memref<10000x128xf32, #tpu.memory_space<vmem_shared>> -> memref<16x128xf32, #tpu.memory_space<vmem_shared>>
    %dma_start3A_113 = arith.constant 0 : i32
    %dma_start3A_114 = tpu.memref_slice %arg18[%add3A_110, %dma_start3A_113] : memref<10000x128xf32, #tpu.memory_space<vmem_shared>> -> memref<16x128xf32, #tpu.memory_space<vmem_shared>>
    tpu.enqueue_dma source(%arg16 : memref<16x128xf32, #tpu.memory_space<vmem>>) target(%dma_start3A_114 : memref<16x128xf32, #tpu.memory_space<vmem_shared>>) target_semaphore(%arg41 : memref<!tpu.dma_semaphore, #tpu.memory_space<semaphore_mem>>)
    %add3A_115 = arith.constant 272 : i32
    %add3A_116 = arith.addi %mul3A_13, %add3A_115 : i32
    %dma_start3A_117 = arith.constant 0 : i32
    %dma_start3A_118 = tpu.memref_slice %arg18[%add3A_116, %dma_start3A_117] : memref<10000x128xf32, #tpu.memory_space<vmem_shared>> -> memref<16x128xf32, #tpu.memory_space<vmem_shared>>
    %dma_start3A_119 = arith.constant 0 : i32
    %dma_start3A_120 = tpu.memref_slice %arg18[%add3A_116, %dma_start3A_119] : memref<10000x128xf32, #tpu.memory_space<vmem_shared>> -> memref<16x128xf32, #tpu.memory_space<vmem_shared>>
    tpu.enqueue_dma source(%arg17 : memref<16x128xf32, #tpu.memory_space<vmem>>) target(%dma_start3A_120 : memref<16x128xf32, #tpu.memory_space<vmem_shared>>) target_semaphore(%arg42 : memref<!tpu.dma_semaphore, #tpu.memory_space<semaphore_mem>>)
    %add3A_121 = arith.constant 288 : i32
    %add3A_122 = arith.addi %mul3A_13, %add3A_121 : i32
    %dma_start3A_123 = arith.constant 0 : i32
    %dma_start3A_124 = tpu.memref_slice %arg18[%add3A_122, %dma_start3A_123] : memref<10000x128xf32, #tpu.memory_space<vmem_shared>> -> memref<16x128xf32, #tpu.memory_space<vmem_shared>>
    %dma_start3A_125 = arith.constant 0 : i32
    %dma_start3A_126 = tpu.memref_slice %arg18[%add3A_122, %dma_start3A_125] : memref<10000x128xf32, #tpu.memory_space<vmem_shared>> -> memref<16x128xf32, #tpu.memory_space<vmem_shared>>
    tpu.enqueue_dma source(%arg16 : memref<16x128xf32, #tpu.memory_space<vmem>>) target(%dma_start3A_126 : memref<16x128xf32, #tpu.memory_space<vmem_shared>>) target_semaphore(%arg41 : memref<!tpu.dma_semaphore, #tpu.memory_space<semaphore_mem>>)
    %add3A_127 = arith.constant 304 : i32
    %add3A_128 = arith.addi %mul3A_13, %add3A_127 : i32
    %dma_start3A_129 = arith.constant 0 : i32
    %dma_start3A_130 = tpu.memref_slice %arg18[%add3A_128, %dma_start3A_129] : memref<10000x128xf32, #tpu.memory_space<vmem_shared>> -> memref<16x128xf32, #tpu.memory_space<vmem_shared>>
    %dma_start3A_131 = arith.constant 0 : i32
    %dma_start3A_132 = tpu.memref_slice %arg18[%add3A_128, %dma_start3A_131] : memref<10000x128xf32, #tpu.memory_space<vmem_shared>> -> memref<16x128xf32, #tpu.memory_space<vmem_shared>>
    tpu.enqueue_dma source(%arg17 : memref<16x128xf32, #tpu.memory_space<vmem>>) target(%dma_start3A_132 : memref<16x128xf32, #tpu.memory_space<vmem_shared>>) target_semaphore(%arg42 : memref<!tpu.dma_semaphore, #tpu.memory_space<semaphore_mem>>)
    %add3A_133 = arith.constant 320 : i32
    %add3A_134 = arith.addi %mul3A_13, %add3A_133 : i32
    %dma_start3A_135 = arith.constant 0 : i32
    %dma_start3A_136 = tpu.memref_slice %arg18[%add3A_134, %dma_start3A_135] : memref<10000x128xf32, #tpu.memory_space<vmem_shared>> -> memref<16x128xf32, #tpu.memory_space<vmem_shared>>
    %dma_start3A_137 = arith.constant 0 : i32
    %dma_start3A_138 = tpu.memref_slice %arg18[%add3A_134, %dma_start3A_137] : memref<10000x128xf32, #tpu.memory_space<vmem_shared>> -> memref<16x128xf32, #tpu.memory_space<vmem_shared>>
    tpu.enqueue_dma source(%arg16 : memref<16x128xf32, #tpu.memory_space<vmem>>) target(%dma_start3A_138 : memref<16x128xf32, #tpu.memory_space<vmem_shared>>) target_semaphore(%arg41 : memref<!tpu.dma_semaphore, #tpu.memory_space<semaphore_mem>>)
    %add3A_139 = arith.constant 336 : i32
    %add3A_140 = arith.addi %mul3A_13, %add3A_139 : i32
    %dma_start3A_141 = arith.constant 0 : i32
    %dma_start3A_142 = tpu.memref_slice %arg18[%add3A_140, %dma_start3A_141] : memref<10000x128xf32, #tpu.memory_space<vmem_shared>> -> memref<16x128xf32, #tpu.memory_space<vmem_shared>>
    %dma_start3A_143 = arith.constant 0 : i32
    %dma_start3A_144 = tpu.memref_slice %arg18[%add3A_140, %dma_start3A_143] : memref<10000x128xf32, #tpu.memory_space<vmem_shared>> -> memref<16x128xf32, #tpu.memory_space<vmem_shared>>
    tpu.enqueue_dma source(%arg17 : memref<16x128xf32, #tpu.memory_space<vmem>>) target(%dma_start3A_144 : memref<16x128xf32, #tpu.memory_space<vmem_shared>>) target_semaphore(%arg42 : memref<!tpu.dma_semaphore, #tpu.memory_space<semaphore_mem>>)
    %add3A_145 = arith.constant 352 : i32
    %add3A_146 = arith.addi %mul3A_13, %add3A_145 : i32
    %dma_start3A_147 = arith.constant 0 : i32
    %dma_start3A_148 = tpu.memref_slice %arg18[%add3A_146, %dma_start3A_147] : memref<10000x128xf32, #tpu.memory_space<vmem_shared>> -> memref<16x128xf32, #tpu.memory_space<vmem_shared>>
    %dma_start3A_149 = arith.constant 0 : i32
    %dma_start3A_150 = tpu.memref_slice %arg18[%add3A_146, %dma_start3A_149] : memref<10000x128xf32, #tpu.memory_space<vmem_shared>> -> memref<16x128xf32, #tpu.memory_space<vmem_shared>>
    tpu.enqueue_dma source(%arg16 : memref<16x128xf32, #tpu.memory_space<vmem>>) target(%dma_start3A_150 : memref<16x128xf32, #tpu.memory_space<vmem_shared>>) target_semaphore(%arg41 : memref<!tpu.dma_semaphore, #tpu.memory_space<semaphore_mem>>)
    %add3A_151 = arith.constant 368 : i32
    %add3A_152 = arith.addi %mul3A_13, %add3A_151 : i32
    %dma_start3A_153 = arith.constant 0 : i32
    %dma_start3A_154 = tpu.memref_slice %arg18[%add3A_152, %dma_start3A_153] : memref<10000x128xf32, #tpu.memory_space<vmem_shared>> -> memref<16x128xf32, #tpu.memory_space<vmem_shared>>
    %dma_start3A_155 = arith.constant 0 : i32
    %dma_start3A_156 = tpu.memref_slice %arg18[%add3A_152, %dma_start3A_155] : memref<10000x128xf32, #tpu.memory_space<vmem_shared>> -> memref<16x128xf32, #tpu.memory_space<vmem_shared>>
    tpu.enqueue_dma source(%arg17 : memref<16x128xf32, #tpu.memory_space<vmem>>) target(%dma_start3A_156 : memref<16x128xf32, #tpu.memory_space<vmem_shared>>) target_semaphore(%arg42 : memref<!tpu.dma_semaphore, #tpu.memory_space<semaphore_mem>>)
    %add3A_157 = arith.constant 384 : i32
    %add3A_158 = arith.addi %mul3A_13, %add3A_157 : i32
    %dma_start3A_159 = arith.constant 0 : i32
    %dma_start3A_160 = tpu.memref_slice %arg18[%add3A_158, %dma_start3A_159] : memref<10000x128xf32, #tpu.memory_space<vmem_shared>> -> memref<16x128xf32, #tpu.memory_space<vmem_shared>>
    %dma_start3A_161 = arith.constant 0 : i32
    %dma_start3A_162 = tpu.memref_slice %arg18[%add3A_158, %dma_start3A_161] : memref<10000x128xf32, #tpu.memory_space<vmem_shared>> -> memref<16x128xf32, #tpu.memory_space<vmem_shared>>
    tpu.enqueue_dma source(%arg16 : memref<16x128xf32, #tpu.memory_space<vmem>>) target(%dma_start3A_162 : memref<16x128xf32, #tpu.memory_space<vmem_shared>>) target_semaphore(%arg41 : memref<!tpu.dma_semaphore, #tpu.memory_space<semaphore_mem>>)
    %add3A_163 = arith.constant 400 : i32
    %add3A_164 = arith.addi %mul3A_13, %add3A_163 : i32
    %dma_start3A_165 = arith.constant 0 : i32
    %dma_start3A_166 = tpu.memref_slice %arg18[%add3A_164, %dma_start3A_165] : memref<10000x128xf32, #tpu.memory_space<vmem_shared>> -> memref<16x128xf32, #tpu.memory_space<vmem_shared>>
    %dma_start3A_167 = arith.constant 0 : i32
    %dma_start3A_168 = tpu.memref_slice %arg18[%add3A_164, %dma_start3A_167] : memref<10000x128xf32, #tpu.memory_space<vmem_shared>> -> memref<16x128xf32, #tpu.memory_space<vmem_shared>>
    tpu.enqueue_dma source(%arg17 : memref<16x128xf32, #tpu.memory_space<vmem>>) target(%dma_start3A_168 : memref<16x128xf32, #tpu.memory_space<vmem_shared>>) target_semaphore(%arg42 : memref<!tpu.dma_semaphore, #tpu.memory_space<semaphore_mem>>)
    %add3A_169 = arith.constant 416 : i32
    %add3A_170 = arith.addi %mul3A_13, %add3A_169 : i32
    %dma_start3A_171 = arith.constant 0 : i32
    %dma_start3A_172 = tpu.memref_slice %arg18[%add3A_170, %dma_start3A_171] : memref<10000x128xf32, #tpu.memory_space<vmem_shared>> -> memref<16x128xf32, #tpu.memory_space<vmem_shared>>
    %dma_start3A_173 = arith.constant 0 : i32
    %dma_start3A_174 = tpu.memref_slice %arg18[%add3A_170, %dma_start3A_173] : memref<10000x128xf32, #tpu.memory_space<vmem_shared>> -> memref<16x128xf32, #tpu.memory_space<vmem_shared>>
    tpu.enqueue_dma source(%arg16 : memref<16x128xf32, #tpu.memory_space<vmem>>) target(%dma_start3A_174 : memref<16x128xf32, #tpu.memory_space<vmem_shared>>) target_semaphore(%arg41 : memref<!tpu.dma_semaphore, #tpu.memory_space<semaphore_mem>>)
    %add3A_175 = arith.constant 432 : i32
    %add3A_176 = arith.addi %mul3A_13, %add3A_175 : i32
    %dma_start3A_177 = arith.constant 0 : i32
    %dma_start3A_178 = tpu.memref_slice %arg18[%add3A_176, %dma_start3A_177] : memref<10000x128xf32, #tpu.memory_space<vmem_shared>> -> memref<16x128xf32, #tpu.memory_space<vmem_shared>>
    %dma_start3A_179 = arith.constant 0 : i32
    %dma_start3A_180 = tpu.memref_slice %arg18[%add3A_176, %dma_start3A_179] : memref<10000x128xf32, #tpu.memory_space<vmem_shared>> -> memref<16x128xf32, #tpu.memory_space<vmem_shared>>
    tpu.enqueue_dma source(%arg17 : memref<16x128xf32, #tpu.memory_space<vmem>>) target(%dma_start3A_180 : memref<16x128xf32, #tpu.memory_space<vmem_shared>>) target_semaphore(%arg42 : memref<!tpu.dma_semaphore, #tpu.memory_space<semaphore_mem>>)
    %add3A_181 = arith.constant 448 : i32
    %add3A_182 = arith.addi %mul3A_13, %add3A_181 : i32
    %dma_start3A_183 = arith.constant 0 : i32
    %dma_start3A_184 = tpu.memref_slice %arg18[%add3A_182, %dma_start3A_183] : memref<10000x128xf32, #tpu.memory_space<vmem_shared>> -> memref<16x128xf32, #tpu.memory_space<vmem_shared>>
    %dma_start3A_185 = arith.constant 0 : i32
    %dma_start3A_186 = tpu.memref_slice %arg18[%add3A_182, %dma_start3A_185] : memref<10000x128xf32, #tpu.memory_space<vmem_shared>> -> memref<16x128xf32, #tpu.memory_space<vmem_shared>>
    tpu.enqueue_dma source(%arg16 : memref<16x128xf32, #tpu.memory_space<vmem>>) target(%dma_start3A_186 : memref<16x128xf32, #tpu.memory_space<vmem_shared>>) target_semaphore(%arg41 : memref<!tpu.dma_semaphore, #tpu.memory_space<semaphore_mem>>)
    %add3A_187 = arith.constant 464 : i32
    %add3A_188 = arith.addi %mul3A_13, %add3A_187 : i32
    %dma_start3A_189 = arith.constant 0 : i32
    %dma_start3A_190 = tpu.memref_slice %arg18[%add3A_188, %dma_start3A_189] : memref<10000x128xf32, #tpu.memory_space<vmem_shared>> -> memref<16x128xf32, #tpu.memory_space<vmem_shared>>
    %dma_start3A_191 = arith.constant 0 : i32
    %dma_start3A_192 = tpu.memref_slice %arg18[%add3A_188, %dma_start3A_191] : memref<10000x128xf32, #tpu.memory_space<vmem_shared>> -> memref<16x128xf32, #tpu.memory_space<vmem_shared>>
    tpu.enqueue_dma source(%arg17 : memref<16x128xf32, #tpu.memory_space<vmem>>) target(%dma_start3A_192 : memref<16x128xf32, #tpu.memory_space<vmem_shared>>) target_semaphore(%arg42 : memref<!tpu.dma_semaphore, #tpu.memory_space<semaphore_mem>>)
    %add3A_193 = arith.constant 480 : i32
    %add3A_194 = arith.addi %mul3A_13, %add3A_193 : i32
    %dma_start3A_195 = arith.constant 0 : i32
    %dma_start3A_196 = tpu.memref_slice %arg18[%add3A_194, %dma_start3A_195] : memref<10000x128xf32, #tpu.memory_space<vmem_shared>> -> memref<16x128xf32, #tpu.memory_space<vmem_shared>>
    %dma_start3A_197 = arith.constant 0 : i32
    %dma_start3A_198 = tpu.memref_slice %arg18[%add3A_194, %dma_start3A_197] : memref<10000x128xf32, #tpu.memory_space<vmem_shared>> -> memref<16x128xf32, #tpu.memory_space<vmem_shared>>
    tpu.enqueue_dma source(%arg16 : memref<16x128xf32, #tpu.memory_space<vmem>>) target(%dma_start3A_198 : memref<16x128xf32, #tpu.memory_space<vmem_shared>>) target_semaphore(%arg41 : memref<!tpu.dma_semaphore, #tpu.memory_space<semaphore_mem>>)
    %add3A_199 = arith.constant 496 : i32
    %add3A_200 = arith.addi %mul3A_13, %add3A_199 : i32
    %dma_start3A_201 = arith.constant 0 : i32
    %dma_start3A_202 = tpu.memref_slice %arg18[%add3A_200, %dma_start3A_201] : memref<10000x128xf32, #tpu.memory_space<vmem_shared>> -> memref<16x128xf32, #tpu.memory_space<vmem_shared>>
    %dma_start3A_203 = arith.constant 0 : i32
    %dma_start3A_204 = tpu.memref_slice %arg18[%add3A_200, %dma_start3A_203] : memref<10000x128xf32, #tpu.memory_space<vmem_shared>> -> memref<16x128xf32, #tpu.memory_space<vmem_shared>>
    tpu.enqueue_dma source(%arg17 : memref<16x128xf32, #tpu.memory_space<vmem>>) target(%dma_start3A_204 : memref<16x128xf32, #tpu.memory_space<vmem_shared>>) target_semaphore(%arg42 : memref<!tpu.dma_semaphore, #tpu.memory_space<semaphore_mem>>)
    %add3A_205 = arith.constant 512 : i32
    %add3A_206 = arith.addi %mul3A_13, %add3A_205 : i32
    %dma_start3A_207 = arith.constant 0 : i32
    %dma_start3A_208 = tpu.memref_slice %arg18[%add3A_206, %dma_start3A_207] : memref<10000x128xf32, #tpu.memory_space<vmem_shared>> -> memref<16x128xf32, #tpu.memory_space<vmem_shared>>
    %dma_start3A_209 = arith.constant 0 : i32
    %dma_start3A_210 = tpu.memref_slice %arg18[%add3A_206, %dma_start3A_209] : memref<10000x128xf32, #tpu.memory_space<vmem_shared>> -> memref<16x128xf32, #tpu.memory_space<vmem_shared>>
    tpu.enqueue_dma source(%arg16 : memref<16x128xf32, #tpu.memory_space<vmem>>) target(%dma_start3A_210 : memref<16x128xf32, #tpu.memory_space<vmem_shared>>) target_semaphore(%arg41 : memref<!tpu.dma_semaphore, #tpu.memory_space<semaphore_mem>>)
    %add3A_211 = arith.constant 528 : i32
    %add3A_212 = arith.addi %mul3A_13, %add3A_211 : i32
    %dma_start3A_213 = arith.constant 0 : i32
    %dma_start3A_214 = tpu.memref_slice %arg18[%add3A_212, %dma_start3A_213] : memref<10000x128xf32, #tpu.memory_space<vmem_shared>> -> memref<16x128xf32, #tpu.memory_space<vmem_shared>>
    %dma_start3A_215 = arith.constant 0 : i32
    %dma_start3A_216 = tpu.memref_slice %arg18[%add3A_212, %dma_start3A_215] : memref<10000x128xf32, #tpu.memory_space<vmem_shared>> -> memref<16x128xf32, #tpu.memory_space<vmem_shared>>
    tpu.enqueue_dma source(%arg17 : memref<16x128xf32, #tpu.memory_space<vmem>>) target(%dma_start3A_216 : memref<16x128xf32, #tpu.memory_space<vmem_shared>>) target_semaphore(%arg42 : memref<!tpu.dma_semaphore, #tpu.memory_space<semaphore_mem>>)
    %add3A_217 = arith.constant 544 : i32
    %add3A_218 = arith.addi %mul3A_13, %add3A_217 : i32
    %dma_start3A_219 = arith.constant 0 : i32
    %dma_start3A_220 = tpu.memref_slice %arg18[%add3A_218, %dma_start3A_219] : memref<10000x128xf32, #tpu.memory_space<vmem_shared>> -> memref<16x128xf32, #tpu.memory_space<vmem_shared>>
    %dma_start3A_221 = arith.constant 0 : i32
    %dma_start3A_222 = tpu.memref_slice %arg18[%add3A_218, %dma_start3A_221] : memref<10000x128xf32, #tpu.memory_space<vmem_shared>> -> memref<16x128xf32, #tpu.memory_space<vmem_shared>>
    tpu.enqueue_dma source(%arg16 : memref<16x128xf32, #tpu.memory_space<vmem>>) target(%dma_start3A_222 : memref<16x128xf32, #tpu.memory_space<vmem_shared>>) target_semaphore(%arg41 : memref<!tpu.dma_semaphore, #tpu.memory_space<semaphore_mem>>)
    %add3A_223 = arith.constant 560 : i32
    %add3A_224 = arith.addi %mul3A_13, %add3A_223 : i32
    %dma_start3A_225 = arith.constant 0 : i32
    %dma_start3A_226 = tpu.memref_slice %arg18[%add3A_224, %dma_start3A_225] : memref<10000x128xf32, #tpu.memory_space<vmem_shared>> -> memref<16x128xf32, #tpu.memory_space<vmem_shared>>
    %dma_start3A_227 = arith.constant 0 : i32
    %dma_start3A_228 = tpu.memref_slice %arg18[%add3A_224, %dma_start3A_227] : memref<10000x128xf32, #tpu.memory_space<vmem_shared>> -> memref<16x128xf32, #tpu.memory_space<vmem_shared>>
    tpu.enqueue_dma source(%arg17 : memref<16x128xf32, #tpu.memory_space<vmem>>) target(%dma_start3A_228 : memref<16x128xf32, #tpu.memory_space<vmem_shared>>) target_semaphore(%arg42 : memref<!tpu.dma_semaphore, #tpu.memory_space<semaphore_mem>>)
    %add3A_229 = arith.constant 576 : i32
    %add3A_230 = arith.addi %mul3A_13, %add3A_229 : i32
    %dma_start3A_231 = arith.constant 0 : i32
    %dma_start3A_232 = tpu.memref_slice %arg18[%add3A_230, %dma_start3A_231] : memref<10000x128xf32, #tpu.memory_space<vmem_shared>> -> memref<16x128xf32, #tpu.memory_space<vmem_shared>>
    %dma_start3A_233 = arith.constant 0 : i32
    %dma_start3A_234 = tpu.memref_slice %arg18[%add3A_230, %dma_start3A_233] : memref<10000x128xf32, #tpu.memory_space<vmem_shared>> -> memref<16x128xf32, #tpu.memory_space<vmem_shared>>
    tpu.enqueue_dma source(%arg16 : memref<16x128xf32, #tpu.memory_space<vmem>>) target(%dma_start3A_234 : memref<16x128xf32, #tpu.memory_space<vmem_shared>>) target_semaphore(%arg41 : memref<!tpu.dma_semaphore, #tpu.memory_space<semaphore_mem>>)
    %add3A_235 = arith.constant 592 : i32
    %add3A_236 = arith.addi %mul3A_13, %add3A_235 : i32
    %dma_start3A_237 = arith.constant 0 : i32
    %dma_start3A_238 = tpu.memref_slice %arg18[%add3A_236, %dma_start3A_237] : memref<10000x128xf32, #tpu.memory_space<vmem_shared>> -> memref<16x128xf32, #tpu.memory_space<vmem_shared>>
    %dma_start3A_239 = arith.constant 0 : i32
    %dma_start3A_240 = tpu.memref_slice %arg18[%add3A_236, %dma_start3A_239] : memref<10000x128xf32, #tpu.memory_space<vmem_shared>> -> memref<16x128xf32, #tpu.memory_space<vmem_shared>>
    tpu.enqueue_dma source(%arg17 : memref<16x128xf32, #tpu.memory_space<vmem>>) target(%dma_start3A_240 : memref<16x128xf32, #tpu.memory_space<vmem_shared>>) target_semaphore(%arg42 : memref<!tpu.dma_semaphore, #tpu.memory_space<semaphore_mem>>)
    %add3A_241 = arith.constant 608 : i32
    %add3A_242 = arith.addi %mul3A_13, %add3A_241 : i32
    %dma_start3A_243 = arith.constant 0 : i32
    %dma_start3A_244 = tpu.memref_slice %arg18[%add3A_242, %dma_start3A_243] : memref<10000x128xf32, #tpu.memory_space<vmem_shared>> -> memref<16x128xf32, #tpu.memory_space<vmem_shared>>
    %dma_start3A_245 = arith.constant 0 : i32
    %dma_start3A_246 = tpu.memref_slice %arg18[%add3A_242, %dma_start3A_245] : memref<10000x128xf32, #tpu.memory_space<vmem_shared>> -> memref<16x128xf32, #tpu.memory_space<vmem_shared>>
    tpu.enqueue_dma source(%arg16 : memref<16x128xf32, #tpu.memory_space<vmem>>) target(%dma_start3A_246 : memref<16x128xf32, #tpu.memory_space<vmem_shared>>) target_semaphore(%arg41 : memref<!tpu.dma_semaphore, #tpu.memory_space<semaphore_mem>>)
    %eq3A = arith.constant 15 : i32
    %eq3A_247 = arith.cmpi eq, %arg1, %eq3A : i32
    %convert_element_type3A = arith.extui %eq3A_247 : i1 to i32
    %cond3A = arith.constant 0 : i32
    %cond3A_248 = arith.cmpi ne, %convert_element_type3A, %cond3A : i32
    scf.if %cond3A_248 {
      %dma_start3A_634 = arith.constant 9984 : i32
      %dma_start3A_635 = arith.constant 0 : i32
      %dma_start3A_636 = tpu.memref_slice %arg18[%dma_start3A_634, %dma_start3A_635] : memref<10000x128xf32, #tpu.memory_space<vmem_shared>> -> memref<16x128xf32, #tpu.memory_space<vmem_shared>>
      %dma_start3A_637 = arith.constant 9984 : i32
      %dma_start3A_638 = arith.constant 0 : i32
      %dma_start3A_639 = tpu.memref_slice %arg18[%dma_start3A_637, %dma_start3A_638] : memref<10000x128xf32, #tpu.memory_space<vmem_shared>> -> memref<16x128xf32, #tpu.memory_space<vmem_shared>>
      tpu.enqueue_dma source(%arg17 : memref<16x128xf32, #tpu.memory_space<vmem>>) target(%dma_start3A_639 : memref<16x128xf32, #tpu.memory_space<vmem_shared>>) target_semaphore(%arg42 : memref<!tpu.dma_semaphore, #tpu.memory_space<semaphore_mem>>)
    } else {
    }
    %get3A = arith.constant 0 : index
    %get3A_249 = tpu.vector_load %arg5[%get3A] {strides = array<i32>} : memref<10000xi32, #tpu.memory_space<vmem>>, vector<16xi32>,
    %get3A_250 = vector.shape_cast %get3A_249 : vector<16xi32> to vector<16xi32>
    %and3A = arith.constant 65535 : i32
    %and3A_251 = vector.broadcast %and3A : i32 to vector<16xi32>
    %and3A_252 = arith.andi %get3A_250, %and3A_251 : vector<16xi32>
    %dma_start3A_253 = arith.constant 0 : i32
    %dma_start3A_254 = arith.constant 0 : i32
    %dma_start3A_255 = tpu.memref_slice %arg2[%dma_start3A_253, %dma_start3A_254] : memref<40000x128xf32, #tpu.memory_space<hbm>> -> memref<40000x128xf32, #tpu.memory_space<hbm>>
    tpu.enqueue_indirect_dma source(%dma_start3A_255 : memref<40000x128xf32, #tpu.memory_space<hbm>>) target(%arg6 : memref<16x128xf32, #tpu.memory_space<vmem>>) offsets(%and3A_252 : vector<16xi32>) semaphore(%arg19 : memref<!tpu.dma_semaphore, #tpu.memory_space<semaphore_mem>>)
    %get3A_256 = arith.constant 16 : index
    %get3A_257 = tpu.vector_load %arg5[%get3A_256] {strides = array<i32>} : memref<10000xi32, #tpu.memory_space<vmem>>, vector<16xi32>,
    %get3A_258 = vector.shape_cast %get3A_257 : vector<16xi32> to vector<16xi32>
    %and3A_259 = arith.constant 65535 : i32
    %and3A_260 = vector.broadcast %and3A_259 : i32 to vector<16xi32>
    %and3A_261 = arith.andi %get3A_258, %and3A_260 : vector<16xi32>
    %dma_start3A_262 = arith.constant 0 : i32
    %dma_start3A_263 = arith.constant 0 : i32
    %dma_start3A_264 = tpu.memref_slice %arg2[%dma_start3A_262, %dma_start3A_263] : memref<40000x128xf32, #tpu.memory_space<hbm>> -> memref<40000x128xf32, #tpu.memory_space<hbm>>
    tpu.enqueue_indirect_dma source(%dma_start3A_264 : memref<40000x128xf32, #tpu.memory_space<hbm>>) target(%arg7 : memref<16x128xf32, #tpu.memory_space<vmem>>) offsets(%and3A_261 : vector<16xi32>) semaphore(%arg20 : memref<!tpu.dma_semaphore, #tpu.memory_space<semaphore_mem>>)
    %get3A_265 = arith.constant 32 : index
    %get3A_266 = tpu.vector_load %arg5[%get3A_265] {strides = array<i32>} : memref<10000xi32, #tpu.memory_space<vmem>>, vector<16xi32>,
    %get3A_267 = vector.shape_cast %get3A_266 : vector<16xi32> to vector<16xi32>
    %and3A_268 = arith.constant 65535 : i32
    %and3A_269 = vector.broadcast %and3A_268 : i32 to vector<16xi32>
    %and3A_270 = arith.andi %get3A_267, %and3A_269 : vector<16xi32>
    %dma_start3A_271 = arith.constant 0 : i32
    %dma_start3A_272 = arith.constant 0 : i32
    %dma_start3A_273 = tpu.memref_slice %arg2[%dma_start3A_271, %dma_start3A_272] : memref<40000x128xf32, #tpu.memory_space<hbm>> -> memref<40000x128xf32, #tpu.memory_space<hbm>>
    tpu.enqueue_indirect_dma source(%dma_start3A_273 : memref<40000x128xf32, #tpu.memory_space<hbm>>) target(%arg8 : memref<16x128xf32, #tpu.memory_space<vmem>>) offsets(%and3A_270 : vector<16xi32>) semaphore(%arg21 : memref<!tpu.dma_semaphore, #tpu.memory_space<semaphore_mem>>)
    %get3A_274 = arith.constant 48 : index
    %get3A_275 = tpu.vector_load %arg5[%get3A_274] {strides = array<i32>} : memref<10000xi32, #tpu.memory_space<vmem>>, vector<16xi32>,
    %get3A_276 = vector.shape_cast %get3A_275 : vector<16xi32> to vector<16xi32>
    %and3A_277 = arith.constant 65535 : i32
    %and3A_278 = vector.broadcast %and3A_277 : i32 to vector<16xi32>
    %and3A_279 = arith.andi %get3A_276, %and3A_278 : vector<16xi32>
    %dma_start3A_280 = arith.constant 0 : i32
    %dma_start3A_281 = arith.constant 0 : i32
    %dma_start3A_282 = tpu.memref_slice %arg2[%dma_start3A_280, %dma_start3A_281] : memref<40000x128xf32, #tpu.memory_space<hbm>> -> memref<40000x128xf32, #tpu.memory_space<hbm>>
    tpu.enqueue_indirect_dma source(%dma_start3A_282 : memref<40000x128xf32, #tpu.memory_space<hbm>>) target(%arg9 : memref<16x128xf32, #tpu.memory_space<vmem>>) offsets(%and3A_279 : vector<16xi32>) semaphore(%arg22 : memref<!tpu.dma_semaphore, #tpu.memory_space<semaphore_mem>>)
    %get3A_283 = arith.constant 64 : index
    %get3A_284 = tpu.vector_load %arg5[%get3A_283] {strides = array<i32>} : memref<10000xi32, #tpu.memory_space<vmem>>, vector<16xi32>,
    %get3A_285 = vector.shape_cast %get3A_284 : vector<16xi32> to vector<16xi32>
    %and3A_286 = arith.constant 65535 : i32
    %and3A_287 = vector.broadcast %and3A_286 : i32 to vector<16xi32>
    %and3A_288 = arith.andi %get3A_285, %and3A_287 : vector<16xi32>
    %dma_start3A_289 = arith.constant 0 : i32
    %dma_start3A_290 = arith.constant 0 : i32
    %dma_start3A_291 = tpu.memref_slice %arg2[%dma_start3A_289, %dma_start3A_290] : memref<40000x128xf32, #tpu.memory_space<hbm>> -> memref<40000x128xf32, #tpu.memory_space<hbm>>
    tpu.enqueue_indirect_dma source(%dma_start3A_291 : memref<40000x128xf32, #tpu.memory_space<hbm>>) target(%arg10 : memref<16x128xf32, #tpu.memory_space<vmem>>) offsets(%and3A_288 : vector<16xi32>) semaphore(%arg23 : memref<!tpu.dma_semaphore, #tpu.memory_space<semaphore_mem>>)
    %get3A_292 = arith.constant 80 : index
    %get3A_293 = tpu.vector_load %arg5[%get3A_292] {strides = array<i32>} : memref<10000xi32, #tpu.memory_space<vmem>>, vector<16xi32>,
    %get3A_294 = vector.shape_cast %get3A_293 : vector<16xi32> to vector<16xi32>
    %and3A_295 = arith.constant 65535 : i32
    %and3A_296 = vector.broadcast %and3A_295 : i32 to vector<16xi32>
    %and3A_297 = arith.andi %get3A_294, %and3A_296 : vector<16xi32>
    %dma_start3A_298 = arith.constant 0 : i32
    %dma_start3A_299 = arith.constant 0 : i32
    %dma_start3A_300 = tpu.memref_slice %arg2[%dma_start3A_298, %dma_start3A_299] : memref<40000x128xf32, #tpu.memory_space<hbm>> -> memref<40000x128xf32, #tpu.memory_space<hbm>>
    tpu.enqueue_indirect_dma source(%dma_start3A_300 : memref<40000x128xf32, #tpu.memory_space<hbm>>) target(%arg11 : memref<16x128xf32, #tpu.memory_space<vmem>>) offsets(%and3A_297 : vector<16xi32>) semaphore(%arg24 : memref<!tpu.dma_semaphore, #tpu.memory_space<semaphore_mem>>)
    %add3A_301 = arith.constant 0 : i32
    %add3A_302 = arith.addi %mul3A_13, %add3A_301 : i32
    %dma_wait3A = arith.constant 0 : i32
    %dma_wait3A_303 = tpu.memref_slice %arg18[%add3A_302, %dma_wait3A] : memref<10000x128xf32, #tpu.memory_space<vmem_shared>> -> memref<16x128xf32, #tpu.memory_space<vmem_shared>>
    %dma_wait3A_304 = arith.constant 0 : i32
    %dma_wait3A_305 = tpu.memref_slice %arg18[%add3A_302, %dma_wait3A_304] : memref<10000x128xf32, #tpu.memory_space<vmem_shared>> -> memref<16x128xf32, #tpu.memory_space<vmem_shared>>
    tpu.wait_dma2 semaphore(%arg41 : memref<!tpu.dma_semaphore, #tpu.memory_space<semaphore_mem>>) src(%arg16 : memref<16x128xf32, #tpu.memory_space<vmem>>) dst(%dma_wait3A_305 : memref<16x128xf32, #tpu.memory_space<vmem_shared>>)
    %add3A_306 = arith.constant 16 : i32
    %add3A_307 = arith.addi %mul3A_13, %add3A_306 : i32
    %dma_wait3A_308 = arith.constant 0 : i32
    %dma_wait3A_309 = tpu.memref_slice %arg18[%add3A_307, %dma_wait3A_308] : memref<10000x128xf32, #tpu.memory_space<vmem_shared>> -> memref<16x128xf32, #tpu.memory_space<vmem_shared>>
    %dma_wait3A_310 = arith.constant 0 : i32
    %dma_wait3A_311 = tpu.memref_slice %arg18[%add3A_307, %dma_wait3A_310] : memref<10000x128xf32, #tpu.memory_space<vmem_shared>> -> memref<16x128xf32, #tpu.memory_space<vmem_shared>>
    tpu.wait_dma2 semaphore(%arg42 : memref<!tpu.dma_semaphore, #tpu.memory_space<semaphore_mem>>) src(%arg17 : memref<16x128xf32, #tpu.memory_space<vmem>>) dst(%dma_wait3A_311 : memref<16x128xf32, #tpu.memory_space<vmem_shared>>)
    %add3A_312 = arith.constant 32 : i32
    %add3A_313 = arith.addi %mul3A_13, %add3A_312 : i32
    %dma_wait3A_314 = arith.constant 0 : i32
    %dma_wait3A_315 = tpu.memref_slice %arg18[%add3A_313, %dma_wait3A_314] : memref<10000x128xf32, #tpu.memory_space<vmem_shared>> -> memref<16x128xf32, #tpu.memory_space<vmem_shared>>
    %dma_wait3A_316 = arith.constant 0 : i32
    %dma_wait3A_317 = tpu.memref_slice %arg18[%add3A_313, %dma_wait3A_316] : memref<10000x128xf32, #tpu.memory_space<vmem_shared>> -> memref<16x128xf32, #tpu.memory_space<vmem_shared>>
    tpu.wait_dma2 semaphore(%arg41 : memref<!tpu.dma_semaphore, #tpu.memory_space<semaphore_mem>>) src(%arg16 : memref<16x128xf32, #tpu.memory_space<vmem>>) dst(%dma_wait3A_317 : memref<16x128xf32, #tpu.memory_space<vmem_shared>>)
    %add3A_318 = arith.constant 48 : i32
    %add3A_319 = arith.addi %mul3A_13, %add3A_318 : i32
    %dma_wait3A_320 = arith.constant 0 : i32
    %dma_wait3A_321 = tpu.memref_slice %arg18[%add3A_319, %dma_wait3A_320] : memref<10000x128xf32, #tpu.memory_space<vmem_shared>> -> memref<16x128xf32, #tpu.memory_space<vmem_shared>>
    %dma_wait3A_322 = arith.constant 0 : i32
    %dma_wait3A_323 = tpu.memref_slice %arg18[%add3A_319, %dma_wait3A_322] : memref<10000x128xf32, #tpu.memory_space<vmem_shared>> -> memref<16x128xf32, #tpu.memory_space<vmem_shared>>
    tpu.wait_dma2 semaphore(%arg42 : memref<!tpu.dma_semaphore, #tpu.memory_space<semaphore_mem>>) src(%arg17 : memref<16x128xf32, #tpu.memory_space<vmem>>) dst(%dma_wait3A_323 : memref<16x128xf32, #tpu.memory_space<vmem_shared>>)
    %add3A_324 = arith.constant 64 : i32
    %add3A_325 = arith.addi %mul3A_13, %add3A_324 : i32
    %dma_wait3A_326 = arith.constant 0 : i32
    %dma_wait3A_327 = tpu.memref_slice %arg18[%add3A_325, %dma_wait3A_326] : memref<10000x128xf32, #tpu.memory_space<vmem_shared>> -> memref<16x128xf32, #tpu.memory_space<vmem_shared>>
    %dma_wait3A_328 = arith.constant 0 : i32
    %dma_wait3A_329 = tpu.memref_slice %arg18[%add3A_325, %dma_wait3A_328] : memref<10000x128xf32, #tpu.memory_space<vmem_shared>> -> memref<16x128xf32, #tpu.memory_space<vmem_shared>>
    tpu.wait_dma2 semaphore(%arg41 : memref<!tpu.dma_semaphore, #tpu.memory_space<semaphore_mem>>) src(%arg16 : memref<16x128xf32, #tpu.memory_space<vmem>>) dst(%dma_wait3A_329 : memref<16x128xf32, #tpu.memory_space<vmem_shared>>)
    %add3A_330 = arith.constant 80 : i32
    %add3A_331 = arith.addi %mul3A_13, %add3A_330 : i32
    %dma_wait3A_332 = arith.constant 0 : i32
    %dma_wait3A_333 = tpu.memref_slice %arg18[%add3A_331, %dma_wait3A_332] : memref<10000x128xf32, #tpu.memory_space<vmem_shared>> -> memref<16x128xf32, #tpu.memory_space<vmem_shared>>
    %dma_wait3A_334 = arith.constant 0 : i32
    %dma_wait3A_335 = tpu.memref_slice %arg18[%add3A_331, %dma_wait3A_334] : memref<10000x128xf32, #tpu.memory_space<vmem_shared>> -> memref<16x128xf32, #tpu.memory_space<vmem_shared>>
    tpu.wait_dma2 semaphore(%arg42 : memref<!tpu.dma_semaphore, #tpu.memory_space<semaphore_mem>>) src(%arg17 : memref<16x128xf32, #tpu.memory_space<vmem>>) dst(%dma_wait3A_335 : memref<16x128xf32, #tpu.memory_space<vmem_shared>>)
    %add3A_336 = arith.constant 96 : i32
    %add3A_337 = arith.addi %mul3A_13, %add3A_336 : i32
    %dma_wait3A_338 = arith.constant 0 : i32
    %dma_wait3A_339 = tpu.memref_slice %arg18[%add3A_337, %dma_wait3A_338] : memref<10000x128xf32, #tpu.memory_space<vmem_shared>> -> memref<16x128xf32, #tpu.memory_space<vmem_shared>>
    %dma_wait3A_340 = arith.constant 0 : i32
    %dma_wait3A_341 = tpu.memref_slice %arg18[%add3A_337, %dma_wait3A_340] : memref<10000x128xf32, #tpu.memory_space<vmem_shared>> -> memref<16x128xf32, #tpu.memory_space<vmem_shared>>
    tpu.wait_dma2 semaphore(%arg41 : memref<!tpu.dma_semaphore, #tpu.memory_space<semaphore_mem>>) src(%arg16 : memref<16x128xf32, #tpu.memory_space<vmem>>) dst(%dma_wait3A_341 : memref<16x128xf32, #tpu.memory_space<vmem_shared>>)
    %add3A_342 = arith.constant 112 : i32
    %add3A_343 = arith.addi %mul3A_13, %add3A_342 : i32
    %dma_wait3A_344 = arith.constant 0 : i32
    %dma_wait3A_345 = tpu.memref_slice %arg18[%add3A_343, %dma_wait3A_344] : memref<10000x128xf32, #tpu.memory_space<vmem_shared>> -> memref<16x128xf32, #tpu.memory_space<vmem_shared>>
    %dma_wait3A_346 = arith.constant 0 : i32
    %dma_wait3A_347 = tpu.memref_slice %arg18[%add3A_343, %dma_wait3A_346] : memref<10000x128xf32, #tpu.memory_space<vmem_shared>> -> memref<16x128xf32, #tpu.memory_space<vmem_shared>>
    tpu.wait_dma2 semaphore(%arg42 : memref<!tpu.dma_semaphore, #tpu.memory_space<semaphore_mem>>) src(%arg17 : memref<16x128xf32, #tpu.memory_space<vmem>>) dst(%dma_wait3A_347 : memref<16x128xf32, #tpu.memory_space<vmem_shared>>)
    %add3A_348 = arith.constant 128 : i32
    %add3A_349 = arith.addi %mul3A_13, %add3A_348 : i32
    %dma_wait3A_350 = arith.constant 0 : i32
    %dma_wait3A_351 = tpu.memref_slice %arg18[%add3A_349, %dma_wait3A_350] : memref<10000x128xf32, #tpu.memory_space<vmem_shared>> -> memref<16x128xf32, #tpu.memory_space<vmem_shared>>
    %dma_wait3A_352 = arith.constant 0 : i32
    %dma_wait3A_353 = tpu.memref_slice %arg18[%add3A_349, %dma_wait3A_352] : memref<10000x128xf32, #tpu.memory_space<vmem_shared>> -> memref<16x128xf32, #tpu.memory_space<vmem_shared>>
    tpu.wait_dma2 semaphore(%arg41 : memref<!tpu.dma_semaphore, #tpu.memory_space<semaphore_mem>>) src(%arg16 : memref<16x128xf32, #tpu.memory_space<vmem>>) dst(%dma_wait3A_353 : memref<16x128xf32, #tpu.memory_space<vmem_shared>>)
    %add3A_354 = arith.constant 144 : i32
    %add3A_355 = arith.addi %mul3A_13, %add3A_354 : i32
    %dma_wait3A_356 = arith.constant 0 : i32
    %dma_wait3A_357 = tpu.memref_slice %arg18[%add3A_355, %dma_wait3A_356] : memref<10000x128xf32, #tpu.memory_space<vmem_shared>> -> memref<16x128xf32, #tpu.memory_space<vmem_shared>>
    %dma_wait3A_358 = arith.constant 0 : i32
    %dma_wait3A_359 = tpu.memref_slice %arg18[%add3A_355, %dma_wait3A_358] : memref<10000x128xf32, #tpu.memory_space<vmem_shared>> -> memref<16x128xf32, #tpu.memory_space<vmem_shared>>
    tpu.wait_dma2 semaphore(%arg42 : memref<!tpu.dma_semaphore, #tpu.memory_space<semaphore_mem>>) src(%arg17 : memref<16x128xf32, #tpu.memory_space<vmem>>) dst(%dma_wait3A_359 : memref<16x128xf32, #tpu.memory_space<vmem_shared>>)
    %add3A_360 = arith.constant 160 : i32
    %add3A_361 = arith.addi %mul3A_13, %add3A_360 : i32
    %dma_wait3A_362 = arith.constant 0 : i32
    %dma_wait3A_363 = tpu.memref_slice %arg18[%add3A_361, %dma_wait3A_362] : memref<10000x128xf32, #tpu.memory_space<vmem_shared>> -> memref<16x128xf32, #tpu.memory_space<vmem_shared>>
    %dma_wait3A_364 = arith.constant 0 : i32
    %dma_wait3A_365 = tpu.memref_slice %arg18[%add3A_361, %dma_wait3A_364] : memref<10000x128xf32, #tpu.memory_space<vmem_shared>> -> memref<16x128xf32, #tpu.memory_space<vmem_shared>>
    tpu.wait_dma2 semaphore(%arg41 : memref<!tpu.dma_semaphore, #tpu.memory_space<semaphore_mem>>) src(%arg16 : memref<16x128xf32, #tpu.memory_space<vmem>>) dst(%dma_wait3A_365 : memref<16x128xf32, #tpu.memory_space<vmem_shared>>)
    %add3A_366 = arith.constant 176 : i32
    %add3A_367 = arith.addi %mul3A_13, %add3A_366 : i32
    %dma_wait3A_368 = arith.constant 0 : i32
    %dma_wait3A_369 = tpu.memref_slice %arg18[%add3A_367, %dma_wait3A_368] : memref<10000x128xf32, #tpu.memory_space<vmem_shared>> -> memref<16x128xf32, #tpu.memory_space<vmem_shared>>
    %dma_wait3A_370 = arith.constant 0 : i32
    %dma_wait3A_371 = tpu.memref_slice %arg18[%add3A_367, %dma_wait3A_370] : memref<10000x128xf32, #tpu.memory_space<vmem_shared>> -> memref<16x128xf32, #tpu.memory_space<vmem_shared>>
    tpu.wait_dma2 semaphore(%arg42 : memref<!tpu.dma_semaphore, #tpu.memory_space<semaphore_mem>>) src(%arg17 : memref<16x128xf32, #tpu.memory_space<vmem>>) dst(%dma_wait3A_371 : memref<16x128xf32, #tpu.memory_space<vmem_shared>>)
    %add3A_372 = arith.constant 192 : i32
    %add3A_373 = arith.addi %mul3A_13, %add3A_372 : i32
    %dma_wait3A_374 = arith.constant 0 : i32
    %dma_wait3A_375 = tpu.memref_slice %arg18[%add3A_373, %dma_wait3A_374] : memref<10000x128xf32, #tpu.memory_space<vmem_shared>> -> memref<16x128xf32, #tpu.memory_space<vmem_shared>>
    %dma_wait3A_376 = arith.constant 0 : i32
    %dma_wait3A_377 = tpu.memref_slice %arg18[%add3A_373, %dma_wait3A_376] : memref<10000x128xf32, #tpu.memory_space<vmem_shared>> -> memref<16x128xf32, #tpu.memory_space<vmem_shared>>
    tpu.wait_dma2 semaphore(%arg41 : memref<!tpu.dma_semaphore, #tpu.memory_space<semaphore_mem>>) src(%arg16 : memref<16x128xf32, #tpu.memory_space<vmem>>) dst(%dma_wait3A_377 : memref<16x128xf32, #tpu.memory_space<vmem_shared>>)
    %add3A_378 = arith.constant 208 : i32
    %add3A_379 = arith.addi %mul3A_13, %add3A_378 : i32
    %dma_wait3A_380 = arith.constant 0 : i32
    %dma_wait3A_381 = tpu.memref_slice %arg18[%add3A_379, %dma_wait3A_380] : memref<10000x128xf32, #tpu.memory_space<vmem_shared>> -> memref<16x128xf32, #tpu.memory_space<vmem_shared>>
    %dma_wait3A_382 = arith.constant 0 : i32
    %dma_wait3A_383 = tpu.memref_slice %arg18[%add3A_379, %dma_wait3A_382] : memref<10000x128xf32, #tpu.memory_space<vmem_shared>> -> memref<16x128xf32, #tpu.memory_space<vmem_shared>>
    tpu.wait_dma2 semaphore(%arg42 : memref<!tpu.dma_semaphore, #tpu.memory_space<semaphore_mem>>) src(%arg17 : memref<16x128xf32, #tpu.memory_space<vmem>>) dst(%dma_wait3A_383 : memref<16x128xf32, #tpu.memory_space<vmem_shared>>)
    %add3A_384 = arith.constant 224 : i32
    %add3A_385 = arith.addi %mul3A_13, %add3A_384 : i32
    %dma_wait3A_386 = arith.constant 0 : i32
    %dma_wait3A_387 = tpu.memref_slice %arg18[%add3A_385, %dma_wait3A_386] : memref<10000x128xf32, #tpu.memory_space<vmem_shared>> -> memref<16x128xf32, #tpu.memory_space<vmem_shared>>
    %dma_wait3A_388 = arith.constant 0 : i32
    %dma_wait3A_389 = tpu.memref_slice %arg18[%add3A_385, %dma_wait3A_388] : memref<10000x128xf32, #tpu.memory_space<vmem_shared>> -> memref<16x128xf32, #tpu.memory_space<vmem_shared>>
    tpu.wait_dma2 semaphore(%arg41 : memref<!tpu.dma_semaphore, #tpu.memory_space<semaphore_mem>>) src(%arg16 : memref<16x128xf32, #tpu.memory_space<vmem>>) dst(%dma_wait3A_389 : memref<16x128xf32, #tpu.memory_space<vmem_shared>>)
    %add3A_390 = arith.constant 240 : i32
    %add3A_391 = arith.addi %mul3A_13, %add3A_390 : i32
    %dma_wait3A_392 = arith.constant 0 : i32
    %dma_wait3A_393 = tpu.memref_slice %arg18[%add3A_391, %dma_wait3A_392] : memref<10000x128xf32, #tpu.memory_space<vmem_shared>> -> memref<16x128xf32, #tpu.memory_space<vmem_shared>>
    %dma_wait3A_394 = arith.constant 0 : i32
    %dma_wait3A_395 = tpu.memref_slice %arg18[%add3A_391, %dma_wait3A_394] : memref<10000x128xf32, #tpu.memory_space<vmem_shared>> -> memref<16x128xf32, #tpu.memory_space<vmem_shared>>
    tpu.wait_dma2 semaphore(%arg42 : memref<!tpu.dma_semaphore, #tpu.memory_space<semaphore_mem>>) src(%arg17 : memref<16x128xf32, #tpu.memory_space<vmem>>) dst(%dma_wait3A_395 : memref<16x128xf32, #tpu.memory_space<vmem_shared>>)
    %add3A_396 = arith.constant 256 : i32
    %add3A_397 = arith.addi %mul3A_13, %add3A_396 : i32
    %dma_wait3A_398 = arith.constant 0 : i32
    %dma_wait3A_399 = tpu.memref_slice %arg18[%add3A_397, %dma_wait3A_398] : memref<10000x128xf32, #tpu.memory_space<vmem_shared>> -> memref<16x128xf32, #tpu.memory_space<vmem_shared>>
    %dma_wait3A_400 = arith.constant 0 : i32
    %dma_wait3A_401 = tpu.memref_slice %arg18[%add3A_397, %dma_wait3A_400] : memref<10000x128xf32, #tpu.memory_space<vmem_shared>> -> memref<16x128xf32, #tpu.memory_space<vmem_shared>>
    tpu.wait_dma2 semaphore(%arg41 : memref<!tpu.dma_semaphore, #tpu.memory_space<semaphore_mem>>) src(%arg16 : memref<16x128xf32, #tpu.memory_space<vmem>>) dst(%dma_wait3A_401 : memref<16x128xf32, #tpu.memory_space<vmem_shared>>)
    %add3A_402 = arith.constant 272 : i32
    %add3A_403 = arith.addi %mul3A_13, %add3A_402 : i32
    %dma_wait3A_404 = arith.constant 0 : i32
    %dma_wait3A_405 = tpu.memref_slice %arg18[%add3A_403, %dma_wait3A_404] : memref<10000x128xf32, #tpu.memory_space<vmem_shared>> -> memref<16x128xf32, #tpu.memory_space<vmem_shared>>
    %dma_wait3A_406 = arith.constant 0 : i32
    %dma_wait3A_407 = tpu.memref_slice %arg18[%add3A_403, %dma_wait3A_406] : memref<10000x128xf32, #tpu.memory_space<vmem_shared>> -> memref<16x128xf32, #tpu.memory_space<vmem_shared>>
    tpu.wait_dma2 semaphore(%arg42 : memref<!tpu.dma_semaphore, #tpu.memory_space<semaphore_mem>>) src(%arg17 : memref<16x128xf32, #tpu.memory_space<vmem>>) dst(%dma_wait3A_407 : memref<16x128xf32, #tpu.memory_space<vmem_shared>>)
    %add3A_408 = arith.constant 288 : i32
    %add3A_409 = arith.addi %mul3A_13, %add3A_408 : i32
    %dma_wait3A_410 = arith.constant 0 : i32
    %dma_wait3A_411 = tpu.memref_slice %arg18[%add3A_409, %dma_wait3A_410] : memref<10000x128xf32, #tpu.memory_space<vmem_shared>> -> memref<16x128xf32, #tpu.memory_space<vmem_shared>>
    %dma_wait3A_412 = arith.constant 0 : i32
    %dma_wait3A_413 = tpu.memref_slice %arg18[%add3A_409, %dma_wait3A_412] : memref<10000x128xf32, #tpu.memory_space<vmem_shared>> -> memref<16x128xf32, #tpu.memory_space<vmem_shared>>
    tpu.wait_dma2 semaphore(%arg41 : memref<!tpu.dma_semaphore, #tpu.memory_space<semaphore_mem>>) src(%arg16 : memref<16x128xf32, #tpu.memory_space<vmem>>) dst(%dma_wait3A_413 : memref<16x128xf32, #tpu.memory_space<vmem_shared>>)
    %add3A_414 = arith.constant 304 : i32
    %add3A_415 = arith.addi %mul3A_13, %add3A_414 : i32
    %dma_wait3A_416 = arith.constant 0 : i32
    %dma_wait3A_417 = tpu.memref_slice %arg18[%add3A_415, %dma_wait3A_416] : memref<10000x128xf32, #tpu.memory_space<vmem_shared>> -> memref<16x128xf32, #tpu.memory_space<vmem_shared>>
    %dma_wait3A_418 = arith.constant 0 : i32
    %dma_wait3A_419 = tpu.memref_slice %arg18[%add3A_415, %dma_wait3A_418] : memref<10000x128xf32, #tpu.memory_space<vmem_shared>> -> memref<16x128xf32, #tpu.memory_space<vmem_shared>>
    tpu.wait_dma2 semaphore(%arg42 : memref<!tpu.dma_semaphore, #tpu.memory_space<semaphore_mem>>) src(%arg17 : memref<16x128xf32, #tpu.memory_space<vmem>>) dst(%dma_wait3A_419 : memref<16x128xf32, #tpu.memory_space<vmem_shared>>)
    %add3A_420 = arith.constant 320 : i32
    %add3A_421 = arith.addi %mul3A_13, %add3A_420 : i32
    %dma_wait3A_422 = arith.constant 0 : i32
    %dma_wait3A_423 = tpu.memref_slice %arg18[%add3A_421, %dma_wait3A_422] : memref<10000x128xf32, #tpu.memory_space<vmem_shared>> -> memref<16x128xf32, #tpu.memory_space<vmem_shared>>
    %dma_wait3A_424 = arith.constant 0 : i32
    %dma_wait3A_425 = tpu.memref_slice %arg18[%add3A_421, %dma_wait3A_424] : memref<10000x128xf32, #tpu.memory_space<vmem_shared>> -> memref<16x128xf32, #tpu.memory_space<vmem_shared>>
    tpu.wait_dma2 semaphore(%arg41 : memref<!tpu.dma_semaphore, #tpu.memory_space<semaphore_mem>>) src(%arg16 : memref<16x128xf32, #tpu.memory_space<vmem>>) dst(%dma_wait3A_425 : memref<16x128xf32, #tpu.memory_space<vmem_shared>>)
    %add3A_426 = arith.constant 336 : i32
    %add3A_427 = arith.addi %mul3A_13, %add3A_426 : i32
    %dma_wait3A_428 = arith.constant 0 : i32
    %dma_wait3A_429 = tpu.memref_slice %arg18[%add3A_427, %dma_wait3A_428] : memref<10000x128xf32, #tpu.memory_space<vmem_shared>> -> memref<16x128xf32, #tpu.memory_space<vmem_shared>>
    %dma_wait3A_430 = arith.constant 0 : i32
    %dma_wait3A_431 = tpu.memref_slice %arg18[%add3A_427, %dma_wait3A_430] : memref<10000x128xf32, #tpu.memory_space<vmem_shared>> -> memref<16x128xf32, #tpu.memory_space<vmem_shared>>
    tpu.wait_dma2 semaphore(%arg42 : memref<!tpu.dma_semaphore, #tpu.memory_space<semaphore_mem>>) src(%arg17 : memref<16x128xf32, #tpu.memory_space<vmem>>) dst(%dma_wait3A_431 : memref<16x128xf32, #tpu.memory_space<vmem_shared>>)
    %add3A_432 = arith.constant 352 : i32
    %add3A_433 = arith.addi %mul3A_13, %add3A_432 : i32
    %dma_wait3A_434 = arith.constant 0 : i32
    %dma_wait3A_435 = tpu.memref_slice %arg18[%add3A_433, %dma_wait3A_434] : memref<10000x128xf32, #tpu.memory_space<vmem_shared>> -> memref<16x128xf32, #tpu.memory_space<vmem_shared>>
    %dma_wait3A_436 = arith.constant 0 : i32
    %dma_wait3A_437 = tpu.memref_slice %arg18[%add3A_433, %dma_wait3A_436] : memref<10000x128xf32, #tpu.memory_space<vmem_shared>> -> memref<16x128xf32, #tpu.memory_space<vmem_shared>>
    tpu.wait_dma2 semaphore(%arg41 : memref<!tpu.dma_semaphore, #tpu.memory_space<semaphore_mem>>) src(%arg16 : memref<16x128xf32, #tpu.memory_space<vmem>>) dst(%dma_wait3A_437 : memref<16x128xf32, #tpu.memory_space<vmem_shared>>)
    %add3A_438 = arith.constant 368 : i32
    %add3A_439 = arith.addi %mul3A_13, %add3A_438 : i32
    %dma_wait3A_440 = arith.constant 0 : i32
    %dma_wait3A_441 = tpu.memref_slice %arg18[%add3A_439, %dma_wait3A_440] : memref<10000x128xf32, #tpu.memory_space<vmem_shared>> -> memref<16x128xf32, #tpu.memory_space<vmem_shared>>
    %dma_wait3A_442 = arith.constant 0 : i32
    %dma_wait3A_443 = tpu.memref_slice %arg18[%add3A_439, %dma_wait3A_442] : memref<10000x128xf32, #tpu.memory_space<vmem_shared>> -> memref<16x128xf32, #tpu.memory_space<vmem_shared>>
    tpu.wait_dma2 semaphore(%arg42 : memref<!tpu.dma_semaphore, #tpu.memory_space<semaphore_mem>>) src(%arg17 : memref<16x128xf32, #tpu.memory_space<vmem>>) dst(%dma_wait3A_443 : memref<16x128xf32, #tpu.memory_space<vmem_shared>>)
    %add3A_444 = arith.constant 384 : i32
    %add3A_445 = arith.addi %mul3A_13, %add3A_444 : i32
    %dma_wait3A_446 = arith.constant 0 : i32
    %dma_wait3A_447 = tpu.memref_slice %arg18[%add3A_445, %dma_wait3A_446] : memref<10000x128xf32, #tpu.memory_space<vmem_shared>> -> memref<16x128xf32, #tpu.memory_space<vmem_shared>>
    %dma_wait3A_448 = arith.constant 0 : i32
    %dma_wait3A_449 = tpu.memref_slice %arg18[%add3A_445, %dma_wait3A_448] : memref<10000x128xf32, #tpu.memory_space<vmem_shared>> -> memref<16x128xf32, #tpu.memory_space<vmem_shared>>
    tpu.wait_dma2 semaphore(%arg41 : memref<!tpu.dma_semaphore, #tpu.memory_space<semaphore_mem>>) src(%arg16 : memref<16x128xf32, #tpu.memory_space<vmem>>) dst(%dma_wait3A_449 : memref<16x128xf32, #tpu.memory_space<vmem_shared>>)
    %add3A_450 = arith.constant 400 : i32
    %add3A_451 = arith.addi %mul3A_13, %add3A_450 : i32
    %dma_wait3A_452 = arith.constant 0 : i32
    %dma_wait3A_453 = tpu.memref_slice %arg18[%add3A_451, %dma_wait3A_452] : memref<10000x128xf32, #tpu.memory_space<vmem_shared>> -> memref<16x128xf32, #tpu.memory_space<vmem_shared>>
    %dma_wait3A_454 = arith.constant 0 : i32
    %dma_wait3A_455 = tpu.memref_slice %arg18[%add3A_451, %dma_wait3A_454] : memref<10000x128xf32, #tpu.memory_space<vmem_shared>> -> memref<16x128xf32, #tpu.memory_space<vmem_shared>>
    tpu.wait_dma2 semaphore(%arg42 : memref<!tpu.dma_semaphore, #tpu.memory_space<semaphore_mem>>) src(%arg17 : memref<16x128xf32, #tpu.memory_space<vmem>>) dst(%dma_wait3A_455 : memref<16x128xf32, #tpu.memory_space<vmem_shared>>)
    %add3A_456 = arith.constant 416 : i32
    %add3A_457 = arith.addi %mul3A_13, %add3A_456 : i32
    %dma_wait3A_458 = arith.constant 0 : i32
    %dma_wait3A_459 = tpu.memref_slice %arg18[%add3A_457, %dma_wait3A_458] : memref<10000x128xf32, #tpu.memory_space<vmem_shared>> -> memref<16x128xf32, #tpu.memory_space<vmem_shared>>
    %dma_wait3A_460 = arith.constant 0 : i32
    %dma_wait3A_461 = tpu.memref_slice %arg18[%add3A_457, %dma_wait3A_460] : memref<10000x128xf32, #tpu.memory_space<vmem_shared>> -> memref<16x128xf32, #tpu.memory_space<vmem_shared>>
    tpu.wait_dma2 semaphore(%arg41 : memref<!tpu.dma_semaphore, #tpu.memory_space<semaphore_mem>>) src(%arg16 : memref<16x128xf32, #tpu.memory_space<vmem>>) dst(%dma_wait3A_461 : memref<16x128xf32, #tpu.memory_space<vmem_shared>>)
    %add3A_462 = arith.constant 432 : i32
    %add3A_463 = arith.addi %mul3A_13, %add3A_462 : i32
    %dma_wait3A_464 = arith.constant 0 : i32
    %dma_wait3A_465 = tpu.memref_slice %arg18[%add3A_463, %dma_wait3A_464] : memref<10000x128xf32, #tpu.memory_space<vmem_shared>> -> memref<16x128xf32, #tpu.memory_space<vmem_shared>>
    %dma_wait3A_466 = arith.constant 0 : i32
    %dma_wait3A_467 = tpu.memref_slice %arg18[%add3A_463, %dma_wait3A_466] : memref<10000x128xf32, #tpu.memory_space<vmem_shared>> -> memref<16x128xf32, #tpu.memory_space<vmem_shared>>
    tpu.wait_dma2 semaphore(%arg42 : memref<!tpu.dma_semaphore, #tpu.memory_space<semaphore_mem>>) src(%arg17 : memref<16x128xf32, #tpu.memory_space<vmem>>) dst(%dma_wait3A_467 : memref<16x128xf32, #tpu.memory_space<vmem_shared>>)
    %add3A_468 = arith.constant 448 : i32
    %add3A_469 = arith.addi %mul3A_13, %add3A_468 : i32
    %dma_wait3A_470 = arith.constant 0 : i32
    %dma_wait3A_471 = tpu.memref_slice %arg18[%add3A_469, %dma_wait3A_470] : memref<10000x128xf32, #tpu.memory_space<vmem_shared>> -> memref<16x128xf32, #tpu.memory_space<vmem_shared>>
    %dma_wait3A_472 = arith.constant 0 : i32
    %dma_wait3A_473 = tpu.memref_slice %arg18[%add3A_469, %dma_wait3A_472] : memref<10000x128xf32, #tpu.memory_space<vmem_shared>> -> memref<16x128xf32, #tpu.memory_space<vmem_shared>>
    tpu.wait_dma2 semaphore(%arg41 : memref<!tpu.dma_semaphore, #tpu.memory_space<semaphore_mem>>) src(%arg16 : memref<16x128xf32, #tpu.memory_space<vmem>>) dst(%dma_wait3A_473 : memref<16x128xf32, #tpu.memory_space<vmem_shared>>)
    %add3A_474 = arith.constant 464 : i32
    %add3A_475 = arith.addi %mul3A_13, %add3A_474 : i32
    %dma_wait3A_476 = arith.constant 0 : i32
    %dma_wait3A_477 = tpu.memref_slice %arg18[%add3A_475, %dma_wait3A_476] : memref<10000x128xf32, #tpu.memory_space<vmem_shared>> -> memref<16x128xf32, #tpu.memory_space<vmem_shared>>
    %dma_wait3A_478 = arith.constant 0 : i32
    %dma_wait3A_479 = tpu.memref_slice %arg18[%add3A_475, %dma_wait3A_478] : memref<10000x128xf32, #tpu.memory_space<vmem_shared>> -> memref<16x128xf32, #tpu.memory_space<vmem_shared>>
    tpu.wait_dma2 semaphore(%arg42 : memref<!tpu.dma_semaphore, #tpu.memory_space<semaphore_mem>>) src(%arg17 : memref<16x128xf32, #tpu.memory_space<vmem>>) dst(%dma_wait3A_479 : memref<16x128xf32, #tpu.memory_space<vmem_shared>>)
    %add3A_480 = arith.constant 480 : i32
    %add3A_481 = arith.addi %mul3A_13, %add3A_480 : i32
    %dma_wait3A_482 = arith.constant 0 : i32
    %dma_wait3A_483 = tpu.memref_slice %arg18[%add3A_481, %dma_wait3A_482] : memref<10000x128xf32, #tpu.memory_space<vmem_shared>> -> memref<16x128xf32, #tpu.memory_space<vmem_shared>>
    %dma_wait3A_484 = arith.constant 0 : i32
    %dma_wait3A_485 = tpu.memref_slice %arg18[%add3A_481, %dma_wait3A_484] : memref<10000x128xf32, #tpu.memory_space<vmem_shared>> -> memref<16x128xf32, #tpu.memory_space<vmem_shared>>
    tpu.wait_dma2 semaphore(%arg41 : memref<!tpu.dma_semaphore, #tpu.memory_space<semaphore_mem>>) src(%arg16 : memref<16x128xf32, #tpu.memory_space<vmem>>) dst(%dma_wait3A_485 : memref<16x128xf32, #tpu.memory_space<vmem_shared>>)
    %add3A_486 = arith.constant 496 : i32
    %add3A_487 = arith.addi %mul3A_13, %add3A_486 : i32
    %dma_wait3A_488 = arith.constant 0 : i32
    %dma_wait3A_489 = tpu.memref_slice %arg18[%add3A_487, %dma_wait3A_488] : memref<10000x128xf32, #tpu.memory_space<vmem_shared>> -> memref<16x128xf32, #tpu.memory_space<vmem_shared>>
    %dma_wait3A_490 = arith.constant 0 : i32
    %dma_wait3A_491 = tpu.memref_slice %arg18[%add3A_487, %dma_wait3A_490] : memref<10000x128xf32, #tpu.memory_space<vmem_shared>> -> memref<16x128xf32, #tpu.memory_space<vmem_shared>>
    tpu.wait_dma2 semaphore(%arg42 : memref<!tpu.dma_semaphore, #tpu.memory_space<semaphore_mem>>) src(%arg17 : memref<16x128xf32, #tpu.memory_space<vmem>>) dst(%dma_wait3A_491 : memref<16x128xf32, #tpu.memory_space<vmem_shared>>)
    %add3A_492 = arith.constant 512 : i32
    %add3A_493 = arith.addi %mul3A_13, %add3A_492 : i32
    %dma_wait3A_494 = arith.constant 0 : i32
    %dma_wait3A_495 = tpu.memref_slice %arg18[%add3A_493, %dma_wait3A_494] : memref<10000x128xf32, #tpu.memory_space<vmem_shared>> -> memref<16x128xf32, #tpu.memory_space<vmem_shared>>
    %dma_wait3A_496 = arith.constant 0 : i32
    %dma_wait3A_497 = tpu.memref_slice %arg18[%add3A_493, %dma_wait3A_496] : memref<10000x128xf32, #tpu.memory_space<vmem_shared>> -> memref<16x128xf32, #tpu.memory_space<vmem_shared>>
    tpu.wait_dma2 semaphore(%arg41 : memref<!tpu.dma_semaphore, #tpu.memory_space<semaphore_mem>>) src(%arg16 : memref<16x128xf32, #tpu.memory_space<vmem>>) dst(%dma_wait3A_497 : memref<16x128xf32, #tpu.memory_space<vmem_shared>>)
    %add3A_498 = arith.constant 528 : i32
    %add3A_499 = arith.addi %mul3A_13, %add3A_498 : i32
    %dma_wait3A_500 = arith.constant 0 : i32
    %dma_wait3A_501 = tpu.memref_slice %arg18[%add3A_499, %dma_wait3A_500] : memref<10000x128xf32, #tpu.memory_space<vmem_shared>> -> memref<16x128xf32, #tpu.memory_space<vmem_shared>>
    %dma_wait3A_502 = arith.constant 0 : i32
    %dma_wait3A_503 = tpu.memref_slice %arg18[%add3A_499, %dma_wait3A_502] : memref<10000x128xf32, #tpu.memory_space<vmem_shared>> -> memref<16x128xf32, #tpu.memory_space<vmem_shared>>
    tpu.wait_dma2 semaphore(%arg42 : memref<!tpu.dma_semaphore, #tpu.memory_space<semaphore_mem>>) src(%arg17 : memref<16x128xf32, #tpu.memory_space<vmem>>) dst(%dma_wait3A_503 : memref<16x128xf32, #tpu.memory_space<vmem_shared>>)
    %add3A_504 = arith.constant 544 : i32
    %add3A_505 = arith.addi %mul3A_13, %add3A_504 : i32
    %dma_wait3A_506 = arith.constant 0 : i32
    %dma_wait3A_507 = tpu.memref_slice %arg18[%add3A_505, %dma_wait3A_506] : memref<10000x128xf32, #tpu.memory_space<vmem_shared>> -> memref<16x128xf32, #tpu.memory_space<vmem_shared>>
    %dma_wait3A_508 = arith.constant 0 : i32
    %dma_wait3A_509 = tpu.memref_slice %arg18[%add3A_505, %dma_wait3A_508] : memref<10000x128xf32, #tpu.memory_space<vmem_shared>> -> memref<16x128xf32, #tpu.memory_space<vmem_shared>>
    tpu.wait_dma2 semaphore(%arg41 : memref<!tpu.dma_semaphore, #tpu.memory_space<semaphore_mem>>) src(%arg16 : memref<16x128xf32, #tpu.memory_space<vmem>>) dst(%dma_wait3A_509 : memref<16x128xf32, #tpu.memory_space<vmem_shared>>)
    %add3A_510 = arith.constant 560 : i32
    %add3A_511 = arith.addi %mul3A_13, %add3A_510 : i32
    %dma_wait3A_512 = arith.constant 0 : i32
    %dma_wait3A_513 = tpu.memref_slice %arg18[%add3A_511, %dma_wait3A_512] : memref<10000x128xf32, #tpu.memory_space<vmem_shared>> -> memref<16x128xf32, #tpu.memory_space<vmem_shared>>
    %dma_wait3A_514 = arith.constant 0 : i32
    %dma_wait3A_515 = tpu.memref_slice %arg18[%add3A_511, %dma_wait3A_514] : memref<10000x128xf32, #tpu.memory_space<vmem_shared>> -> memref<16x128xf32, #tpu.memory_space<vmem_shared>>
    tpu.wait_dma2 semaphore(%arg42 : memref<!tpu.dma_semaphore, #tpu.memory_space<semaphore_mem>>) src(%arg17 : memref<16x128xf32, #tpu.memory_space<vmem>>) dst(%dma_wait3A_515 : memref<16x128xf32, #tpu.memory_space<vmem_shared>>)
    %add3A_516 = arith.constant 576 : i32
    %add3A_517 = arith.addi %mul3A_13, %add3A_516 : i32
    %dma_wait3A_518 = arith.constant 0 : i32
    %dma_wait3A_519 = tpu.memref_slice %arg18[%add3A_517, %dma_wait3A_518] : memref<10000x128xf32, #tpu.memory_space<vmem_shared>> -> memref<16x128xf32, #tpu.memory_space<vmem_shared>>
    %dma_wait3A_520 = arith.constant 0 : i32
    %dma_wait3A_521 = tpu.memref_slice %arg18[%add3A_517, %dma_wait3A_520] : memref<10000x128xf32, #tpu.memory_space<vmem_shared>> -> memref<16x128xf32, #tpu.memory_space<vmem_shared>>
    tpu.wait_dma2 semaphore(%arg41 : memref<!tpu.dma_semaphore, #tpu.memory_space<semaphore_mem>>) src(%arg16 : memref<16x128xf32, #tpu.memory_space<vmem>>) dst(%dma_wait3A_521 : memref<16x128xf32, #tpu.memory_space<vmem_shared>>)
    %add3A_522 = arith.constant 592 : i32
    %add3A_523 = arith.addi %mul3A_13, %add3A_522 : i32
    %dma_wait3A_524 = arith.constant 0 : i32
    %dma_wait3A_525 = tpu.memref_slice %arg18[%add3A_523, %dma_wait3A_524] : memref<10000x128xf32, #tpu.memory_space<vmem_shared>> -> memref<16x128xf32, #tpu.memory_space<vmem_shared>>
    %dma_wait3A_526 = arith.constant 0 : i32
    %dma_wait3A_527 = tpu.memref_slice %arg18[%add3A_523, %dma_wait3A_526] : memref<10000x128xf32, #tpu.memory_space<vmem_shared>> -> memref<16x128xf32, #tpu.memory_space<vmem_shared>>
    tpu.wait_dma2 semaphore(%arg42 : memref<!tpu.dma_semaphore, #tpu.memory_space<semaphore_mem>>) src(%arg17 : memref<16x128xf32, #tpu.memory_space<vmem>>) dst(%dma_wait3A_527 : memref<16x128xf32, #tpu.memory_space<vmem_shared>>)
    %add3A_528 = arith.constant 608 : i32
    %add3A_529 = arith.addi %mul3A_13, %add3A_528 : i32
    %dma_wait3A_530 = arith.constant 0 : i32
    %dma_wait3A_531 = tpu.memref_slice %arg18[%add3A_529, %dma_wait3A_530] : memref<10000x128xf32, #tpu.memory_space<vmem_shared>> -> memref<16x128xf32, #tpu.memory_space<vmem_shared>>
    %dma_wait3A_532 = arith.constant 0 : i32
    %dma_wait3A_533 = tpu.memref_slice %arg18[%add3A_529, %dma_wait3A_532] : memref<10000x128xf32, #tpu.memory_space<vmem_shared>> -> memref<16x128xf32, #tpu.memory_space<vmem_shared>>
    tpu.wait_dma2 semaphore(%arg41 : memref<!tpu.dma_semaphore, #tpu.memory_space<semaphore_mem>>) src(%arg16 : memref<16x128xf32, #tpu.memory_space<vmem>>) dst(%dma_wait3A_533 : memref<16x128xf32, #tpu.memory_space<vmem_shared>>)
    %eq3A_534 = arith.constant 15 : i32
    %eq3A_535 = arith.cmpi eq, %arg1, %eq3A_534 : i32
    %convert_element_type3A_536 = arith.extui %eq3A_535 : i1 to i32
    %cond3A_537 = arith.constant 0 : i32
    %cond3A_538 = arith.cmpi ne, %convert_element_type3A_536, %cond3A_537 : i32
    scf.if %cond3A_538 {
      %dma_wait3A_634 = arith.constant 9984 : i32
      %dma_wait3A_635 = arith.constant 0 : i32
      %dma_wait3A_636 = tpu.memref_slice %arg18[%dma_wait3A_634, %dma_wait3A_635] : memref<10000x128xf32, #tpu.memory_space<vmem_shared>> -> memref<16x128xf32, #tpu.memory_space<vmem_shared>>
      %dma_wait3A_637 = arith.constant 9984 : i32
      %dma_wait3A_638 = arith.constant 0 : i32
      %dma_wait3A_639 = tpu.memref_slice %arg18[%dma_wait3A_637, %dma_wait3A_638] : memref<10000x128xf32, #tpu.memory_space<vmem_shared>> -> memref<16x128xf32, #tpu.memory_space<vmem_shared>>
      tpu.wait_dma2 semaphore(%arg42 : memref<!tpu.dma_semaphore, #tpu.memory_space<semaphore_mem>>) src(%arg17 : memref<16x128xf32, #tpu.memory_space<vmem>>) dst(%dma_wait3A_639 : memref<16x128xf32, #tpu.memory_space<vmem_shared>>)
    } else {
    }
    %barrier3A = arith.constant 0 : index
    tpu.barrier barrier_id(%barrier3A)
    %scan3A_539 = arith.constant 0 : i32
    %scan3A_540 = arith.constant 52 : i32
    %scan3A_541 = arith.addi %scan3A_539, %scan3A_540 : i32
    %scan3A_542 = arith.constant 1 : i32
    scf.for %scan3A_634 = %scan3A_539 to %scan3A_541 step %scan3A_542  : i32 {
      %mul3A_635 = arith.constant 1 : i32
      %mul3A_636 = arith.muli %scan3A_634, %mul3A_635 : i32
      %add3A_637 = arith.constant 0 : i32
      %add3A_638 = arith.addi %add3A_637, %mul3A_636 : i32
      %mul3A_639 = arith.constant 12 : i32
      %mul3A_640 = arith.muli %add3A_638, %mul3A_639 : i32
      %add3A_641 = arith.constant 0 : i32
      %add3A_642 = arith.addi %mul3A_640, %add3A_641 : i32
      %add3A_643 = arith.constant 6 : i32
      %add3A_644 = arith.addi %add3A_642, %add3A_643 : i32
      %ge3A = arith.constant 6 : i32
      %ge3A_645 = arith.cmpi sge, %add3A_642, %ge3A : i32
      %convert_element_type3A_646 = arith.extui %ge3A_645 : i1 to i32
      %cond3A_647 = arith.constant 0 : i32
      %cond3A_648 = arith.cmpi ne, %convert_element_type3A_646, %cond3A_647 : i32
      scf.if %cond3A_648 {
        %sub3A = arith.constant 6 : i32
        %sub3A_1117 = arith.subi %add3A_642, %sub3A : i32
        %mul3A_1118 = arith.constant 16 : i32
        %mul3A_1119 = arith.muli %sub3A_1117, %mul3A_1118 : i32
        %multiple_of3A_1120 = tpu.assume_multiple %mul3A_1119, 16 : i32
        %get3A_1121 = arith.index_cast %multiple_of3A_1120 : i32 to index
        %get3A_1122 = tpu.vector_load %arg5[%get3A_1121] {strides = array<i32>} : memref<10000xi32, #tpu.memory_space<vmem>>, vector<16xi32>,
        %get3A_1123 = vector.shape_cast %get3A_1122 : vector<16xi32> to vector<16xi32>
        %shift_right_logical3A_1124 = arith.constant 16 : i32
        %shift_right_logical3A_1125 = vector.broadcast %shift_right_logical3A_1124 : i32 to vector<16xi32>
        %shift_right_logical3A_1126 = arith.shrui %get3A_1123, %shift_right_logical3A_1125 : vector<16xi32>
        %dma_wait3A_1127 = arith.constant 0 : i32
        %dma_wait3A_1128 = arith.constant 0 : i32
        %dma_wait3A_1129 = tpu.memref_slice %arg18[%dma_wait3A_1127, %dma_wait3A_1128] : memref<10000x128xf32, #tpu.memory_space<vmem_shared>> -> memref<10000x128xf32, #tpu.memory_space<vmem_shared>>
        tpu.wait_indirect_dma semaphore(%arg37 : memref<!tpu.dma_semaphore, #tpu.memory_space<semaphore_mem>>) src(%arg12 : memref<16x128xf32, #tpu.memory_space<vmem>>) dst(%dma_wait3A_1129 : memref<10000x128xf32, #tpu.memory_space<vmem_shared>>)
      } else {
      }
      %lt3A_649 = arith.constant 625 : i32
      %lt3A_650 = arith.cmpi slt, %add3A_644, %lt3A_649 : i32
      %convert_element_type3A_651 = arith.extui %lt3A_650 : i1 to i32
      %cond3A_652 = arith.constant 0 : i32
      %cond3A_653 = arith.cmpi ne, %convert_element_type3A_651, %cond3A_652 : i32
      scf.if %cond3A_653 {
        %mul3A_1117 = arith.constant 16 : i32
        %mul3A_1118 = arith.muli %add3A_644, %mul3A_1117 : i32
        %multiple_of3A_1119 = tpu.assume_multiple %mul3A_1118, 16 : i32
        %get3A_1120 = arith.index_cast %multiple_of3A_1119 : i32 to index
        %get3A_1121 = tpu.vector_load %arg5[%get3A_1120] {strides = array<i32>} : memref<10000xi32, #tpu.memory_space<vmem>>, vector<16xi32>,
        %get3A_1122 = vector.shape_cast %get3A_1121 : vector<16xi32> to vector<16xi32>
        %and3A_1123 = arith.constant 65535 : i32
        %and3A_1124 = vector.broadcast %and3A_1123 : i32 to vector<16xi32>
        %and3A_1125 = arith.andi %get3A_1122, %and3A_1124 : vector<16xi32>
        %dma_start3A_1126 = arith.constant 0 : i32
        %dma_start3A_1127 = arith.constant 0 : i32
        %dma_start3A_1128 = tpu.memref_slice %arg2[%dma_start3A_1126, %dma_start3A_1127] : memref<40000x128xf32, #tpu.memory_space<hbm>> -> memref<40000x128xf32, #tpu.memory_space<hbm>>
        tpu.enqueue_indirect_dma source(%dma_start3A_1128 : memref<40000x128xf32, #tpu.memory_space<hbm>>) target(%arg12 : memref<16x128xf32, #tpu.memory_space<vmem>>) offsets(%and3A_1125 : vector<16xi32>) semaphore(%arg25 : memref<!tpu.dma_semaphore, #tpu.memory_space<semaphore_mem>>)
      } else {
      }
      %mul3A_654 = arith.constant 16 : i32
      %mul3A_655 = arith.muli %add3A_642, %mul3A_654 : i32
      %multiple_of3A = tpu.assume_multiple %mul3A_655, 16 : i32
      %get3A_656 = arith.index_cast %multiple_of3A : i32 to index
      %get3A_657 = tpu.vector_load %arg5[%get3A_656] {strides = array<i32>} : memref<10000xi32, #tpu.memory_space<vmem>>, vector<16xi32>,
      %get3A_658 = vector.shape_cast %get3A_657 : vector<16xi32> to vector<16xi32>
      %and3A_659 = arith.constant 65535 : i32
      %and3A_660 = vector.broadcast %and3A_659 : i32 to vector<16xi32>
      %and3A_661 = arith.andi %get3A_658, %and3A_660 : vector<16xi32>
      %dma_wait3A_662 = arith.constant 0 : i32
      %dma_wait3A_663 = arith.constant 0 : i32
      %dma_wait3A_664 = tpu.memref_slice %arg2[%dma_wait3A_662, %dma_wait3A_663] : memref<40000x128xf32, #tpu.memory_space<hbm>> -> memref<40000x128xf32, #tpu.memory_space<hbm>>
      tpu.wait_indirect_dma semaphore(%arg19 : memref<!tpu.dma_semaphore, #tpu.memory_space<semaphore_mem>>) src(%dma_wait3A_664 : memref<40000x128xf32, #tpu.memory_space<hbm>>) dst(%arg6 : memref<16x128xf32, #tpu.memory_space<vmem>>)
      %mul3A_665 = arith.constant 16 : i32
      %mul3A_666 = arith.muli %add3A_642, %mul3A_665 : i32
      %multiple_of3A_667 = tpu.assume_multiple %mul3A_666, 16 : i32
      %get3A_668 = arith.index_cast %multiple_of3A_667 : i32 to index
      %get3A_669 = tpu.vector_load %arg5[%get3A_668] {strides = array<i32>} : memref<10000xi32, #tpu.memory_space<vmem>>, vector<16xi32>,
      %get3A_670 = vector.shape_cast %get3A_669 : vector<16xi32> to vector<16xi32>
      %shift_right_logical3A_671 = arith.constant 16 : i32
      %shift_right_logical3A_672 = vector.broadcast %shift_right_logical3A_671 : i32 to vector<16xi32>
      %shift_right_logical3A_673 = arith.shrui %get3A_670, %shift_right_logical3A_672 : vector<16xi32>
      %dma_start3A_674 = arith.constant 0 : i32
      %dma_start3A_675 = arith.constant 0 : i32
      %dma_start3A_676 = tpu.memref_slice %arg18[%dma_start3A_674, %dma_start3A_675] : memref<10000x128xf32, #tpu.memory_space<vmem_shared>> -> memref<10000x128xf32, #tpu.memory_space<vmem_shared>>
      tpu.enqueue_indirect_dma source(%arg6 : memref<16x128xf32, #tpu.memory_space<vmem>>) target(%dma_start3A_676 : memref<10000x128xf32, #tpu.memory_space<vmem_shared>>) offsets(%shift_right_logical3A_673 : vector<16xi32>) semaphore(%arg31 : memref<!tpu.dma_semaphore, #tpu.memory_space<semaphore_mem>>) {add = true}
      %mul3A_677 = arith.constant 12 : i32
      %mul3A_678 = arith.muli %add3A_638, %mul3A_677 : i32
      %add3A_679 = arith.constant 1 : i32
      %add3A_680 = arith.addi %mul3A_678, %add3A_679 : i32
      %add3A_681 = arith.constant 6 : i32
      %add3A_682 = arith.addi %add3A_680, %add3A_681 : i32
      %ge3A_683 = arith.constant 6 : i32
      %ge3A_684 = arith.cmpi sge, %add3A_680, %ge3A_683 : i32
      %convert_element_type3A_685 = arith.extui %ge3A_684 : i1 to i32
      %cond3A_686 = arith.constant 0 : i32
      %cond3A_687 = arith.cmpi ne, %convert_element_type3A_685, %cond3A_686 : i32
      scf.if %cond3A_687 {
        %sub3A = arith.constant 6 : i32
        %sub3A_1117 = arith.subi %add3A_680, %sub3A : i32
        %mul3A_1118 = arith.constant 16 : i32
        %mul3A_1119 = arith.muli %sub3A_1117, %mul3A_1118 : i32
        %multiple_of3A_1120 = tpu.assume_multiple %mul3A_1119, 16 : i32
        %get3A_1121 = arith.index_cast %multiple_of3A_1120 : i32 to index
        %get3A_1122 = tpu.vector_load %arg5[%get3A_1121] {strides = array<i32>} : memref<10000xi32, #tpu.memory_space<vmem>>, vector<16xi32>,
        %get3A_1123 = vector.shape_cast %get3A_1122 : vector<16xi32> to vector<16xi32>
        %shift_right_logical3A_1124 = arith.constant 16 : i32
        %shift_right_logical3A_1125 = vector.broadcast %shift_right_logical3A_1124 : i32 to vector<16xi32>
        %shift_right_logical3A_1126 = arith.shrui %get3A_1123, %shift_right_logical3A_1125 : vector<16xi32>
        %dma_wait3A_1127 = arith.constant 0 : i32
        %dma_wait3A_1128 = arith.constant 0 : i32
        %dma_wait3A_1129 = tpu.memref_slice %arg18[%dma_wait3A_1127, %dma_wait3A_1128] : memref<10000x128xf32, #tpu.memory_space<vmem_shared>> -> memref<10000x128xf32, #tpu.memory_space<vmem_shared>>
        tpu.wait_indirect_dma semaphore(%arg38 : memref<!tpu.dma_semaphore, #tpu.memory_space<semaphore_mem>>) src(%arg13 : memref<16x128xf32, #tpu.memory_space<vmem>>) dst(%dma_wait3A_1129 : memref<10000x128xf32, #tpu.memory_space<vmem_shared>>)
      } else {
      }
      %lt3A_688 = arith.constant 625 : i32
      %lt3A_689 = arith.cmpi slt, %add3A_682, %lt3A_688 : i32
      %convert_element_type3A_690 = arith.extui %lt3A_689 : i1 to i32
      %cond3A_691 = arith.constant 0 : i32
      %cond3A_692 = arith.cmpi ne, %convert_element_type3A_690, %cond3A_691 : i32
      scf.if %cond3A_692 {
        %mul3A_1117 = arith.constant 16 : i32
        %mul3A_1118 = arith.muli %add3A_682, %mul3A_1117 : i32
        %multiple_of3A_1119 = tpu.assume_multiple %mul3A_1118, 16 : i32
        %get3A_1120 = arith.index_cast %multiple_of3A_1119 : i32 to index
        %get3A_1121 = tpu.vector_load %arg5[%get3A_1120] {strides = array<i32>} : memref<10000xi32, #tpu.memory_space<vmem>>, vector<16xi32>,
        %get3A_1122 = vector.shape_cast %get3A_1121 : vector<16xi32> to vector<16xi32>
        %and3A_1123 = arith.constant 65535 : i32
        %and3A_1124 = vector.broadcast %and3A_1123 : i32 to vector<16xi32>
        %and3A_1125 = arith.andi %get3A_1122, %and3A_1124 : vector<16xi32>
        %dma_start3A_1126 = arith.constant 0 : i32
        %dma_start3A_1127 = arith.constant 0 : i32
        %dma_start3A_1128 = tpu.memref_slice %arg2[%dma_start3A_1126, %dma_start3A_1127] : memref<40000x128xf32, #tpu.memory_space<hbm>> -> memref<40000x128xf32, #tpu.memory_space<hbm>>
        tpu.enqueue_indirect_dma source(%dma_start3A_1128 : memref<40000x128xf32, #tpu.memory_space<hbm>>) target(%arg13 : memref<16x128xf32, #tpu.memory_space<vmem>>) offsets(%and3A_1125 : vector<16xi32>) semaphore(%arg26 : memref<!tpu.dma_semaphore, #tpu.memory_space<semaphore_mem>>)
      } else {
      }
      %mul3A_693 = arith.constant 16 : i32
      %mul3A_694 = arith.muli %add3A_680, %mul3A_693 : i32
      %multiple_of3A_695 = tpu.assume_multiple %mul3A_694, 16 : i32
      %get3A_696 = arith.index_cast %multiple_of3A_695 : i32 to index
      %get3A_697 = tpu.vector_load %arg5[%get3A_696] {strides = array<i32>} : memref<10000xi32, #tpu.memory_space<vmem>>, vector<16xi32>,
      %get3A_698 = vector.shape_cast %get3A_697 : vector<16xi32> to vector<16xi32>
      %and3A_699 = arith.constant 65535 : i32
      %and3A_700 = vector.broadcast %and3A_699 : i32 to vector<16xi32>
      %and3A_701 = arith.andi %get3A_698, %and3A_700 : vector<16xi32>
      %dma_wait3A_702 = arith.constant 0 : i32
      %dma_wait3A_703 = arith.constant 0 : i32
      %dma_wait3A_704 = tpu.memref_slice %arg2[%dma_wait3A_702, %dma_wait3A_703] : memref<40000x128xf32, #tpu.memory_space<hbm>> -> memref<40000x128xf32, #tpu.memory_space<hbm>>
      tpu.wait_indirect_dma semaphore(%arg20 : memref<!tpu.dma_semaphore, #tpu.memory_space<semaphore_mem>>) src(%dma_wait3A_704 : memref<40000x128xf32, #tpu.memory_space<hbm>>) dst(%arg7 : memref<16x128xf32, #tpu.memory_space<vmem>>)
      %mul3A_705 = arith.constant 16 : i32
      %mul3A_706 = arith.muli %add3A_680, %mul3A_705 : i32
      %multiple_of3A_707 = tpu.assume_multiple %mul3A_706, 16 : i32
      %get3A_708 = arith.index_cast %multiple_of3A_707 : i32 to index
      %get3A_709 = tpu.vector_load %arg5[%get3A_708] {strides = array<i32>} : memref<10000xi32, #tpu.memory_space<vmem>>, vector<16xi32>,
      %get3A_710 = vector.shape_cast %get3A_709 : vector<16xi32> to vector<16xi32>
      %shift_right_logical3A_711 = arith.constant 16 : i32
      %shift_right_logical3A_712 = vector.broadcast %shift_right_logical3A_711 : i32 to vector<16xi32>
      %shift_right_logical3A_713 = arith.shrui %get3A_710, %shift_right_logical3A_712 : vector<16xi32>
      %dma_start3A_714 = arith.constant 0 : i32
      %dma_start3A_715 = arith.constant 0 : i32
      %dma_start3A_716 = tpu.memref_slice %arg18[%dma_start3A_714, %dma_start3A_715] : memref<10000x128xf32, #tpu.memory_space<vmem_shared>> -> memref<10000x128xf32, #tpu.memory_space<vmem_shared>>
      tpu.enqueue_indirect_dma source(%arg7 : memref<16x128xf32, #tpu.memory_space<vmem>>) target(%dma_start3A_716 : memref<10000x128xf32, #tpu.memory_space<vmem_shared>>) offsets(%shift_right_logical3A_713 : vector<16xi32>) semaphore(%arg32 : memref<!tpu.dma_semaphore, #tpu.memory_space<semaphore_mem>>) {add = true}
      %mul3A_717 = arith.constant 12 : i32
      %mul3A_718 = arith.muli %add3A_638, %mul3A_717 : i32
      %add3A_719 = arith.constant 2 : i32
      %add3A_720 = arith.addi %mul3A_718, %add3A_719 : i32
      %add3A_721 = arith.constant 6 : i32
      %add3A_722 = arith.addi %add3A_720, %add3A_721 : i32
      %ge3A_723 = arith.constant 6 : i32
      %ge3A_724 = arith.cmpi sge, %add3A_720, %ge3A_723 : i32
      %convert_element_type3A_725 = arith.extui %ge3A_724 : i1 to i32
      %cond3A_726 = arith.constant 0 : i32
      %cond3A_727 = arith.cmpi ne, %convert_element_type3A_725, %cond3A_726 : i32
      scf.if %cond3A_727 {
        %sub3A = arith.constant 6 : i32
        %sub3A_1117 = arith.subi %add3A_720, %sub3A : i32
        %mul3A_1118 = arith.constant 16 : i32
        %mul3A_1119 = arith.muli %sub3A_1117, %mul3A_1118 : i32
        %multiple_of3A_1120 = tpu.assume_multiple %mul3A_1119, 16 : i32
        %get3A_1121 = arith.index_cast %multiple_of3A_1120 : i32 to index
        %get3A_1122 = tpu.vector_load %arg5[%get3A_1121] {strides = array<i32>} : memref<10000xi32, #tpu.memory_space<vmem>>, vector<16xi32>,
        %get3A_1123 = vector.shape_cast %get3A_1122 : vector<16xi32> to vector<16xi32>
        %shift_right_logical3A_1124 = arith.constant 16 : i32
        %shift_right_logical3A_1125 = vector.broadcast %shift_right_logical3A_1124 : i32 to vector<16xi32>
        %shift_right_logical3A_1126 = arith.shrui %get3A_1123, %shift_right_logical3A_1125 : vector<16xi32>
        %dma_wait3A_1127 = arith.constant 0 : i32
        %dma_wait3A_1128 = arith.constant 0 : i32
        %dma_wait3A_1129 = tpu.memref_slice %arg18[%dma_wait3A_1127, %dma_wait3A_1128] : memref<10000x128xf32, #tpu.memory_space<vmem_shared>> -> memref<10000x128xf32, #tpu.memory_space<vmem_shared>>
        tpu.wait_indirect_dma semaphore(%arg39 : memref<!tpu.dma_semaphore, #tpu.memory_space<semaphore_mem>>) src(%arg14 : memref<16x128xf32, #tpu.memory_space<vmem>>) dst(%dma_wait3A_1129 : memref<10000x128xf32, #tpu.memory_space<vmem_shared>>)
      } else {
      }
      %lt3A_728 = arith.constant 625 : i32
      %lt3A_729 = arith.cmpi slt, %add3A_722, %lt3A_728 : i32
      %convert_element_type3A_730 = arith.extui %lt3A_729 : i1 to i32
      %cond3A_731 = arith.constant 0 : i32
      %cond3A_732 = arith.cmpi ne, %convert_element_type3A_730, %cond3A_731 : i32
      scf.if %cond3A_732 {
        %mul3A_1117 = arith.constant 16 : i32
        %mul3A_1118 = arith.muli %add3A_722, %mul3A_1117 : i32
        %multiple_of3A_1119 = tpu.assume_multiple %mul3A_1118, 16 : i32
        %get3A_1120 = arith.index_cast %multiple_of3A_1119 : i32 to index
        %get3A_1121 = tpu.vector_load %arg5[%get3A_1120] {strides = array<i32>} : memref<10000xi32, #tpu.memory_space<vmem>>, vector<16xi32>,
        %get3A_1122 = vector.shape_cast %get3A_1121 : vector<16xi32> to vector<16xi32>
        %and3A_1123 = arith.constant 65535 : i32
        %and3A_1124 = vector.broadcast %and3A_1123 : i32 to vector<16xi32>
        %and3A_1125 = arith.andi %get3A_1122, %and3A_1124 : vector<16xi32>
        %dma_start3A_1126 = arith.constant 0 : i32
        %dma_start3A_1127 = arith.constant 0 : i32
        %dma_start3A_1128 = tpu.memref_slice %arg2[%dma_start3A_1126, %dma_start3A_1127] : memref<40000x128xf32, #tpu.memory_space<hbm>> -> memref<40000x128xf32, #tpu.memory_space<hbm>>
        tpu.enqueue_indirect_dma source(%dma_start3A_1128 : memref<40000x128xf32, #tpu.memory_space<hbm>>) target(%arg14 : memref<16x128xf32, #tpu.memory_space<vmem>>) offsets(%and3A_1125 : vector<16xi32>) semaphore(%arg27 : memref<!tpu.dma_semaphore, #tpu.memory_space<semaphore_mem>>)
      } else {
      }
      %mul3A_733 = arith.constant 16 : i32
      %mul3A_734 = arith.muli %add3A_720, %mul3A_733 : i32
      %multiple_of3A_735 = tpu.assume_multiple %mul3A_734, 16 : i32
      %get3A_736 = arith.index_cast %multiple_of3A_735 : i32 to index
      %get3A_737 = tpu.vector_load %arg5[%get3A_736] {strides = array<i32>} : memref<10000xi32, #tpu.memory_space<vmem>>, vector<16xi32>,
      %get3A_738 = vector.shape_cast %get3A_737 : vector<16xi32> to vector<16xi32>
      %and3A_739 = arith.constant 65535 : i32
      %and3A_740 = vector.broadcast %and3A_739 : i32 to vector<16xi32>
      %and3A_741 = arith.andi %get3A_738, %and3A_740 : vector<16xi32>
      %dma_wait3A_742 = arith.constant 0 : i32
      %dma_wait3A_743 = arith.constant 0 : i32
      %dma_wait3A_744 = tpu.memref_slice %arg2[%dma_wait3A_742, %dma_wait3A_743] : memref<40000x128xf32, #tpu.memory_space<hbm>> -> memref<40000x128xf32, #tpu.memory_space<hbm>>
      tpu.wait_indirect_dma semaphore(%arg21 : memref<!tpu.dma_semaphore, #tpu.memory_space<semaphore_mem>>) src(%dma_wait3A_744 : memref<40000x128xf32, #tpu.memory_space<hbm>>) dst(%arg8 : memref<16x128xf32, #tpu.memory_space<vmem>>)
      %mul3A_745 = arith.constant 16 : i32
      %mul3A_746 = arith.muli %add3A_720, %mul3A_745 : i32
      %multiple_of3A_747 = tpu.assume_multiple %mul3A_746, 16 : i32
      %get3A_748 = arith.index_cast %multiple_of3A_747 : i32 to index
      %get3A_749 = tpu.vector_load %arg5[%get3A_748] {strides = array<i32>} : memref<10000xi32, #tpu.memory_space<vmem>>, vector<16xi32>,
      %get3A_750 = vector.shape_cast %get3A_749 : vector<16xi32> to vector<16xi32>
      %shift_right_logical3A_751 = arith.constant 16 : i32
      %shift_right_logical3A_752 = vector.broadcast %shift_right_logical3A_751 : i32 to vector<16xi32>
      %shift_right_logical3A_753 = arith.shrui %get3A_750, %shift_right_logical3A_752 : vector<16xi32>
      %dma_start3A_754 = arith.constant 0 : i32
      %dma_start3A_755 = arith.constant 0 : i32
      %dma_start3A_756 = tpu.memref_slice %arg18[%dma_start3A_754, %dma_start3A_755] : memref<10000x128xf32, #tpu.memory_space<vmem_shared>> -> memref<10000x128xf32, #tpu.memory_space<vmem_shared>>
      tpu.enqueue_indirect_dma source(%arg8 : memref<16x128xf32, #tpu.memory_space<vmem>>) target(%dma_start3A_756 : memref<10000x128xf32, #tpu.memory_space<vmem_shared>>) offsets(%shift_right_logical3A_753 : vector<16xi32>) semaphore(%arg33 : memref<!tpu.dma_semaphore, #tpu.memory_space<semaphore_mem>>) {add = true}
      %mul3A_757 = arith.constant 12 : i32
      %mul3A_758 = arith.muli %add3A_638, %mul3A_757 : i32
      %add3A_759 = arith.constant 3 : i32
      %add3A_760 = arith.addi %mul3A_758, %add3A_759 : i32
      %add3A_761 = arith.constant 6 : i32
      %add3A_762 = arith.addi %add3A_760, %add3A_761 : i32
      %ge3A_763 = arith.constant 6 : i32
      %ge3A_764 = arith.cmpi sge, %add3A_760, %ge3A_763 : i32
      %convert_element_type3A_765 = arith.extui %ge3A_764 : i1 to i32
      %cond3A_766 = arith.constant 0 : i32
      %cond3A_767 = arith.cmpi ne, %convert_element_type3A_765, %cond3A_766 : i32
      scf.if %cond3A_767 {
        %sub3A = arith.constant 6 : i32
        %sub3A_1117 = arith.subi %add3A_760, %sub3A : i32
        %mul3A_1118 = arith.constant 16 : i32
        %mul3A_1119 = arith.muli %sub3A_1117, %mul3A_1118 : i32
        %multiple_of3A_1120 = tpu.assume_multiple %mul3A_1119, 16 : i32
        %get3A_1121 = arith.index_cast %multiple_of3A_1120 : i32 to index
        %get3A_1122 = tpu.vector_load %arg5[%get3A_1121] {strides = array<i32>} : memref<10000xi32, #tpu.memory_space<vmem>>, vector<16xi32>,
        %get3A_1123 = vector.shape_cast %get3A_1122 : vector<16xi32> to vector<16xi32>
        %shift_right_logical3A_1124 = arith.constant 16 : i32
        %shift_right_logical3A_1125 = vector.broadcast %shift_right_logical3A_1124 : i32 to vector<16xi32>
        %shift_right_logical3A_1126 = arith.shrui %get3A_1123, %shift_right_logical3A_1125 : vector<16xi32>
        %dma_wait3A_1127 = arith.constant 0 : i32
        %dma_wait3A_1128 = arith.constant 0 : i32
        %dma_wait3A_1129 = tpu.memref_slice %arg18[%dma_wait3A_1127, %dma_wait3A_1128] : memref<10000x128xf32, #tpu.memory_space<vmem_shared>> -> memref<10000x128xf32, #tpu.memory_space<vmem_shared>>
        tpu.wait_indirect_dma semaphore(%arg40 : memref<!tpu.dma_semaphore, #tpu.memory_space<semaphore_mem>>) src(%arg15 : memref<16x128xf32, #tpu.memory_space<vmem>>) dst(%dma_wait3A_1129 : memref<10000x128xf32, #tpu.memory_space<vmem_shared>>)
      } else {
      }
      %lt3A_768 = arith.constant 625 : i32
      %lt3A_769 = arith.cmpi slt, %add3A_762, %lt3A_768 : i32
      %convert_element_type3A_770 = arith.extui %lt3A_769 : i1 to i32
      %cond3A_771 = arith.constant 0 : i32
      %cond3A_772 = arith.cmpi ne, %convert_element_type3A_770, %cond3A_771 : i32
      scf.if %cond3A_772 {
        %mul3A_1117 = arith.constant 16 : i32
        %mul3A_1118 = arith.muli %add3A_762, %mul3A_1117 : i32
        %multiple_of3A_1119 = tpu.assume_multiple %mul3A_1118, 16 : i32
        %get3A_1120 = arith.index_cast %multiple_of3A_1119 : i32 to index
        %get3A_1121 = tpu.vector_load %arg5[%get3A_1120] {strides = array<i32>} : memref<10000xi32, #tpu.memory_space<vmem>>, vector<16xi32>,
        %get3A_1122 = vector.shape_cast %get3A_1121 : vector<16xi32> to vector<16xi32>
        %and3A_1123 = arith.constant 65535 : i32
        %and3A_1124 = vector.broadcast %and3A_1123 : i32 to vector<16xi32>
        %and3A_1125 = arith.andi %get3A_1122, %and3A_1124 : vector<16xi32>
        %dma_start3A_1126 = arith.constant 0 : i32
        %dma_start3A_1127 = arith.constant 0 : i32
        %dma_start3A_1128 = tpu.memref_slice %arg2[%dma_start3A_1126, %dma_start3A_1127] : memref<40000x128xf32, #tpu.memory_space<hbm>> -> memref<40000x128xf32, #tpu.memory_space<hbm>>
        tpu.enqueue_indirect_dma source(%dma_start3A_1128 : memref<40000x128xf32, #tpu.memory_space<hbm>>) target(%arg15 : memref<16x128xf32, #tpu.memory_space<vmem>>) offsets(%and3A_1125 : vector<16xi32>) semaphore(%arg28 : memref<!tpu.dma_semaphore, #tpu.memory_space<semaphore_mem>>)
      } else {
      }
      %mul3A_773 = arith.constant 16 : i32
      %mul3A_774 = arith.muli %add3A_760, %mul3A_773 : i32
      %multiple_of3A_775 = tpu.assume_multiple %mul3A_774, 16 : i32
      %get3A_776 = arith.index_cast %multiple_of3A_775 : i32 to index
      %get3A_777 = tpu.vector_load %arg5[%get3A_776] {strides = array<i32>} : memref<10000xi32, #tpu.memory_space<vmem>>, vector<16xi32>,
      %get3A_778 = vector.shape_cast %get3A_777 : vector<16xi32> to vector<16xi32>
      %and3A_779 = arith.constant 65535 : i32
      %and3A_780 = vector.broadcast %and3A_779 : i32 to vector<16xi32>
      %and3A_781 = arith.andi %get3A_778, %and3A_780 : vector<16xi32>
      %dma_wait3A_782 = arith.constant 0 : i32
      %dma_wait3A_783 = arith.constant 0 : i32
      %dma_wait3A_784 = tpu.memref_slice %arg2[%dma_wait3A_782, %dma_wait3A_783] : memref<40000x128xf32, #tpu.memory_space<hbm>> -> memref<40000x128xf32, #tpu.memory_space<hbm>>
      tpu.wait_indirect_dma semaphore(%arg22 : memref<!tpu.dma_semaphore, #tpu.memory_space<semaphore_mem>>) src(%dma_wait3A_784 : memref<40000x128xf32, #tpu.memory_space<hbm>>) dst(%arg9 : memref<16x128xf32, #tpu.memory_space<vmem>>)
      %mul3A_785 = arith.constant 16 : i32
      %mul3A_786 = arith.muli %add3A_760, %mul3A_785 : i32
      %multiple_of3A_787 = tpu.assume_multiple %mul3A_786, 16 : i32
      %get3A_788 = arith.index_cast %multiple_of3A_787 : i32 to index
      %get3A_789 = tpu.vector_load %arg5[%get3A_788] {strides = array<i32>} : memref<10000xi32, #tpu.memory_space<vmem>>, vector<16xi32>,
      %get3A_790 = vector.shape_cast %get3A_789 : vector<16xi32> to vector<16xi32>
      %shift_right_logical3A_791 = arith.constant 16 : i32
      %shift_right_logical3A_792 = vector.broadcast %shift_right_logical3A_791 : i32 to vector<16xi32>
      %shift_right_logical3A_793 = arith.shrui %get3A_790, %shift_right_logical3A_792 : vector<16xi32>
      %dma_start3A_794 = arith.constant 0 : i32
      %dma_start3A_795 = arith.constant 0 : i32
      %dma_start3A_796 = tpu.memref_slice %arg18[%dma_start3A_794, %dma_start3A_795] : memref<10000x128xf32, #tpu.memory_space<vmem_shared>> -> memref<10000x128xf32, #tpu.memory_space<vmem_shared>>
      tpu.enqueue_indirect_dma source(%arg9 : memref<16x128xf32, #tpu.memory_space<vmem>>) target(%dma_start3A_796 : memref<10000x128xf32, #tpu.memory_space<vmem_shared>>) offsets(%shift_right_logical3A_793 : vector<16xi32>) semaphore(%arg34 : memref<!tpu.dma_semaphore, #tpu.memory_space<semaphore_mem>>) {add = true}
      %mul3A_797 = arith.constant 12 : i32
      %mul3A_798 = arith.muli %add3A_638, %mul3A_797 : i32
      %add3A_799 = arith.constant 4 : i32
      %add3A_800 = arith.addi %mul3A_798, %add3A_799 : i32
      %add3A_801 = arith.constant 6 : i32
      %add3A_802 = arith.addi %add3A_800, %add3A_801 : i32
      %ge3A_803 = arith.constant 6 : i32
      %ge3A_804 = arith.cmpi sge, %add3A_800, %ge3A_803 : i32
      %convert_element_type3A_805 = arith.extui %ge3A_804 : i1 to i32
      %cond3A_806 = arith.constant 0 : i32
      %cond3A_807 = arith.cmpi ne, %convert_element_type3A_805, %cond3A_806 : i32
      scf.if %cond3A_807 {
        %sub3A = arith.constant 6 : i32
        %sub3A_1117 = arith.subi %add3A_800, %sub3A : i32
        %mul3A_1118 = arith.constant 16 : i32
        %mul3A_1119 = arith.muli %sub3A_1117, %mul3A_1118 : i32
        %multiple_of3A_1120 = tpu.assume_multiple %mul3A_1119, 16 : i32
        %get3A_1121 = arith.index_cast %multiple_of3A_1120 : i32 to index
        %get3A_1122 = tpu.vector_load %arg5[%get3A_1121] {strides = array<i32>} : memref<10000xi32, #tpu.memory_space<vmem>>, vector<16xi32>,
        %get3A_1123 = vector.shape_cast %get3A_1122 : vector<16xi32> to vector<16xi32>
        %shift_right_logical3A_1124 = arith.constant 16 : i32
        %shift_right_logical3A_1125 = vector.broadcast %shift_right_logical3A_1124 : i32 to vector<16xi32>
        %shift_right_logical3A_1126 = arith.shrui %get3A_1123, %shift_right_logical3A_1125 : vector<16xi32>
        %dma_wait3A_1127 = arith.constant 0 : i32
        %dma_wait3A_1128 = arith.constant 0 : i32
        %dma_wait3A_1129 = tpu.memref_slice %arg18[%dma_wait3A_1127, %dma_wait3A_1128] : memref<10000x128xf32, #tpu.memory_space<vmem_shared>> -> memref<10000x128xf32, #tpu.memory_space<vmem_shared>>
        tpu.wait_indirect_dma semaphore(%arg41 : memref<!tpu.dma_semaphore, #tpu.memory_space<semaphore_mem>>) src(%arg16 : memref<16x128xf32, #tpu.memory_space<vmem>>) dst(%dma_wait3A_1129 : memref<10000x128xf32, #tpu.memory_space<vmem_shared>>)
      } else {
      }
      %lt3A_808 = arith.constant 625 : i32
      %lt3A_809 = arith.cmpi slt, %add3A_802, %lt3A_808 : i32
      %convert_element_type3A_810 = arith.extui %lt3A_809 : i1 to i32
      %cond3A_811 = arith.constant 0 : i32
      %cond3A_812 = arith.cmpi ne, %convert_element_type3A_810, %cond3A_811 : i32
      scf.if %cond3A_812 {
        %mul3A_1117 = arith.constant 16 : i32
        %mul3A_1118 = arith.muli %add3A_802, %mul3A_1117 : i32
        %multiple_of3A_1119 = tpu.assume_multiple %mul3A_1118, 16 : i32
        %get3A_1120 = arith.index_cast %multiple_of3A_1119 : i32 to index
        %get3A_1121 = tpu.vector_load %arg5[%get3A_1120] {strides = array<i32>} : memref<10000xi32, #tpu.memory_space<vmem>>, vector<16xi32>,
        %get3A_1122 = vector.shape_cast %get3A_1121 : vector<16xi32> to vector<16xi32>
        %and3A_1123 = arith.constant 65535 : i32
        %and3A_1124 = vector.broadcast %and3A_1123 : i32 to vector<16xi32>
        %and3A_1125 = arith.andi %get3A_1122, %and3A_1124 : vector<16xi32>
        %dma_start3A_1126 = arith.constant 0 : i32
        %dma_start3A_1127 = arith.constant 0 : i32
        %dma_start3A_1128 = tpu.memref_slice %arg2[%dma_start3A_1126, %dma_start3A_1127] : memref<40000x128xf32, #tpu.memory_space<hbm>> -> memref<40000x128xf32, #tpu.memory_space<hbm>>
        tpu.enqueue_indirect_dma source(%dma_start3A_1128 : memref<40000x128xf32, #tpu.memory_space<hbm>>) target(%arg16 : memref<16x128xf32, #tpu.memory_space<vmem>>) offsets(%and3A_1125 : vector<16xi32>) semaphore(%arg29 : memref<!tpu.dma_semaphore, #tpu.memory_space<semaphore_mem>>)
      } else {
      }
      %mul3A_813 = arith.constant 16 : i32
      %mul3A_814 = arith.muli %add3A_800, %mul3A_813 : i32
      %multiple_of3A_815 = tpu.assume_multiple %mul3A_814, 16 : i32
      %get3A_816 = arith.index_cast %multiple_of3A_815 : i32 to index
      %get3A_817 = tpu.vector_load %arg5[%get3A_816] {strides = array<i32>} : memref<10000xi32, #tpu.memory_space<vmem>>, vector<16xi32>,
      %get3A_818 = vector.shape_cast %get3A_817 : vector<16xi32> to vector<16xi32>
      %and3A_819 = arith.constant 65535 : i32
      %and3A_820 = vector.broadcast %and3A_819 : i32 to vector<16xi32>
      %and3A_821 = arith.andi %get3A_818, %and3A_820 : vector<16xi32>
      %dma_wait3A_822 = arith.constant 0 : i32
      %dma_wait3A_823 = arith.constant 0 : i32
      %dma_wait3A_824 = tpu.memref_slice %arg2[%dma_wait3A_822, %dma_wait3A_823] : memref<40000x128xf32, #tpu.memory_space<hbm>> -> memref<40000x128xf32, #tpu.memory_space<hbm>>
      tpu.wait_indirect_dma semaphore(%arg23 : memref<!tpu.dma_semaphore, #tpu.memory_space<semaphore_mem>>) src(%dma_wait3A_824 : memref<40000x128xf32, #tpu.memory_space<hbm>>) dst(%arg10 : memref<16x128xf32, #tpu.memory_space<vmem>>)
      %mul3A_825 = arith.constant 16 : i32
      %mul3A_826 = arith.muli %add3A_800, %mul3A_825 : i32
      %multiple_of3A_827 = tpu.assume_multiple %mul3A_826, 16 : i32
      %get3A_828 = arith.index_cast %multiple_of3A_827 : i32 to index
      %get3A_829 = tpu.vector_load %arg5[%get3A_828] {strides = array<i32>} : memref<10000xi32, #tpu.memory_space<vmem>>, vector<16xi32>,
      %get3A_830 = vector.shape_cast %get3A_829 : vector<16xi32> to vector<16xi32>
      %shift_right_logical3A_831 = arith.constant 16 : i32
      %shift_right_logical3A_832 = vector.broadcast %shift_right_logical3A_831 : i32 to vector<16xi32>
      %shift_right_logical3A_833 = arith.shrui %get3A_830, %shift_right_logical3A_832 : vector<16xi32>
      %dma_start3A_834 = arith.constant 0 : i32
      %dma_start3A_835 = arith.constant 0 : i32
      %dma_start3A_836 = tpu.memref_slice %arg18[%dma_start3A_834, %dma_start3A_835] : memref<10000x128xf32, #tpu.memory_space<vmem_shared>> -> memref<10000x128xf32, #tpu.memory_space<vmem_shared>>
      tpu.enqueue_indirect_dma source(%arg10 : memref<16x128xf32, #tpu.memory_space<vmem>>) target(%dma_start3A_836 : memref<10000x128xf32, #tpu.memory_space<vmem_shared>>) offsets(%shift_right_logical3A_833 : vector<16xi32>) semaphore(%arg35 : memref<!tpu.dma_semaphore, #tpu.memory_space<semaphore_mem>>) {add = true}
      %mul3A_837 = arith.constant 12 : i32
      %mul3A_838 = arith.muli %add3A_638, %mul3A_837 : i32
      %add3A_839 = arith.constant 5 : i32
      %add3A_840 = arith.addi %mul3A_838, %add3A_839 : i32
      %add3A_841 = arith.constant 6 : i32
      %add3A_842 = arith.addi %add3A_840, %add3A_841 : i32
      %ge3A_843 = arith.constant 6 : i32
      %ge3A_844 = arith.cmpi sge, %add3A_840, %ge3A_843 : i32
      %convert_element_type3A_845 = arith.extui %ge3A_844 : i1 to i32
      %cond3A_846 = arith.constant 0 : i32
      %cond3A_847 = arith.cmpi ne, %convert_element_type3A_845, %cond3A_846 : i32
      scf.if %cond3A_847 {
        %sub3A = arith.constant 6 : i32
        %sub3A_1117 = arith.subi %add3A_840, %sub3A : i32
        %mul3A_1118 = arith.constant 16 : i32
        %mul3A_1119 = arith.muli %sub3A_1117, %mul3A_1118 : i32
        %multiple_of3A_1120 = tpu.assume_multiple %mul3A_1119, 16 : i32
        %get3A_1121 = arith.index_cast %multiple_of3A_1120 : i32 to index
        %get3A_1122 = tpu.vector_load %arg5[%get3A_1121] {strides = array<i32>} : memref<10000xi32, #tpu.memory_space<vmem>>, vector<16xi32>,
        %get3A_1123 = vector.shape_cast %get3A_1122 : vector<16xi32> to vector<16xi32>
        %shift_right_logical3A_1124 = arith.constant 16 : i32
        %shift_right_logical3A_1125 = vector.broadcast %shift_right_logical3A_1124 : i32 to vector<16xi32>
        %shift_right_logical3A_1126 = arith.shrui %get3A_1123, %shift_right_logical3A_1125 : vector<16xi32>
        %dma_wait3A_1127 = arith.constant 0 : i32
        %dma_wait3A_1128 = arith.constant 0 : i32
        %dma_wait3A_1129 = tpu.memref_slice %arg18[%dma_wait3A_1127, %dma_wait3A_1128] : memref<10000x128xf32, #tpu.memory_space<vmem_shared>> -> memref<10000x128xf32, #tpu.memory_space<vmem_shared>>
        tpu.wait_indirect_dma semaphore(%arg42 : memref<!tpu.dma_semaphore, #tpu.memory_space<semaphore_mem>>) src(%arg17 : memref<16x128xf32, #tpu.memory_space<vmem>>) dst(%dma_wait3A_1129 : memref<10000x128xf32, #tpu.memory_space<vmem_shared>>)
      } else {
      }
      %lt3A_848 = arith.constant 625 : i32
      %lt3A_849 = arith.cmpi slt, %add3A_842, %lt3A_848 : i32
      %convert_element_type3A_850 = arith.extui %lt3A_849 : i1 to i32
      %cond3A_851 = arith.constant 0 : i32
      %cond3A_852 = arith.cmpi ne, %convert_element_type3A_850, %cond3A_851 : i32
      scf.if %cond3A_852 {
        %mul3A_1117 = arith.constant 16 : i32
        %mul3A_1118 = arith.muli %add3A_842, %mul3A_1117 : i32
        %multiple_of3A_1119 = tpu.assume_multiple %mul3A_1118, 16 : i32
        %get3A_1120 = arith.index_cast %multiple_of3A_1119 : i32 to index
        %get3A_1121 = tpu.vector_load %arg5[%get3A_1120] {strides = array<i32>} : memref<10000xi32, #tpu.memory_space<vmem>>, vector<16xi32>,
        %get3A_1122 = vector.shape_cast %get3A_1121 : vector<16xi32> to vector<16xi32>
        %and3A_1123 = arith.constant 65535 : i32
        %and3A_1124 = vector.broadcast %and3A_1123 : i32 to vector<16xi32>
        %and3A_1125 = arith.andi %get3A_1122, %and3A_1124 : vector<16xi32>
        %dma_start3A_1126 = arith.constant 0 : i32
        %dma_start3A_1127 = arith.constant 0 : i32
        %dma_start3A_1128 = tpu.memref_slice %arg2[%dma_start3A_1126, %dma_start3A_1127] : memref<40000x128xf32, #tpu.memory_space<hbm>> -> memref<40000x128xf32, #tpu.memory_space<hbm>>
        tpu.enqueue_indirect_dma source(%dma_start3A_1128 : memref<40000x128xf32, #tpu.memory_space<hbm>>) target(%arg17 : memref<16x128xf32, #tpu.memory_space<vmem>>) offsets(%and3A_1125 : vector<16xi32>) semaphore(%arg30 : memref<!tpu.dma_semaphore, #tpu.memory_space<semaphore_mem>>)
      } else {
      }
      %mul3A_853 = arith.constant 16 : i32
      %mul3A_854 = arith.muli %add3A_840, %mul3A_853 : i32
      %multiple_of3A_855 = tpu.assume_multiple %mul3A_854, 16 : i32
      %get3A_856 = arith.index_cast %multiple_of3A_855 : i32 to index
      %get3A_857 = tpu.vector_load %arg5[%get3A_856] {strides = array<i32>} : memref<10000xi32, #tpu.memory_space<vmem>>, vector<16xi32>,
      %get3A_858 = vector.shape_cast %get3A_857 : vector<16xi32> to vector<16xi32>
      %and3A_859 = arith.constant 65535 : i32
      %and3A_860 = vector.broadcast %and3A_859 : i32 to vector<16xi32>
      %and3A_861 = arith.andi %get3A_858, %and3A_860 : vector<16xi32>
      %dma_wait3A_862 = arith.constant 0 : i32
      %dma_wait3A_863 = arith.constant 0 : i32
      %dma_wait3A_864 = tpu.memref_slice %arg2[%dma_wait3A_862, %dma_wait3A_863] : memref<40000x128xf32, #tpu.memory_space<hbm>> -> memref<40000x128xf32, #tpu.memory_space<hbm>>
      tpu.wait_indirect_dma semaphore(%arg24 : memref<!tpu.dma_semaphore, #tpu.memory_space<semaphore_mem>>) src(%dma_wait3A_864 : memref<40000x128xf32, #tpu.memory_space<hbm>>) dst(%arg11 : memref<16x128xf32, #tpu.memory_space<vmem>>)
      %mul3A_865 = arith.constant 16 : i32
      %mul3A_866 = arith.muli %add3A_840, %mul3A_865 : i32
      %multiple_of3A_867 = tpu.assume_multiple %mul3A_866, 16 : i32
      %get3A_868 = arith.index_cast %multiple_of3A_867 : i32 to index
      %get3A_869 = tpu.vector_load %arg5[%get3A_868] {strides = array<i32>} : memref<10000xi32, #tpu.memory_space<vmem>>, vector<16xi32>,
      %get3A_870 = vector.shape_cast %get3A_869 : vector<16xi32> to vector<16xi32>
      %shift_right_logical3A_871 = arith.constant 16 : i32
      %shift_right_logical3A_872 = vector.broadcast %shift_right_logical3A_871 : i32 to vector<16xi32>
      %shift_right_logical3A_873 = arith.shrui %get3A_870, %shift_right_logical3A_872 : vector<16xi32>
      %dma_start3A_874 = arith.constant 0 : i32
      %dma_start3A_875 = arith.constant 0 : i32
      %dma_start3A_876 = tpu.memref_slice %arg18[%dma_start3A_874, %dma_start3A_875] : memref<10000x128xf32, #tpu.memory_space<vmem_shared>> -> memref<10000x128xf32, #tpu.memory_space<vmem_shared>>
      tpu.enqueue_indirect_dma source(%arg11 : memref<16x128xf32, #tpu.memory_space<vmem>>) target(%dma_start3A_876 : memref<10000x128xf32, #tpu.memory_space<vmem_shared>>) offsets(%shift_right_logical3A_873 : vector<16xi32>) semaphore(%arg36 : memref<!tpu.dma_semaphore, #tpu.memory_space<semaphore_mem>>) {add = true}
      %mul3A_877 = arith.constant 12 : i32
      %mul3A_878 = arith.muli %add3A_638, %mul3A_877 : i32
      %add3A_879 = arith.constant 6 : i32
      %add3A_880 = arith.addi %mul3A_878, %add3A_879 : i32
      %add3A_881 = arith.constant 6 : i32
      %add3A_882 = arith.addi %add3A_880, %add3A_881 : i32
      %ge3A_883 = arith.constant 6 : i32
      %ge3A_884 = arith.cmpi sge, %add3A_880, %ge3A_883 : i32
      %convert_element_type3A_885 = arith.extui %ge3A_884 : i1 to i32
      %cond3A_886 = arith.constant 0 : i32
      %cond3A_887 = arith.cmpi ne, %convert_element_type3A_885, %cond3A_886 : i32
      scf.if %cond3A_887 {
        %sub3A = arith.constant 6 : i32
        %sub3A_1117 = arith.subi %add3A_880, %sub3A : i32
        %mul3A_1118 = arith.constant 16 : i32
        %mul3A_1119 = arith.muli %sub3A_1117, %mul3A_1118 : i32
        %multiple_of3A_1120 = tpu.assume_multiple %mul3A_1119, 16 : i32
        %get3A_1121 = arith.index_cast %multiple_of3A_1120 : i32 to index
        %get3A_1122 = tpu.vector_load %arg5[%get3A_1121] {strides = array<i32>} : memref<10000xi32, #tpu.memory_space<vmem>>, vector<16xi32>,
        %get3A_1123 = vector.shape_cast %get3A_1122 : vector<16xi32> to vector<16xi32>
        %shift_right_logical3A_1124 = arith.constant 16 : i32
        %shift_right_logical3A_1125 = vector.broadcast %shift_right_logical3A_1124 : i32 to vector<16xi32>
        %shift_right_logical3A_1126 = arith.shrui %get3A_1123, %shift_right_logical3A_1125 : vector<16xi32>
        %dma_wait3A_1127 = arith.constant 0 : i32
        %dma_wait3A_1128 = arith.constant 0 : i32
        %dma_wait3A_1129 = tpu.memref_slice %arg18[%dma_wait3A_1127, %dma_wait3A_1128] : memref<10000x128xf32, #tpu.memory_space<vmem_shared>> -> memref<10000x128xf32, #tpu.memory_space<vmem_shared>>
        tpu.wait_indirect_dma semaphore(%arg31 : memref<!tpu.dma_semaphore, #tpu.memory_space<semaphore_mem>>) src(%arg6 : memref<16x128xf32, #tpu.memory_space<vmem>>) dst(%dma_wait3A_1129 : memref<10000x128xf32, #tpu.memory_space<vmem_shared>>)
      } else {
      }
      %lt3A_888 = arith.constant 625 : i32
      %lt3A_889 = arith.cmpi slt, %add3A_882, %lt3A_888 : i32
      %convert_element_type3A_890 = arith.extui %lt3A_889 : i1 to i32
      %cond3A_891 = arith.constant 0 : i32
      %cond3A_892 = arith.cmpi ne, %convert_element_type3A_890, %cond3A_891 : i32
      scf.if %cond3A_892 {
        %mul3A_1117 = arith.constant 16 : i32
        %mul3A_1118 = arith.muli %add3A_882, %mul3A_1117 : i32
        %multiple_of3A_1119 = tpu.assume_multiple %mul3A_1118, 16 : i32
        %get3A_1120 = arith.index_cast %multiple_of3A_1119 : i32 to index
        %get3A_1121 = tpu.vector_load %arg5[%get3A_1120] {strides = array<i32>} : memref<10000xi32, #tpu.memory_space<vmem>>, vector<16xi32>,
        %get3A_1122 = vector.shape_cast %get3A_1121 : vector<16xi32> to vector<16xi32>
        %and3A_1123 = arith.constant 65535 : i32
        %and3A_1124 = vector.broadcast %and3A_1123 : i32 to vector<16xi32>
        %and3A_1125 = arith.andi %get3A_1122, %and3A_1124 : vector<16xi32>
        %dma_start3A_1126 = arith.constant 0 : i32
        %dma_start3A_1127 = arith.constant 0 : i32
        %dma_start3A_1128 = tpu.memref_slice %arg2[%dma_start3A_1126, %dma_start3A_1127] : memref<40000x128xf32, #tpu.memory_space<hbm>> -> memref<40000x128xf32, #tpu.memory_space<hbm>>
        tpu.enqueue_indirect_dma source(%dma_start3A_1128 : memref<40000x128xf32, #tpu.memory_space<hbm>>) target(%arg6 : memref<16x128xf32, #tpu.memory_space<vmem>>) offsets(%and3A_1125 : vector<16xi32>) semaphore(%arg19 : memref<!tpu.dma_semaphore, #tpu.memory_space<semaphore_mem>>)
      } else {
      }
      %mul3A_893 = arith.constant 16 : i32
      %mul3A_894 = arith.muli %add3A_880, %mul3A_893 : i32
      %multiple_of3A_895 = tpu.assume_multiple %mul3A_894, 16 : i32
      %get3A_896 = arith.index_cast %multiple_of3A_895 : i32 to index
      %get3A_897 = tpu.vector_load %arg5[%get3A_896] {strides = array<i32>} : memref<10000xi32, #tpu.memory_space<vmem>>, vector<16xi32>,
      %get3A_898 = vector.shape_cast %get3A_897 : vector<16xi32> to vector<16xi32>
      %and3A_899 = arith.constant 65535 : i32
      %and3A_900 = vector.broadcast %and3A_899 : i32 to vector<16xi32>
      %and3A_901 = arith.andi %get3A_898, %and3A_900 : vector<16xi32>
      %dma_wait3A_902 = arith.constant 0 : i32
      %dma_wait3A_903 = arith.constant 0 : i32
      %dma_wait3A_904 = tpu.memref_slice %arg2[%dma_wait3A_902, %dma_wait3A_903] : memref<40000x128xf32, #tpu.memory_space<hbm>> -> memref<40000x128xf32, #tpu.memory_space<hbm>>
      tpu.wait_indirect_dma semaphore(%arg25 : memref<!tpu.dma_semaphore, #tpu.memory_space<semaphore_mem>>) src(%dma_wait3A_904 : memref<40000x128xf32, #tpu.memory_space<hbm>>) dst(%arg12 : memref<16x128xf32, #tpu.memory_space<vmem>>)
      %mul3A_905 = arith.constant 16 : i32
      %mul3A_906 = arith.muli %add3A_880, %mul3A_905 : i32
      %multiple_of3A_907 = tpu.assume_multiple %mul3A_906, 16 : i32
      %get3A_908 = arith.index_cast %multiple_of3A_907 : i32 to index
      %get3A_909 = tpu.vector_load %arg5[%get3A_908] {strides = array<i32>} : memref<10000xi32, #tpu.memory_space<vmem>>, vector<16xi32>,
      %get3A_910 = vector.shape_cast %get3A_909 : vector<16xi32> to vector<16xi32>
      %shift_right_logical3A_911 = arith.constant 16 : i32
      %shift_right_logical3A_912 = vector.broadcast %shift_right_logical3A_911 : i32 to vector<16xi32>
      %shift_right_logical3A_913 = arith.shrui %get3A_910, %shift_right_logical3A_912 : vector<16xi32>
      %dma_start3A_914 = arith.constant 0 : i32
      %dma_start3A_915 = arith.constant 0 : i32
      %dma_start3A_916 = tpu.memref_slice %arg18[%dma_start3A_914, %dma_start3A_915] : memref<10000x128xf32, #tpu.memory_space<vmem_shared>> -> memref<10000x128xf32, #tpu.memory_space<vmem_shared>>
      tpu.enqueue_indirect_dma source(%arg12 : memref<16x128xf32, #tpu.memory_space<vmem>>) target(%dma_start3A_916 : memref<10000x128xf32, #tpu.memory_space<vmem_shared>>) offsets(%shift_right_logical3A_913 : vector<16xi32>) semaphore(%arg37 : memref<!tpu.dma_semaphore, #tpu.memory_space<semaphore_mem>>) {add = true}
      %mul3A_917 = arith.constant 12 : i32
      %mul3A_918 = arith.muli %add3A_638, %mul3A_917 : i32
      %add3A_919 = arith.constant 7 : i32
      %add3A_920 = arith.addi %mul3A_918, %add3A_919 : i32
      %add3A_921 = arith.constant 6 : i32
      %add3A_922 = arith.addi %add3A_920, %add3A_921 : i32
      %ge3A_923 = arith.constant 6 : i32
      %ge3A_924 = arith.cmpi sge, %add3A_920, %ge3A_923 : i32
      %convert_element_type3A_925 = arith.extui %ge3A_924 : i1 to i32
      %cond3A_926 = arith.constant 0 : i32
      %cond3A_927 = arith.cmpi ne, %convert_element_type3A_925, %cond3A_926 : i32
      scf.if %cond3A_927 {
        %sub3A = arith.constant 6 : i32
        %sub3A_1117 = arith.subi %add3A_920, %sub3A : i32
        %mul3A_1118 = arith.constant 16 : i32
        %mul3A_1119 = arith.muli %sub3A_1117, %mul3A_1118 : i32
        %multiple_of3A_1120 = tpu.assume_multiple %mul3A_1119, 16 : i32
        %get3A_1121 = arith.index_cast %multiple_of3A_1120 : i32 to index
        %get3A_1122 = tpu.vector_load %arg5[%get3A_1121] {strides = array<i32>} : memref<10000xi32, #tpu.memory_space<vmem>>, vector<16xi32>,
        %get3A_1123 = vector.shape_cast %get3A_1122 : vector<16xi32> to vector<16xi32>
        %shift_right_logical3A_1124 = arith.constant 16 : i32
        %shift_right_logical3A_1125 = vector.broadcast %shift_right_logical3A_1124 : i32 to vector<16xi32>
        %shift_right_logical3A_1126 = arith.shrui %get3A_1123, %shift_right_logical3A_1125 : vector<16xi32>
        %dma_wait3A_1127 = arith.constant 0 : i32
        %dma_wait3A_1128 = arith.constant 0 : i32
        %dma_wait3A_1129 = tpu.memref_slice %arg18[%dma_wait3A_1127, %dma_wait3A_1128] : memref<10000x128xf32, #tpu.memory_space<vmem_shared>> -> memref<10000x128xf32, #tpu.memory_space<vmem_shared>>
        tpu.wait_indirect_dma semaphore(%arg32 : memref<!tpu.dma_semaphore, #tpu.memory_space<semaphore_mem>>) src(%arg7 : memref<16x128xf32, #tpu.memory_space<vmem>>) dst(%dma_wait3A_1129 : memref<10000x128xf32, #tpu.memory_space<vmem_shared>>)
      } else {
      }
      %lt3A_928 = arith.constant 625 : i32
      %lt3A_929 = arith.cmpi slt, %add3A_922, %lt3A_928 : i32
      %convert_element_type3A_930 = arith.extui %lt3A_929 : i1 to i32
      %cond3A_931 = arith.constant 0 : i32
      %cond3A_932 = arith.cmpi ne, %convert_element_type3A_930, %cond3A_931 : i32
      scf.if %cond3A_932 {
        %mul3A_1117 = arith.constant 16 : i32
        %mul3A_1118 = arith.muli %add3A_922, %mul3A_1117 : i32
        %multiple_of3A_1119 = tpu.assume_multiple %mul3A_1118, 16 : i32
        %get3A_1120 = arith.index_cast %multiple_of3A_1119 : i32 to index
        %get3A_1121 = tpu.vector_load %arg5[%get3A_1120] {strides = array<i32>} : memref<10000xi32, #tpu.memory_space<vmem>>, vector<16xi32>,
        %get3A_1122 = vector.shape_cast %get3A_1121 : vector<16xi32> to vector<16xi32>
        %and3A_1123 = arith.constant 65535 : i32
        %and3A_1124 = vector.broadcast %and3A_1123 : i32 to vector<16xi32>
        %and3A_1125 = arith.andi %get3A_1122, %and3A_1124 : vector<16xi32>
        %dma_start3A_1126 = arith.constant 0 : i32
        %dma_start3A_1127 = arith.constant 0 : i32
        %dma_start3A_1128 = tpu.memref_slice %arg2[%dma_start3A_1126, %dma_start3A_1127] : memref<40000x128xf32, #tpu.memory_space<hbm>> -> memref<40000x128xf32, #tpu.memory_space<hbm>>
        tpu.enqueue_indirect_dma source(%dma_start3A_1128 : memref<40000x128xf32, #tpu.memory_space<hbm>>) target(%arg7 : memref<16x128xf32, #tpu.memory_space<vmem>>) offsets(%and3A_1125 : vector<16xi32>) semaphore(%arg20 : memref<!tpu.dma_semaphore, #tpu.memory_space<semaphore_mem>>)
      } else {
      }
      %mul3A_933 = arith.constant 16 : i32
      %mul3A_934 = arith.muli %add3A_920, %mul3A_933 : i32
      %multiple_of3A_935 = tpu.assume_multiple %mul3A_934, 16 : i32
      %get3A_936 = arith.index_cast %multiple_of3A_935 : i32 to index
      %get3A_937 = tpu.vector_load %arg5[%get3A_936] {strides = array<i32>} : memref<10000xi32, #tpu.memory_space<vmem>>, vector<16xi32>,
      %get3A_938 = vector.shape_cast %get3A_937 : vector<16xi32> to vector<16xi32>
      %and3A_939 = arith.constant 65535 : i32
      %and3A_940 = vector.broadcast %and3A_939 : i32 to vector<16xi32>
      %and3A_941 = arith.andi %get3A_938, %and3A_940 : vector<16xi32>
      %dma_wait3A_942 = arith.constant 0 : i32
      %dma_wait3A_943 = arith.constant 0 : i32
      %dma_wait3A_944 = tpu.memref_slice %arg2[%dma_wait3A_942, %dma_wait3A_943] : memref<40000x128xf32, #tpu.memory_space<hbm>> -> memref<40000x128xf32, #tpu.memory_space<hbm>>
      tpu.wait_indirect_dma semaphore(%arg26 : memref<!tpu.dma_semaphore, #tpu.memory_space<semaphore_mem>>) src(%dma_wait3A_944 : memref<40000x128xf32, #tpu.memory_space<hbm>>) dst(%arg13 : memref<16x128xf32, #tpu.memory_space<vmem>>)
      %mul3A_945 = arith.constant 16 : i32
      %mul3A_946 = arith.muli %add3A_920, %mul3A_945 : i32
      %multiple_of3A_947 = tpu.assume_multiple %mul3A_946, 16 : i32
      %get3A_948 = arith.index_cast %multiple_of3A_947 : i32 to index
      %get3A_949 = tpu.vector_load %arg5[%get3A_948] {strides = array<i32>} : memref<10000xi32, #tpu.memory_space<vmem>>, vector<16xi32>,
      %get3A_950 = vector.shape_cast %get3A_949 : vector<16xi32> to vector<16xi32>
      %shift_right_logical3A_951 = arith.constant 16 : i32
      %shift_right_logical3A_952 = vector.broadcast %shift_right_logical3A_951 : i32 to vector<16xi32>
      %shift_right_logical3A_953 = arith.shrui %get3A_950, %shift_right_logical3A_952 : vector<16xi32>
      %dma_start3A_954 = arith.constant 0 : i32
      %dma_start3A_955 = arith.constant 0 : i32
      %dma_start3A_956 = tpu.memref_slice %arg18[%dma_start3A_954, %dma_start3A_955] : memref<10000x128xf32, #tpu.memory_space<vmem_shared>> -> memref<10000x128xf32, #tpu.memory_space<vmem_shared>>
      tpu.enqueue_indirect_dma source(%arg13 : memref<16x128xf32, #tpu.memory_space<vmem>>) target(%dma_start3A_956 : memref<10000x128xf32, #tpu.memory_space<vmem_shared>>) offsets(%shift_right_logical3A_953 : vector<16xi32>) semaphore(%arg38 : memref<!tpu.dma_semaphore, #tpu.memory_space<semaphore_mem>>) {add = true}
      %mul3A_957 = arith.constant 12 : i32
      %mul3A_958 = arith.muli %add3A_638, %mul3A_957 : i32
      %add3A_959 = arith.constant 8 : i32
      %add3A_960 = arith.addi %mul3A_958, %add3A_959 : i32
      %add3A_961 = arith.constant 6 : i32
      %add3A_962 = arith.addi %add3A_960, %add3A_961 : i32
      %ge3A_963 = arith.constant 6 : i32
      %ge3A_964 = arith.cmpi sge, %add3A_960, %ge3A_963 : i32
      %convert_element_type3A_965 = arith.extui %ge3A_964 : i1 to i32
      %cond3A_966 = arith.constant 0 : i32
      %cond3A_967 = arith.cmpi ne, %convert_element_type3A_965, %cond3A_966 : i32
      scf.if %cond3A_967 {
        %sub3A = arith.constant 6 : i32
        %sub3A_1117 = arith.subi %add3A_960, %sub3A : i32
        %mul3A_1118 = arith.constant 16 : i32
        %mul3A_1119 = arith.muli %sub3A_1117, %mul3A_1118 : i32
        %multiple_of3A_1120 = tpu.assume_multiple %mul3A_1119, 16 : i32
        %get3A_1121 = arith.index_cast %multiple_of3A_1120 : i32 to index
        %get3A_1122 = tpu.vector_load %arg5[%get3A_1121] {strides = array<i32>} : memref<10000xi32, #tpu.memory_space<vmem>>, vector<16xi32>,
        %get3A_1123 = vector.shape_cast %get3A_1122 : vector<16xi32> to vector<16xi32>
        %shift_right_logical3A_1124 = arith.constant 16 : i32
        %shift_right_logical3A_1125 = vector.broadcast %shift_right_logical3A_1124 : i32 to vector<16xi32>
        %shift_right_logical3A_1126 = arith.shrui %get3A_1123, %shift_right_logical3A_1125 : vector<16xi32>
        %dma_wait3A_1127 = arith.constant 0 : i32
        %dma_wait3A_1128 = arith.constant 0 : i32
        %dma_wait3A_1129 = tpu.memref_slice %arg18[%dma_wait3A_1127, %dma_wait3A_1128] : memref<10000x128xf32, #tpu.memory_space<vmem_shared>> -> memref<10000x128xf32, #tpu.memory_space<vmem_shared>>
        tpu.wait_indirect_dma semaphore(%arg33 : memref<!tpu.dma_semaphore, #tpu.memory_space<semaphore_mem>>) src(%arg8 : memref<16x128xf32, #tpu.memory_space<vmem>>) dst(%dma_wait3A_1129 : memref<10000x128xf32, #tpu.memory_space<vmem_shared>>)
      } else {
      }
      %lt3A_968 = arith.constant 625 : i32
      %lt3A_969 = arith.cmpi slt, %add3A_962, %lt3A_968 : i32
      %convert_element_type3A_970 = arith.extui %lt3A_969 : i1 to i32
      %cond3A_971 = arith.constant 0 : i32
      %cond3A_972 = arith.cmpi ne, %convert_element_type3A_970, %cond3A_971 : i32
      scf.if %cond3A_972 {
        %mul3A_1117 = arith.constant 16 : i32
        %mul3A_1118 = arith.muli %add3A_962, %mul3A_1117 : i32
        %multiple_of3A_1119 = tpu.assume_multiple %mul3A_1118, 16 : i32
        %get3A_1120 = arith.index_cast %multiple_of3A_1119 : i32 to index
        %get3A_1121 = tpu.vector_load %arg5[%get3A_1120] {strides = array<i32>} : memref<10000xi32, #tpu.memory_space<vmem>>, vector<16xi32>,
        %get3A_1122 = vector.shape_cast %get3A_1121 : vector<16xi32> to vector<16xi32>
        %and3A_1123 = arith.constant 65535 : i32
        %and3A_1124 = vector.broadcast %and3A_1123 : i32 to vector<16xi32>
        %and3A_1125 = arith.andi %get3A_1122, %and3A_1124 : vector<16xi32>
        %dma_start3A_1126 = arith.constant 0 : i32
        %dma_start3A_1127 = arith.constant 0 : i32
        %dma_start3A_1128 = tpu.memref_slice %arg2[%dma_start3A_1126, %dma_start3A_1127] : memref<40000x128xf32, #tpu.memory_space<hbm>> -> memref<40000x128xf32, #tpu.memory_space<hbm>>
        tpu.enqueue_indirect_dma source(%dma_start3A_1128 : memref<40000x128xf32, #tpu.memory_space<hbm>>) target(%arg8 : memref<16x128xf32, #tpu.memory_space<vmem>>) offsets(%and3A_1125 : vector<16xi32>) semaphore(%arg21 : memref<!tpu.dma_semaphore, #tpu.memory_space<semaphore_mem>>)
      } else {
      }
      %mul3A_973 = arith.constant 16 : i32
      %mul3A_974 = arith.muli %add3A_960, %mul3A_973 : i32
      %multiple_of3A_975 = tpu.assume_multiple %mul3A_974, 16 : i32
      %get3A_976 = arith.index_cast %multiple_of3A_975 : i32 to index
      %get3A_977 = tpu.vector_load %arg5[%get3A_976] {strides = array<i32>} : memref<10000xi32, #tpu.memory_space<vmem>>, vector<16xi32>,
      %get3A_978 = vector.shape_cast %get3A_977 : vector<16xi32> to vector<16xi32>
      %and3A_979 = arith.constant 65535 : i32
      %and3A_980 = vector.broadcast %and3A_979 : i32 to vector<16xi32>
      %and3A_981 = arith.andi %get3A_978, %and3A_980 : vector<16xi32>
      %dma_wait3A_982 = arith.constant 0 : i32
      %dma_wait3A_983 = arith.constant 0 : i32
      %dma_wait3A_984 = tpu.memref_slice %arg2[%dma_wait3A_982, %dma_wait3A_983] : memref<40000x128xf32, #tpu.memory_space<hbm>> -> memref<40000x128xf32, #tpu.memory_space<hbm>>
      tpu.wait_indirect_dma semaphore(%arg27 : memref<!tpu.dma_semaphore, #tpu.memory_space<semaphore_mem>>) src(%dma_wait3A_984 : memref<40000x128xf32, #tpu.memory_space<hbm>>) dst(%arg14 : memref<16x128xf32, #tpu.memory_space<vmem>>)
      %mul3A_985 = arith.constant 16 : i32
      %mul3A_986 = arith.muli %add3A_960, %mul3A_985 : i32
      %multiple_of3A_987 = tpu.assume_multiple %mul3A_986, 16 : i32
      %get3A_988 = arith.index_cast %multiple_of3A_987 : i32 to index
      %get3A_989 = tpu.vector_load %arg5[%get3A_988] {strides = array<i32>} : memref<10000xi32, #tpu.memory_space<vmem>>, vector<16xi32>,
      %get3A_990 = vector.shape_cast %get3A_989 : vector<16xi32> to vector<16xi32>
      %shift_right_logical3A_991 = arith.constant 16 : i32
      %shift_right_logical3A_992 = vector.broadcast %shift_right_logical3A_991 : i32 to vector<16xi32>
      %shift_right_logical3A_993 = arith.shrui %get3A_990, %shift_right_logical3A_992 : vector<16xi32>
      %dma_start3A_994 = arith.constant 0 : i32
      %dma_start3A_995 = arith.constant 0 : i32
      %dma_start3A_996 = tpu.memref_slice %arg18[%dma_start3A_994, %dma_start3A_995] : memref<10000x128xf32, #tpu.memory_space<vmem_shared>> -> memref<10000x128xf32, #tpu.memory_space<vmem_shared>>
      tpu.enqueue_indirect_dma source(%arg14 : memref<16x128xf32, #tpu.memory_space<vmem>>) target(%dma_start3A_996 : memref<10000x128xf32, #tpu.memory_space<vmem_shared>>) offsets(%shift_right_logical3A_993 : vector<16xi32>) semaphore(%arg39 : memref<!tpu.dma_semaphore, #tpu.memory_space<semaphore_mem>>) {add = true}
      %mul3A_997 = arith.constant 12 : i32
      %mul3A_998 = arith.muli %add3A_638, %mul3A_997 : i32
      %add3A_999 = arith.constant 9 : i32
      %add3A_1000 = arith.addi %mul3A_998, %add3A_999 : i32
      %add3A_1001 = arith.constant 6 : i32
      %add3A_1002 = arith.addi %add3A_1000, %add3A_1001 : i32
      %ge3A_1003 = arith.constant 6 : i32
      %ge3A_1004 = arith.cmpi sge, %add3A_1000, %ge3A_1003 : i32
      %convert_element_type3A_1005 = arith.extui %ge3A_1004 : i1 to i32
      %cond3A_1006 = arith.constant 0 : i32
      %cond3A_1007 = arith.cmpi ne, %convert_element_type3A_1005, %cond3A_1006 : i32
      scf.if %cond3A_1007 {
        %sub3A = arith.constant 6 : i32
        %sub3A_1117 = arith.subi %add3A_1000, %sub3A : i32
        %mul3A_1118 = arith.constant 16 : i32
        %mul3A_1119 = arith.muli %sub3A_1117, %mul3A_1118 : i32
        %multiple_of3A_1120 = tpu.assume_multiple %mul3A_1119, 16 : i32
        %get3A_1121 = arith.index_cast %multiple_of3A_1120 : i32 to index
        %get3A_1122 = tpu.vector_load %arg5[%get3A_1121] {strides = array<i32>} : memref<10000xi32, #tpu.memory_space<vmem>>, vector<16xi32>,
        %get3A_1123 = vector.shape_cast %get3A_1122 : vector<16xi32> to vector<16xi32>
        %shift_right_logical3A_1124 = arith.constant 16 : i32
        %shift_right_logical3A_1125 = vector.broadcast %shift_right_logical3A_1124 : i32 to vector<16xi32>
        %shift_right_logical3A_1126 = arith.shrui %get3A_1123, %shift_right_logical3A_1125 : vector<16xi32>
        %dma_wait3A_1127 = arith.constant 0 : i32
        %dma_wait3A_1128 = arith.constant 0 : i32
        %dma_wait3A_1129 = tpu.memref_slice %arg18[%dma_wait3A_1127, %dma_wait3A_1128] : memref<10000x128xf32, #tpu.memory_space<vmem_shared>> -> memref<10000x128xf32, #tpu.memory_space<vmem_shared>>
        tpu.wait_indirect_dma semaphore(%arg34 : memref<!tpu.dma_semaphore, #tpu.memory_space<semaphore_mem>>) src(%arg9 : memref<16x128xf32, #tpu.memory_space<vmem>>) dst(%dma_wait3A_1129 : memref<10000x128xf32, #tpu.memory_space<vmem_shared>>)
      } else {
      }
      %lt3A_1008 = arith.constant 625 : i32
      %lt3A_1009 = arith.cmpi slt, %add3A_1002, %lt3A_1008 : i32
      %convert_element_type3A_1010 = arith.extui %lt3A_1009 : i1 to i32
      %cond3A_1011 = arith.constant 0 : i32
      %cond3A_1012 = arith.cmpi ne, %convert_element_type3A_1010, %cond3A_1011 : i32
      scf.if %cond3A_1012 {
        %mul3A_1117 = arith.constant 16 : i32
        %mul3A_1118 = arith.muli %add3A_1002, %mul3A_1117 : i32
        %multiple_of3A_1119 = tpu.assume_multiple %mul3A_1118, 16 : i32
        %get3A_1120 = arith.index_cast %multiple_of3A_1119 : i32 to index
        %get3A_1121 = tpu.vector_load %arg5[%get3A_1120] {strides = array<i32>} : memref<10000xi32, #tpu.memory_space<vmem>>, vector<16xi32>,
        %get3A_1122 = vector.shape_cast %get3A_1121 : vector<16xi32> to vector<16xi32>
        %and3A_1123 = arith.constant 65535 : i32
        %and3A_1124 = vector.broadcast %and3A_1123 : i32 to vector<16xi32>
        %and3A_1125 = arith.andi %get3A_1122, %and3A_1124 : vector<16xi32>
        %dma_start3A_1126 = arith.constant 0 : i32
        %dma_start3A_1127 = arith.constant 0 : i32
        %dma_start3A_1128 = tpu.memref_slice %arg2[%dma_start3A_1126, %dma_start3A_1127] : memref<40000x128xf32, #tpu.memory_space<hbm>> -> memref<40000x128xf32, #tpu.memory_space<hbm>>
        tpu.enqueue_indirect_dma source(%dma_start3A_1128 : memref<40000x128xf32, #tpu.memory_space<hbm>>) target(%arg9 : memref<16x128xf32, #tpu.memory_space<vmem>>) offsets(%and3A_1125 : vector<16xi32>) semaphore(%arg22 : memref<!tpu.dma_semaphore, #tpu.memory_space<semaphore_mem>>)
      } else {
      }
      %mul3A_1013 = arith.constant 16 : i32
      %mul3A_1014 = arith.muli %add3A_1000, %mul3A_1013 : i32
      %multiple_of3A_1015 = tpu.assume_multiple %mul3A_1014, 16 : i32
      %get3A_1016 = arith.index_cast %multiple_of3A_1015 : i32 to index
      %get3A_1017 = tpu.vector_load %arg5[%get3A_1016] {strides = array<i32>} : memref<10000xi32, #tpu.memory_space<vmem>>, vector<16xi32>,
      %get3A_1018 = vector.shape_cast %get3A_1017 : vector<16xi32> to vector<16xi32>
      %and3A_1019 = arith.constant 65535 : i32
      %and3A_1020 = vector.broadcast %and3A_1019 : i32 to vector<16xi32>
      %and3A_1021 = arith.andi %get3A_1018, %and3A_1020 : vector<16xi32>
      %dma_wait3A_1022 = arith.constant 0 : i32
      %dma_wait3A_1023 = arith.constant 0 : i32
      %dma_wait3A_1024 = tpu.memref_slice %arg2[%dma_wait3A_1022, %dma_wait3A_1023] : memref<40000x128xf32, #tpu.memory_space<hbm>> -> memref<40000x128xf32, #tpu.memory_space<hbm>>
      tpu.wait_indirect_dma semaphore(%arg28 : memref<!tpu.dma_semaphore, #tpu.memory_space<semaphore_mem>>) src(%dma_wait3A_1024 : memref<40000x128xf32, #tpu.memory_space<hbm>>) dst(%arg15 : memref<16x128xf32, #tpu.memory_space<vmem>>)
      %mul3A_1025 = arith.constant 16 : i32
      %mul3A_1026 = arith.muli %add3A_1000, %mul3A_1025 : i32
      %multiple_of3A_1027 = tpu.assume_multiple %mul3A_1026, 16 : i32
      %get3A_1028 = arith.index_cast %multiple_of3A_1027 : i32 to index
      %get3A_1029 = tpu.vector_load %arg5[%get3A_1028] {strides = array<i32>} : memref<10000xi32, #tpu.memory_space<vmem>>, vector<16xi32>,
      %get3A_1030 = vector.shape_cast %get3A_1029 : vector<16xi32> to vector<16xi32>
      %shift_right_logical3A_1031 = arith.constant 16 : i32
      %shift_right_logical3A_1032 = vector.broadcast %shift_right_logical3A_1031 : i32 to vector<16xi32>
      %shift_right_logical3A_1033 = arith.shrui %get3A_1030, %shift_right_logical3A_1032 : vector<16xi32>
      %dma_start3A_1034 = arith.constant 0 : i32
      %dma_start3A_1035 = arith.constant 0 : i32
      %dma_start3A_1036 = tpu.memref_slice %arg18[%dma_start3A_1034, %dma_start3A_1035] : memref<10000x128xf32, #tpu.memory_space<vmem_shared>> -> memref<10000x128xf32, #tpu.memory_space<vmem_shared>>
      tpu.enqueue_indirect_dma source(%arg15 : memref<16x128xf32, #tpu.memory_space<vmem>>) target(%dma_start3A_1036 : memref<10000x128xf32, #tpu.memory_space<vmem_shared>>) offsets(%shift_right_logical3A_1033 : vector<16xi32>) semaphore(%arg40 : memref<!tpu.dma_semaphore, #tpu.memory_space<semaphore_mem>>) {add = true}
      %mul3A_1037 = arith.constant 12 : i32
      %mul3A_1038 = arith.muli %add3A_638, %mul3A_1037 : i32
      %add3A_1039 = arith.constant 10 : i32
      %add3A_1040 = arith.addi %mul3A_1038, %add3A_1039 : i32
      %add3A_1041 = arith.constant 6 : i32
      %add3A_1042 = arith.addi %add3A_1040, %add3A_1041 : i32
      %ge3A_1043 = arith.constant 6 : i32
      %ge3A_1044 = arith.cmpi sge, %add3A_1040, %ge3A_1043 : i32
      %convert_element_type3A_1045 = arith.extui %ge3A_1044 : i1 to i32
      %cond3A_1046 = arith.constant 0 : i32
      %cond3A_1047 = arith.cmpi ne, %convert_element_type3A_1045, %cond3A_1046 : i32
      scf.if %cond3A_1047 {
        %sub3A = arith.constant 6 : i32
        %sub3A_1117 = arith.subi %add3A_1040, %sub3A : i32
        %mul3A_1118 = arith.constant 16 : i32
        %mul3A_1119 = arith.muli %sub3A_1117, %mul3A_1118 : i32
        %multiple_of3A_1120 = tpu.assume_multiple %mul3A_1119, 16 : i32
        %get3A_1121 = arith.index_cast %multiple_of3A_1120 : i32 to index
        %get3A_1122 = tpu.vector_load %arg5[%get3A_1121] {strides = array<i32>} : memref<10000xi32, #tpu.memory_space<vmem>>, vector<16xi32>,
        %get3A_1123 = vector.shape_cast %get3A_1122 : vector<16xi32> to vector<16xi32>
        %shift_right_logical3A_1124 = arith.constant 16 : i32
        %shift_right_logical3A_1125 = vector.broadcast %shift_right_logical3A_1124 : i32 to vector<16xi32>
        %shift_right_logical3A_1126 = arith.shrui %get3A_1123, %shift_right_logical3A_1125 : vector<16xi32>
        %dma_wait3A_1127 = arith.constant 0 : i32
        %dma_wait3A_1128 = arith.constant 0 : i32
        %dma_wait3A_1129 = tpu.memref_slice %arg18[%dma_wait3A_1127, %dma_wait3A_1128] : memref<10000x128xf32, #tpu.memory_space<vmem_shared>> -> memref<10000x128xf32, #tpu.memory_space<vmem_shared>>
        tpu.wait_indirect_dma semaphore(%arg35 : memref<!tpu.dma_semaphore, #tpu.memory_space<semaphore_mem>>) src(%arg10 : memref<16x128xf32, #tpu.memory_space<vmem>>) dst(%dma_wait3A_1129 : memref<10000x128xf32, #tpu.memory_space<vmem_shared>>)
      } else {
      }
      %lt3A_1048 = arith.constant 625 : i32
      %lt3A_1049 = arith.cmpi slt, %add3A_1042, %lt3A_1048 : i32
      %convert_element_type3A_1050 = arith.extui %lt3A_1049 : i1 to i32
      %cond3A_1051 = arith.constant 0 : i32
      %cond3A_1052 = arith.cmpi ne, %convert_element_type3A_1050, %cond3A_1051 : i32
      scf.if %cond3A_1052 {
        %mul3A_1117 = arith.constant 16 : i32
        %mul3A_1118 = arith.muli %add3A_1042, %mul3A_1117 : i32
        %multiple_of3A_1119 = tpu.assume_multiple %mul3A_1118, 16 : i32
        %get3A_1120 = arith.index_cast %multiple_of3A_1119 : i32 to index
        %get3A_1121 = tpu.vector_load %arg5[%get3A_1120] {strides = array<i32>} : memref<10000xi32, #tpu.memory_space<vmem>>, vector<16xi32>,
        %get3A_1122 = vector.shape_cast %get3A_1121 : vector<16xi32> to vector<16xi32>
        %and3A_1123 = arith.constant 65535 : i32
        %and3A_1124 = vector.broadcast %and3A_1123 : i32 to vector<16xi32>
        %and3A_1125 = arith.andi %get3A_1122, %and3A_1124 : vector<16xi32>
        %dma_start3A_1126 = arith.constant 0 : i32
        %dma_start3A_1127 = arith.constant 0 : i32
        %dma_start3A_1128 = tpu.memref_slice %arg2[%dma_start3A_1126, %dma_start3A_1127] : memref<40000x128xf32, #tpu.memory_space<hbm>> -> memref<40000x128xf32, #tpu.memory_space<hbm>>
        tpu.enqueue_indirect_dma source(%dma_start3A_1128 : memref<40000x128xf32, #tpu.memory_space<hbm>>) target(%arg10 : memref<16x128xf32, #tpu.memory_space<vmem>>) offsets(%and3A_1125 : vector<16xi32>) semaphore(%arg23 : memref<!tpu.dma_semaphore, #tpu.memory_space<semaphore_mem>>)
      } else {
      }
      %mul3A_1053 = arith.constant 16 : i32
      %mul3A_1054 = arith.muli %add3A_1040, %mul3A_1053 : i32
      %multiple_of3A_1055 = tpu.assume_multiple %mul3A_1054, 16 : i32
      %get3A_1056 = arith.index_cast %multiple_of3A_1055 : i32 to index
      %get3A_1057 = tpu.vector_load %arg5[%get3A_1056] {strides = array<i32>} : memref<10000xi32, #tpu.memory_space<vmem>>, vector<16xi32>,
      %get3A_1058 = vector.shape_cast %get3A_1057 : vector<16xi32> to vector<16xi32>
      %and3A_1059 = arith.constant 65535 : i32
      %and3A_1060 = vector.broadcast %and3A_1059 : i32 to vector<16xi32>
      %and3A_1061 = arith.andi %get3A_1058, %and3A_1060 : vector<16xi32>
      %dma_wait3A_1062 = arith.constant 0 : i32
      %dma_wait3A_1063 = arith.constant 0 : i32
      %dma_wait3A_1064 = tpu.memref_slice %arg2[%dma_wait3A_1062, %dma_wait3A_1063] : memref<40000x128xf32, #tpu.memory_space<hbm>> -> memref<40000x128xf32, #tpu.memory_space<hbm>>
      tpu.wait_indirect_dma semaphore(%arg29 : memref<!tpu.dma_semaphore, #tpu.memory_space<semaphore_mem>>) src(%dma_wait3A_1064 : memref<40000x128xf32, #tpu.memory_space<hbm>>) dst(%arg16 : memref<16x128xf32, #tpu.memory_space<vmem>>)
      %mul3A_1065 = arith.constant 16 : i32
      %mul3A_1066 = arith.muli %add3A_1040, %mul3A_1065 : i32
      %multiple_of3A_1067 = tpu.assume_multiple %mul3A_1066, 16 : i32
      %get3A_1068 = arith.index_cast %multiple_of3A_1067 : i32 to index
      %get3A_1069 = tpu.vector_load %arg5[%get3A_1068] {strides = array<i32>} : memref<10000xi32, #tpu.memory_space<vmem>>, vector<16xi32>,
      %get3A_1070 = vector.shape_cast %get3A_1069 : vector<16xi32> to vector<16xi32>
      %shift_right_logical3A_1071 = arith.constant 16 : i32
      %shift_right_logical3A_1072 = vector.broadcast %shift_right_logical3A_1071 : i32 to vector<16xi32>
      %shift_right_logical3A_1073 = arith.shrui %get3A_1070, %shift_right_logical3A_1072 : vector<16xi32>
      %dma_start3A_1074 = arith.constant 0 : i32
      %dma_start3A_1075 = arith.constant 0 : i32
      %dma_start3A_1076 = tpu.memref_slice %arg18[%dma_start3A_1074, %dma_start3A_1075] : memref<10000x128xf32, #tpu.memory_space<vmem_shared>> -> memref<10000x128xf32, #tpu.memory_space<vmem_shared>>
      tpu.enqueue_indirect_dma source(%arg16 : memref<16x128xf32, #tpu.memory_space<vmem>>) target(%dma_start3A_1076 : memref<10000x128xf32, #tpu.memory_space<vmem_shared>>) offsets(%shift_right_logical3A_1073 : vector<16xi32>) semaphore(%arg41 : memref<!tpu.dma_semaphore, #tpu.memory_space<semaphore_mem>>) {add = true}
      %mul3A_1077 = arith.constant 12 : i32
      %mul3A_1078 = arith.muli %add3A_638, %mul3A_1077 : i32
      %add3A_1079 = arith.constant 11 : i32
      %add3A_1080 = arith.addi %mul3A_1078, %add3A_1079 : i32
      %add3A_1081 = arith.constant 6 : i32
      %add3A_1082 = arith.addi %add3A_1080, %add3A_1081 : i32
      %ge3A_1083 = arith.constant 6 : i32
      %ge3A_1084 = arith.cmpi sge, %add3A_1080, %ge3A_1083 : i32
      %convert_element_type3A_1085 = arith.extui %ge3A_1084 : i1 to i32
      %cond3A_1086 = arith.constant 0 : i32
      %cond3A_1087 = arith.cmpi ne, %convert_element_type3A_1085, %cond3A_1086 : i32
      scf.if %cond3A_1087 {
        %sub3A = arith.constant 6 : i32
        %sub3A_1117 = arith.subi %add3A_1080, %sub3A : i32
        %mul3A_1118 = arith.constant 16 : i32
        %mul3A_1119 = arith.muli %sub3A_1117, %mul3A_1118 : i32
        %multiple_of3A_1120 = tpu.assume_multiple %mul3A_1119, 16 : i32
        %get3A_1121 = arith.index_cast %multiple_of3A_1120 : i32 to index
        %get3A_1122 = tpu.vector_load %arg5[%get3A_1121] {strides = array<i32>} : memref<10000xi32, #tpu.memory_space<vmem>>, vector<16xi32>,
        %get3A_1123 = vector.shape_cast %get3A_1122 : vector<16xi32> to vector<16xi32>
        %shift_right_logical3A_1124 = arith.constant 16 : i32
        %shift_right_logical3A_1125 = vector.broadcast %shift_right_logical3A_1124 : i32 to vector<16xi32>
        %shift_right_logical3A_1126 = arith.shrui %get3A_1123, %shift_right_logical3A_1125 : vector<16xi32>
        %dma_wait3A_1127 = arith.constant 0 : i32
        %dma_wait3A_1128 = arith.constant 0 : i32
        %dma_wait3A_1129 = tpu.memref_slice %arg18[%dma_wait3A_1127, %dma_wait3A_1128] : memref<10000x128xf32, #tpu.memory_space<vmem_shared>> -> memref<10000x128xf32, #tpu.memory_space<vmem_shared>>
        tpu.wait_indirect_dma semaphore(%arg36 : memref<!tpu.dma_semaphore, #tpu.memory_space<semaphore_mem>>) src(%arg11 : memref<16x128xf32, #tpu.memory_space<vmem>>) dst(%dma_wait3A_1129 : memref<10000x128xf32, #tpu.memory_space<vmem_shared>>)
      } else {
      }
      %lt3A_1088 = arith.constant 625 : i32
      %lt3A_1089 = arith.cmpi slt, %add3A_1082, %lt3A_1088 : i32
      %convert_element_type3A_1090 = arith.extui %lt3A_1089 : i1 to i32
      %cond3A_1091 = arith.constant 0 : i32
      %cond3A_1092 = arith.cmpi ne, %convert_element_type3A_1090, %cond3A_1091 : i32
      scf.if %cond3A_1092 {
        %mul3A_1117 = arith.constant 16 : i32
        %mul3A_1118 = arith.muli %add3A_1082, %mul3A_1117 : i32
        %multiple_of3A_1119 = tpu.assume_multiple %mul3A_1118, 16 : i32
        %get3A_1120 = arith.index_cast %multiple_of3A_1119 : i32 to index
        %get3A_1121 = tpu.vector_load %arg5[%get3A_1120] {strides = array<i32>} : memref<10000xi32, #tpu.memory_space<vmem>>, vector<16xi32>,
        %get3A_1122 = vector.shape_cast %get3A_1121 : vector<16xi32> to vector<16xi32>
        %and3A_1123 = arith.constant 65535 : i32
        %and3A_1124 = vector.broadcast %and3A_1123 : i32 to vector<16xi32>
        %and3A_1125 = arith.andi %get3A_1122, %and3A_1124 : vector<16xi32>
        %dma_start3A_1126 = arith.constant 0 : i32
        %dma_start3A_1127 = arith.constant 0 : i32
        %dma_start3A_1128 = tpu.memref_slice %arg2[%dma_start3A_1126, %dma_start3A_1127] : memref<40000x128xf32, #tpu.memory_space<hbm>> -> memref<40000x128xf32, #tpu.memory_space<hbm>>
        tpu.enqueue_indirect_dma source(%dma_start3A_1128 : memref<40000x128xf32, #tpu.memory_space<hbm>>) target(%arg11 : memref<16x128xf32, #tpu.memory_space<vmem>>) offsets(%and3A_1125 : vector<16xi32>) semaphore(%arg24 : memref<!tpu.dma_semaphore, #tpu.memory_space<semaphore_mem>>)
      } else {
      }
      %mul3A_1093 = arith.constant 16 : i32
      %mul3A_1094 = arith.muli %add3A_1080, %mul3A_1093 : i32
      %multiple_of3A_1095 = tpu.assume_multiple %mul3A_1094, 16 : i32
      %get3A_1096 = arith.index_cast %multiple_of3A_1095 : i32 to index
      %get3A_1097 = tpu.vector_load %arg5[%get3A_1096] {strides = array<i32>} : memref<10000xi32, #tpu.memory_space<vmem>>, vector<16xi32>,
      %get3A_1098 = vector.shape_cast %get3A_1097 : vector<16xi32> to vector<16xi32>
      %and3A_1099 = arith.constant 65535 : i32
      %and3A_1100 = vector.broadcast %and3A_1099 : i32 to vector<16xi32>
      %and3A_1101 = arith.andi %get3A_1098, %and3A_1100 : vector<16xi32>
      %dma_wait3A_1102 = arith.constant 0 : i32
      %dma_wait3A_1103 = arith.constant 0 : i32
      %dma_wait3A_1104 = tpu.memref_slice %arg2[%dma_wait3A_1102, %dma_wait3A_1103] : memref<40000x128xf32, #tpu.memory_space<hbm>> -> memref<40000x128xf32, #tpu.memory_space<hbm>>
      tpu.wait_indirect_dma semaphore(%arg30 : memref<!tpu.dma_semaphore, #tpu.memory_space<semaphore_mem>>) src(%dma_wait3A_1104 : memref<40000x128xf32, #tpu.memory_space<hbm>>) dst(%arg17 : memref<16x128xf32, #tpu.memory_space<vmem>>)
      %mul3A_1105 = arith.constant 16 : i32
      %mul3A_1106 = arith.muli %add3A_1080, %mul3A_1105 : i32
      %multiple_of3A_1107 = tpu.assume_multiple %mul3A_1106, 16 : i32
      %get3A_1108 = arith.index_cast %multiple_of3A_1107 : i32 to index
      %get3A_1109 = tpu.vector_load %arg5[%get3A_1108] {strides = array<i32>} : memref<10000xi32, #tpu.memory_space<vmem>>, vector<16xi32>,
      %get3A_1110 = vector.shape_cast %get3A_1109 : vector<16xi32> to vector<16xi32>
      %shift_right_logical3A_1111 = arith.constant 16 : i32
      %shift_right_logical3A_1112 = vector.broadcast %shift_right_logical3A_1111 : i32 to vector<16xi32>
      %shift_right_logical3A_1113 = arith.shrui %get3A_1110, %shift_right_logical3A_1112 : vector<16xi32>
      %dma_start3A_1114 = arith.constant 0 : i32
      %dma_start3A_1115 = arith.constant 0 : i32
      %dma_start3A_1116 = tpu.memref_slice %arg18[%dma_start3A_1114, %dma_start3A_1115] : memref<10000x128xf32, #tpu.memory_space<vmem_shared>> -> memref<10000x128xf32, #tpu.memory_space<vmem_shared>>
      tpu.enqueue_indirect_dma source(%arg17 : memref<16x128xf32, #tpu.memory_space<vmem>>) target(%dma_start3A_1116 : memref<10000x128xf32, #tpu.memory_space<vmem_shared>>) offsets(%shift_right_logical3A_1113 : vector<16xi32>) semaphore(%arg42 : memref<!tpu.dma_semaphore, #tpu.memory_space<semaphore_mem>>) {add = true}
    }
    %scan3A_543 = arith.constant 52 : i32
    %get3A_544 = arith.constant 9888 : index
    %get3A_545 = tpu.vector_load %arg5[%get3A_544] {strides = array<i32>} : memref<10000xi32, #tpu.memory_space<vmem>>, vector<16xi32>,
    %get3A_546 = vector.shape_cast %get3A_545 : vector<16xi32> to vector<16xi32>
    %shift_right_logical3A = arith.constant 16 : i32
    %shift_right_logical3A_547 = vector.broadcast %shift_right_logical3A : i32 to vector<16xi32>
    %shift_right_logical3A_548 = arith.shrui %get3A_546, %shift_right_logical3A_547 : vector<16xi32>
    %dma_wait3A_549 = arith.constant 0 : i32
    %dma_wait3A_550 = arith.constant 0 : i32
    %dma_wait3A_551 = tpu.memref_slice %arg18[%dma_wait3A_549, %dma_wait3A_550] : memref<10000x128xf32, #tpu.memory_space<vmem_shared>> -> memref<10000x128xf32, #tpu.memory_space<vmem_shared>>
    tpu.wait_indirect_dma semaphore(%arg37 : memref<!tpu.dma_semaphore, #tpu.memory_space<semaphore_mem>>) src(%arg12 : memref<16x128xf32, #tpu.memory_space<vmem>>) dst(%dma_wait3A_551 : memref<10000x128xf32, #tpu.memory_space<vmem_shared>>)
    %get3A_552 = arith.constant 9984 : index
    %get3A_553 = tpu.vector_load %arg5[%get3A_552] {strides = array<i32>} : memref<10000xi32, #tpu.memory_space<vmem>>, vector<16xi32>,
    %get3A_554 = vector.shape_cast %get3A_553 : vector<16xi32> to vector<16xi32>
    %and3A_555 = arith.constant 65535 : i32
    %and3A_556 = vector.broadcast %and3A_555 : i32 to vector<16xi32>
    %and3A_557 = arith.andi %get3A_554, %and3A_556 : vector<16xi32>
    %dma_wait3A_558 = arith.constant 0 : i32
    %dma_wait3A_559 = arith.constant 0 : i32
    %dma_wait3A_560 = tpu.memref_slice %arg2[%dma_wait3A_558, %dma_wait3A_559] : memref<40000x128xf32, #tpu.memory_space<hbm>> -> memref<40000x128xf32, #tpu.memory_space<hbm>>
    tpu.wait_indirect_dma semaphore(%arg19 : memref<!tpu.dma_semaphore, #tpu.memory_space<semaphore_mem>>) src(%dma_wait3A_560 : memref<40000x128xf32, #tpu.memory_space<hbm>>) dst(%arg6 : memref<16x128xf32, #tpu.memory_space<vmem>>)
    %get3A_561 = arith.constant 9984 : index
    %get3A_562 = tpu.vector_load %arg5[%get3A_561] {strides = array<i32>} : memref<10000xi32, #tpu.memory_space<vmem>>, vector<16xi32>,
    %get3A_563 = vector.shape_cast %get3A_562 : vector<16xi32> to vector<16xi32>
    %shift_right_logical3A_564 = arith.constant 16 : i32
    %shift_right_logical3A_565 = vector.broadcast %shift_right_logical3A_564 : i32 to vector<16xi32>
    %shift_right_logical3A_566 = arith.shrui %get3A_563, %shift_right_logical3A_565 : vector<16xi32>
    %dma_start3A_567 = arith.constant 0 : i32
    %dma_start3A_568 = arith.constant 0 : i32
    %dma_start3A_569 = tpu.memref_slice %arg18[%dma_start3A_567, %dma_start3A_568] : memref<10000x128xf32, #tpu.memory_space<vmem_shared>> -> memref<10000x128xf32, #tpu.memory_space<vmem_shared>>
    tpu.enqueue_indirect_dma source(%arg6 : memref<16x128xf32, #tpu.memory_space<vmem>>) target(%dma_start3A_569 : memref<10000x128xf32, #tpu.memory_space<vmem_shared>>) offsets(%shift_right_logical3A_566 : vector<16xi32>) semaphore(%arg31 : memref<!tpu.dma_semaphore, #tpu.memory_space<semaphore_mem>>) {add = true}
    %get3A_570 = arith.constant 9904 : index
    %get3A_571 = tpu.vector_load %arg5[%get3A_570] {strides = array<i32>} : memref<10000xi32, #tpu.memory_space<vmem>>, vector<16xi32>,
    %get3A_572 = vector.shape_cast %get3A_571 : vector<16xi32> to vector<16xi32>
    %shift_right_logical3A_573 = arith.constant 16 : i32
    %shift_right_logical3A_574 = vector.broadcast %shift_right_logical3A_573 : i32 to vector<16xi32>
    %shift_right_logical3A_575 = arith.shrui %get3A_572, %shift_right_logical3A_574 : vector<16xi32>
    %dma_wait3A_576 = arith.constant 0 : i32
    %dma_wait3A_577 = arith.constant 0 : i32
    %dma_wait3A_578 = tpu.memref_slice %arg18[%dma_wait3A_576, %dma_wait3A_577] : memref<10000x128xf32, #tpu.memory_space<vmem_shared>> -> memref<10000x128xf32, #tpu.memory_space<vmem_shared>>
    tpu.wait_indirect_dma semaphore(%arg38 : memref<!tpu.dma_semaphore, #tpu.memory_space<semaphore_mem>>) src(%arg13 : memref<16x128xf32, #tpu.memory_space<vmem>>) dst(%dma_wait3A_578 : memref<10000x128xf32, #tpu.memory_space<vmem_shared>>)
    %get3A_579 = arith.constant 9920 : index
    %get3A_580 = tpu.vector_load %arg5[%get3A_579] {strides = array<i32>} : memref<10000xi32, #tpu.memory_space<vmem>>, vector<16xi32>,
    %get3A_581 = vector.shape_cast %get3A_580 : vector<16xi32> to vector<16xi32>
    %shift_right_logical3A_582 = arith.constant 16 : i32
    %shift_right_logical3A_583 = vector.broadcast %shift_right_logical3A_582 : i32 to vector<16xi32>
    %shift_right_logical3A_584 = arith.shrui %get3A_581, %shift_right_logical3A_583 : vector<16xi32>
    %dma_wait3A_585 = arith.constant 0 : i32
    %dma_wait3A_586 = arith.constant 0 : i32
    %dma_wait3A_587 = tpu.memref_slice %arg18[%dma_wait3A_585, %dma_wait3A_586] : memref<10000x128xf32, #tpu.memory_space<vmem_shared>> -> memref<10000x128xf32, #tpu.memory_space<vmem_shared>>
    tpu.wait_indirect_dma semaphore(%arg39 : memref<!tpu.dma_semaphore, #tpu.memory_space<semaphore_mem>>) src(%arg14 : memref<16x128xf32, #tpu.memory_space<vmem>>) dst(%dma_wait3A_587 : memref<10000x128xf32, #tpu.memory_space<vmem_shared>>)
    %get3A_588 = arith.constant 9936 : index
    %get3A_589 = tpu.vector_load %arg5[%get3A_588] {strides = array<i32>} : memref<10000xi32, #tpu.memory_space<vmem>>, vector<16xi32>,
    %get3A_590 = vector.shape_cast %get3A_589 : vector<16xi32> to vector<16xi32>
    %shift_right_logical3A_591 = arith.constant 16 : i32
    %shift_right_logical3A_592 = vector.broadcast %shift_right_logical3A_591 : i32 to vector<16xi32>
    %shift_right_logical3A_593 = arith.shrui %get3A_590, %shift_right_logical3A_592 : vector<16xi32>
    %dma_wait3A_594 = arith.constant 0 : i32
    %dma_wait3A_595 = arith.constant 0 : i32
    %dma_wait3A_596 = tpu.memref_slice %arg18[%dma_wait3A_594, %dma_wait3A_595] : memref<10000x128xf32, #tpu.memory_space<vmem_shared>> -> memref<10000x128xf32, #tpu.memory_space<vmem_shared>>
    tpu.wait_indirect_dma semaphore(%arg40 : memref<!tpu.dma_semaphore, #tpu.memory_space<semaphore_mem>>) src(%arg15 : memref<16x128xf32, #tpu.memory_space<vmem>>) dst(%dma_wait3A_596 : memref<10000x128xf32, #tpu.memory_space<vmem_shared>>)
    %get3A_597 = arith.constant 9952 : index
    %get3A_598 = tpu.vector_load %arg5[%get3A_597] {strides = array<i32>} : memref<10000xi32, #tpu.memory_space<vmem>>, vector<16xi32>,
    %get3A_599 = vector.shape_cast %get3A_598 : vector<16xi32> to vector<16xi32>
    %shift_right_logical3A_600 = arith.constant 16 : i32
    %shift_right_logical3A_601 = vector.broadcast %shift_right_logical3A_600 : i32 to vector<16xi32>
    %shift_right_logical3A_602 = arith.shrui %get3A_599, %shift_right_logical3A_601 : vector<16xi32>
    %dma_wait3A_603 = arith.constant 0 : i32
    %dma_wait3A_604 = arith.constant 0 : i32
    %dma_wait3A_605 = tpu.memref_slice %arg18[%dma_wait3A_603, %dma_wait3A_604] : memref<10000x128xf32, #tpu.memory_space<vmem_shared>> -> memref<10000x128xf32, #tpu.memory_space<vmem_shared>>
    tpu.wait_indirect_dma semaphore(%arg41 : memref<!tpu.dma_semaphore, #tpu.memory_space<semaphore_mem>>) src(%arg16 : memref<16x128xf32, #tpu.memory_space<vmem>>) dst(%dma_wait3A_605 : memref<10000x128xf32, #tpu.memory_space<vmem_shared>>)
    %get3A_606 = arith.constant 9968 : index
    %get3A_607 = tpu.vector_load %arg5[%get3A_606] {strides = array<i32>} : memref<10000xi32, #tpu.memory_space<vmem>>, vector<16xi32>,
    %get3A_608 = vector.shape_cast %get3A_607 : vector<16xi32> to vector<16xi32>
    %shift_right_logical3A_609 = arith.constant 16 : i32
    %shift_right_logical3A_610 = vector.broadcast %shift_right_logical3A_609 : i32 to vector<16xi32>
    %shift_right_logical3A_611 = arith.shrui %get3A_608, %shift_right_logical3A_610 : vector<16xi32>
    %dma_wait3A_612 = arith.constant 0 : i32
    %dma_wait3A_613 = arith.constant 0 : i32
    %dma_wait3A_614 = tpu.memref_slice %arg18[%dma_wait3A_612, %dma_wait3A_613] : memref<10000x128xf32, #tpu.memory_space<vmem_shared>> -> memref<10000x128xf32, #tpu.memory_space<vmem_shared>>
    tpu.wait_indirect_dma semaphore(%arg42 : memref<!tpu.dma_semaphore, #tpu.memory_space<semaphore_mem>>) src(%arg17 : memref<16x128xf32, #tpu.memory_space<vmem>>) dst(%dma_wait3A_614 : memref<10000x128xf32, #tpu.memory_space<vmem_shared>>)
    %get3A_615 = arith.constant 9984 : index
    %get3A_616 = tpu.vector_load %arg5[%get3A_615] {strides = array<i32>} : memref<10000xi32, #tpu.memory_space<vmem>>, vector<16xi32>,
    %get3A_617 = vector.shape_cast %get3A_616 : vector<16xi32> to vector<16xi32>
    %shift_right_logical3A_618 = arith.constant 16 : i32
    %shift_right_logical3A_619 = vector.broadcast %shift_right_logical3A_618 : i32 to vector<16xi32>
    %shift_right_logical3A_620 = arith.shrui %get3A_617, %shift_right_logical3A_619 : vector<16xi32>
    %dma_wait3A_621 = arith.constant 0 : i32
    %dma_wait3A_622 = arith.constant 0 : i32
    %dma_wait3A_623 = tpu.memref_slice %arg18[%dma_wait3A_621, %dma_wait3A_622] : memref<10000x128xf32, #tpu.memory_space<vmem_shared>> -> memref<10000x128xf32, #tpu.memory_space<vmem_shared>>
    tpu.wait_indirect_dma semaphore(%arg31 : memref<!tpu.dma_semaphore, #tpu.memory_space<semaphore_mem>>) src(%arg6 : memref<16x128xf32, #tpu.memory_space<vmem>>) dst(%dma_wait3A_623 : memref<10000x128xf32, #tpu.memory_space<vmem_shared>>)
    %barrier3A_624 = arith.constant 0 : index
    tpu.barrier barrier_id(%barrier3A_624)
    %lt3A = arith.constant 15 : i32
    %lt3A_625 = arith.cmpi slt, %arg1, %lt3A : i32
    %convert_element_type3A_626 = arith.extui %lt3A_625 : i1 to i32
    %cond3A_627 = arith.constant 0 : i32
    %cond3A_628 = arith.cmpi ne, %convert_element_type3A_626, %cond3A_627 : i32
    scf.if %cond3A_628 {
      "tpu.region"() ({
        %run_scoped3A = tpu.sem_alloc : memref<!tpu.dma_semaphore, #tpu.memory_space<semaphore_mem>>
        %dma_start3A_634 = arith.constant 0 : i32
        %dma_start3A_635 = tpu.memref_slice %arg4[%arg0, %mul3A_13, %dma_start3A_634] : memref<2x10000x128xf32, #tpu.memory_space<hbm>> -> memref<1x624x128xf32, #tpu.memory_space<hbm>>
        %dma_start3A_636 = tpu.memref_squeeze %dma_start3A_635 : memref<1x624x128xf32, #tpu.memory_space<hbm>> -> memref<624x128xf32, #tpu.memory_space<hbm>>
        %dma_start3A_637 = arith.constant 0 : i32
        %dma_start3A_638 = tpu.memref_slice %arg18[%mul3A_13, %dma_start3A_637] : memref<10000x128xf32, #tpu.memory_space<vmem_shared>> -> memref<624x128xf32, #tpu.memory_space<vmem_shared>>
        tpu.enqueue_dma source(%dma_start3A_638 : memref<624x128xf32, #tpu.memory_space<vmem_shared>>) target(%dma_start3A_636 : memref<624x128xf32, #tpu.memory_space<hbm>>) target_semaphore(%run_scoped3A : memref<!tpu.dma_semaphore, #tpu.memory_space<semaphore_mem>>)
        %dma_wait3A_639 = arith.constant 0 : i32
        %dma_wait3A_640 = tpu.memref_slice %arg4[%arg0, %mul3A_13, %dma_wait3A_639] : memref<2x10000x128xf32, #tpu.memory_space<hbm>> -> memref<1x624x128xf32, #tpu.memory_space<hbm>>
        %dma_wait3A_641 = tpu.memref_squeeze %dma_wait3A_640 : memref<1x624x128xf32, #tpu.memory_space<hbm>> -> memref<624x128xf32, #tpu.memory_space<hbm>>
        %dma_wait3A_642 = arith.constant 0 : i32
        %dma_wait3A_643 = tpu.memref_slice %arg18[%mul3A_13, %dma_wait3A_642] : memref<10000x128xf32, #tpu.memory_space<vmem_shared>> -> memref<624x128xf32, #tpu.memory_space<vmem_shared>>
        tpu.wait_dma2 semaphore(%run_scoped3A : memref<!tpu.dma_semaphore, #tpu.memory_space<semaphore_mem>>) src(%dma_wait3A_643 : memref<624x128xf32, #tpu.memory_space<vmem_shared>>) dst(%dma_wait3A_641 : memref<624x128xf32, #tpu.memory_space<hbm>>)
        tpu.yield
      }) : () -> ()
    } else {
    }
    %eq3A_629 = arith.constant 15 : i32
    %eq3A_630 = arith.cmpi eq, %arg1, %eq3A_629 : i32
    %convert_element_type3A_631 = arith.extui %eq3A_630 : i1 to i32
    %cond3A_632 = arith.constant 0 : i32
    %cond3A_633 = arith.cmpi ne, %convert_element_type3A_631, %cond3A_632 : i32
    scf.if %cond3A_633 {
      "tpu.region"() ({
        %run_scoped3A = tpu.sem_alloc : memref<!tpu.dma_semaphore, #tpu.memory_space<semaphore_mem>>
        %dma_start3A_634 = arith.constant 9360 : i32
        %dma_start3A_635 = arith.constant 0 : i32
        %dma_start3A_636 = tpu.memref_slice %arg4[%arg0, %dma_start3A_634, %dma_start3A_635] : memref<2x10000x128xf32, #tpu.memory_space<hbm>> -> memref<1x640x128xf32, #tpu.memory_space<hbm>>
        %dma_start3A_637 = tpu.memref_squeeze %dma_start3A_636 : memref<1x640x128xf32, #tpu.memory_space<hbm>> -> memref<640x128xf32, #tpu.memory_space<hbm>>
        %dma_start3A_638 = arith.constant 9360 : i32
        %dma_start3A_639 = arith.constant 0 : i32
        %dma_start3A_640 = tpu.memref_slice %arg18[%dma_start3A_638, %dma_start3A_639] : memref<10000x128xf32, #tpu.memory_space<vmem_shared>> -> memref<640x128xf32, #tpu.memory_space<vmem_shared>>
        tpu.enqueue_dma source(%dma_start3A_640 : memref<640x128xf32, #tpu.memory_space<vmem_shared>>) target(%dma_start3A_637 : memref<640x128xf32, #tpu.memory_space<hbm>>) target_semaphore(%run_scoped3A : memref<!tpu.dma_semaphore, #tpu.memory_space<semaphore_mem>>)
        %dma_wait3A_641 = arith.constant 9360 : i32
        %dma_wait3A_642 = arith.constant 0 : i32
        %dma_wait3A_643 = tpu.memref_slice %arg4[%arg0, %dma_wait3A_641, %dma_wait3A_642] : memref<2x10000x128xf32, #tpu.memory_space<hbm>> -> memref<1x640x128xf32, #tpu.memory_space<hbm>>
        %dma_wait3A_644 = tpu.memref_squeeze %dma_wait3A_643 : memref<1x640x128xf32, #tpu.memory_space<hbm>> -> memref<640x128xf32, #tpu.memory_space<hbm>>
        %dma_wait3A_645 = arith.constant 9360 : i32
        %dma_wait3A_646 = arith.constant 0 : i32
        %dma_wait3A_647 = tpu.memref_slice %arg18[%dma_wait3A_645, %dma_wait3A_646] : memref<10000x128xf32, #tpu.memory_space<vmem_shared>> -> memref<640x128xf32, #tpu.memory_space<vmem_shared>>
        tpu.wait_dma2 semaphore(%run_scoped3A : memref<!tpu.dma_semaphore, #tpu.memory_space<semaphore_mem>>) src(%dma_wait3A_647 : memref<640x128xf32, #tpu.memory_space<vmem_shared>>) dst(%dma_wait3A_644 : memref<640x128xf32, #tpu.memory_space<hbm>>)
        tpu.yield
      }) : () -> ()
    } else {
    }
    return
  }
}

#map = affine_map<(d0, d1) -> (0, 0)>
#map1 = affine_map<(d0, d1) -> (0)>
#map2 = affine_map<(d0, d1) -> (0, 0, 0)>
module attributes {stable_mosaic.version = 14 : i64} {
  func.func @_edge_pass_body(%arg0: i32, %arg1: i32, %arg2: memref<40000x128xf32, #tpu.memory_space<hbm>>, %arg3: memref<320000xi32, #tpu.memory_space<hbm>>, %arg4: memref<2x10000x128xf32, #tpu.memory_space<hbm>>, %arg5: memref<10000xi32, #tpu.memory_space<vmem>>, %arg6: memref<16x128xf32, #tpu.memory_space<vmem>>, %arg7: memref<16x128xf32, #tpu.memory_space<vmem>>, %arg8: memref<16x128xf32, #tpu.memory_space<vmem>>, %arg9: memref<16x128xf32, #tpu.memory_space<vmem>>, %arg10: memref<16x128xf32, #tpu.memory_space<vmem>>, %arg11: memref<16x128xf32, #tpu.memory_space<vmem>>, %arg12: memref<16x128xf32, #tpu.memory_space<vmem>>, %arg13: memref<16x128xf32, #tpu.memory_space<vmem>>, %arg14: memref<16x128xf32, #tpu.memory_space<vmem>>, %arg15: memref<16x128xf32, #tpu.memory_space<vmem>>, %arg16: memref<16x128xf32, #tpu.memory_space<vmem>>, %arg17: memref<16x128xf32, #tpu.memory_space<vmem>>, %arg18: memref<10000x128xf32, #tpu.memory_space<vmem_shared>>, %arg19: memref<!tpu.dma_semaphore, #tpu.memory_space<semaphore_mem>>, %arg20: memref<!tpu.dma_semaphore, #tpu.memory_space<semaphore_mem>>, %arg21: memref<!tpu.dma_semaphore, #tpu.memory_space<semaphore_mem>>, %arg22: memref<!tpu.dma_semaphore, #tpu.memory_space<semaphore_mem>>, %arg23: memref<!tpu.dma_semaphore, #tpu.memory_space<semaphore_mem>>, %arg24: memref<!tpu.dma_semaphore, #tpu.memory_space<semaphore_mem>>, %arg25: memref<!tpu.dma_semaphore, #tpu.memory_space<semaphore_mem>>, %arg26: memref<!tpu.dma_semaphore, #tpu.memory_space<semaphore_mem>>, %arg27: memref<!tpu.dma_semaphore, #tpu.memory_space<semaphore_mem>>, %arg28: memref<!tpu.dma_semaphore, #tpu.memory_space<semaphore_mem>>, %arg29: memref<!tpu.dma_semaphore, #tpu.memory_space<semaphore_mem>>, %arg30: memref<!tpu.dma_semaphore, #tpu.memory_space<semaphore_mem>>, %arg31: memref<!tpu.dma_semaphore, #tpu.memory_space<semaphore_mem>>, %arg32: memref<!tpu.dma_semaphore, #tpu.memory_space<semaphore_mem>>, %arg33: memref<!tpu.dma_semaphore, #tpu.memory_space<semaphore_mem>>, %arg34: memref<!tpu.dma_semaphore, #tpu.memory_space<semaphore_mem>>, %arg35: memref<!tpu.dma_semaphore, #tpu.memory_space<semaphore_mem>>, %arg36: memref<!tpu.dma_semaphore, #tpu.memory_space<semaphore_mem>>, %arg37: memref<!tpu.dma_semaphore, #tpu.memory_space<semaphore_mem>>, %arg38: memref<!tpu.dma_semaphore, #tpu.memory_space<semaphore_mem>>, %arg39: memref<!tpu.dma_semaphore, #tpu.memory_space<semaphore_mem>>, %arg40: memref<!tpu.dma_semaphore, #tpu.memory_space<semaphore_mem>>, %arg41: memref<!tpu.dma_semaphore, #tpu.memory_space<semaphore_mem>>, %arg42: memref<!tpu.dma_semaphore, #tpu.memory_space<semaphore_mem>>) attributes {dimension_semantics = [#tpu.dimension_semantics<core_parallel>, #tpu.dimension_semantics<subcore_parallel>], iteration_bounds = array<i64: 2, 16>, scalar_prefetch = 0 : i64, scratch_operands = 38 : i64, tpu.core_type = #tpu.core_type<sc_vector_subcore>, window_params = [{transform_indices = #map}, {transform_indices = #map1}, {transform_indices = #map2}]} {
    %mul3A = arith.constant 16 : i32
    %mul3A_0 = arith.muli %arg0, %mul3A : i32
    %add3A = arith.addi %mul3A_0, %arg1 : i32
    %mul3A_1 = arith.constant 10000 : i32
    %mul3A_2 = arith.muli %add3A, %mul3A_1 : i32
    "tpu.region"() ({
      %run_scoped3A = tpu.sem_alloc : memref<!tpu.dma_semaphore, #tpu.memory_space<semaphore_mem>>
      %dma_start3A_634 = tpu.memref_slice %arg3[%mul3A_2] : memref<320000xi32, #tpu.memory_space<hbm>> -> memref<10000xi32, #tpu.memory_space<hbm>>
      %dma_start3A_635 = tpu.memref_slice %arg3[%mul3A_2] : memref<320000xi32, #tpu.memory_space<hbm>> -> memref<10000xi32, #tpu.memory_space<hbm>>
      tpu.enqueue_dma source(%dma_start3A_635 : memref<10000xi32, #tpu.memory_space<hbm>>) target(%arg5 : memref<10000xi32, #tpu.memory_space<vmem>>) target_semaphore(%run_scoped3A : memref<!tpu.dma_semaphore, #tpu.memory_space<semaphore_mem>>)
      %dma_wait3A_636 = tpu.memref_slice %arg3[%mul3A_2] : memref<320000xi32, #tpu.memory_space<hbm>> -> memref<10000xi32, #tpu.memory_space<hbm>>
      %dma_wait3A_637 = tpu.memref_slice %arg3[%mul3A_2] : memref<320000xi32, #tpu.memory_space<hbm>> -> memref<10000xi32, #tpu.memory_space<hbm>>
      tpu.wait_dma2 semaphore(%run_scoped3A : memref<!tpu.dma_semaphore, #tpu.memory_space<semaphore_mem>>) src(%dma_wait3A_637 : memref<10000xi32, #tpu.memory_space<hbm>>) dst(%arg5 : memref<10000xi32, #tpu.memory_space<vmem>>)
      tpu.yield
    }) : () -> ()
    %scan3A = arith.constant 0 : i32
    %scan3A_3 = arith.constant 16 : i32
    %scan3A_4 = arith.addi %scan3A, %scan3A_3 : i32
    %scan3A_5 = arith.constant 1 : i32
    scf.for %scan3A_634 = %scan3A to %scan3A_4 step %scan3A_5  : i32 {
      %mul3A_635 = arith.constant 1 : i32
      %mul3A_636 = arith.muli %scan3A_634, %mul3A_635 : i32
      %add3A_637 = arith.constant 0 : i32
      %add3A_638 = arith.addi %add3A_637, %mul3A_636 : i32
      %broadcast_in_dim3A = arith.constant 0.000000e+00 : f32
      %broadcast_in_dim3A_639 = vector.broadcast %broadcast_in_dim3A : f32 to vector<16xf32>
      %swap3A = arith.index_cast %add3A_638 : i32 to index
      %swap3A_640 = arith.constant 0 : index
      %swap3A_641 = tpu.vector_load %arg16[%swap3A, %swap3A_640] {strides = array<i32>} : memref<16x128xf32, #tpu.memory_space<vmem>>, vector<1x16xf32>,
      %swap3A_642 = vector.shape_cast %swap3A_641 : vector<1x16xf32> to vector<16xf32>
      %swap3A_643 = vector.shape_cast %broadcast_in_dim3A_639 : vector<16xf32> to vector<1x16xf32>
      tpu.vector_store %arg16[%swap3A, %swap3A_640], %swap3A_643 {strides = array<i32>} : memref<16x128xf32, #tpu.memory_space<vmem>>, vector<1x16xf32>,
      %broadcast_in_dim3A_644 = arith.constant 0.000000e+00 : f32
      %broadcast_in_dim3A_645 = vector.broadcast %broadcast_in_dim3A_644 : f32 to vector<16xf32>
      %swap3A_646 = arith.index_cast %add3A_638 : i32 to index
      %swap3A_647 = arith.constant 16 : index
      %swap3A_648 = tpu.vector_load %arg16[%swap3A_646, %swap3A_647] {strides = array<i32>} : memref<16x128xf32, #tpu.memory_space<vmem>>, vector<1x16xf32>,
      %swap3A_649 = vector.shape_cast %swap3A_648 : vector<1x16xf32> to vector<16xf32>
      %swap3A_650 = vector.shape_cast %broadcast_in_dim3A_645 : vector<16xf32> to vector<1x16xf32>
      tpu.vector_store %arg16[%swap3A_646, %swap3A_647], %swap3A_650 {strides = array<i32>} : memref<16x128xf32, #tpu.memory_space<vmem>>, vector<1x16xf32>,
      %broadcast_in_dim3A_651 = arith.constant 0.000000e+00 : f32
      %broadcast_in_dim3A_652 = vector.broadcast %broadcast_in_dim3A_651 : f32 to vector<16xf32>
      %swap3A_653 = arith.index_cast %add3A_638 : i32 to index
      %swap3A_654 = arith.constant 32 : index
      %swap3A_655 = tpu.vector_load %arg16[%swap3A_653, %swap3A_654] {strides = array<i32>} : memref<16x128xf32, #tpu.memory_space<vmem>>, vector<1x16xf32>,
      %swap3A_656 = vector.shape_cast %swap3A_655 : vector<1x16xf32> to vector<16xf32>
      %swap3A_657 = vector.shape_cast %broadcast_in_dim3A_652 : vector<16xf32> to vector<1x16xf32>
      tpu.vector_store %arg16[%swap3A_653, %swap3A_654], %swap3A_657 {strides = array<i32>} : memref<16x128xf32, #tpu.memory_space<vmem>>, vector<1x16xf32>,
      %broadcast_in_dim3A_658 = arith.constant 0.000000e+00 : f32
      %broadcast_in_dim3A_659 = vector.broadcast %broadcast_in_dim3A_658 : f32 to vector<16xf32>
      %swap3A_660 = arith.index_cast %add3A_638 : i32 to index
      %swap3A_661 = arith.constant 48 : index
      %swap3A_662 = tpu.vector_load %arg16[%swap3A_660, %swap3A_661] {strides = array<i32>} : memref<16x128xf32, #tpu.memory_space<vmem>>, vector<1x16xf32>,
      %swap3A_663 = vector.shape_cast %swap3A_662 : vector<1x16xf32> to vector<16xf32>
      %swap3A_664 = vector.shape_cast %broadcast_in_dim3A_659 : vector<16xf32> to vector<1x16xf32>
      tpu.vector_store %arg16[%swap3A_660, %swap3A_661], %swap3A_664 {strides = array<i32>} : memref<16x128xf32, #tpu.memory_space<vmem>>, vector<1x16xf32>,
      %broadcast_in_dim3A_665 = arith.constant 0.000000e+00 : f32
      %broadcast_in_dim3A_666 = vector.broadcast %broadcast_in_dim3A_665 : f32 to vector<16xf32>
      %swap3A_667 = arith.index_cast %add3A_638 : i32 to index
      %swap3A_668 = arith.constant 64 : index
      %swap3A_669 = tpu.vector_load %arg16[%swap3A_667, %swap3A_668] {strides = array<i32>} : memref<16x128xf32, #tpu.memory_space<vmem>>, vector<1x16xf32>,
      %swap3A_670 = vector.shape_cast %swap3A_669 : vector<1x16xf32> to vector<16xf32>
      %swap3A_671 = vector.shape_cast %broadcast_in_dim3A_666 : vector<16xf32> to vector<1x16xf32>
      tpu.vector_store %arg16[%swap3A_667, %swap3A_668], %swap3A_671 {strides = array<i32>} : memref<16x128xf32, #tpu.memory_space<vmem>>, vector<1x16xf32>,
      %broadcast_in_dim3A_672 = arith.constant 0.000000e+00 : f32
      %broadcast_in_dim3A_673 = vector.broadcast %broadcast_in_dim3A_672 : f32 to vector<16xf32>
      %swap3A_674 = arith.index_cast %add3A_638 : i32 to index
      %swap3A_675 = arith.constant 80 : index
      %swap3A_676 = tpu.vector_load %arg16[%swap3A_674, %swap3A_675] {strides = array<i32>} : memref<16x128xf32, #tpu.memory_space<vmem>>, vector<1x16xf32>,
      %swap3A_677 = vector.shape_cast %swap3A_676 : vector<1x16xf32> to vector<16xf32>
      %swap3A_678 = vector.shape_cast %broadcast_in_dim3A_673 : vector<16xf32> to vector<1x16xf32>
      tpu.vector_store %arg16[%swap3A_674, %swap3A_675], %swap3A_678 {strides = array<i32>} : memref<16x128xf32, #tpu.memory_space<vmem>>, vector<1x16xf32>,
      %broadcast_in_dim3A_679 = arith.constant 0.000000e+00 : f32
      %broadcast_in_dim3A_680 = vector.broadcast %broadcast_in_dim3A_679 : f32 to vector<16xf32>
      %swap3A_681 = arith.index_cast %add3A_638 : i32 to index
      %swap3A_682 = arith.constant 96 : index
      %swap3A_683 = tpu.vector_load %arg16[%swap3A_681, %swap3A_682] {strides = array<i32>} : memref<16x128xf32, #tpu.memory_space<vmem>>, vector<1x16xf32>,
      %swap3A_684 = vector.shape_cast %swap3A_683 : vector<1x16xf32> to vector<16xf32>
      %swap3A_685 = vector.shape_cast %broadcast_in_dim3A_680 : vector<16xf32> to vector<1x16xf32>
      tpu.vector_store %arg16[%swap3A_681, %swap3A_682], %swap3A_685 {strides = array<i32>} : memref<16x128xf32, #tpu.memory_space<vmem>>, vector<1x16xf32>,
      %broadcast_in_dim3A_686 = arith.constant 0.000000e+00 : f32
      %broadcast_in_dim3A_687 = vector.broadcast %broadcast_in_dim3A_686 : f32 to vector<16xf32>
      %swap3A_688 = arith.index_cast %add3A_638 : i32 to index
      %swap3A_689 = arith.constant 112 : index
      %swap3A_690 = tpu.vector_load %arg16[%swap3A_688, %swap3A_689] {strides = array<i32>} : memref<16x128xf32, #tpu.memory_space<vmem>>, vector<1x16xf32>,
      %swap3A_691 = vector.shape_cast %swap3A_690 : vector<1x16xf32> to vector<16xf32>
      %swap3A_692 = vector.shape_cast %broadcast_in_dim3A_687 : vector<16xf32> to vector<1x16xf32>
      tpu.vector_store %arg16[%swap3A_688, %swap3A_689], %swap3A_692 {strides = array<i32>} : memref<16x128xf32, #tpu.memory_space<vmem>>, vector<1x16xf32>,
    }
    %scan3A_6 = arith.constant 16 : i32
    %scan3A_7 = arith.constant 0 : i32
    %scan3A_8 = arith.constant 16 : i32
    %scan3A_9 = arith.addi %scan3A_7, %scan3A_8 : i32
    %scan3A_10 = arith.constant 1 : i32
    scf.for %scan3A_634 = %scan3A_7 to %scan3A_9 step %scan3A_10  : i32 {
      %mul3A_635 = arith.constant 1 : i32
      %mul3A_636 = arith.muli %scan3A_634, %mul3A_635 : i32
      %add3A_637 = arith.constant 0 : i32
      %add3A_638 = arith.addi %add3A_637, %mul3A_636 : i32
      %broadcast_in_dim3A = arith.constant 0.000000e+00 : f32
      %broadcast_in_dim3A_639 = vector.broadcast %broadcast_in_dim3A : f32 to vector<16xf32>
      %swap3A = arith.index_cast %add3A_638 : i32 to index
      %swap3A_640 = arith.constant 0 : index
      %swap3A_641 = tpu.vector_load %arg17[%swap3A, %swap3A_640] {strides = array<i32>} : memref<16x128xf32, #tpu.memory_space<vmem>>, vector<1x16xf32>,
      %swap3A_642 = vector.shape_cast %swap3A_641 : vector<1x16xf32> to vector<16xf32>
      %swap3A_643 = vector.shape_cast %broadcast_in_dim3A_639 : vector<16xf32> to vector<1x16xf32>
      tpu.vector_store %arg17[%swap3A, %swap3A_640], %swap3A_643 {strides = array<i32>} : memref<16x128xf32, #tpu.memory_space<vmem>>, vector<1x16xf32>,
      %broadcast_in_dim3A_644 = arith.constant 0.000000e+00 : f32
      %broadcast_in_dim3A_645 = vector.broadcast %broadcast_in_dim3A_644 : f32 to vector<16xf32>
      %swap3A_646 = arith.index_cast %add3A_638 : i32 to index
      %swap3A_647 = arith.constant 16 : index
      %swap3A_648 = tpu.vector_load %arg17[%swap3A_646, %swap3A_647] {strides = array<i32>} : memref<16x128xf32, #tpu.memory_space<vmem>>, vector<1x16xf32>,
      %swap3A_649 = vector.shape_cast %swap3A_648 : vector<1x16xf32> to vector<16xf32>
      %swap3A_650 = vector.shape_cast %broadcast_in_dim3A_645 : vector<16xf32> to vector<1x16xf32>
      tpu.vector_store %arg17[%swap3A_646, %swap3A_647], %swap3A_650 {strides = array<i32>} : memref<16x128xf32, #tpu.memory_space<vmem>>, vector<1x16xf32>,
      %broadcast_in_dim3A_651 = arith.constant 0.000000e+00 : f32
      %broadcast_in_dim3A_652 = vector.broadcast %broadcast_in_dim3A_651 : f32 to vector<16xf32>
      %swap3A_653 = arith.index_cast %add3A_638 : i32 to index
      %swap3A_654 = arith.constant 32 : index
      %swap3A_655 = tpu.vector_load %arg17[%swap3A_653, %swap3A_654] {strides = array<i32>} : memref<16x128xf32, #tpu.memory_space<vmem>>, vector<1x16xf32>,
      %swap3A_656 = vector.shape_cast %swap3A_655 : vector<1x16xf32> to vector<16xf32>
      %swap3A_657 = vector.shape_cast %broadcast_in_dim3A_652 : vector<16xf32> to vector<1x16xf32>
      tpu.vector_store %arg17[%swap3A_653, %swap3A_654], %swap3A_657 {strides = array<i32>} : memref<16x128xf32, #tpu.memory_space<vmem>>, vector<1x16xf32>,
      %broadcast_in_dim3A_658 = arith.constant 0.000000e+00 : f32
      %broadcast_in_dim3A_659 = vector.broadcast %broadcast_in_dim3A_658 : f32 to vector<16xf32>
      %swap3A_660 = arith.index_cast %add3A_638 : i32 to index
      %swap3A_661 = arith.constant 48 : index
      %swap3A_662 = tpu.vector_load %arg17[%swap3A_660, %swap3A_661] {strides = array<i32>} : memref<16x128xf32, #tpu.memory_space<vmem>>, vector<1x16xf32>,
      %swap3A_663 = vector.shape_cast %swap3A_662 : vector<1x16xf32> to vector<16xf32>
      %swap3A_664 = vector.shape_cast %broadcast_in_dim3A_659 : vector<16xf32> to vector<1x16xf32>
      tpu.vector_store %arg17[%swap3A_660, %swap3A_661], %swap3A_664 {strides = array<i32>} : memref<16x128xf32, #tpu.memory_space<vmem>>, vector<1x16xf32>,
      %broadcast_in_dim3A_665 = arith.constant 0.000000e+00 : f32
      %broadcast_in_dim3A_666 = vector.broadcast %broadcast_in_dim3A_665 : f32 to vector<16xf32>
      %swap3A_667 = arith.index_cast %add3A_638 : i32 to index
      %swap3A_668 = arith.constant 64 : index
      %swap3A_669 = tpu.vector_load %arg17[%swap3A_667, %swap3A_668] {strides = array<i32>} : memref<16x128xf32, #tpu.memory_space<vmem>>, vector<1x16xf32>,
      %swap3A_670 = vector.shape_cast %swap3A_669 : vector<1x16xf32> to vector<16xf32>
      %swap3A_671 = vector.shape_cast %broadcast_in_dim3A_666 : vector<16xf32> to vector<1x16xf32>
      tpu.vector_store %arg17[%swap3A_667, %swap3A_668], %swap3A_671 {strides = array<i32>} : memref<16x128xf32, #tpu.memory_space<vmem>>, vector<1x16xf32>,
      %broadcast_in_dim3A_672 = arith.constant 0.000000e+00 : f32
      %broadcast_in_dim3A_673 = vector.broadcast %broadcast_in_dim3A_672 : f32 to vector<16xf32>
      %swap3A_674 = arith.index_cast %add3A_638 : i32 to index
      %swap3A_675 = arith.constant 80 : index
      %swap3A_676 = tpu.vector_load %arg17[%swap3A_674, %swap3A_675] {strides = array<i32>} : memref<16x128xf32, #tpu.memory_space<vmem>>, vector<1x16xf32>,
      %swap3A_677 = vector.shape_cast %swap3A_676 : vector<1x16xf32> to vector<16xf32>
      %swap3A_678 = vector.shape_cast %broadcast_in_dim3A_673 : vector<16xf32> to vector<1x16xf32>
      tpu.vector_store %arg17[%swap3A_674, %swap3A_675], %swap3A_678 {strides = array<i32>} : memref<16x128xf32, #tpu.memory_space<vmem>>, vector<1x16xf32>,
      %broadcast_in_dim3A_679 = arith.constant 0.000000e+00 : f32
      %broadcast_in_dim3A_680 = vector.broadcast %broadcast_in_dim3A_679 : f32 to vector<16xf32>
      %swap3A_681 = arith.index_cast %add3A_638 : i32 to index
      %swap3A_682 = arith.constant 96 : index
      %swap3A_683 = tpu.vector_load %arg17[%swap3A_681, %swap3A_682] {strides = array<i32>} : memref<16x128xf32, #tpu.memory_space<vmem>>, vector<1x16xf32>,
      %swap3A_684 = vector.shape_cast %swap3A_683 : vector<1x16xf32> to vector<16xf32>
      %swap3A_685 = vector.shape_cast %broadcast_in_dim3A_680 : vector<16xf32> to vector<1x16xf32>
      tpu.vector_store %arg17[%swap3A_681, %swap3A_682], %swap3A_685 {strides = array<i32>} : memref<16x128xf32, #tpu.memory_space<vmem>>, vector<1x16xf32>,
      %broadcast_in_dim3A_686 = arith.constant 0.000000e+00 : f32
      %broadcast_in_dim3A_687 = vector.broadcast %broadcast_in_dim3A_686 : f32 to vector<16xf32>
      %swap3A_688 = arith.index_cast %add3A_638 : i32 to index
      %swap3A_689 = arith.constant 112 : index
      %swap3A_690 = tpu.vector_load %arg17[%swap3A_688, %swap3A_689] {strides = array<i32>} : memref<16x128xf32, #tpu.memory_space<vmem>>, vector<1x16xf32>,
      %swap3A_691 = vector.shape_cast %swap3A_690 : vector<1x16xf32> to vector<16xf32>
      %swap3A_692 = vector.shape_cast %broadcast_in_dim3A_687 : vector<16xf32> to vector<1x16xf32>
      tpu.vector_store %arg17[%swap3A_688, %swap3A_689], %swap3A_692 {strides = array<i32>} : memref<16x128xf32, #tpu.memory_space<vmem>>, vector<1x16xf32>,
    }
    %scan3A_11 = arith.constant 16 : i32
    %mul3A_12 = arith.constant 624 : i32
    %mul3A_13 = arith.muli %arg1, %mul3A_12 : i32
    %add3A_14 = arith.constant 0 : i32
    %add3A_15 = arith.addi %mul3A_13, %add3A_14 : i32
    %dma_start3A = arith.constant 0 : i32
    %dma_start3A_16 = tpu.memref_slice %arg18[%add3A_15, %dma_start3A] : memref<10000x128xf32, #tpu.memory_space<vmem_shared>> -> memref<16x128xf32, #tpu.memory_space<vmem_shared>>
    %dma_start3A_17 = arith.constant 0 : i32
    %dma_start3A_18 = tpu.memref_slice %arg18[%add3A_15, %dma_start3A_17] : memref<10000x128xf32, #tpu.memory_space<vmem_shared>> -> memref<16x128xf32, #tpu.memory_space<vmem_shared>>
    tpu.enqueue_dma source(%arg16 : memref<16x128xf32, #tpu.memory_space<vmem>>) target(%dma_start3A_18 : memref<16x128xf32, #tpu.memory_space<vmem_shared>>) target_semaphore(%arg41 : memref<!tpu.dma_semaphore, #tpu.memory_space<semaphore_mem>>)
    %add3A_19 = arith.constant 16 : i32
    %add3A_20 = arith.addi %mul3A_13, %add3A_19 : i32
    %dma_start3A_21 = arith.constant 0 : i32
    %dma_start3A_22 = tpu.memref_slice %arg18[%add3A_20, %dma_start3A_21] : memref<10000x128xf32, #tpu.memory_space<vmem_shared>> -> memref<16x128xf32, #tpu.memory_space<vmem_shared>>
    %dma_start3A_23 = arith.constant 0 : i32
    %dma_start3A_24 = tpu.memref_slice %arg18[%add3A_20, %dma_start3A_23] : memref<10000x128xf32, #tpu.memory_space<vmem_shared>> -> memref<16x128xf32, #tpu.memory_space<vmem_shared>>
    tpu.enqueue_dma source(%arg17 : memref<16x128xf32, #tpu.memory_space<vmem>>) target(%dma_start3A_24 : memref<16x128xf32, #tpu.memory_space<vmem_shared>>) target_semaphore(%arg42 : memref<!tpu.dma_semaphore, #tpu.memory_space<semaphore_mem>>)
    %add3A_25 = arith.constant 32 : i32
    %add3A_26 = arith.addi %mul3A_13, %add3A_25 : i32
    %dma_start3A_27 = arith.constant 0 : i32
    %dma_start3A_28 = tpu.memref_slice %arg18[%add3A_26, %dma_start3A_27] : memref<10000x128xf32, #tpu.memory_space<vmem_shared>> -> memref<16x128xf32, #tpu.memory_space<vmem_shared>>
    %dma_start3A_29 = arith.constant 0 : i32
    %dma_start3A_30 = tpu.memref_slice %arg18[%add3A_26, %dma_start3A_29] : memref<10000x128xf32, #tpu.memory_space<vmem_shared>> -> memref<16x128xf32, #tpu.memory_space<vmem_shared>>
    tpu.enqueue_dma source(%arg16 : memref<16x128xf32, #tpu.memory_space<vmem>>) target(%dma_start3A_30 : memref<16x128xf32, #tpu.memory_space<vmem_shared>>) target_semaphore(%arg41 : memref<!tpu.dma_semaphore, #tpu.memory_space<semaphore_mem>>)
    %add3A_31 = arith.constant 48 : i32
    %add3A_32 = arith.addi %mul3A_13, %add3A_31 : i32
    %dma_start3A_33 = arith.constant 0 : i32
    %dma_start3A_34 = tpu.memref_slice %arg18[%add3A_32, %dma_start3A_33] : memref<10000x128xf32, #tpu.memory_space<vmem_shared>> -> memref<16x128xf32, #tpu.memory_space<vmem_shared>>
    %dma_start3A_35 = arith.constant 0 : i32
    %dma_start3A_36 = tpu.memref_slice %arg18[%add3A_32, %dma_start3A_35] : memref<10000x128xf32, #tpu.memory_space<vmem_shared>> -> memref<16x128xf32, #tpu.memory_space<vmem_shared>>
    tpu.enqueue_dma source(%arg17 : memref<16x128xf32, #tpu.memory_space<vmem>>) target(%dma_start3A_36 : memref<16x128xf32, #tpu.memory_space<vmem_shared>>) target_semaphore(%arg42 : memref<!tpu.dma_semaphore, #tpu.memory_space<semaphore_mem>>)
    %add3A_37 = arith.constant 64 : i32
    %add3A_38 = arith.addi %mul3A_13, %add3A_37 : i32
    %dma_start3A_39 = arith.constant 0 : i32
    %dma_start3A_40 = tpu.memref_slice %arg18[%add3A_38, %dma_start3A_39] : memref<10000x128xf32, #tpu.memory_space<vmem_shared>> -> memref<16x128xf32, #tpu.memory_space<vmem_shared>>
    %dma_start3A_41 = arith.constant 0 : i32
    %dma_start3A_42 = tpu.memref_slice %arg18[%add3A_38, %dma_start3A_41] : memref<10000x128xf32, #tpu.memory_space<vmem_shared>> -> memref<16x128xf32, #tpu.memory_space<vmem_shared>>
    tpu.enqueue_dma source(%arg16 : memref<16x128xf32, #tpu.memory_space<vmem>>) target(%dma_start3A_42 : memref<16x128xf32, #tpu.memory_space<vmem_shared>>) target_semaphore(%arg41 : memref<!tpu.dma_semaphore, #tpu.memory_space<semaphore_mem>>)
    %add3A_43 = arith.constant 80 : i32
    %add3A_44 = arith.addi %mul3A_13, %add3A_43 : i32
    %dma_start3A_45 = arith.constant 0 : i32
    %dma_start3A_46 = tpu.memref_slice %arg18[%add3A_44, %dma_start3A_45] : memref<10000x128xf32, #tpu.memory_space<vmem_shared>> -> memref<16x128xf32, #tpu.memory_space<vmem_shared>>
    %dma_start3A_47 = arith.constant 0 : i32
    %dma_start3A_48 = tpu.memref_slice %arg18[%add3A_44, %dma_start3A_47] : memref<10000x128xf32, #tpu.memory_space<vmem_shared>> -> memref<16x128xf32, #tpu.memory_space<vmem_shared>>
    tpu.enqueue_dma source(%arg17 : memref<16x128xf32, #tpu.memory_space<vmem>>) target(%dma_start3A_48 : memref<16x128xf32, #tpu.memory_space<vmem_shared>>) target_semaphore(%arg42 : memref<!tpu.dma_semaphore, #tpu.memory_space<semaphore_mem>>)
    %add3A_49 = arith.constant 96 : i32
    %add3A_50 = arith.addi %mul3A_13, %add3A_49 : i32
    %dma_start3A_51 = arith.constant 0 : i32
    %dma_start3A_52 = tpu.memref_slice %arg18[%add3A_50, %dma_start3A_51] : memref<10000x128xf32, #tpu.memory_space<vmem_shared>> -> memref<16x128xf32, #tpu.memory_space<vmem_shared>>
    %dma_start3A_53 = arith.constant 0 : i32
    %dma_start3A_54 = tpu.memref_slice %arg18[%add3A_50, %dma_start3A_53] : memref<10000x128xf32, #tpu.memory_space<vmem_shared>> -> memref<16x128xf32, #tpu.memory_space<vmem_shared>>
    tpu.enqueue_dma source(%arg16 : memref<16x128xf32, #tpu.memory_space<vmem>>) target(%dma_start3A_54 : memref<16x128xf32, #tpu.memory_space<vmem_shared>>) target_semaphore(%arg41 : memref<!tpu.dma_semaphore, #tpu.memory_space<semaphore_mem>>)
    %add3A_55 = arith.constant 112 : i32
    %add3A_56 = arith.addi %mul3A_13, %add3A_55 : i32
    %dma_start3A_57 = arith.constant 0 : i32
    %dma_start3A_58 = tpu.memref_slice %arg18[%add3A_56, %dma_start3A_57] : memref<10000x128xf32, #tpu.memory_space<vmem_shared>> -> memref<16x128xf32, #tpu.memory_space<vmem_shared>>
    %dma_start3A_59 = arith.constant 0 : i32
    %dma_start3A_60 = tpu.memref_slice %arg18[%add3A_56, %dma_start3A_59] : memref<10000x128xf32, #tpu.memory_space<vmem_shared>> -> memref<16x128xf32, #tpu.memory_space<vmem_shared>>
    tpu.enqueue_dma source(%arg17 : memref<16x128xf32, #tpu.memory_space<vmem>>) target(%dma_start3A_60 : memref<16x128xf32, #tpu.memory_space<vmem_shared>>) target_semaphore(%arg42 : memref<!tpu.dma_semaphore, #tpu.memory_space<semaphore_mem>>)
    %add3A_61 = arith.constant 128 : i32
    %add3A_62 = arith.addi %mul3A_13, %add3A_61 : i32
    %dma_start3A_63 = arith.constant 0 : i32
    %dma_start3A_64 = tpu.memref_slice %arg18[%add3A_62, %dma_start3A_63] : memref<10000x128xf32, #tpu.memory_space<vmem_shared>> -> memref<16x128xf32, #tpu.memory_space<vmem_shared>>
    %dma_start3A_65 = arith.constant 0 : i32
    %dma_start3A_66 = tpu.memref_slice %arg18[%add3A_62, %dma_start3A_65] : memref<10000x128xf32, #tpu.memory_space<vmem_shared>> -> memref<16x128xf32, #tpu.memory_space<vmem_shared>>
    tpu.enqueue_dma source(%arg16 : memref<16x128xf32, #tpu.memory_space<vmem>>) target(%dma_start3A_66 : memref<16x128xf32, #tpu.memory_space<vmem_shared>>) target_semaphore(%arg41 : memref<!tpu.dma_semaphore, #tpu.memory_space<semaphore_mem>>)
    %add3A_67 = arith.constant 144 : i32
    %add3A_68 = arith.addi %mul3A_13, %add3A_67 : i32
    %dma_start3A_69 = arith.constant 0 : i32
    %dma_start3A_70 = tpu.memref_slice %arg18[%add3A_68, %dma_start3A_69] : memref<10000x128xf32, #tpu.memory_space<vmem_shared>> -> memref<16x128xf32, #tpu.memory_space<vmem_shared>>
    %dma_start3A_71 = arith.constant 0 : i32
    %dma_start3A_72 = tpu.memref_slice %arg18[%add3A_68, %dma_start3A_71] : memref<10000x128xf32, #tpu.memory_space<vmem_shared>> -> memref<16x128xf32, #tpu.memory_space<vmem_shared>>
    tpu.enqueue_dma source(%arg17 : memref<16x128xf32, #tpu.memory_space<vmem>>) target(%dma_start3A_72 : memref<16x128xf32, #tpu.memory_space<vmem_shared>>) target_semaphore(%arg42 : memref<!tpu.dma_semaphore, #tpu.memory_space<semaphore_mem>>)
    %add3A_73 = arith.constant 160 : i32
    %add3A_74 = arith.addi %mul3A_13, %add3A_73 : i32
    %dma_start3A_75 = arith.constant 0 : i32
    %dma_start3A_76 = tpu.memref_slice %arg18[%add3A_74, %dma_start3A_75] : memref<10000x128xf32, #tpu.memory_space<vmem_shared>> -> memref<16x128xf32, #tpu.memory_space<vmem_shared>>
    %dma_start3A_77 = arith.constant 0 : i32
    %dma_start3A_78 = tpu.memref_slice %arg18[%add3A_74, %dma_start3A_77] : memref<10000x128xf32, #tpu.memory_space<vmem_shared>> -> memref<16x128xf32, #tpu.memory_space<vmem_shared>>
    tpu.enqueue_dma source(%arg16 : memref<16x128xf32, #tpu.memory_space<vmem>>) target(%dma_start3A_78 : memref<16x128xf32, #tpu.memory_space<vmem_shared>>) target_semaphore(%arg41 : memref<!tpu.dma_semaphore, #tpu.memory_space<semaphore_mem>>)
    %add3A_79 = arith.constant 176 : i32
    %add3A_80 = arith.addi %mul3A_13, %add3A_79 : i32
    %dma_start3A_81 = arith.constant 0 : i32
    %dma_start3A_82 = tpu.memref_slice %arg18[%add3A_80, %dma_start3A_81] : memref<10000x128xf32, #tpu.memory_space<vmem_shared>> -> memref<16x128xf32, #tpu.memory_space<vmem_shared>>
    %dma_start3A_83 = arith.constant 0 : i32
    %dma_start3A_84 = tpu.memref_slice %arg18[%add3A_80, %dma_start3A_83] : memref<10000x128xf32, #tpu.memory_space<vmem_shared>> -> memref<16x128xf32, #tpu.memory_space<vmem_shared>>
    tpu.enqueue_dma source(%arg17 : memref<16x128xf32, #tpu.memory_space<vmem>>) target(%dma_start3A_84 : memref<16x128xf32, #tpu.memory_space<vmem_shared>>) target_semaphore(%arg42 : memref<!tpu.dma_semaphore, #tpu.memory_space<semaphore_mem>>)
    %add3A_85 = arith.constant 192 : i32
    %add3A_86 = arith.addi %mul3A_13, %add3A_85 : i32
    %dma_start3A_87 = arith.constant 0 : i32
    %dma_start3A_88 = tpu.memref_slice %arg18[%add3A_86, %dma_start3A_87] : memref<10000x128xf32, #tpu.memory_space<vmem_shared>> -> memref<16x128xf32, #tpu.memory_space<vmem_shared>>
    %dma_start3A_89 = arith.constant 0 : i32
    %dma_start3A_90 = tpu.memref_slice %arg18[%add3A_86, %dma_start3A_89] : memref<10000x128xf32, #tpu.memory_space<vmem_shared>> -> memref<16x128xf32, #tpu.memory_space<vmem_shared>>
    tpu.enqueue_dma source(%arg16 : memref<16x128xf32, #tpu.memory_space<vmem>>) target(%dma_start3A_90 : memref<16x128xf32, #tpu.memory_space<vmem_shared>>) target_semaphore(%arg41 : memref<!tpu.dma_semaphore, #tpu.memory_space<semaphore_mem>>)
    %add3A_91 = arith.constant 208 : i32
    %add3A_92 = arith.addi %mul3A_13, %add3A_91 : i32
    %dma_start3A_93 = arith.constant 0 : i32
    %dma_start3A_94 = tpu.memref_slice %arg18[%add3A_92, %dma_start3A_93] : memref<10000x128xf32, #tpu.memory_space<vmem_shared>> -> memref<16x128xf32, #tpu.memory_space<vmem_shared>>
    %dma_start3A_95 = arith.constant 0 : i32
    %dma_start3A_96 = tpu.memref_slice %arg18[%add3A_92, %dma_start3A_95] : memref<10000x128xf32, #tpu.memory_space<vmem_shared>> -> memref<16x128xf32, #tpu.memory_space<vmem_shared>>
    tpu.enqueue_dma source(%arg17 : memref<16x128xf32, #tpu.memory_space<vmem>>) target(%dma_start3A_96 : memref<16x128xf32, #tpu.memory_space<vmem_shared>>) target_semaphore(%arg42 : memref<!tpu.dma_semaphore, #tpu.memory_space<semaphore_mem>>)
    %add3A_97 = arith.constant 224 : i32
    %add3A_98 = arith.addi %mul3A_13, %add3A_97 : i32
    %dma_start3A_99 = arith.constant 0 : i32
    %dma_start3A_100 = tpu.memref_slice %arg18[%add3A_98, %dma_start3A_99] : memref<10000x128xf32, #tpu.memory_space<vmem_shared>> -> memref<16x128xf32, #tpu.memory_space<vmem_shared>>
    %dma_start3A_101 = arith.constant 0 : i32
    %dma_start3A_102 = tpu.memref_slice %arg18[%add3A_98, %dma_start3A_101] : memref<10000x128xf32, #tpu.memory_space<vmem_shared>> -> memref<16x128xf32, #tpu.memory_space<vmem_shared>>
    tpu.enqueue_dma source(%arg16 : memref<16x128xf32, #tpu.memory_space<vmem>>) target(%dma_start3A_102 : memref<16x128xf32, #tpu.memory_space<vmem_shared>>) target_semaphore(%arg41 : memref<!tpu.dma_semaphore, #tpu.memory_space<semaphore_mem>>)
    %add3A_103 = arith.constant 240 : i32
    %add3A_104 = arith.addi %mul3A_13, %add3A_103 : i32
    %dma_start3A_105 = arith.constant 0 : i32
    %dma_start3A_106 = tpu.memref_slice %arg18[%add3A_104, %dma_start3A_105] : memref<10000x128xf32, #tpu.memory_space<vmem_shared>> -> memref<16x128xf32, #tpu.memory_space<vmem_shared>>
    %dma_start3A_107 = arith.constant 0 : i32
    %dma_start3A_108 = tpu.memref_slice %arg18[%add3A_104, %dma_start3A_107] : memref<10000x128xf32, #tpu.memory_space<vmem_shared>> -> memref<16x128xf32, #tpu.memory_space<vmem_shared>>
    tpu.enqueue_dma source(%arg17 : memref<16x128xf32, #tpu.memory_space<vmem>>) target(%dma_start3A_108 : memref<16x128xf32, #tpu.memory_space<vmem_shared>>) target_semaphore(%arg42 : memref<!tpu.dma_semaphore, #tpu.memory_space<semaphore_mem>>)
    %add3A_109 = arith.constant 256 : i32
    %add3A_110 = arith.addi %mul3A_13, %add3A_109 : i32
    %dma_start3A_111 = arith.constant 0 : i32
    %dma_start3A_112 = tpu.memref_slice %arg18[%add3A_110, %dma_start3A_111] : memref<10000x128xf32, #tpu.memory_space<vmem_shared>> -> memref<16x128xf32, #tpu.memory_space<vmem_shared>>
    %dma_start3A_113 = arith.constant 0 : i32
    %dma_start3A_114 = tpu.memref_slice %arg18[%add3A_110, %dma_start3A_113] : memref<10000x128xf32, #tpu.memory_space<vmem_shared>> -> memref<16x128xf32, #tpu.memory_space<vmem_shared>>
    tpu.enqueue_dma source(%arg16 : memref<16x128xf32, #tpu.memory_space<vmem>>) target(%dma_start3A_114 : memref<16x128xf32, #tpu.memory_space<vmem_shared>>) target_semaphore(%arg41 : memref<!tpu.dma_semaphore, #tpu.memory_space<semaphore_mem>>)
    %add3A_115 = arith.constant 272 : i32
    %add3A_116 = arith.addi %mul3A_13, %add3A_115 : i32
    %dma_start3A_117 = arith.constant 0 : i32
    %dma_start3A_118 = tpu.memref_slice %arg18[%add3A_116, %dma_start3A_117] : memref<10000x128xf32, #tpu.memory_space<vmem_shared>> -> memref<16x128xf32, #tpu.memory_space<vmem_shared>>
    %dma_start3A_119 = arith.constant 0 : i32
    %dma_start3A_120 = tpu.memref_slice %arg18[%add3A_116, %dma_start3A_119] : memref<10000x128xf32, #tpu.memory_space<vmem_shared>> -> memref<16x128xf32, #tpu.memory_space<vmem_shared>>
    tpu.enqueue_dma source(%arg17 : memref<16x128xf32, #tpu.memory_space<vmem>>) target(%dma_start3A_120 : memref<16x128xf32, #tpu.memory_space<vmem_shared>>) target_semaphore(%arg42 : memref<!tpu.dma_semaphore, #tpu.memory_space<semaphore_mem>>)
    %add3A_121 = arith.constant 288 : i32
    %add3A_122 = arith.addi %mul3A_13, %add3A_121 : i32
    %dma_start3A_123 = arith.constant 0 : i32
    %dma_start3A_124 = tpu.memref_slice %arg18[%add3A_122, %dma_start3A_123] : memref<10000x128xf32, #tpu.memory_space<vmem_shared>> -> memref<16x128xf32, #tpu.memory_space<vmem_shared>>
    %dma_start3A_125 = arith.constant 0 : i32
    %dma_start3A_126 = tpu.memref_slice %arg18[%add3A_122, %dma_start3A_125] : memref<10000x128xf32, #tpu.memory_space<vmem_shared>> -> memref<16x128xf32, #tpu.memory_space<vmem_shared>>
    tpu.enqueue_dma source(%arg16 : memref<16x128xf32, #tpu.memory_space<vmem>>) target(%dma_start3A_126 : memref<16x128xf32, #tpu.memory_space<vmem_shared>>) target_semaphore(%arg41 : memref<!tpu.dma_semaphore, #tpu.memory_space<semaphore_mem>>)
    %add3A_127 = arith.constant 304 : i32
    %add3A_128 = arith.addi %mul3A_13, %add3A_127 : i32
    %dma_start3A_129 = arith.constant 0 : i32
    %dma_start3A_130 = tpu.memref_slice %arg18[%add3A_128, %dma_start3A_129] : memref<10000x128xf32, #tpu.memory_space<vmem_shared>> -> memref<16x128xf32, #tpu.memory_space<vmem_shared>>
    %dma_start3A_131 = arith.constant 0 : i32
    %dma_start3A_132 = tpu.memref_slice %arg18[%add3A_128, %dma_start3A_131] : memref<10000x128xf32, #tpu.memory_space<vmem_shared>> -> memref<16x128xf32, #tpu.memory_space<vmem_shared>>
    tpu.enqueue_dma source(%arg17 : memref<16x128xf32, #tpu.memory_space<vmem>>) target(%dma_start3A_132 : memref<16x128xf32, #tpu.memory_space<vmem_shared>>) target_semaphore(%arg42 : memref<!tpu.dma_semaphore, #tpu.memory_space<semaphore_mem>>)
    %add3A_133 = arith.constant 320 : i32
    %add3A_134 = arith.addi %mul3A_13, %add3A_133 : i32
    %dma_start3A_135 = arith.constant 0 : i32
    %dma_start3A_136 = tpu.memref_slice %arg18[%add3A_134, %dma_start3A_135] : memref<10000x128xf32, #tpu.memory_space<vmem_shared>> -> memref<16x128xf32, #tpu.memory_space<vmem_shared>>
    %dma_start3A_137 = arith.constant 0 : i32
    %dma_start3A_138 = tpu.memref_slice %arg18[%add3A_134, %dma_start3A_137] : memref<10000x128xf32, #tpu.memory_space<vmem_shared>> -> memref<16x128xf32, #tpu.memory_space<vmem_shared>>
    tpu.enqueue_dma source(%arg16 : memref<16x128xf32, #tpu.memory_space<vmem>>) target(%dma_start3A_138 : memref<16x128xf32, #tpu.memory_space<vmem_shared>>) target_semaphore(%arg41 : memref<!tpu.dma_semaphore, #tpu.memory_space<semaphore_mem>>)
    %add3A_139 = arith.constant 336 : i32
    %add3A_140 = arith.addi %mul3A_13, %add3A_139 : i32
    %dma_start3A_141 = arith.constant 0 : i32
    %dma_start3A_142 = tpu.memref_slice %arg18[%add3A_140, %dma_start3A_141] : memref<10000x128xf32, #tpu.memory_space<vmem_shared>> -> memref<16x128xf32, #tpu.memory_space<vmem_shared>>
    %dma_start3A_143 = arith.constant 0 : i32
    %dma_start3A_144 = tpu.memref_slice %arg18[%add3A_140, %dma_start3A_143] : memref<10000x128xf32, #tpu.memory_space<vmem_shared>> -> memref<16x128xf32, #tpu.memory_space<vmem_shared>>
    tpu.enqueue_dma source(%arg17 : memref<16x128xf32, #tpu.memory_space<vmem>>) target(%dma_start3A_144 : memref<16x128xf32, #tpu.memory_space<vmem_shared>>) target_semaphore(%arg42 : memref<!tpu.dma_semaphore, #tpu.memory_space<semaphore_mem>>)
    %add3A_145 = arith.constant 352 : i32
    %add3A_146 = arith.addi %mul3A_13, %add3A_145 : i32
    %dma_start3A_147 = arith.constant 0 : i32
    %dma_start3A_148 = tpu.memref_slice %arg18[%add3A_146, %dma_start3A_147] : memref<10000x128xf32, #tpu.memory_space<vmem_shared>> -> memref<16x128xf32, #tpu.memory_space<vmem_shared>>
    %dma_start3A_149 = arith.constant 0 : i32
    %dma_start3A_150 = tpu.memref_slice %arg18[%add3A_146, %dma_start3A_149] : memref<10000x128xf32, #tpu.memory_space<vmem_shared>> -> memref<16x128xf32, #tpu.memory_space<vmem_shared>>
    tpu.enqueue_dma source(%arg16 : memref<16x128xf32, #tpu.memory_space<vmem>>) target(%dma_start3A_150 : memref<16x128xf32, #tpu.memory_space<vmem_shared>>) target_semaphore(%arg41 : memref<!tpu.dma_semaphore, #tpu.memory_space<semaphore_mem>>)
    %add3A_151 = arith.constant 368 : i32
    %add3A_152 = arith.addi %mul3A_13, %add3A_151 : i32
    %dma_start3A_153 = arith.constant 0 : i32
    %dma_start3A_154 = tpu.memref_slice %arg18[%add3A_152, %dma_start3A_153] : memref<10000x128xf32, #tpu.memory_space<vmem_shared>> -> memref<16x128xf32, #tpu.memory_space<vmem_shared>>
    %dma_start3A_155 = arith.constant 0 : i32
    %dma_start3A_156 = tpu.memref_slice %arg18[%add3A_152, %dma_start3A_155] : memref<10000x128xf32, #tpu.memory_space<vmem_shared>> -> memref<16x128xf32, #tpu.memory_space<vmem_shared>>
    tpu.enqueue_dma source(%arg17 : memref<16x128xf32, #tpu.memory_space<vmem>>) target(%dma_start3A_156 : memref<16x128xf32, #tpu.memory_space<vmem_shared>>) target_semaphore(%arg42 : memref<!tpu.dma_semaphore, #tpu.memory_space<semaphore_mem>>)
    %add3A_157 = arith.constant 384 : i32
    %add3A_158 = arith.addi %mul3A_13, %add3A_157 : i32
    %dma_start3A_159 = arith.constant 0 : i32
    %dma_start3A_160 = tpu.memref_slice %arg18[%add3A_158, %dma_start3A_159] : memref<10000x128xf32, #tpu.memory_space<vmem_shared>> -> memref<16x128xf32, #tpu.memory_space<vmem_shared>>
    %dma_start3A_161 = arith.constant 0 : i32
    %dma_start3A_162 = tpu.memref_slice %arg18[%add3A_158, %dma_start3A_161] : memref<10000x128xf32, #tpu.memory_space<vmem_shared>> -> memref<16x128xf32, #tpu.memory_space<vmem_shared>>
    tpu.enqueue_dma source(%arg16 : memref<16x128xf32, #tpu.memory_space<vmem>>) target(%dma_start3A_162 : memref<16x128xf32, #tpu.memory_space<vmem_shared>>) target_semaphore(%arg41 : memref<!tpu.dma_semaphore, #tpu.memory_space<semaphore_mem>>)
    %add3A_163 = arith.constant 400 : i32
    %add3A_164 = arith.addi %mul3A_13, %add3A_163 : i32
    %dma_start3A_165 = arith.constant 0 : i32
    %dma_start3A_166 = tpu.memref_slice %arg18[%add3A_164, %dma_start3A_165] : memref<10000x128xf32, #tpu.memory_space<vmem_shared>> -> memref<16x128xf32, #tpu.memory_space<vmem_shared>>
    %dma_start3A_167 = arith.constant 0 : i32
    %dma_start3A_168 = tpu.memref_slice %arg18[%add3A_164, %dma_start3A_167] : memref<10000x128xf32, #tpu.memory_space<vmem_shared>> -> memref<16x128xf32, #tpu.memory_space<vmem_shared>>
    tpu.enqueue_dma source(%arg17 : memref<16x128xf32, #tpu.memory_space<vmem>>) target(%dma_start3A_168 : memref<16x128xf32, #tpu.memory_space<vmem_shared>>) target_semaphore(%arg42 : memref<!tpu.dma_semaphore, #tpu.memory_space<semaphore_mem>>)
    %add3A_169 = arith.constant 416 : i32
    %add3A_170 = arith.addi %mul3A_13, %add3A_169 : i32
    %dma_start3A_171 = arith.constant 0 : i32
    %dma_start3A_172 = tpu.memref_slice %arg18[%add3A_170, %dma_start3A_171] : memref<10000x128xf32, #tpu.memory_space<vmem_shared>> -> memref<16x128xf32, #tpu.memory_space<vmem_shared>>
    %dma_start3A_173 = arith.constant 0 : i32
    %dma_start3A_174 = tpu.memref_slice %arg18[%add3A_170, %dma_start3A_173] : memref<10000x128xf32, #tpu.memory_space<vmem_shared>> -> memref<16x128xf32, #tpu.memory_space<vmem_shared>>
    tpu.enqueue_dma source(%arg16 : memref<16x128xf32, #tpu.memory_space<vmem>>) target(%dma_start3A_174 : memref<16x128xf32, #tpu.memory_space<vmem_shared>>) target_semaphore(%arg41 : memref<!tpu.dma_semaphore, #tpu.memory_space<semaphore_mem>>)
    %add3A_175 = arith.constant 432 : i32
    %add3A_176 = arith.addi %mul3A_13, %add3A_175 : i32
    %dma_start3A_177 = arith.constant 0 : i32
    %dma_start3A_178 = tpu.memref_slice %arg18[%add3A_176, %dma_start3A_177] : memref<10000x128xf32, #tpu.memory_space<vmem_shared>> -> memref<16x128xf32, #tpu.memory_space<vmem_shared>>
    %dma_start3A_179 = arith.constant 0 : i32
    %dma_start3A_180 = tpu.memref_slice %arg18[%add3A_176, %dma_start3A_179] : memref<10000x128xf32, #tpu.memory_space<vmem_shared>> -> memref<16x128xf32, #tpu.memory_space<vmem_shared>>
    tpu.enqueue_dma source(%arg17 : memref<16x128xf32, #tpu.memory_space<vmem>>) target(%dma_start3A_180 : memref<16x128xf32, #tpu.memory_space<vmem_shared>>) target_semaphore(%arg42 : memref<!tpu.dma_semaphore, #tpu.memory_space<semaphore_mem>>)
    %add3A_181 = arith.constant 448 : i32
    %add3A_182 = arith.addi %mul3A_13, %add3A_181 : i32
    %dma_start3A_183 = arith.constant 0 : i32
    %dma_start3A_184 = tpu.memref_slice %arg18[%add3A_182, %dma_start3A_183] : memref<10000x128xf32, #tpu.memory_space<vmem_shared>> -> memref<16x128xf32, #tpu.memory_space<vmem_shared>>
    %dma_start3A_185 = arith.constant 0 : i32
    %dma_start3A_186 = tpu.memref_slice %arg18[%add3A_182, %dma_start3A_185] : memref<10000x128xf32, #tpu.memory_space<vmem_shared>> -> memref<16x128xf32, #tpu.memory_space<vmem_shared>>
    tpu.enqueue_dma source(%arg16 : memref<16x128xf32, #tpu.memory_space<vmem>>) target(%dma_start3A_186 : memref<16x128xf32, #tpu.memory_space<vmem_shared>>) target_semaphore(%arg41 : memref<!tpu.dma_semaphore, #tpu.memory_space<semaphore_mem>>)
    %add3A_187 = arith.constant 464 : i32
    %add3A_188 = arith.addi %mul3A_13, %add3A_187 : i32
    %dma_start3A_189 = arith.constant 0 : i32
    %dma_start3A_190 = tpu.memref_slice %arg18[%add3A_188, %dma_start3A_189] : memref<10000x128xf32, #tpu.memory_space<vmem_shared>> -> memref<16x128xf32, #tpu.memory_space<vmem_shared>>
    %dma_start3A_191 = arith.constant 0 : i32
    %dma_start3A_192 = tpu.memref_slice %arg18[%add3A_188, %dma_start3A_191] : memref<10000x128xf32, #tpu.memory_space<vmem_shared>> -> memref<16x128xf32, #tpu.memory_space<vmem_shared>>
    tpu.enqueue_dma source(%arg17 : memref<16x128xf32, #tpu.memory_space<vmem>>) target(%dma_start3A_192 : memref<16x128xf32, #tpu.memory_space<vmem_shared>>) target_semaphore(%arg42 : memref<!tpu.dma_semaphore, #tpu.memory_space<semaphore_mem>>)
    %add3A_193 = arith.constant 480 : i32
    %add3A_194 = arith.addi %mul3A_13, %add3A_193 : i32
    %dma_start3A_195 = arith.constant 0 : i32
    %dma_start3A_196 = tpu.memref_slice %arg18[%add3A_194, %dma_start3A_195] : memref<10000x128xf32, #tpu.memory_space<vmem_shared>> -> memref<16x128xf32, #tpu.memory_space<vmem_shared>>
    %dma_start3A_197 = arith.constant 0 : i32
    %dma_start3A_198 = tpu.memref_slice %arg18[%add3A_194, %dma_start3A_197] : memref<10000x128xf32, #tpu.memory_space<vmem_shared>> -> memref<16x128xf32, #tpu.memory_space<vmem_shared>>
    tpu.enqueue_dma source(%arg16 : memref<16x128xf32, #tpu.memory_space<vmem>>) target(%dma_start3A_198 : memref<16x128xf32, #tpu.memory_space<vmem_shared>>) target_semaphore(%arg41 : memref<!tpu.dma_semaphore, #tpu.memory_space<semaphore_mem>>)
    %add3A_199 = arith.constant 496 : i32
    %add3A_200 = arith.addi %mul3A_13, %add3A_199 : i32
    %dma_start3A_201 = arith.constant 0 : i32
    %dma_start3A_202 = tpu.memref_slice %arg18[%add3A_200, %dma_start3A_201] : memref<10000x128xf32, #tpu.memory_space<vmem_shared>> -> memref<16x128xf32, #tpu.memory_space<vmem_shared>>
    %dma_start3A_203 = arith.constant 0 : i32
    %dma_start3A_204 = tpu.memref_slice %arg18[%add3A_200, %dma_start3A_203] : memref<10000x128xf32, #tpu.memory_space<vmem_shared>> -> memref<16x128xf32, #tpu.memory_space<vmem_shared>>
    tpu.enqueue_dma source(%arg17 : memref<16x128xf32, #tpu.memory_space<vmem>>) target(%dma_start3A_204 : memref<16x128xf32, #tpu.memory_space<vmem_shared>>) target_semaphore(%arg42 : memref<!tpu.dma_semaphore, #tpu.memory_space<semaphore_mem>>)
    %add3A_205 = arith.constant 512 : i32
    %add3A_206 = arith.addi %mul3A_13, %add3A_205 : i32
    %dma_start3A_207 = arith.constant 0 : i32
    %dma_start3A_208 = tpu.memref_slice %arg18[%add3A_206, %dma_start3A_207] : memref<10000x128xf32, #tpu.memory_space<vmem_shared>> -> memref<16x128xf32, #tpu.memory_space<vmem_shared>>
    %dma_start3A_209 = arith.constant 0 : i32
    %dma_start3A_210 = tpu.memref_slice %arg18[%add3A_206, %dma_start3A_209] : memref<10000x128xf32, #tpu.memory_space<vmem_shared>> -> memref<16x128xf32, #tpu.memory_space<vmem_shared>>
    tpu.enqueue_dma source(%arg16 : memref<16x128xf32, #tpu.memory_space<vmem>>) target(%dma_start3A_210 : memref<16x128xf32, #tpu.memory_space<vmem_shared>>) target_semaphore(%arg41 : memref<!tpu.dma_semaphore, #tpu.memory_space<semaphore_mem>>)
    %add3A_211 = arith.constant 528 : i32
    %add3A_212 = arith.addi %mul3A_13, %add3A_211 : i32
    %dma_start3A_213 = arith.constant 0 : i32
    %dma_start3A_214 = tpu.memref_slice %arg18[%add3A_212, %dma_start3A_213] : memref<10000x128xf32, #tpu.memory_space<vmem_shared>> -> memref<16x128xf32, #tpu.memory_space<vmem_shared>>
    %dma_start3A_215 = arith.constant 0 : i32
    %dma_start3A_216 = tpu.memref_slice %arg18[%add3A_212, %dma_start3A_215] : memref<10000x128xf32, #tpu.memory_space<vmem_shared>> -> memref<16x128xf32, #tpu.memory_space<vmem_shared>>
    tpu.enqueue_dma source(%arg17 : memref<16x128xf32, #tpu.memory_space<vmem>>) target(%dma_start3A_216 : memref<16x128xf32, #tpu.memory_space<vmem_shared>>) target_semaphore(%arg42 : memref<!tpu.dma_semaphore, #tpu.memory_space<semaphore_mem>>)
    %add3A_217 = arith.constant 544 : i32
    %add3A_218 = arith.addi %mul3A_13, %add3A_217 : i32
    %dma_start3A_219 = arith.constant 0 : i32
    %dma_start3A_220 = tpu.memref_slice %arg18[%add3A_218, %dma_start3A_219] : memref<10000x128xf32, #tpu.memory_space<vmem_shared>> -> memref<16x128xf32, #tpu.memory_space<vmem_shared>>
    %dma_start3A_221 = arith.constant 0 : i32
    %dma_start3A_222 = tpu.memref_slice %arg18[%add3A_218, %dma_start3A_221] : memref<10000x128xf32, #tpu.memory_space<vmem_shared>> -> memref<16x128xf32, #tpu.memory_space<vmem_shared>>
    tpu.enqueue_dma source(%arg16 : memref<16x128xf32, #tpu.memory_space<vmem>>) target(%dma_start3A_222 : memref<16x128xf32, #tpu.memory_space<vmem_shared>>) target_semaphore(%arg41 : memref<!tpu.dma_semaphore, #tpu.memory_space<semaphore_mem>>)
    %add3A_223 = arith.constant 560 : i32
    %add3A_224 = arith.addi %mul3A_13, %add3A_223 : i32
    %dma_start3A_225 = arith.constant 0 : i32
    %dma_start3A_226 = tpu.memref_slice %arg18[%add3A_224, %dma_start3A_225] : memref<10000x128xf32, #tpu.memory_space<vmem_shared>> -> memref<16x128xf32, #tpu.memory_space<vmem_shared>>
    %dma_start3A_227 = arith.constant 0 : i32
    %dma_start3A_228 = tpu.memref_slice %arg18[%add3A_224, %dma_start3A_227] : memref<10000x128xf32, #tpu.memory_space<vmem_shared>> -> memref<16x128xf32, #tpu.memory_space<vmem_shared>>
    tpu.enqueue_dma source(%arg17 : memref<16x128xf32, #tpu.memory_space<vmem>>) target(%dma_start3A_228 : memref<16x128xf32, #tpu.memory_space<vmem_shared>>) target_semaphore(%arg42 : memref<!tpu.dma_semaphore, #tpu.memory_space<semaphore_mem>>)
    %add3A_229 = arith.constant 576 : i32
    %add3A_230 = arith.addi %mul3A_13, %add3A_229 : i32
    %dma_start3A_231 = arith.constant 0 : i32
    %dma_start3A_232 = tpu.memref_slice %arg18[%add3A_230, %dma_start3A_231] : memref<10000x128xf32, #tpu.memory_space<vmem_shared>> -> memref<16x128xf32, #tpu.memory_space<vmem_shared>>
    %dma_start3A_233 = arith.constant 0 : i32
    %dma_start3A_234 = tpu.memref_slice %arg18[%add3A_230, %dma_start3A_233] : memref<10000x128xf32, #tpu.memory_space<vmem_shared>> -> memref<16x128xf32, #tpu.memory_space<vmem_shared>>
    tpu.enqueue_dma source(%arg16 : memref<16x128xf32, #tpu.memory_space<vmem>>) target(%dma_start3A_234 : memref<16x128xf32, #tpu.memory_space<vmem_shared>>) target_semaphore(%arg41 : memref<!tpu.dma_semaphore, #tpu.memory_space<semaphore_mem>>)
    %add3A_235 = arith.constant 592 : i32
    %add3A_236 = arith.addi %mul3A_13, %add3A_235 : i32
    %dma_start3A_237 = arith.constant 0 : i32
    %dma_start3A_238 = tpu.memref_slice %arg18[%add3A_236, %dma_start3A_237] : memref<10000x128xf32, #tpu.memory_space<vmem_shared>> -> memref<16x128xf32, #tpu.memory_space<vmem_shared>>
    %dma_start3A_239 = arith.constant 0 : i32
    %dma_start3A_240 = tpu.memref_slice %arg18[%add3A_236, %dma_start3A_239] : memref<10000x128xf32, #tpu.memory_space<vmem_shared>> -> memref<16x128xf32, #tpu.memory_space<vmem_shared>>
    tpu.enqueue_dma source(%arg17 : memref<16x128xf32, #tpu.memory_space<vmem>>) target(%dma_start3A_240 : memref<16x128xf32, #tpu.memory_space<vmem_shared>>) target_semaphore(%arg42 : memref<!tpu.dma_semaphore, #tpu.memory_space<semaphore_mem>>)
    %add3A_241 = arith.constant 608 : i32
    %add3A_242 = arith.addi %mul3A_13, %add3A_241 : i32
    %dma_start3A_243 = arith.constant 0 : i32
    %dma_start3A_244 = tpu.memref_slice %arg18[%add3A_242, %dma_start3A_243] : memref<10000x128xf32, #tpu.memory_space<vmem_shared>> -> memref<16x128xf32, #tpu.memory_space<vmem_shared>>
    %dma_start3A_245 = arith.constant 0 : i32
    %dma_start3A_246 = tpu.memref_slice %arg18[%add3A_242, %dma_start3A_245] : memref<10000x128xf32, #tpu.memory_space<vmem_shared>> -> memref<16x128xf32, #tpu.memory_space<vmem_shared>>
    tpu.enqueue_dma source(%arg16 : memref<16x128xf32, #tpu.memory_space<vmem>>) target(%dma_start3A_246 : memref<16x128xf32, #tpu.memory_space<vmem_shared>>) target_semaphore(%arg41 : memref<!tpu.dma_semaphore, #tpu.memory_space<semaphore_mem>>)
    %eq3A = arith.constant 15 : i32
    %eq3A_247 = arith.cmpi eq, %arg1, %eq3A : i32
    %convert_element_type3A = arith.extui %eq3A_247 : i1 to i32
    %cond3A = arith.constant 0 : i32
    %cond3A_248 = arith.cmpi ne, %convert_element_type3A, %cond3A : i32
    scf.if %cond3A_248 {
      %dma_start3A_634 = arith.constant 9984 : i32
      %dma_start3A_635 = arith.constant 0 : i32
      %dma_start3A_636 = tpu.memref_slice %arg18[%dma_start3A_634, %dma_start3A_635] : memref<10000x128xf32, #tpu.memory_space<vmem_shared>> -> memref<16x128xf32, #tpu.memory_space<vmem_shared>>
      %dma_start3A_637 = arith.constant 9984 : i32
      %dma_start3A_638 = arith.constant 0 : i32
      %dma_start3A_639 = tpu.memref_slice %arg18[%dma_start3A_637, %dma_start3A_638] : memref<10000x128xf32, #tpu.memory_space<vmem_shared>> -> memref<16x128xf32, #tpu.memory_space<vmem_shared>>
      tpu.enqueue_dma source(%arg17 : memref<16x128xf32, #tpu.memory_space<vmem>>) target(%dma_start3A_639 : memref<16x128xf32, #tpu.memory_space<vmem_shared>>) target_semaphore(%arg42 : memref<!tpu.dma_semaphore, #tpu.memory_space<semaphore_mem>>)
    } else {
    }
    %get3A = arith.constant 0 : index
    %get3A_249 = tpu.vector_load %arg5[%get3A] {strides = array<i32>} : memref<10000xi32, #tpu.memory_space<vmem>>, vector<16xi32>,
    %get3A_250 = vector.shape_cast %get3A_249 : vector<16xi32> to vector<16xi32>
    %and3A = arith.constant 65535 : i32
    %and3A_251 = vector.broadcast %and3A : i32 to vector<16xi32>
    %and3A_252 = arith.andi %get3A_250, %and3A_251 : vector<16xi32>
    %dma_start3A_253 = arith.constant 0 : i32
    %dma_start3A_254 = arith.constant 0 : i32
    %dma_start3A_255 = tpu.memref_slice %arg2[%dma_start3A_253, %dma_start3A_254] : memref<40000x128xf32, #tpu.memory_space<hbm>> -> memref<40000x128xf32, #tpu.memory_space<hbm>>
    tpu.enqueue_indirect_dma source(%dma_start3A_255 : memref<40000x128xf32, #tpu.memory_space<hbm>>) target(%arg6 : memref<16x128xf32, #tpu.memory_space<vmem>>) offsets(%and3A_252 : vector<16xi32>) semaphore(%arg19 : memref<!tpu.dma_semaphore, #tpu.memory_space<semaphore_mem>>)
    %get3A_256 = arith.constant 16 : index
    %get3A_257 = tpu.vector_load %arg5[%get3A_256] {strides = array<i32>} : memref<10000xi32, #tpu.memory_space<vmem>>, vector<16xi32>,
    %get3A_258 = vector.shape_cast %get3A_257 : vector<16xi32> to vector<16xi32>
    %and3A_259 = arith.constant 65535 : i32
    %and3A_260 = vector.broadcast %and3A_259 : i32 to vector<16xi32>
    %and3A_261 = arith.andi %get3A_258, %and3A_260 : vector<16xi32>
    %dma_start3A_262 = arith.constant 0 : i32
    %dma_start3A_263 = arith.constant 0 : i32
    %dma_start3A_264 = tpu.memref_slice %arg2[%dma_start3A_262, %dma_start3A_263] : memref<40000x128xf32, #tpu.memory_space<hbm>> -> memref<40000x128xf32, #tpu.memory_space<hbm>>
    tpu.enqueue_indirect_dma source(%dma_start3A_264 : memref<40000x128xf32, #tpu.memory_space<hbm>>) target(%arg7 : memref<16x128xf32, #tpu.memory_space<vmem>>) offsets(%and3A_261 : vector<16xi32>) semaphore(%arg20 : memref<!tpu.dma_semaphore, #tpu.memory_space<semaphore_mem>>)
    %get3A_265 = arith.constant 32 : index
    %get3A_266 = tpu.vector_load %arg5[%get3A_265] {strides = array<i32>} : memref<10000xi32, #tpu.memory_space<vmem>>, vector<16xi32>,
    %get3A_267 = vector.shape_cast %get3A_266 : vector<16xi32> to vector<16xi32>
    %and3A_268 = arith.constant 65535 : i32
    %and3A_269 = vector.broadcast %and3A_268 : i32 to vector<16xi32>
    %and3A_270 = arith.andi %get3A_267, %and3A_269 : vector<16xi32>
    %dma_start3A_271 = arith.constant 0 : i32
    %dma_start3A_272 = arith.constant 0 : i32
    %dma_start3A_273 = tpu.memref_slice %arg2[%dma_start3A_271, %dma_start3A_272] : memref<40000x128xf32, #tpu.memory_space<hbm>> -> memref<40000x128xf32, #tpu.memory_space<hbm>>
    tpu.enqueue_indirect_dma source(%dma_start3A_273 : memref<40000x128xf32, #tpu.memory_space<hbm>>) target(%arg8 : memref<16x128xf32, #tpu.memory_space<vmem>>) offsets(%and3A_270 : vector<16xi32>) semaphore(%arg21 : memref<!tpu.dma_semaphore, #tpu.memory_space<semaphore_mem>>)
    %get3A_274 = arith.constant 48 : index
    %get3A_275 = tpu.vector_load %arg5[%get3A_274] {strides = array<i32>} : memref<10000xi32, #tpu.memory_space<vmem>>, vector<16xi32>,
    %get3A_276 = vector.shape_cast %get3A_275 : vector<16xi32> to vector<16xi32>
    %and3A_277 = arith.constant 65535 : i32
    %and3A_278 = vector.broadcast %and3A_277 : i32 to vector<16xi32>
    %and3A_279 = arith.andi %get3A_276, %and3A_278 : vector<16xi32>
    %dma_start3A_280 = arith.constant 0 : i32
    %dma_start3A_281 = arith.constant 0 : i32
    %dma_start3A_282 = tpu.memref_slice %arg2[%dma_start3A_280, %dma_start3A_281] : memref<40000x128xf32, #tpu.memory_space<hbm>> -> memref<40000x128xf32, #tpu.memory_space<hbm>>
    tpu.enqueue_indirect_dma source(%dma_start3A_282 : memref<40000x128xf32, #tpu.memory_space<hbm>>) target(%arg9 : memref<16x128xf32, #tpu.memory_space<vmem>>) offsets(%and3A_279 : vector<16xi32>) semaphore(%arg22 : memref<!tpu.dma_semaphore, #tpu.memory_space<semaphore_mem>>)
    %get3A_283 = arith.constant 64 : index
    %get3A_284 = tpu.vector_load %arg5[%get3A_283] {strides = array<i32>} : memref<10000xi32, #tpu.memory_space<vmem>>, vector<16xi32>,
    %get3A_285 = vector.shape_cast %get3A_284 : vector<16xi32> to vector<16xi32>
    %and3A_286 = arith.constant 65535 : i32
    %and3A_287 = vector.broadcast %and3A_286 : i32 to vector<16xi32>
    %and3A_288 = arith.andi %get3A_285, %and3A_287 : vector<16xi32>
    %dma_start3A_289 = arith.constant 0 : i32
    %dma_start3A_290 = arith.constant 0 : i32
    %dma_start3A_291 = tpu.memref_slice %arg2[%dma_start3A_289, %dma_start3A_290] : memref<40000x128xf32, #tpu.memory_space<hbm>> -> memref<40000x128xf32, #tpu.memory_space<hbm>>
    tpu.enqueue_indirect_dma source(%dma_start3A_291 : memref<40000x128xf32, #tpu.memory_space<hbm>>) target(%arg10 : memref<16x128xf32, #tpu.memory_space<vmem>>) offsets(%and3A_288 : vector<16xi32>) semaphore(%arg23 : memref<!tpu.dma_semaphore, #tpu.memory_space<semaphore_mem>>)
    %get3A_292 = arith.constant 80 : index
    %get3A_293 = tpu.vector_load %arg5[%get3A_292] {strides = array<i32>} : memref<10000xi32, #tpu.memory_space<vmem>>, vector<16xi32>,
    %get3A_294 = vector.shape_cast %get3A_293 : vector<16xi32> to vector<16xi32>
    %and3A_295 = arith.constant 65535 : i32
    %and3A_296 = vector.broadcast %and3A_295 : i32 to vector<16xi32>
    %and3A_297 = arith.andi %get3A_294, %and3A_296 : vector<16xi32>
    %dma_start3A_298 = arith.constant 0 : i32
    %dma_start3A_299 = arith.constant 0 : i32
    %dma_start3A_300 = tpu.memref_slice %arg2[%dma_start3A_298, %dma_start3A_299] : memref<40000x128xf32, #tpu.memory_space<hbm>> -> memref<40000x128xf32, #tpu.memory_space<hbm>>
    tpu.enqueue_indirect_dma source(%dma_start3A_300 : memref<40000x128xf32, #tpu.memory_space<hbm>>) target(%arg11 : memref<16x128xf32, #tpu.memory_space<vmem>>) offsets(%and3A_297 : vector<16xi32>) semaphore(%arg24 : memref<!tpu.dma_semaphore, #tpu.memory_space<semaphore_mem>>)
    %add3A_301 = arith.constant 0 : i32
    %add3A_302 = arith.addi %mul3A_13, %add3A_301 : i32
    %dma_wait3A = arith.constant 0 : i32
    %dma_wait3A_303 = tpu.memref_slice %arg18[%add3A_302, %dma_wait3A] : memref<10000x128xf32, #tpu.memory_space<vmem_shared>> -> memref<16x128xf32, #tpu.memory_space<vmem_shared>>
    %dma_wait3A_304 = arith.constant 0 : i32
    %dma_wait3A_305 = tpu.memref_slice %arg18[%add3A_302, %dma_wait3A_304] : memref<10000x128xf32, #tpu.memory_space<vmem_shared>> -> memref<16x128xf32, #tpu.memory_space<vmem_shared>>
    tpu.wait_dma2 semaphore(%arg41 : memref<!tpu.dma_semaphore, #tpu.memory_space<semaphore_mem>>) src(%arg16 : memref<16x128xf32, #tpu.memory_space<vmem>>) dst(%dma_wait3A_305 : memref<16x128xf32, #tpu.memory_space<vmem_shared>>)
    %add3A_306 = arith.constant 16 : i32
    %add3A_307 = arith.addi %mul3A_13, %add3A_306 : i32
    %dma_wait3A_308 = arith.constant 0 : i32
    %dma_wait3A_309 = tpu.memref_slice %arg18[%add3A_307, %dma_wait3A_308] : memref<10000x128xf32, #tpu.memory_space<vmem_shared>> -> memref<16x128xf32, #tpu.memory_space<vmem_shared>>
    %dma_wait3A_310 = arith.constant 0 : i32
    %dma_wait3A_311 = tpu.memref_slice %arg18[%add3A_307, %dma_wait3A_310] : memref<10000x128xf32, #tpu.memory_space<vmem_shared>> -> memref<16x128xf32, #tpu.memory_space<vmem_shared>>
    tpu.wait_dma2 semaphore(%arg42 : memref<!tpu.dma_semaphore, #tpu.memory_space<semaphore_mem>>) src(%arg17 : memref<16x128xf32, #tpu.memory_space<vmem>>) dst(%dma_wait3A_311 : memref<16x128xf32, #tpu.memory_space<vmem_shared>>)
    %add3A_312 = arith.constant 32 : i32
    %add3A_313 = arith.addi %mul3A_13, %add3A_312 : i32
    %dma_wait3A_314 = arith.constant 0 : i32
    %dma_wait3A_315 = tpu.memref_slice %arg18[%add3A_313, %dma_wait3A_314] : memref<10000x128xf32, #tpu.memory_space<vmem_shared>> -> memref<16x128xf32, #tpu.memory_space<vmem_shared>>
    %dma_wait3A_316 = arith.constant 0 : i32
    %dma_wait3A_317 = tpu.memref_slice %arg18[%add3A_313, %dma_wait3A_316] : memref<10000x128xf32, #tpu.memory_space<vmem_shared>> -> memref<16x128xf32, #tpu.memory_space<vmem_shared>>
    tpu.wait_dma2 semaphore(%arg41 : memref<!tpu.dma_semaphore, #tpu.memory_space<semaphore_mem>>) src(%arg16 : memref<16x128xf32, #tpu.memory_space<vmem>>) dst(%dma_wait3A_317 : memref<16x128xf32, #tpu.memory_space<vmem_shared>>)
    %add3A_318 = arith.constant 48 : i32
    %add3A_319 = arith.addi %mul3A_13, %add3A_318 : i32
    %dma_wait3A_320 = arith.constant 0 : i32
    %dma_wait3A_321 = tpu.memref_slice %arg18[%add3A_319, %dma_wait3A_320] : memref<10000x128xf32, #tpu.memory_space<vmem_shared>> -> memref<16x128xf32, #tpu.memory_space<vmem_shared>>
    %dma_wait3A_322 = arith.constant 0 : i32
    %dma_wait3A_323 = tpu.memref_slice %arg18[%add3A_319, %dma_wait3A_322] : memref<10000x128xf32, #tpu.memory_space<vmem_shared>> -> memref<16x128xf32, #tpu.memory_space<vmem_shared>>
    tpu.wait_dma2 semaphore(%arg42 : memref<!tpu.dma_semaphore, #tpu.memory_space<semaphore_mem>>) src(%arg17 : memref<16x128xf32, #tpu.memory_space<vmem>>) dst(%dma_wait3A_323 : memref<16x128xf32, #tpu.memory_space<vmem_shared>>)
    %add3A_324 = arith.constant 64 : i32
    %add3A_325 = arith.addi %mul3A_13, %add3A_324 : i32
    %dma_wait3A_326 = arith.constant 0 : i32
    %dma_wait3A_327 = tpu.memref_slice %arg18[%add3A_325, %dma_wait3A_326] : memref<10000x128xf32, #tpu.memory_space<vmem_shared>> -> memref<16x128xf32, #tpu.memory_space<vmem_shared>>
    %dma_wait3A_328 = arith.constant 0 : i32
    %dma_wait3A_329 = tpu.memref_slice %arg18[%add3A_325, %dma_wait3A_328] : memref<10000x128xf32, #tpu.memory_space<vmem_shared>> -> memref<16x128xf32, #tpu.memory_space<vmem_shared>>
    tpu.wait_dma2 semaphore(%arg41 : memref<!tpu.dma_semaphore, #tpu.memory_space<semaphore_mem>>) src(%arg16 : memref<16x128xf32, #tpu.memory_space<vmem>>) dst(%dma_wait3A_329 : memref<16x128xf32, #tpu.memory_space<vmem_shared>>)
    %add3A_330 = arith.constant 80 : i32
    %add3A_331 = arith.addi %mul3A_13, %add3A_330 : i32
    %dma_wait3A_332 = arith.constant 0 : i32
    %dma_wait3A_333 = tpu.memref_slice %arg18[%add3A_331, %dma_wait3A_332] : memref<10000x128xf32, #tpu.memory_space<vmem_shared>> -> memref<16x128xf32, #tpu.memory_space<vmem_shared>>
    %dma_wait3A_334 = arith.constant 0 : i32
    %dma_wait3A_335 = tpu.memref_slice %arg18[%add3A_331, %dma_wait3A_334] : memref<10000x128xf32, #tpu.memory_space<vmem_shared>> -> memref<16x128xf32, #tpu.memory_space<vmem_shared>>
    tpu.wait_dma2 semaphore(%arg42 : memref<!tpu.dma_semaphore, #tpu.memory_space<semaphore_mem>>) src(%arg17 : memref<16x128xf32, #tpu.memory_space<vmem>>) dst(%dma_wait3A_335 : memref<16x128xf32, #tpu.memory_space<vmem_shared>>)
    %add3A_336 = arith.constant 96 : i32
    %add3A_337 = arith.addi %mul3A_13, %add3A_336 : i32
    %dma_wait3A_338 = arith.constant 0 : i32
    %dma_wait3A_339 = tpu.memref_slice %arg18[%add3A_337, %dma_wait3A_338] : memref<10000x128xf32, #tpu.memory_space<vmem_shared>> -> memref<16x128xf32, #tpu.memory_space<vmem_shared>>
    %dma_wait3A_340 = arith.constant 0 : i32
    %dma_wait3A_341 = tpu.memref_slice %arg18[%add3A_337, %dma_wait3A_340] : memref<10000x128xf32, #tpu.memory_space<vmem_shared>> -> memref<16x128xf32, #tpu.memory_space<vmem_shared>>
    tpu.wait_dma2 semaphore(%arg41 : memref<!tpu.dma_semaphore, #tpu.memory_space<semaphore_mem>>) src(%arg16 : memref<16x128xf32, #tpu.memory_space<vmem>>) dst(%dma_wait3A_341 : memref<16x128xf32, #tpu.memory_space<vmem_shared>>)
    %add3A_342 = arith.constant 112 : i32
    %add3A_343 = arith.addi %mul3A_13, %add3A_342 : i32
    %dma_wait3A_344 = arith.constant 0 : i32
    %dma_wait3A_345 = tpu.memref_slice %arg18[%add3A_343, %dma_wait3A_344] : memref<10000x128xf32, #tpu.memory_space<vmem_shared>> -> memref<16x128xf32, #tpu.memory_space<vmem_shared>>
    %dma_wait3A_346 = arith.constant 0 : i32
    %dma_wait3A_347 = tpu.memref_slice %arg18[%add3A_343, %dma_wait3A_346] : memref<10000x128xf32, #tpu.memory_space<vmem_shared>> -> memref<16x128xf32, #tpu.memory_space<vmem_shared>>
    tpu.wait_dma2 semaphore(%arg42 : memref<!tpu.dma_semaphore, #tpu.memory_space<semaphore_mem>>) src(%arg17 : memref<16x128xf32, #tpu.memory_space<vmem>>) dst(%dma_wait3A_347 : memref<16x128xf32, #tpu.memory_space<vmem_shared>>)
    %add3A_348 = arith.constant 128 : i32
    %add3A_349 = arith.addi %mul3A_13, %add3A_348 : i32
    %dma_wait3A_350 = arith.constant 0 : i32
    %dma_wait3A_351 = tpu.memref_slice %arg18[%add3A_349, %dma_wait3A_350] : memref<10000x128xf32, #tpu.memory_space<vmem_shared>> -> memref<16x128xf32, #tpu.memory_space<vmem_shared>>
    %dma_wait3A_352 = arith.constant 0 : i32
    %dma_wait3A_353 = tpu.memref_slice %arg18[%add3A_349, %dma_wait3A_352] : memref<10000x128xf32, #tpu.memory_space<vmem_shared>> -> memref<16x128xf32, #tpu.memory_space<vmem_shared>>
    tpu.wait_dma2 semaphore(%arg41 : memref<!tpu.dma_semaphore, #tpu.memory_space<semaphore_mem>>) src(%arg16 : memref<16x128xf32, #tpu.memory_space<vmem>>) dst(%dma_wait3A_353 : memref<16x128xf32, #tpu.memory_space<vmem_shared>>)
    %add3A_354 = arith.constant 144 : i32
    %add3A_355 = arith.addi %mul3A_13, %add3A_354 : i32
    %dma_wait3A_356 = arith.constant 0 : i32
    %dma_wait3A_357 = tpu.memref_slice %arg18[%add3A_355, %dma_wait3A_356] : memref<10000x128xf32, #tpu.memory_space<vmem_shared>> -> memref<16x128xf32, #tpu.memory_space<vmem_shared>>
    %dma_wait3A_358 = arith.constant 0 : i32
    %dma_wait3A_359 = tpu.memref_slice %arg18[%add3A_355, %dma_wait3A_358] : memref<10000x128xf32, #tpu.memory_space<vmem_shared>> -> memref<16x128xf32, #tpu.memory_space<vmem_shared>>
    tpu.wait_dma2 semaphore(%arg42 : memref<!tpu.dma_semaphore, #tpu.memory_space<semaphore_mem>>) src(%arg17 : memref<16x128xf32, #tpu.memory_space<vmem>>) dst(%dma_wait3A_359 : memref<16x128xf32, #tpu.memory_space<vmem_shared>>)
    %add3A_360 = arith.constant 160 : i32
    %add3A_361 = arith.addi %mul3A_13, %add3A_360 : i32
    %dma_wait3A_362 = arith.constant 0 : i32
    %dma_wait3A_363 = tpu.memref_slice %arg18[%add3A_361, %dma_wait3A_362] : memref<10000x128xf32, #tpu.memory_space<vmem_shared>> -> memref<16x128xf32, #tpu.memory_space<vmem_shared>>
    %dma_wait3A_364 = arith.constant 0 : i32
    %dma_wait3A_365 = tpu.memref_slice %arg18[%add3A_361, %dma_wait3A_364] : memref<10000x128xf32, #tpu.memory_space<vmem_shared>> -> memref<16x128xf32, #tpu.memory_space<vmem_shared>>
    tpu.wait_dma2 semaphore(%arg41 : memref<!tpu.dma_semaphore, #tpu.memory_space<semaphore_mem>>) src(%arg16 : memref<16x128xf32, #tpu.memory_space<vmem>>) dst(%dma_wait3A_365 : memref<16x128xf32, #tpu.memory_space<vmem_shared>>)
    %add3A_366 = arith.constant 176 : i32
    %add3A_367 = arith.addi %mul3A_13, %add3A_366 : i32
    %dma_wait3A_368 = arith.constant 0 : i32
    %dma_wait3A_369 = tpu.memref_slice %arg18[%add3A_367, %dma_wait3A_368] : memref<10000x128xf32, #tpu.memory_space<vmem_shared>> -> memref<16x128xf32, #tpu.memory_space<vmem_shared>>
    %dma_wait3A_370 = arith.constant 0 : i32
    %dma_wait3A_371 = tpu.memref_slice %arg18[%add3A_367, %dma_wait3A_370] : memref<10000x128xf32, #tpu.memory_space<vmem_shared>> -> memref<16x128xf32, #tpu.memory_space<vmem_shared>>
    tpu.wait_dma2 semaphore(%arg42 : memref<!tpu.dma_semaphore, #tpu.memory_space<semaphore_mem>>) src(%arg17 : memref<16x128xf32, #tpu.memory_space<vmem>>) dst(%dma_wait3A_371 : memref<16x128xf32, #tpu.memory_space<vmem_shared>>)
    %add3A_372 = arith.constant 192 : i32
    %add3A_373 = arith.addi %mul3A_13, %add3A_372 : i32
    %dma_wait3A_374 = arith.constant 0 : i32
    %dma_wait3A_375 = tpu.memref_slice %arg18[%add3A_373, %dma_wait3A_374] : memref<10000x128xf32, #tpu.memory_space<vmem_shared>> -> memref<16x128xf32, #tpu.memory_space<vmem_shared>>
    %dma_wait3A_376 = arith.constant 0 : i32
    %dma_wait3A_377 = tpu.memref_slice %arg18[%add3A_373, %dma_wait3A_376] : memref<10000x128xf32, #tpu.memory_space<vmem_shared>> -> memref<16x128xf32, #tpu.memory_space<vmem_shared>>
    tpu.wait_dma2 semaphore(%arg41 : memref<!tpu.dma_semaphore, #tpu.memory_space<semaphore_mem>>) src(%arg16 : memref<16x128xf32, #tpu.memory_space<vmem>>) dst(%dma_wait3A_377 : memref<16x128xf32, #tpu.memory_space<vmem_shared>>)
    %add3A_378 = arith.constant 208 : i32
    %add3A_379 = arith.addi %mul3A_13, %add3A_378 : i32
    %dma_wait3A_380 = arith.constant 0 : i32
    %dma_wait3A_381 = tpu.memref_slice %arg18[%add3A_379, %dma_wait3A_380] : memref<10000x128xf32, #tpu.memory_space<vmem_shared>> -> memref<16x128xf32, #tpu.memory_space<vmem_shared>>
    %dma_wait3A_382 = arith.constant 0 : i32
    %dma_wait3A_383 = tpu.memref_slice %arg18[%add3A_379, %dma_wait3A_382] : memref<10000x128xf32, #tpu.memory_space<vmem_shared>> -> memref<16x128xf32, #tpu.memory_space<vmem_shared>>
    tpu.wait_dma2 semaphore(%arg42 : memref<!tpu.dma_semaphore, #tpu.memory_space<semaphore_mem>>) src(%arg17 : memref<16x128xf32, #tpu.memory_space<vmem>>) dst(%dma_wait3A_383 : memref<16x128xf32, #tpu.memory_space<vmem_shared>>)
    %add3A_384 = arith.constant 224 : i32
    %add3A_385 = arith.addi %mul3A_13, %add3A_384 : i32
    %dma_wait3A_386 = arith.constant 0 : i32
    %dma_wait3A_387 = tpu.memref_slice %arg18[%add3A_385, %dma_wait3A_386] : memref<10000x128xf32, #tpu.memory_space<vmem_shared>> -> memref<16x128xf32, #tpu.memory_space<vmem_shared>>
    %dma_wait3A_388 = arith.constant 0 : i32
    %dma_wait3A_389 = tpu.memref_slice %arg18[%add3A_385, %dma_wait3A_388] : memref<10000x128xf32, #tpu.memory_space<vmem_shared>> -> memref<16x128xf32, #tpu.memory_space<vmem_shared>>
    tpu.wait_dma2 semaphore(%arg41 : memref<!tpu.dma_semaphore, #tpu.memory_space<semaphore_mem>>) src(%arg16 : memref<16x128xf32, #tpu.memory_space<vmem>>) dst(%dma_wait3A_389 : memref<16x128xf32, #tpu.memory_space<vmem_shared>>)
    %add3A_390 = arith.constant 240 : i32
    %add3A_391 = arith.addi %mul3A_13, %add3A_390 : i32
    %dma_wait3A_392 = arith.constant 0 : i32
    %dma_wait3A_393 = tpu.memref_slice %arg18[%add3A_391, %dma_wait3A_392] : memref<10000x128xf32, #tpu.memory_space<vmem_shared>> -> memref<16x128xf32, #tpu.memory_space<vmem_shared>>
    %dma_wait3A_394 = arith.constant 0 : i32
    %dma_wait3A_395 = tpu.memref_slice %arg18[%add3A_391, %dma_wait3A_394] : memref<10000x128xf32, #tpu.memory_space<vmem_shared>> -> memref<16x128xf32, #tpu.memory_space<vmem_shared>>
    tpu.wait_dma2 semaphore(%arg42 : memref<!tpu.dma_semaphore, #tpu.memory_space<semaphore_mem>>) src(%arg17 : memref<16x128xf32, #tpu.memory_space<vmem>>) dst(%dma_wait3A_395 : memref<16x128xf32, #tpu.memory_space<vmem_shared>>)
    %add3A_396 = arith.constant 256 : i32
    %add3A_397 = arith.addi %mul3A_13, %add3A_396 : i32
    %dma_wait3A_398 = arith.constant 0 : i32
    %dma_wait3A_399 = tpu.memref_slice %arg18[%add3A_397, %dma_wait3A_398] : memref<10000x128xf32, #tpu.memory_space<vmem_shared>> -> memref<16x128xf32, #tpu.memory_space<vmem_shared>>
    %dma_wait3A_400 = arith.constant 0 : i32
    %dma_wait3A_401 = tpu.memref_slice %arg18[%add3A_397, %dma_wait3A_400] : memref<10000x128xf32, #tpu.memory_space<vmem_shared>> -> memref<16x128xf32, #tpu.memory_space<vmem_shared>>
    tpu.wait_dma2 semaphore(%arg41 : memref<!tpu.dma_semaphore, #tpu.memory_space<semaphore_mem>>) src(%arg16 : memref<16x128xf32, #tpu.memory_space<vmem>>) dst(%dma_wait3A_401 : memref<16x128xf32, #tpu.memory_space<vmem_shared>>)
    %add3A_402 = arith.constant 272 : i32
    %add3A_403 = arith.addi %mul3A_13, %add3A_402 : i32
    %dma_wait3A_404 = arith.constant 0 : i32
    %dma_wait3A_405 = tpu.memref_slice %arg18[%add3A_403, %dma_wait3A_404] : memref<10000x128xf32, #tpu.memory_space<vmem_shared>> -> memref<16x128xf32, #tpu.memory_space<vmem_shared>>
    %dma_wait3A_406 = arith.constant 0 : i32
    %dma_wait3A_407 = tpu.memref_slice %arg18[%add3A_403, %dma_wait3A_406] : memref<10000x128xf32, #tpu.memory_space<vmem_shared>> -> memref<16x128xf32, #tpu.memory_space<vmem_shared>>
    tpu.wait_dma2 semaphore(%arg42 : memref<!tpu.dma_semaphore, #tpu.memory_space<semaphore_mem>>) src(%arg17 : memref<16x128xf32, #tpu.memory_space<vmem>>) dst(%dma_wait3A_407 : memref<16x128xf32, #tpu.memory_space<vmem_shared>>)
    %add3A_408 = arith.constant 288 : i32
    %add3A_409 = arith.addi %mul3A_13, %add3A_408 : i32
    %dma_wait3A_410 = arith.constant 0 : i32
    %dma_wait3A_411 = tpu.memref_slice %arg18[%add3A_409, %dma_wait3A_410] : memref<10000x128xf32, #tpu.memory_space<vmem_shared>> -> memref<16x128xf32, #tpu.memory_space<vmem_shared>>
    %dma_wait3A_412 = arith.constant 0 : i32
    %dma_wait3A_413 = tpu.memref_slice %arg18[%add3A_409, %dma_wait3A_412] : memref<10000x128xf32, #tpu.memory_space<vmem_shared>> -> memref<16x128xf32, #tpu.memory_space<vmem_shared>>
    tpu.wait_dma2 semaphore(%arg41 : memref<!tpu.dma_semaphore, #tpu.memory_space<semaphore_mem>>) src(%arg16 : memref<16x128xf32, #tpu.memory_space<vmem>>) dst(%dma_wait3A_413 : memref<16x128xf32, #tpu.memory_space<vmem_shared>>)
    %add3A_414 = arith.constant 304 : i32
    %add3A_415 = arith.addi %mul3A_13, %add3A_414 : i32
    %dma_wait3A_416 = arith.constant 0 : i32
    %dma_wait3A_417 = tpu.memref_slice %arg18[%add3A_415, %dma_wait3A_416] : memref<10000x128xf32, #tpu.memory_space<vmem_shared>> -> memref<16x128xf32, #tpu.memory_space<vmem_shared>>
    %dma_wait3A_418 = arith.constant 0 : i32
    %dma_wait3A_419 = tpu.memref_slice %arg18[%add3A_415, %dma_wait3A_418] : memref<10000x128xf32, #tpu.memory_space<vmem_shared>> -> memref<16x128xf32, #tpu.memory_space<vmem_shared>>
    tpu.wait_dma2 semaphore(%arg42 : memref<!tpu.dma_semaphore, #tpu.memory_space<semaphore_mem>>) src(%arg17 : memref<16x128xf32, #tpu.memory_space<vmem>>) dst(%dma_wait3A_419 : memref<16x128xf32, #tpu.memory_space<vmem_shared>>)
    %add3A_420 = arith.constant 320 : i32
    %add3A_421 = arith.addi %mul3A_13, %add3A_420 : i32
    %dma_wait3A_422 = arith.constant 0 : i32
    %dma_wait3A_423 = tpu.memref_slice %arg18[%add3A_421, %dma_wait3A_422] : memref<10000x128xf32, #tpu.memory_space<vmem_shared>> -> memref<16x128xf32, #tpu.memory_space<vmem_shared>>
    %dma_wait3A_424 = arith.constant 0 : i32
    %dma_wait3A_425 = tpu.memref_slice %arg18[%add3A_421, %dma_wait3A_424] : memref<10000x128xf32, #tpu.memory_space<vmem_shared>> -> memref<16x128xf32, #tpu.memory_space<vmem_shared>>
    tpu.wait_dma2 semaphore(%arg41 : memref<!tpu.dma_semaphore, #tpu.memory_space<semaphore_mem>>) src(%arg16 : memref<16x128xf32, #tpu.memory_space<vmem>>) dst(%dma_wait3A_425 : memref<16x128xf32, #tpu.memory_space<vmem_shared>>)
    %add3A_426 = arith.constant 336 : i32
    %add3A_427 = arith.addi %mul3A_13, %add3A_426 : i32
    %dma_wait3A_428 = arith.constant 0 : i32
    %dma_wait3A_429 = tpu.memref_slice %arg18[%add3A_427, %dma_wait3A_428] : memref<10000x128xf32, #tpu.memory_space<vmem_shared>> -> memref<16x128xf32, #tpu.memory_space<vmem_shared>>
    %dma_wait3A_430 = arith.constant 0 : i32
    %dma_wait3A_431 = tpu.memref_slice %arg18[%add3A_427, %dma_wait3A_430] : memref<10000x128xf32, #tpu.memory_space<vmem_shared>> -> memref<16x128xf32, #tpu.memory_space<vmem_shared>>
    tpu.wait_dma2 semaphore(%arg42 : memref<!tpu.dma_semaphore, #tpu.memory_space<semaphore_mem>>) src(%arg17 : memref<16x128xf32, #tpu.memory_space<vmem>>) dst(%dma_wait3A_431 : memref<16x128xf32, #tpu.memory_space<vmem_shared>>)
    %add3A_432 = arith.constant 352 : i32
    %add3A_433 = arith.addi %mul3A_13, %add3A_432 : i32
    %dma_wait3A_434 = arith.constant 0 : i32
    %dma_wait3A_435 = tpu.memref_slice %arg18[%add3A_433, %dma_wait3A_434] : memref<10000x128xf32, #tpu.memory_space<vmem_shared>> -> memref<16x128xf32, #tpu.memory_space<vmem_shared>>
    %dma_wait3A_436 = arith.constant 0 : i32
    %dma_wait3A_437 = tpu.memref_slice %arg18[%add3A_433, %dma_wait3A_436] : memref<10000x128xf32, #tpu.memory_space<vmem_shared>> -> memref<16x128xf32, #tpu.memory_space<vmem_shared>>
    tpu.wait_dma2 semaphore(%arg41 : memref<!tpu.dma_semaphore, #tpu.memory_space<semaphore_mem>>) src(%arg16 : memref<16x128xf32, #tpu.memory_space<vmem>>) dst(%dma_wait3A_437 : memref<16x128xf32, #tpu.memory_space<vmem_shared>>)
    %add3A_438 = arith.constant 368 : i32
    %add3A_439 = arith.addi %mul3A_13, %add3A_438 : i32
    %dma_wait3A_440 = arith.constant 0 : i32
    %dma_wait3A_441 = tpu.memref_slice %arg18[%add3A_439, %dma_wait3A_440] : memref<10000x128xf32, #tpu.memory_space<vmem_shared>> -> memref<16x128xf32, #tpu.memory_space<vmem_shared>>
    %dma_wait3A_442 = arith.constant 0 : i32
    %dma_wait3A_443 = tpu.memref_slice %arg18[%add3A_439, %dma_wait3A_442] : memref<10000x128xf32, #tpu.memory_space<vmem_shared>> -> memref<16x128xf32, #tpu.memory_space<vmem_shared>>
    tpu.wait_dma2 semaphore(%arg42 : memref<!tpu.dma_semaphore, #tpu.memory_space<semaphore_mem>>) src(%arg17 : memref<16x128xf32, #tpu.memory_space<vmem>>) dst(%dma_wait3A_443 : memref<16x128xf32, #tpu.memory_space<vmem_shared>>)
    %add3A_444 = arith.constant 384 : i32
    %add3A_445 = arith.addi %mul3A_13, %add3A_444 : i32
    %dma_wait3A_446 = arith.constant 0 : i32
    %dma_wait3A_447 = tpu.memref_slice %arg18[%add3A_445, %dma_wait3A_446] : memref<10000x128xf32, #tpu.memory_space<vmem_shared>> -> memref<16x128xf32, #tpu.memory_space<vmem_shared>>
    %dma_wait3A_448 = arith.constant 0 : i32
    %dma_wait3A_449 = tpu.memref_slice %arg18[%add3A_445, %dma_wait3A_448] : memref<10000x128xf32, #tpu.memory_space<vmem_shared>> -> memref<16x128xf32, #tpu.memory_space<vmem_shared>>
    tpu.wait_dma2 semaphore(%arg41 : memref<!tpu.dma_semaphore, #tpu.memory_space<semaphore_mem>>) src(%arg16 : memref<16x128xf32, #tpu.memory_space<vmem>>) dst(%dma_wait3A_449 : memref<16x128xf32, #tpu.memory_space<vmem_shared>>)
    %add3A_450 = arith.constant 400 : i32
    %add3A_451 = arith.addi %mul3A_13, %add3A_450 : i32
    %dma_wait3A_452 = arith.constant 0 : i32
    %dma_wait3A_453 = tpu.memref_slice %arg18[%add3A_451, %dma_wait3A_452] : memref<10000x128xf32, #tpu.memory_space<vmem_shared>> -> memref<16x128xf32, #tpu.memory_space<vmem_shared>>
    %dma_wait3A_454 = arith.constant 0 : i32
    %dma_wait3A_455 = tpu.memref_slice %arg18[%add3A_451, %dma_wait3A_454] : memref<10000x128xf32, #tpu.memory_space<vmem_shared>> -> memref<16x128xf32, #tpu.memory_space<vmem_shared>>
    tpu.wait_dma2 semaphore(%arg42 : memref<!tpu.dma_semaphore, #tpu.memory_space<semaphore_mem>>) src(%arg17 : memref<16x128xf32, #tpu.memory_space<vmem>>) dst(%dma_wait3A_455 : memref<16x128xf32, #tpu.memory_space<vmem_shared>>)
    %add3A_456 = arith.constant 416 : i32
    %add3A_457 = arith.addi %mul3A_13, %add3A_456 : i32
    %dma_wait3A_458 = arith.constant 0 : i32
    %dma_wait3A_459 = tpu.memref_slice %arg18[%add3A_457, %dma_wait3A_458] : memref<10000x128xf32, #tpu.memory_space<vmem_shared>> -> memref<16x128xf32, #tpu.memory_space<vmem_shared>>
    %dma_wait3A_460 = arith.constant 0 : i32
    %dma_wait3A_461 = tpu.memref_slice %arg18[%add3A_457, %dma_wait3A_460] : memref<10000x128xf32, #tpu.memory_space<vmem_shared>> -> memref<16x128xf32, #tpu.memory_space<vmem_shared>>
    tpu.wait_dma2 semaphore(%arg41 : memref<!tpu.dma_semaphore, #tpu.memory_space<semaphore_mem>>) src(%arg16 : memref<16x128xf32, #tpu.memory_space<vmem>>) dst(%dma_wait3A_461 : memref<16x128xf32, #tpu.memory_space<vmem_shared>>)
    %add3A_462 = arith.constant 432 : i32
    %add3A_463 = arith.addi %mul3A_13, %add3A_462 : i32
    %dma_wait3A_464 = arith.constant 0 : i32
    %dma_wait3A_465 = tpu.memref_slice %arg18[%add3A_463, %dma_wait3A_464] : memref<10000x128xf32, #tpu.memory_space<vmem_shared>> -> memref<16x128xf32, #tpu.memory_space<vmem_shared>>
    %dma_wait3A_466 = arith.constant 0 : i32
    %dma_wait3A_467 = tpu.memref_slice %arg18[%add3A_463, %dma_wait3A_466] : memref<10000x128xf32, #tpu.memory_space<vmem_shared>> -> memref<16x128xf32, #tpu.memory_space<vmem_shared>>
    tpu.wait_dma2 semaphore(%arg42 : memref<!tpu.dma_semaphore, #tpu.memory_space<semaphore_mem>>) src(%arg17 : memref<16x128xf32, #tpu.memory_space<vmem>>) dst(%dma_wait3A_467 : memref<16x128xf32, #tpu.memory_space<vmem_shared>>)
    %add3A_468 = arith.constant 448 : i32
    %add3A_469 = arith.addi %mul3A_13, %add3A_468 : i32
    %dma_wait3A_470 = arith.constant 0 : i32
    %dma_wait3A_471 = tpu.memref_slice %arg18[%add3A_469, %dma_wait3A_470] : memref<10000x128xf32, #tpu.memory_space<vmem_shared>> -> memref<16x128xf32, #tpu.memory_space<vmem_shared>>
    %dma_wait3A_472 = arith.constant 0 : i32
    %dma_wait3A_473 = tpu.memref_slice %arg18[%add3A_469, %dma_wait3A_472] : memref<10000x128xf32, #tpu.memory_space<vmem_shared>> -> memref<16x128xf32, #tpu.memory_space<vmem_shared>>
    tpu.wait_dma2 semaphore(%arg41 : memref<!tpu.dma_semaphore, #tpu.memory_space<semaphore_mem>>) src(%arg16 : memref<16x128xf32, #tpu.memory_space<vmem>>) dst(%dma_wait3A_473 : memref<16x128xf32, #tpu.memory_space<vmem_shared>>)
    %add3A_474 = arith.constant 464 : i32
    %add3A_475 = arith.addi %mul3A_13, %add3A_474 : i32
    %dma_wait3A_476 = arith.constant 0 : i32
    %dma_wait3A_477 = tpu.memref_slice %arg18[%add3A_475, %dma_wait3A_476] : memref<10000x128xf32, #tpu.memory_space<vmem_shared>> -> memref<16x128xf32, #tpu.memory_space<vmem_shared>>
    %dma_wait3A_478 = arith.constant 0 : i32
    %dma_wait3A_479 = tpu.memref_slice %arg18[%add3A_475, %dma_wait3A_478] : memref<10000x128xf32, #tpu.memory_space<vmem_shared>> -> memref<16x128xf32, #tpu.memory_space<vmem_shared>>
    tpu.wait_dma2 semaphore(%arg42 : memref<!tpu.dma_semaphore, #tpu.memory_space<semaphore_mem>>) src(%arg17 : memref<16x128xf32, #tpu.memory_space<vmem>>) dst(%dma_wait3A_479 : memref<16x128xf32, #tpu.memory_space<vmem_shared>>)
    %add3A_480 = arith.constant 480 : i32
    %add3A_481 = arith.addi %mul3A_13, %add3A_480 : i32
    %dma_wait3A_482 = arith.constant 0 : i32
    %dma_wait3A_483 = tpu.memref_slice %arg18[%add3A_481, %dma_wait3A_482] : memref<10000x128xf32, #tpu.memory_space<vmem_shared>> -> memref<16x128xf32, #tpu.memory_space<vmem_shared>>
    %dma_wait3A_484 = arith.constant 0 : i32
    %dma_wait3A_485 = tpu.memref_slice %arg18[%add3A_481, %dma_wait3A_484] : memref<10000x128xf32, #tpu.memory_space<vmem_shared>> -> memref<16x128xf32, #tpu.memory_space<vmem_shared>>
    tpu.wait_dma2 semaphore(%arg41 : memref<!tpu.dma_semaphore, #tpu.memory_space<semaphore_mem>>) src(%arg16 : memref<16x128xf32, #tpu.memory_space<vmem>>) dst(%dma_wait3A_485 : memref<16x128xf32, #tpu.memory_space<vmem_shared>>)
    %add3A_486 = arith.constant 496 : i32
    %add3A_487 = arith.addi %mul3A_13, %add3A_486 : i32
    %dma_wait3A_488 = arith.constant 0 : i32
    %dma_wait3A_489 = tpu.memref_slice %arg18[%add3A_487, %dma_wait3A_488] : memref<10000x128xf32, #tpu.memory_space<vmem_shared>> -> memref<16x128xf32, #tpu.memory_space<vmem_shared>>
    %dma_wait3A_490 = arith.constant 0 : i32
    %dma_wait3A_491 = tpu.memref_slice %arg18[%add3A_487, %dma_wait3A_490] : memref<10000x128xf32, #tpu.memory_space<vmem_shared>> -> memref<16x128xf32, #tpu.memory_space<vmem_shared>>
    tpu.wait_dma2 semaphore(%arg42 : memref<!tpu.dma_semaphore, #tpu.memory_space<semaphore_mem>>) src(%arg17 : memref<16x128xf32, #tpu.memory_space<vmem>>) dst(%dma_wait3A_491 : memref<16x128xf32, #tpu.memory_space<vmem_shared>>)
    %add3A_492 = arith.constant 512 : i32
    %add3A_493 = arith.addi %mul3A_13, %add3A_492 : i32
    %dma_wait3A_494 = arith.constant 0 : i32
    %dma_wait3A_495 = tpu.memref_slice %arg18[%add3A_493, %dma_wait3A_494] : memref<10000x128xf32, #tpu.memory_space<vmem_shared>> -> memref<16x128xf32, #tpu.memory_space<vmem_shared>>
    %dma_wait3A_496 = arith.constant 0 : i32
    %dma_wait3A_497 = tpu.memref_slice %arg18[%add3A_493, %dma_wait3A_496] : memref<10000x128xf32, #tpu.memory_space<vmem_shared>> -> memref<16x128xf32, #tpu.memory_space<vmem_shared>>
    tpu.wait_dma2 semaphore(%arg41 : memref<!tpu.dma_semaphore, #tpu.memory_space<semaphore_mem>>) src(%arg16 : memref<16x128xf32, #tpu.memory_space<vmem>>) dst(%dma_wait3A_497 : memref<16x128xf32, #tpu.memory_space<vmem_shared>>)
    %add3A_498 = arith.constant 528 : i32
    %add3A_499 = arith.addi %mul3A_13, %add3A_498 : i32
    %dma_wait3A_500 = arith.constant 0 : i32
    %dma_wait3A_501 = tpu.memref_slice %arg18[%add3A_499, %dma_wait3A_500] : memref<10000x128xf32, #tpu.memory_space<vmem_shared>> -> memref<16x128xf32, #tpu.memory_space<vmem_shared>>
    %dma_wait3A_502 = arith.constant 0 : i32
    %dma_wait3A_503 = tpu.memref_slice %arg18[%add3A_499, %dma_wait3A_502] : memref<10000x128xf32, #tpu.memory_space<vmem_shared>> -> memref<16x128xf32, #tpu.memory_space<vmem_shared>>
    tpu.wait_dma2 semaphore(%arg42 : memref<!tpu.dma_semaphore, #tpu.memory_space<semaphore_mem>>) src(%arg17 : memref<16x128xf32, #tpu.memory_space<vmem>>) dst(%dma_wait3A_503 : memref<16x128xf32, #tpu.memory_space<vmem_shared>>)
    %add3A_504 = arith.constant 544 : i32
    %add3A_505 = arith.addi %mul3A_13, %add3A_504 : i32
    %dma_wait3A_506 = arith.constant 0 : i32
    %dma_wait3A_507 = tpu.memref_slice %arg18[%add3A_505, %dma_wait3A_506] : memref<10000x128xf32, #tpu.memory_space<vmem_shared>> -> memref<16x128xf32, #tpu.memory_space<vmem_shared>>
    %dma_wait3A_508 = arith.constant 0 : i32
    %dma_wait3A_509 = tpu.memref_slice %arg18[%add3A_505, %dma_wait3A_508] : memref<10000x128xf32, #tpu.memory_space<vmem_shared>> -> memref<16x128xf32, #tpu.memory_space<vmem_shared>>
    tpu.wait_dma2 semaphore(%arg41 : memref<!tpu.dma_semaphore, #tpu.memory_space<semaphore_mem>>) src(%arg16 : memref<16x128xf32, #tpu.memory_space<vmem>>) dst(%dma_wait3A_509 : memref<16x128xf32, #tpu.memory_space<vmem_shared>>)
    %add3A_510 = arith.constant 560 : i32
    %add3A_511 = arith.addi %mul3A_13, %add3A_510 : i32
    %dma_wait3A_512 = arith.constant 0 : i32
    %dma_wait3A_513 = tpu.memref_slice %arg18[%add3A_511, %dma_wait3A_512] : memref<10000x128xf32, #tpu.memory_space<vmem_shared>> -> memref<16x128xf32, #tpu.memory_space<vmem_shared>>
    %dma_wait3A_514 = arith.constant 0 : i32
    %dma_wait3A_515 = tpu.memref_slice %arg18[%add3A_511, %dma_wait3A_514] : memref<10000x128xf32, #tpu.memory_space<vmem_shared>> -> memref<16x128xf32, #tpu.memory_space<vmem_shared>>
    tpu.wait_dma2 semaphore(%arg42 : memref<!tpu.dma_semaphore, #tpu.memory_space<semaphore_mem>>) src(%arg17 : memref<16x128xf32, #tpu.memory_space<vmem>>) dst(%dma_wait3A_515 : memref<16x128xf32, #tpu.memory_space<vmem_shared>>)
    %add3A_516 = arith.constant 576 : i32
    %add3A_517 = arith.addi %mul3A_13, %add3A_516 : i32
    %dma_wait3A_518 = arith.constant 0 : i32
    %dma_wait3A_519 = tpu.memref_slice %arg18[%add3A_517, %dma_wait3A_518] : memref<10000x128xf32, #tpu.memory_space<vmem_shared>> -> memref<16x128xf32, #tpu.memory_space<vmem_shared>>
    %dma_wait3A_520 = arith.constant 0 : i32
    %dma_wait3A_521 = tpu.memref_slice %arg18[%add3A_517, %dma_wait3A_520] : memref<10000x128xf32, #tpu.memory_space<vmem_shared>> -> memref<16x128xf32, #tpu.memory_space<vmem_shared>>
    tpu.wait_dma2 semaphore(%arg41 : memref<!tpu.dma_semaphore, #tpu.memory_space<semaphore_mem>>) src(%arg16 : memref<16x128xf32, #tpu.memory_space<vmem>>) dst(%dma_wait3A_521 : memref<16x128xf32, #tpu.memory_space<vmem_shared>>)
    %add3A_522 = arith.constant 592 : i32
    %add3A_523 = arith.addi %mul3A_13, %add3A_522 : i32
    %dma_wait3A_524 = arith.constant 0 : i32
    %dma_wait3A_525 = tpu.memref_slice %arg18[%add3A_523, %dma_wait3A_524] : memref<10000x128xf32, #tpu.memory_space<vmem_shared>> -> memref<16x128xf32, #tpu.memory_space<vmem_shared>>
    %dma_wait3A_526 = arith.constant 0 : i32
    %dma_wait3A_527 = tpu.memref_slice %arg18[%add3A_523, %dma_wait3A_526] : memref<10000x128xf32, #tpu.memory_space<vmem_shared>> -> memref<16x128xf32, #tpu.memory_space<vmem_shared>>
    tpu.wait_dma2 semaphore(%arg42 : memref<!tpu.dma_semaphore, #tpu.memory_space<semaphore_mem>>) src(%arg17 : memref<16x128xf32, #tpu.memory_space<vmem>>) dst(%dma_wait3A_527 : memref<16x128xf32, #tpu.memory_space<vmem_shared>>)
    %add3A_528 = arith.constant 608 : i32
    %add3A_529 = arith.addi %mul3A_13, %add3A_528 : i32
    %dma_wait3A_530 = arith.constant 0 : i32
    %dma_wait3A_531 = tpu.memref_slice %arg18[%add3A_529, %dma_wait3A_530] : memref<10000x128xf32, #tpu.memory_space<vmem_shared>> -> memref<16x128xf32, #tpu.memory_space<vmem_shared>>
    %dma_wait3A_532 = arith.constant 0 : i32
    %dma_wait3A_533 = tpu.memref_slice %arg18[%add3A_529, %dma_wait3A_532] : memref<10000x128xf32, #tpu.memory_space<vmem_shared>> -> memref<16x128xf32, #tpu.memory_space<vmem_shared>>
    tpu.wait_dma2 semaphore(%arg41 : memref<!tpu.dma_semaphore, #tpu.memory_space<semaphore_mem>>) src(%arg16 : memref<16x128xf32, #tpu.memory_space<vmem>>) dst(%dma_wait3A_533 : memref<16x128xf32, #tpu.memory_space<vmem_shared>>)
    %eq3A_534 = arith.constant 15 : i32
    %eq3A_535 = arith.cmpi eq, %arg1, %eq3A_534 : i32
    %convert_element_type3A_536 = arith.extui %eq3A_535 : i1 to i32
    %cond3A_537 = arith.constant 0 : i32
    %cond3A_538 = arith.cmpi ne, %convert_element_type3A_536, %cond3A_537 : i32
    scf.if %cond3A_538 {
      %dma_wait3A_634 = arith.constant 9984 : i32
      %dma_wait3A_635 = arith.constant 0 : i32
      %dma_wait3A_636 = tpu.memref_slice %arg18[%dma_wait3A_634, %dma_wait3A_635] : memref<10000x128xf32, #tpu.memory_space<vmem_shared>> -> memref<16x128xf32, #tpu.memory_space<vmem_shared>>
      %dma_wait3A_637 = arith.constant 9984 : i32
      %dma_wait3A_638 = arith.constant 0 : i32
      %dma_wait3A_639 = tpu.memref_slice %arg18[%dma_wait3A_637, %dma_wait3A_638] : memref<10000x128xf32, #tpu.memory_space<vmem_shared>> -> memref<16x128xf32, #tpu.memory_space<vmem_shared>>
      tpu.wait_dma2 semaphore(%arg42 : memref<!tpu.dma_semaphore, #tpu.memory_space<semaphore_mem>>) src(%arg17 : memref<16x128xf32, #tpu.memory_space<vmem>>) dst(%dma_wait3A_639 : memref<16x128xf32, #tpu.memory_space<vmem_shared>>)
    } else {
    }
    %barrier3A = arith.constant 0 : index
    tpu.barrier barrier_id(%barrier3A)
    %scan3A_539 = arith.constant 0 : i32
    %scan3A_540 = arith.constant 52 : i32
    %scan3A_541 = arith.addi %scan3A_539, %scan3A_540 : i32
    %scan3A_542 = arith.constant 1 : i32
    scf.for %scan3A_634 = %scan3A_539 to %scan3A_541 step %scan3A_542  : i32 {
      %mul3A_635 = arith.constant 1 : i32
      %mul3A_636 = arith.muli %scan3A_634, %mul3A_635 : i32
      %add3A_637 = arith.constant 0 : i32
      %add3A_638 = arith.addi %add3A_637, %mul3A_636 : i32
      %mul3A_639 = arith.constant 12 : i32
      %mul3A_640 = arith.muli %add3A_638, %mul3A_639 : i32
      %add3A_641 = arith.constant 0 : i32
      %add3A_642 = arith.addi %mul3A_640, %add3A_641 : i32
      %add3A_643 = arith.constant 6 : i32
      %add3A_644 = arith.addi %add3A_642, %add3A_643 : i32
      %ge3A = arith.constant 6 : i32
      %ge3A_645 = arith.cmpi sge, %add3A_642, %ge3A : i32
      %convert_element_type3A_646 = arith.extui %ge3A_645 : i1 to i32
      %cond3A_647 = arith.constant 0 : i32
      %cond3A_648 = arith.cmpi ne, %convert_element_type3A_646, %cond3A_647 : i32
      scf.if %cond3A_648 {
        %sub3A = arith.constant 6 : i32
        %sub3A_1117 = arith.subi %add3A_642, %sub3A : i32
        %mul3A_1118 = arith.constant 16 : i32
        %mul3A_1119 = arith.muli %sub3A_1117, %mul3A_1118 : i32
        %multiple_of3A_1120 = tpu.assume_multiple %mul3A_1119, 16 : i32
        %get3A_1121 = arith.index_cast %multiple_of3A_1120 : i32 to index
        %get3A_1122 = tpu.vector_load %arg5[%get3A_1121] {strides = array<i32>} : memref<10000xi32, #tpu.memory_space<vmem>>, vector<16xi32>,
        %get3A_1123 = vector.shape_cast %get3A_1122 : vector<16xi32> to vector<16xi32>
        %shift_right_logical3A_1124 = arith.constant 16 : i32
        %shift_right_logical3A_1125 = vector.broadcast %shift_right_logical3A_1124 : i32 to vector<16xi32>
        %shift_right_logical3A_1126 = arith.shrui %get3A_1123, %shift_right_logical3A_1125 : vector<16xi32>
        %dma_wait3A_1127 = arith.constant 0 : i32
        %dma_wait3A_1128 = arith.constant 0 : i32
        %dma_wait3A_1129 = tpu.memref_slice %arg18[%dma_wait3A_1127, %dma_wait3A_1128] : memref<10000x128xf32, #tpu.memory_space<vmem_shared>> -> memref<10000x128xf32, #tpu.memory_space<vmem_shared>>
        tpu.wait_indirect_dma semaphore(%arg37 : memref<!tpu.dma_semaphore, #tpu.memory_space<semaphore_mem>>) src(%arg12 : memref<16x128xf32, #tpu.memory_space<vmem>>) dst(%dma_wait3A_1129 : memref<10000x128xf32, #tpu.memory_space<vmem_shared>>)
      } else {
      }
      %lt3A_649 = arith.constant 625 : i32
      %lt3A_650 = arith.cmpi slt, %add3A_644, %lt3A_649 : i32
      %convert_element_type3A_651 = arith.extui %lt3A_650 : i1 to i32
      %cond3A_652 = arith.constant 0 : i32
      %cond3A_653 = arith.cmpi ne, %convert_element_type3A_651, %cond3A_652 : i32
      scf.if %cond3A_653 {
        %mul3A_1117 = arith.constant 16 : i32
        %mul3A_1118 = arith.muli %add3A_644, %mul3A_1117 : i32
        %multiple_of3A_1119 = tpu.assume_multiple %mul3A_1118, 16 : i32
        %get3A_1120 = arith.index_cast %multiple_of3A_1119 : i32 to index
        %get3A_1121 = tpu.vector_load %arg5[%get3A_1120] {strides = array<i32>} : memref<10000xi32, #tpu.memory_space<vmem>>, vector<16xi32>,
        %get3A_1122 = vector.shape_cast %get3A_1121 : vector<16xi32> to vector<16xi32>
        %and3A_1123 = arith.constant 65535 : i32
        %and3A_1124 = vector.broadcast %and3A_1123 : i32 to vector<16xi32>
        %and3A_1125 = arith.andi %get3A_1122, %and3A_1124 : vector<16xi32>
        %dma_start3A_1126 = arith.constant 0 : i32
        %dma_start3A_1127 = arith.constant 0 : i32
        %dma_start3A_1128 = tpu.memref_slice %arg2[%dma_start3A_1126, %dma_start3A_1127] : memref<40000x128xf32, #tpu.memory_space<hbm>> -> memref<40000x128xf32, #tpu.memory_space<hbm>>
        tpu.enqueue_indirect_dma source(%dma_start3A_1128 : memref<40000x128xf32, #tpu.memory_space<hbm>>) target(%arg12 : memref<16x128xf32, #tpu.memory_space<vmem>>) offsets(%and3A_1125 : vector<16xi32>) semaphore(%arg25 : memref<!tpu.dma_semaphore, #tpu.memory_space<semaphore_mem>>)
      } else {
      }
      %mul3A_654 = arith.constant 16 : i32
      %mul3A_655 = arith.muli %add3A_642, %mul3A_654 : i32
      %multiple_of3A = tpu.assume_multiple %mul3A_655, 16 : i32
      %get3A_656 = arith.index_cast %multiple_of3A : i32 to index
      %get3A_657 = tpu.vector_load %arg5[%get3A_656] {strides = array<i32>} : memref<10000xi32, #tpu.memory_space<vmem>>, vector<16xi32>,
      %get3A_658 = vector.shape_cast %get3A_657 : vector<16xi32> to vector<16xi32>
      %and3A_659 = arith.constant 65535 : i32
      %and3A_660 = vector.broadcast %and3A_659 : i32 to vector<16xi32>
      %and3A_661 = arith.andi %get3A_658, %and3A_660 : vector<16xi32>
      %dma_wait3A_662 = arith.constant 0 : i32
      %dma_wait3A_663 = arith.constant 0 : i32
      %dma_wait3A_664 = tpu.memref_slice %arg2[%dma_wait3A_662, %dma_wait3A_663] : memref<40000x128xf32, #tpu.memory_space<hbm>> -> memref<40000x128xf32, #tpu.memory_space<hbm>>
      tpu.wait_indirect_dma semaphore(%arg19 : memref<!tpu.dma_semaphore, #tpu.memory_space<semaphore_mem>>) src(%dma_wait3A_664 : memref<40000x128xf32, #tpu.memory_space<hbm>>) dst(%arg6 : memref<16x128xf32, #tpu.memory_space<vmem>>)
      %mul3A_665 = arith.constant 16 : i32
      %mul3A_666 = arith.muli %add3A_642, %mul3A_665 : i32
      %multiple_of3A_667 = tpu.assume_multiple %mul3A_666, 16 : i32
      %get3A_668 = arith.index_cast %multiple_of3A_667 : i32 to index
      %get3A_669 = tpu.vector_load %arg5[%get3A_668] {strides = array<i32>} : memref<10000xi32, #tpu.memory_space<vmem>>, vector<16xi32>,
      %get3A_670 = vector.shape_cast %get3A_669 : vector<16xi32> to vector<16xi32>
      %shift_right_logical3A_671 = arith.constant 16 : i32
      %shift_right_logical3A_672 = vector.broadcast %shift_right_logical3A_671 : i32 to vector<16xi32>
      %shift_right_logical3A_673 = arith.shrui %get3A_670, %shift_right_logical3A_672 : vector<16xi32>
      %dma_start3A_674 = arith.constant 0 : i32
      %dma_start3A_675 = arith.constant 0 : i32
      %dma_start3A_676 = tpu.memref_slice %arg18[%dma_start3A_674, %dma_start3A_675] : memref<10000x128xf32, #tpu.memory_space<vmem_shared>> -> memref<10000x128xf32, #tpu.memory_space<vmem_shared>>
      tpu.enqueue_indirect_dma source(%arg6 : memref<16x128xf32, #tpu.memory_space<vmem>>) target(%dma_start3A_676 : memref<10000x128xf32, #tpu.memory_space<vmem_shared>>) offsets(%shift_right_logical3A_673 : vector<16xi32>) semaphore(%arg31 : memref<!tpu.dma_semaphore, #tpu.memory_space<semaphore_mem>>) {add = true}
      %mul3A_677 = arith.constant 12 : i32
      %mul3A_678 = arith.muli %add3A_638, %mul3A_677 : i32
      %add3A_679 = arith.constant 1 : i32
      %add3A_680 = arith.addi %mul3A_678, %add3A_679 : i32
      %add3A_681 = arith.constant 6 : i32
      %add3A_682 = arith.addi %add3A_680, %add3A_681 : i32
      %ge3A_683 = arith.constant 6 : i32
      %ge3A_684 = arith.cmpi sge, %add3A_680, %ge3A_683 : i32
      %convert_element_type3A_685 = arith.extui %ge3A_684 : i1 to i32
      %cond3A_686 = arith.constant 0 : i32
      %cond3A_687 = arith.cmpi ne, %convert_element_type3A_685, %cond3A_686 : i32
      scf.if %cond3A_687 {
        %sub3A = arith.constant 6 : i32
        %sub3A_1117 = arith.subi %add3A_680, %sub3A : i32
        %mul3A_1118 = arith.constant 16 : i32
        %mul3A_1119 = arith.muli %sub3A_1117, %mul3A_1118 : i32
        %multiple_of3A_1120 = tpu.assume_multiple %mul3A_1119, 16 : i32
        %get3A_1121 = arith.index_cast %multiple_of3A_1120 : i32 to index
        %get3A_1122 = tpu.vector_load %arg5[%get3A_1121] {strides = array<i32>} : memref<10000xi32, #tpu.memory_space<vmem>>, vector<16xi32>,
        %get3A_1123 = vector.shape_cast %get3A_1122 : vector<16xi32> to vector<16xi32>
        %shift_right_logical3A_1124 = arith.constant 16 : i32
        %shift_right_logical3A_1125 = vector.broadcast %shift_right_logical3A_1124 : i32 to vector<16xi32>
        %shift_right_logical3A_1126 = arith.shrui %get3A_1123, %shift_right_logical3A_1125 : vector<16xi32>
        %dma_wait3A_1127 = arith.constant 0 : i32
        %dma_wait3A_1128 = arith.constant 0 : i32
        %dma_wait3A_1129 = tpu.memref_slice %arg18[%dma_wait3A_1127, %dma_wait3A_1128] : memref<10000x128xf32, #tpu.memory_space<vmem_shared>> -> memref<10000x128xf32, #tpu.memory_space<vmem_shared>>
        tpu.wait_indirect_dma semaphore(%arg38 : memref<!tpu.dma_semaphore, #tpu.memory_space<semaphore_mem>>) src(%arg13 : memref<16x128xf32, #tpu.memory_space<vmem>>) dst(%dma_wait3A_1129 : memref<10000x128xf32, #tpu.memory_space<vmem_shared>>)
      } else {
      }
      %lt3A_688 = arith.constant 625 : i32
      %lt3A_689 = arith.cmpi slt, %add3A_682, %lt3A_688 : i32
      %convert_element_type3A_690 = arith.extui %lt3A_689 : i1 to i32
      %cond3A_691 = arith.constant 0 : i32
      %cond3A_692 = arith.cmpi ne, %convert_element_type3A_690, %cond3A_691 : i32
      scf.if %cond3A_692 {
        %mul3A_1117 = arith.constant 16 : i32
        %mul3A_1118 = arith.muli %add3A_682, %mul3A_1117 : i32
        %multiple_of3A_1119 = tpu.assume_multiple %mul3A_1118, 16 : i32
        %get3A_1120 = arith.index_cast %multiple_of3A_1119 : i32 to index
        %get3A_1121 = tpu.vector_load %arg5[%get3A_1120] {strides = array<i32>} : memref<10000xi32, #tpu.memory_space<vmem>>, vector<16xi32>,
        %get3A_1122 = vector.shape_cast %get3A_1121 : vector<16xi32> to vector<16xi32>
        %and3A_1123 = arith.constant 65535 : i32
        %and3A_1124 = vector.broadcast %and3A_1123 : i32 to vector<16xi32>
        %and3A_1125 = arith.andi %get3A_1122, %and3A_1124 : vector<16xi32>
        %dma_start3A_1126 = arith.constant 0 : i32
        %dma_start3A_1127 = arith.constant 0 : i32
        %dma_start3A_1128 = tpu.memref_slice %arg2[%dma_start3A_1126, %dma_start3A_1127] : memref<40000x128xf32, #tpu.memory_space<hbm>> -> memref<40000x128xf32, #tpu.memory_space<hbm>>
        tpu.enqueue_indirect_dma source(%dma_start3A_1128 : memref<40000x128xf32, #tpu.memory_space<hbm>>) target(%arg13 : memref<16x128xf32, #tpu.memory_space<vmem>>) offsets(%and3A_1125 : vector<16xi32>) semaphore(%arg26 : memref<!tpu.dma_semaphore, #tpu.memory_space<semaphore_mem>>)
      } else {
      }
      %mul3A_693 = arith.constant 16 : i32
      %mul3A_694 = arith.muli %add3A_680, %mul3A_693 : i32
      %multiple_of3A_695 = tpu.assume_multiple %mul3A_694, 16 : i32
      %get3A_696 = arith.index_cast %multiple_of3A_695 : i32 to index
      %get3A_697 = tpu.vector_load %arg5[%get3A_696] {strides = array<i32>} : memref<10000xi32, #tpu.memory_space<vmem>>, vector<16xi32>,
      %get3A_698 = vector.shape_cast %get3A_697 : vector<16xi32> to vector<16xi32>
      %and3A_699 = arith.constant 65535 : i32
      %and3A_700 = vector.broadcast %and3A_699 : i32 to vector<16xi32>
      %and3A_701 = arith.andi %get3A_698, %and3A_700 : vector<16xi32>
      %dma_wait3A_702 = arith.constant 0 : i32
      %dma_wait3A_703 = arith.constant 0 : i32
      %dma_wait3A_704 = tpu.memref_slice %arg2[%dma_wait3A_702, %dma_wait3A_703] : memref<40000x128xf32, #tpu.memory_space<hbm>> -> memref<40000x128xf32, #tpu.memory_space<hbm>>
      tpu.wait_indirect_dma semaphore(%arg20 : memref<!tpu.dma_semaphore, #tpu.memory_space<semaphore_mem>>) src(%dma_wait3A_704 : memref<40000x128xf32, #tpu.memory_space<hbm>>) dst(%arg7 : memref<16x128xf32, #tpu.memory_space<vmem>>)
      %mul3A_705 = arith.constant 16 : i32
      %mul3A_706 = arith.muli %add3A_680, %mul3A_705 : i32
      %multiple_of3A_707 = tpu.assume_multiple %mul3A_706, 16 : i32
      %get3A_708 = arith.index_cast %multiple_of3A_707 : i32 to index
      %get3A_709 = tpu.vector_load %arg5[%get3A_708] {strides = array<i32>} : memref<10000xi32, #tpu.memory_space<vmem>>, vector<16xi32>,
      %get3A_710 = vector.shape_cast %get3A_709 : vector<16xi32> to vector<16xi32>
      %shift_right_logical3A_711 = arith.constant 16 : i32
      %shift_right_logical3A_712 = vector.broadcast %shift_right_logical3A_711 : i32 to vector<16xi32>
      %shift_right_logical3A_713 = arith.shrui %get3A_710, %shift_right_logical3A_712 : vector<16xi32>
      %dma_start3A_714 = arith.constant 0 : i32
      %dma_start3A_715 = arith.constant 0 : i32
      %dma_start3A_716 = tpu.memref_slice %arg18[%dma_start3A_714, %dma_start3A_715] : memref<10000x128xf32, #tpu.memory_space<vmem_shared>> -> memref<10000x128xf32, #tpu.memory_space<vmem_shared>>
      tpu.enqueue_indirect_dma source(%arg7 : memref<16x128xf32, #tpu.memory_space<vmem>>) target(%dma_start3A_716 : memref<10000x128xf32, #tpu.memory_space<vmem_shared>>) offsets(%shift_right_logical3A_713 : vector<16xi32>) semaphore(%arg32 : memref<!tpu.dma_semaphore, #tpu.memory_space<semaphore_mem>>) {add = true}
      %mul3A_717 = arith.constant 12 : i32
      %mul3A_718 = arith.muli %add3A_638, %mul3A_717 : i32
      %add3A_719 = arith.constant 2 : i32
      %add3A_720 = arith.addi %mul3A_718, %add3A_719 : i32
      %add3A_721 = arith.constant 6 : i32
      %add3A_722 = arith.addi %add3A_720, %add3A_721 : i32
      %ge3A_723 = arith.constant 6 : i32
      %ge3A_724 = arith.cmpi sge, %add3A_720, %ge3A_723 : i32
      %convert_element_type3A_725 = arith.extui %ge3A_724 : i1 to i32
      %cond3A_726 = arith.constant 0 : i32
      %cond3A_727 = arith.cmpi ne, %convert_element_type3A_725, %cond3A_726 : i32
      scf.if %cond3A_727 {
        %sub3A = arith.constant 6 : i32
        %sub3A_1117 = arith.subi %add3A_720, %sub3A : i32
        %mul3A_1118 = arith.constant 16 : i32
        %mul3A_1119 = arith.muli %sub3A_1117, %mul3A_1118 : i32
        %multiple_of3A_1120 = tpu.assume_multiple %mul3A_1119, 16 : i32
        %get3A_1121 = arith.index_cast %multiple_of3A_1120 : i32 to index
        %get3A_1122 = tpu.vector_load %arg5[%get3A_1121] {strides = array<i32>} : memref<10000xi32, #tpu.memory_space<vmem>>, vector<16xi32>,
        %get3A_1123 = vector.shape_cast %get3A_1122 : vector<16xi32> to vector<16xi32>
        %shift_right_logical3A_1124 = arith.constant 16 : i32
        %shift_right_logical3A_1125 = vector.broadcast %shift_right_logical3A_1124 : i32 to vector<16xi32>
        %shift_right_logical3A_1126 = arith.shrui %get3A_1123, %shift_right_logical3A_1125 : vector<16xi32>
        %dma_wait3A_1127 = arith.constant 0 : i32
        %dma_wait3A_1128 = arith.constant 0 : i32
        %dma_wait3A_1129 = tpu.memref_slice %arg18[%dma_wait3A_1127, %dma_wait3A_1128] : memref<10000x128xf32, #tpu.memory_space<vmem_shared>> -> memref<10000x128xf32, #tpu.memory_space<vmem_shared>>
        tpu.wait_indirect_dma semaphore(%arg39 : memref<!tpu.dma_semaphore, #tpu.memory_space<semaphore_mem>>) src(%arg14 : memref<16x128xf32, #tpu.memory_space<vmem>>) dst(%dma_wait3A_1129 : memref<10000x128xf32, #tpu.memory_space<vmem_shared>>)
      } else {
      }
      %lt3A_728 = arith.constant 625 : i32
      %lt3A_729 = arith.cmpi slt, %add3A_722, %lt3A_728 : i32
      %convert_element_type3A_730 = arith.extui %lt3A_729 : i1 to i32
      %cond3A_731 = arith.constant 0 : i32
      %cond3A_732 = arith.cmpi ne, %convert_element_type3A_730, %cond3A_731 : i32
      scf.if %cond3A_732 {
        %mul3A_1117 = arith.constant 16 : i32
        %mul3A_1118 = arith.muli %add3A_722, %mul3A_1117 : i32
        %multiple_of3A_1119 = tpu.assume_multiple %mul3A_1118, 16 : i32
        %get3A_1120 = arith.index_cast %multiple_of3A_1119 : i32 to index
        %get3A_1121 = tpu.vector_load %arg5[%get3A_1120] {strides = array<i32>} : memref<10000xi32, #tpu.memory_space<vmem>>, vector<16xi32>,
        %get3A_1122 = vector.shape_cast %get3A_1121 : vector<16xi32> to vector<16xi32>
        %and3A_1123 = arith.constant 65535 : i32
        %and3A_1124 = vector.broadcast %and3A_1123 : i32 to vector<16xi32>
        %and3A_1125 = arith.andi %get3A_1122, %and3A_1124 : vector<16xi32>
        %dma_start3A_1126 = arith.constant 0 : i32
        %dma_start3A_1127 = arith.constant 0 : i32
        %dma_start3A_1128 = tpu.memref_slice %arg2[%dma_start3A_1126, %dma_start3A_1127] : memref<40000x128xf32, #tpu.memory_space<hbm>> -> memref<40000x128xf32, #tpu.memory_space<hbm>>
        tpu.enqueue_indirect_dma source(%dma_start3A_1128 : memref<40000x128xf32, #tpu.memory_space<hbm>>) target(%arg14 : memref<16x128xf32, #tpu.memory_space<vmem>>) offsets(%and3A_1125 : vector<16xi32>) semaphore(%arg27 : memref<!tpu.dma_semaphore, #tpu.memory_space<semaphore_mem>>)
      } else {
      }
      %mul3A_733 = arith.constant 16 : i32
      %mul3A_734 = arith.muli %add3A_720, %mul3A_733 : i32
      %multiple_of3A_735 = tpu.assume_multiple %mul3A_734, 16 : i32
      %get3A_736 = arith.index_cast %multiple_of3A_735 : i32 to index
      %get3A_737 = tpu.vector_load %arg5[%get3A_736] {strides = array<i32>} : memref<10000xi32, #tpu.memory_space<vmem>>, vector<16xi32>,
      %get3A_738 = vector.shape_cast %get3A_737 : vector<16xi32> to vector<16xi32>
      %and3A_739 = arith.constant 65535 : i32
      %and3A_740 = vector.broadcast %and3A_739 : i32 to vector<16xi32>
      %and3A_741 = arith.andi %get3A_738, %and3A_740 : vector<16xi32>
      %dma_wait3A_742 = arith.constant 0 : i32
      %dma_wait3A_743 = arith.constant 0 : i32
      %dma_wait3A_744 = tpu.memref_slice %arg2[%dma_wait3A_742, %dma_wait3A_743] : memref<40000x128xf32, #tpu.memory_space<hbm>> -> memref<40000x128xf32, #tpu.memory_space<hbm>>
      tpu.wait_indirect_dma semaphore(%arg21 : memref<!tpu.dma_semaphore, #tpu.memory_space<semaphore_mem>>) src(%dma_wait3A_744 : memref<40000x128xf32, #tpu.memory_space<hbm>>) dst(%arg8 : memref<16x128xf32, #tpu.memory_space<vmem>>)
      %mul3A_745 = arith.constant 16 : i32
      %mul3A_746 = arith.muli %add3A_720, %mul3A_745 : i32
      %multiple_of3A_747 = tpu.assume_multiple %mul3A_746, 16 : i32
      %get3A_748 = arith.index_cast %multiple_of3A_747 : i32 to index
      %get3A_749 = tpu.vector_load %arg5[%get3A_748] {strides = array<i32>} : memref<10000xi32, #tpu.memory_space<vmem>>, vector<16xi32>,
      %get3A_750 = vector.shape_cast %get3A_749 : vector<16xi32> to vector<16xi32>
      %shift_right_logical3A_751 = arith.constant 16 : i32
      %shift_right_logical3A_752 = vector.broadcast %shift_right_logical3A_751 : i32 to vector<16xi32>
      %shift_right_logical3A_753 = arith.shrui %get3A_750, %shift_right_logical3A_752 : vector<16xi32>
      %dma_start3A_754 = arith.constant 0 : i32
      %dma_start3A_755 = arith.constant 0 : i32
      %dma_start3A_756 = tpu.memref_slice %arg18[%dma_start3A_754, %dma_start3A_755] : memref<10000x128xf32, #tpu.memory_space<vmem_shared>> -> memref<10000x128xf32, #tpu.memory_space<vmem_shared>>
      tpu.enqueue_indirect_dma source(%arg8 : memref<16x128xf32, #tpu.memory_space<vmem>>) target(%dma_start3A_756 : memref<10000x128xf32, #tpu.memory_space<vmem_shared>>) offsets(%shift_right_logical3A_753 : vector<16xi32>) semaphore(%arg33 : memref<!tpu.dma_semaphore, #tpu.memory_space<semaphore_mem>>) {add = true}
      %mul3A_757 = arith.constant 12 : i32
      %mul3A_758 = arith.muli %add3A_638, %mul3A_757 : i32
      %add3A_759 = arith.constant 3 : i32
      %add3A_760 = arith.addi %mul3A_758, %add3A_759 : i32
      %add3A_761 = arith.constant 6 : i32
      %add3A_762 = arith.addi %add3A_760, %add3A_761 : i32
      %ge3A_763 = arith.constant 6 : i32
      %ge3A_764 = arith.cmpi sge, %add3A_760, %ge3A_763 : i32
      %convert_element_type3A_765 = arith.extui %ge3A_764 : i1 to i32
      %cond3A_766 = arith.constant 0 : i32
      %cond3A_767 = arith.cmpi ne, %convert_element_type3A_765, %cond3A_766 : i32
      scf.if %cond3A_767 {
        %sub3A = arith.constant 6 : i32
        %sub3A_1117 = arith.subi %add3A_760, %sub3A : i32
        %mul3A_1118 = arith.constant 16 : i32
        %mul3A_1119 = arith.muli %sub3A_1117, %mul3A_1118 : i32
        %multiple_of3A_1120 = tpu.assume_multiple %mul3A_1119, 16 : i32
        %get3A_1121 = arith.index_cast %multiple_of3A_1120 : i32 to index
        %get3A_1122 = tpu.vector_load %arg5[%get3A_1121] {strides = array<i32>} : memref<10000xi32, #tpu.memory_space<vmem>>, vector<16xi32>,
        %get3A_1123 = vector.shape_cast %get3A_1122 : vector<16xi32> to vector<16xi32>
        %shift_right_logical3A_1124 = arith.constant 16 : i32
        %shift_right_logical3A_1125 = vector.broadcast %shift_right_logical3A_1124 : i32 to vector<16xi32>
        %shift_right_logical3A_1126 = arith.shrui %get3A_1123, %shift_right_logical3A_1125 : vector<16xi32>
        %dma_wait3A_1127 = arith.constant 0 : i32
        %dma_wait3A_1128 = arith.constant 0 : i32
        %dma_wait3A_1129 = tpu.memref_slice %arg18[%dma_wait3A_1127, %dma_wait3A_1128] : memref<10000x128xf32, #tpu.memory_space<vmem_shared>> -> memref<10000x128xf32, #tpu.memory_space<vmem_shared>>
        tpu.wait_indirect_dma semaphore(%arg40 : memref<!tpu.dma_semaphore, #tpu.memory_space<semaphore_mem>>) src(%arg15 : memref<16x128xf32, #tpu.memory_space<vmem>>) dst(%dma_wait3A_1129 : memref<10000x128xf32, #tpu.memory_space<vmem_shared>>)
      } else {
      }
      %lt3A_768 = arith.constant 625 : i32
      %lt3A_769 = arith.cmpi slt, %add3A_762, %lt3A_768 : i32
      %convert_element_type3A_770 = arith.extui %lt3A_769 : i1 to i32
      %cond3A_771 = arith.constant 0 : i32
      %cond3A_772 = arith.cmpi ne, %convert_element_type3A_770, %cond3A_771 : i32
      scf.if %cond3A_772 {
        %mul3A_1117 = arith.constant 16 : i32
        %mul3A_1118 = arith.muli %add3A_762, %mul3A_1117 : i32
        %multiple_of3A_1119 = tpu.assume_multiple %mul3A_1118, 16 : i32
        %get3A_1120 = arith.index_cast %multiple_of3A_1119 : i32 to index
        %get3A_1121 = tpu.vector_load %arg5[%get3A_1120] {strides = array<i32>} : memref<10000xi32, #tpu.memory_space<vmem>>, vector<16xi32>,
        %get3A_1122 = vector.shape_cast %get3A_1121 : vector<16xi32> to vector<16xi32>
        %and3A_1123 = arith.constant 65535 : i32
        %and3A_1124 = vector.broadcast %and3A_1123 : i32 to vector<16xi32>
        %and3A_1125 = arith.andi %get3A_1122, %and3A_1124 : vector<16xi32>
        %dma_start3A_1126 = arith.constant 0 : i32
        %dma_start3A_1127 = arith.constant 0 : i32
        %dma_start3A_1128 = tpu.memref_slice %arg2[%dma_start3A_1126, %dma_start3A_1127] : memref<40000x128xf32, #tpu.memory_space<hbm>> -> memref<40000x128xf32, #tpu.memory_space<hbm>>
        tpu.enqueue_indirect_dma source(%dma_start3A_1128 : memref<40000x128xf32, #tpu.memory_space<hbm>>) target(%arg15 : memref<16x128xf32, #tpu.memory_space<vmem>>) offsets(%and3A_1125 : vector<16xi32>) semaphore(%arg28 : memref<!tpu.dma_semaphore, #tpu.memory_space<semaphore_mem>>)
      } else {
      }
      %mul3A_773 = arith.constant 16 : i32
      %mul3A_774 = arith.muli %add3A_760, %mul3A_773 : i32
      %multiple_of3A_775 = tpu.assume_multiple %mul3A_774, 16 : i32
      %get3A_776 = arith.index_cast %multiple_of3A_775 : i32 to index
      %get3A_777 = tpu.vector_load %arg5[%get3A_776] {strides = array<i32>} : memref<10000xi32, #tpu.memory_space<vmem>>, vector<16xi32>,
      %get3A_778 = vector.shape_cast %get3A_777 : vector<16xi32> to vector<16xi32>
      %and3A_779 = arith.constant 65535 : i32
      %and3A_780 = vector.broadcast %and3A_779 : i32 to vector<16xi32>
      %and3A_781 = arith.andi %get3A_778, %and3A_780 : vector<16xi32>
      %dma_wait3A_782 = arith.constant 0 : i32
      %dma_wait3A_783 = arith.constant 0 : i32
      %dma_wait3A_784 = tpu.memref_slice %arg2[%dma_wait3A_782, %dma_wait3A_783] : memref<40000x128xf32, #tpu.memory_space<hbm>> -> memref<40000x128xf32, #tpu.memory_space<hbm>>
      tpu.wait_indirect_dma semaphore(%arg22 : memref<!tpu.dma_semaphore, #tpu.memory_space<semaphore_mem>>) src(%dma_wait3A_784 : memref<40000x128xf32, #tpu.memory_space<hbm>>) dst(%arg9 : memref<16x128xf32, #tpu.memory_space<vmem>>)
      %mul3A_785 = arith.constant 16 : i32
      %mul3A_786 = arith.muli %add3A_760, %mul3A_785 : i32
      %multiple_of3A_787 = tpu.assume_multiple %mul3A_786, 16 : i32
      %get3A_788 = arith.index_cast %multiple_of3A_787 : i32 to index
      %get3A_789 = tpu.vector_load %arg5[%get3A_788] {strides = array<i32>} : memref<10000xi32, #tpu.memory_space<vmem>>, vector<16xi32>,
      %get3A_790 = vector.shape_cast %get3A_789 : vector<16xi32> to vector<16xi32>
      %shift_right_logical3A_791 = arith.constant 16 : i32
      %shift_right_logical3A_792 = vector.broadcast %shift_right_logical3A_791 : i32 to vector<16xi32>
      %shift_right_logical3A_793 = arith.shrui %get3A_790, %shift_right_logical3A_792 : vector<16xi32>
      %dma_start3A_794 = arith.constant 0 : i32
      %dma_start3A_795 = arith.constant 0 : i32
      %dma_start3A_796 = tpu.memref_slice %arg18[%dma_start3A_794, %dma_start3A_795] : memref<10000x128xf32, #tpu.memory_space<vmem_shared>> -> memref<10000x128xf32, #tpu.memory_space<vmem_shared>>
      tpu.enqueue_indirect_dma source(%arg9 : memref<16x128xf32, #tpu.memory_space<vmem>>) target(%dma_start3A_796 : memref<10000x128xf32, #tpu.memory_space<vmem_shared>>) offsets(%shift_right_logical3A_793 : vector<16xi32>) semaphore(%arg34 : memref<!tpu.dma_semaphore, #tpu.memory_space<semaphore_mem>>) {add = true}
      %mul3A_797 = arith.constant 12 : i32
      %mul3A_798 = arith.muli %add3A_638, %mul3A_797 : i32
      %add3A_799 = arith.constant 4 : i32
      %add3A_800 = arith.addi %mul3A_798, %add3A_799 : i32
      %add3A_801 = arith.constant 6 : i32
      %add3A_802 = arith.addi %add3A_800, %add3A_801 : i32
      %ge3A_803 = arith.constant 6 : i32
      %ge3A_804 = arith.cmpi sge, %add3A_800, %ge3A_803 : i32
      %convert_element_type3A_805 = arith.extui %ge3A_804 : i1 to i32
      %cond3A_806 = arith.constant 0 : i32
      %cond3A_807 = arith.cmpi ne, %convert_element_type3A_805, %cond3A_806 : i32
      scf.if %cond3A_807 {
        %sub3A = arith.constant 6 : i32
        %sub3A_1117 = arith.subi %add3A_800, %sub3A : i32
        %mul3A_1118 = arith.constant 16 : i32
        %mul3A_1119 = arith.muli %sub3A_1117, %mul3A_1118 : i32
        %multiple_of3A_1120 = tpu.assume_multiple %mul3A_1119, 16 : i32
        %get3A_1121 = arith.index_cast %multiple_of3A_1120 : i32 to index
        %get3A_1122 = tpu.vector_load %arg5[%get3A_1121] {strides = array<i32>} : memref<10000xi32, #tpu.memory_space<vmem>>, vector<16xi32>,
        %get3A_1123 = vector.shape_cast %get3A_1122 : vector<16xi32> to vector<16xi32>
        %shift_right_logical3A_1124 = arith.constant 16 : i32
        %shift_right_logical3A_1125 = vector.broadcast %shift_right_logical3A_1124 : i32 to vector<16xi32>
        %shift_right_logical3A_1126 = arith.shrui %get3A_1123, %shift_right_logical3A_1125 : vector<16xi32>
        %dma_wait3A_1127 = arith.constant 0 : i32
        %dma_wait3A_1128 = arith.constant 0 : i32
        %dma_wait3A_1129 = tpu.memref_slice %arg18[%dma_wait3A_1127, %dma_wait3A_1128] : memref<10000x128xf32, #tpu.memory_space<vmem_shared>> -> memref<10000x128xf32, #tpu.memory_space<vmem_shared>>
        tpu.wait_indirect_dma semaphore(%arg41 : memref<!tpu.dma_semaphore, #tpu.memory_space<semaphore_mem>>) src(%arg16 : memref<16x128xf32, #tpu.memory_space<vmem>>) dst(%dma_wait3A_1129 : memref<10000x128xf32, #tpu.memory_space<vmem_shared>>)
      } else {
      }
      %lt3A_808 = arith.constant 625 : i32
      %lt3A_809 = arith.cmpi slt, %add3A_802, %lt3A_808 : i32
      %convert_element_type3A_810 = arith.extui %lt3A_809 : i1 to i32
      %cond3A_811 = arith.constant 0 : i32
      %cond3A_812 = arith.cmpi ne, %convert_element_type3A_810, %cond3A_811 : i32
      scf.if %cond3A_812 {
        %mul3A_1117 = arith.constant 16 : i32
        %mul3A_1118 = arith.muli %add3A_802, %mul3A_1117 : i32
        %multiple_of3A_1119 = tpu.assume_multiple %mul3A_1118, 16 : i32
        %get3A_1120 = arith.index_cast %multiple_of3A_1119 : i32 to index
        %get3A_1121 = tpu.vector_load %arg5[%get3A_1120] {strides = array<i32>} : memref<10000xi32, #tpu.memory_space<vmem>>, vector<16xi32>,
        %get3A_1122 = vector.shape_cast %get3A_1121 : vector<16xi32> to vector<16xi32>
        %and3A_1123 = arith.constant 65535 : i32
        %and3A_1124 = vector.broadcast %and3A_1123 : i32 to vector<16xi32>
        %and3A_1125 = arith.andi %get3A_1122, %and3A_1124 : vector<16xi32>
        %dma_start3A_1126 = arith.constant 0 : i32
        %dma_start3A_1127 = arith.constant 0 : i32
        %dma_start3A_1128 = tpu.memref_slice %arg2[%dma_start3A_1126, %dma_start3A_1127] : memref<40000x128xf32, #tpu.memory_space<hbm>> -> memref<40000x128xf32, #tpu.memory_space<hbm>>
        tpu.enqueue_indirect_dma source(%dma_start3A_1128 : memref<40000x128xf32, #tpu.memory_space<hbm>>) target(%arg16 : memref<16x128xf32, #tpu.memory_space<vmem>>) offsets(%and3A_1125 : vector<16xi32>) semaphore(%arg29 : memref<!tpu.dma_semaphore, #tpu.memory_space<semaphore_mem>>)
      } else {
      }
      %mul3A_813 = arith.constant 16 : i32
      %mul3A_814 = arith.muli %add3A_800, %mul3A_813 : i32
      %multiple_of3A_815 = tpu.assume_multiple %mul3A_814, 16 : i32
      %get3A_816 = arith.index_cast %multiple_of3A_815 : i32 to index
      %get3A_817 = tpu.vector_load %arg5[%get3A_816] {strides = array<i32>} : memref<10000xi32, #tpu.memory_space<vmem>>, vector<16xi32>,
      %get3A_818 = vector.shape_cast %get3A_817 : vector<16xi32> to vector<16xi32>
      %and3A_819 = arith.constant 65535 : i32
      %and3A_820 = vector.broadcast %and3A_819 : i32 to vector<16xi32>
      %and3A_821 = arith.andi %get3A_818, %and3A_820 : vector<16xi32>
      %dma_wait3A_822 = arith.constant 0 : i32
      %dma_wait3A_823 = arith.constant 0 : i32
      %dma_wait3A_824 = tpu.memref_slice %arg2[%dma_wait3A_822, %dma_wait3A_823] : memref<40000x128xf32, #tpu.memory_space<hbm>> -> memref<40000x128xf32, #tpu.memory_space<hbm>>
      tpu.wait_indirect_dma semaphore(%arg23 : memref<!tpu.dma_semaphore, #tpu.memory_space<semaphore_mem>>) src(%dma_wait3A_824 : memref<40000x128xf32, #tpu.memory_space<hbm>>) dst(%arg10 : memref<16x128xf32, #tpu.memory_space<vmem>>)
      %mul3A_825 = arith.constant 16 : i32
      %mul3A_826 = arith.muli %add3A_800, %mul3A_825 : i32
      %multiple_of3A_827 = tpu.assume_multiple %mul3A_826, 16 : i32
      %get3A_828 = arith.index_cast %multiple_of3A_827 : i32 to index
      %get3A_829 = tpu.vector_load %arg5[%get3A_828] {strides = array<i32>} : memref<10000xi32, #tpu.memory_space<vmem>>, vector<16xi32>,
      %get3A_830 = vector.shape_cast %get3A_829 : vector<16xi32> to vector<16xi32>
      %shift_right_logical3A_831 = arith.constant 16 : i32
      %shift_right_logical3A_832 = vector.broadcast %shift_right_logical3A_831 : i32 to vector<16xi32>
      %shift_right_logical3A_833 = arith.shrui %get3A_830, %shift_right_logical3A_832 : vector<16xi32>
      %dma_start3A_834 = arith.constant 0 : i32
      %dma_start3A_835 = arith.constant 0 : i32
      %dma_start3A_836 = tpu.memref_slice %arg18[%dma_start3A_834, %dma_start3A_835] : memref<10000x128xf32, #tpu.memory_space<vmem_shared>> -> memref<10000x128xf32, #tpu.memory_space<vmem_shared>>
      tpu.enqueue_indirect_dma source(%arg10 : memref<16x128xf32, #tpu.memory_space<vmem>>) target(%dma_start3A_836 : memref<10000x128xf32, #tpu.memory_space<vmem_shared>>) offsets(%shift_right_logical3A_833 : vector<16xi32>) semaphore(%arg35 : memref<!tpu.dma_semaphore, #tpu.memory_space<semaphore_mem>>) {add = true}
      %mul3A_837 = arith.constant 12 : i32
      %mul3A_838 = arith.muli %add3A_638, %mul3A_837 : i32
      %add3A_839 = arith.constant 5 : i32
      %add3A_840 = arith.addi %mul3A_838, %add3A_839 : i32
      %add3A_841 = arith.constant 6 : i32
      %add3A_842 = arith.addi %add3A_840, %add3A_841 : i32
      %ge3A_843 = arith.constant 6 : i32
      %ge3A_844 = arith.cmpi sge, %add3A_840, %ge3A_843 : i32
      %convert_element_type3A_845 = arith.extui %ge3A_844 : i1 to i32
      %cond3A_846 = arith.constant 0 : i32
      %cond3A_847 = arith.cmpi ne, %convert_element_type3A_845, %cond3A_846 : i32
      scf.if %cond3A_847 {
        %sub3A = arith.constant 6 : i32
        %sub3A_1117 = arith.subi %add3A_840, %sub3A : i32
        %mul3A_1118 = arith.constant 16 : i32
        %mul3A_1119 = arith.muli %sub3A_1117, %mul3A_1118 : i32
        %multiple_of3A_1120 = tpu.assume_multiple %mul3A_1119, 16 : i32
        %get3A_1121 = arith.index_cast %multiple_of3A_1120 : i32 to index
        %get3A_1122 = tpu.vector_load %arg5[%get3A_1121] {strides = array<i32>} : memref<10000xi32, #tpu.memory_space<vmem>>, vector<16xi32>,
        %get3A_1123 = vector.shape_cast %get3A_1122 : vector<16xi32> to vector<16xi32>
        %shift_right_logical3A_1124 = arith.constant 16 : i32
        %shift_right_logical3A_1125 = vector.broadcast %shift_right_logical3A_1124 : i32 to vector<16xi32>
        %shift_right_logical3A_1126 = arith.shrui %get3A_1123, %shift_right_logical3A_1125 : vector<16xi32>
        %dma_wait3A_1127 = arith.constant 0 : i32
        %dma_wait3A_1128 = arith.constant 0 : i32
        %dma_wait3A_1129 = tpu.memref_slice %arg18[%dma_wait3A_1127, %dma_wait3A_1128] : memref<10000x128xf32, #tpu.memory_space<vmem_shared>> -> memref<10000x128xf32, #tpu.memory_space<vmem_shared>>
        tpu.wait_indirect_dma semaphore(%arg42 : memref<!tpu.dma_semaphore, #tpu.memory_space<semaphore_mem>>) src(%arg17 : memref<16x128xf32, #tpu.memory_space<vmem>>) dst(%dma_wait3A_1129 : memref<10000x128xf32, #tpu.memory_space<vmem_shared>>)
      } else {
      }
      %lt3A_848 = arith.constant 625 : i32
      %lt3A_849 = arith.cmpi slt, %add3A_842, %lt3A_848 : i32
      %convert_element_type3A_850 = arith.extui %lt3A_849 : i1 to i32
      %cond3A_851 = arith.constant 0 : i32
      %cond3A_852 = arith.cmpi ne, %convert_element_type3A_850, %cond3A_851 : i32
      scf.if %cond3A_852 {
        %mul3A_1117 = arith.constant 16 : i32
        %mul3A_1118 = arith.muli %add3A_842, %mul3A_1117 : i32
        %multiple_of3A_1119 = tpu.assume_multiple %mul3A_1118, 16 : i32
        %get3A_1120 = arith.index_cast %multiple_of3A_1119 : i32 to index
        %get3A_1121 = tpu.vector_load %arg5[%get3A_1120] {strides = array<i32>} : memref<10000xi32, #tpu.memory_space<vmem>>, vector<16xi32>,
        %get3A_1122 = vector.shape_cast %get3A_1121 : vector<16xi32> to vector<16xi32>
        %and3A_1123 = arith.constant 65535 : i32
        %and3A_1124 = vector.broadcast %and3A_1123 : i32 to vector<16xi32>
        %and3A_1125 = arith.andi %get3A_1122, %and3A_1124 : vector<16xi32>
        %dma_start3A_1126 = arith.constant 0 : i32
        %dma_start3A_1127 = arith.constant 0 : i32
        %dma_start3A_1128 = tpu.memref_slice %arg2[%dma_start3A_1126, %dma_start3A_1127] : memref<40000x128xf32, #tpu.memory_space<hbm>> -> memref<40000x128xf32, #tpu.memory_space<hbm>>
        tpu.enqueue_indirect_dma source(%dma_start3A_1128 : memref<40000x128xf32, #tpu.memory_space<hbm>>) target(%arg17 : memref<16x128xf32, #tpu.memory_space<vmem>>) offsets(%and3A_1125 : vector<16xi32>) semaphore(%arg30 : memref<!tpu.dma_semaphore, #tpu.memory_space<semaphore_mem>>)
      } else {
      }
      %mul3A_853 = arith.constant 16 : i32
      %mul3A_854 = arith.muli %add3A_840, %mul3A_853 : i32
      %multiple_of3A_855 = tpu.assume_multiple %mul3A_854, 16 : i32
      %get3A_856 = arith.index_cast %multiple_of3A_855 : i32 to index
      %get3A_857 = tpu.vector_load %arg5[%get3A_856] {strides = array<i32>} : memref<10000xi32, #tpu.memory_space<vmem>>, vector<16xi32>,
      %get3A_858 = vector.shape_cast %get3A_857 : vector<16xi32> to vector<16xi32>
      %and3A_859 = arith.constant 65535 : i32
      %and3A_860 = vector.broadcast %and3A_859 : i32 to vector<16xi32>
      %and3A_861 = arith.andi %get3A_858, %and3A_860 : vector<16xi32>
      %dma_wait3A_862 = arith.constant 0 : i32
      %dma_wait3A_863 = arith.constant 0 : i32
      %dma_wait3A_864 = tpu.memref_slice %arg2[%dma_wait3A_862, %dma_wait3A_863] : memref<40000x128xf32, #tpu.memory_space<hbm>> -> memref<40000x128xf32, #tpu.memory_space<hbm>>
      tpu.wait_indirect_dma semaphore(%arg24 : memref<!tpu.dma_semaphore, #tpu.memory_space<semaphore_mem>>) src(%dma_wait3A_864 : memref<40000x128xf32, #tpu.memory_space<hbm>>) dst(%arg11 : memref<16x128xf32, #tpu.memory_space<vmem>>)
      %mul3A_865 = arith.constant 16 : i32
      %mul3A_866 = arith.muli %add3A_840, %mul3A_865 : i32
      %multiple_of3A_867 = tpu.assume_multiple %mul3A_866, 16 : i32
      %get3A_868 = arith.index_cast %multiple_of3A_867 : i32 to index
      %get3A_869 = tpu.vector_load %arg5[%get3A_868] {strides = array<i32>} : memref<10000xi32, #tpu.memory_space<vmem>>, vector<16xi32>,
      %get3A_870 = vector.shape_cast %get3A_869 : vector<16xi32> to vector<16xi32>
      %shift_right_logical3A_871 = arith.constant 16 : i32
      %shift_right_logical3A_872 = vector.broadcast %shift_right_logical3A_871 : i32 to vector<16xi32>
      %shift_right_logical3A_873 = arith.shrui %get3A_870, %shift_right_logical3A_872 : vector<16xi32>
      %dma_start3A_874 = arith.constant 0 : i32
      %dma_start3A_875 = arith.constant 0 : i32
      %dma_start3A_876 = tpu.memref_slice %arg18[%dma_start3A_874, %dma_start3A_875] : memref<10000x128xf32, #tpu.memory_space<vmem_shared>> -> memref<10000x128xf32, #tpu.memory_space<vmem_shared>>
      tpu.enqueue_indirect_dma source(%arg11 : memref<16x128xf32, #tpu.memory_space<vmem>>) target(%dma_start3A_876 : memref<10000x128xf32, #tpu.memory_space<vmem_shared>>) offsets(%shift_right_logical3A_873 : vector<16xi32>) semaphore(%arg36 : memref<!tpu.dma_semaphore, #tpu.memory_space<semaphore_mem>>) {add = true}
      %mul3A_877 = arith.constant 12 : i32
      %mul3A_878 = arith.muli %add3A_638, %mul3A_877 : i32
      %add3A_879 = arith.constant 6 : i32
      %add3A_880 = arith.addi %mul3A_878, %add3A_879 : i32
      %add3A_881 = arith.constant 6 : i32
      %add3A_882 = arith.addi %add3A_880, %add3A_881 : i32
      %ge3A_883 = arith.constant 6 : i32
      %ge3A_884 = arith.cmpi sge, %add3A_880, %ge3A_883 : i32
      %convert_element_type3A_885 = arith.extui %ge3A_884 : i1 to i32
      %cond3A_886 = arith.constant 0 : i32
      %cond3A_887 = arith.cmpi ne, %convert_element_type3A_885, %cond3A_886 : i32
      scf.if %cond3A_887 {
        %sub3A = arith.constant 6 : i32
        %sub3A_1117 = arith.subi %add3A_880, %sub3A : i32
        %mul3A_1118 = arith.constant 16 : i32
        %mul3A_1119 = arith.muli %sub3A_1117, %mul3A_1118 : i32
        %multiple_of3A_1120 = tpu.assume_multiple %mul3A_1119, 16 : i32
        %get3A_1121 = arith.index_cast %multiple_of3A_1120 : i32 to index
        %get3A_1122 = tpu.vector_load %arg5[%get3A_1121] {strides = array<i32>} : memref<10000xi32, #tpu.memory_space<vmem>>, vector<16xi32>,
        %get3A_1123 = vector.shape_cast %get3A_1122 : vector<16xi32> to vector<16xi32>
        %shift_right_logical3A_1124 = arith.constant 16 : i32
        %shift_right_logical3A_1125 = vector.broadcast %shift_right_logical3A_1124 : i32 to vector<16xi32>
        %shift_right_logical3A_1126 = arith.shrui %get3A_1123, %shift_right_logical3A_1125 : vector<16xi32>
        %dma_wait3A_1127 = arith.constant 0 : i32
        %dma_wait3A_1128 = arith.constant 0 : i32
        %dma_wait3A_1129 = tpu.memref_slice %arg18[%dma_wait3A_1127, %dma_wait3A_1128] : memref<10000x128xf32, #tpu.memory_space<vmem_shared>> -> memref<10000x128xf32, #tpu.memory_space<vmem_shared>>
        tpu.wait_indirect_dma semaphore(%arg31 : memref<!tpu.dma_semaphore, #tpu.memory_space<semaphore_mem>>) src(%arg6 : memref<16x128xf32, #tpu.memory_space<vmem>>) dst(%dma_wait3A_1129 : memref<10000x128xf32, #tpu.memory_space<vmem_shared>>)
      } else {
      }
      %lt3A_888 = arith.constant 625 : i32
      %lt3A_889 = arith.cmpi slt, %add3A_882, %lt3A_888 : i32
      %convert_element_type3A_890 = arith.extui %lt3A_889 : i1 to i32
      %cond3A_891 = arith.constant 0 : i32
      %cond3A_892 = arith.cmpi ne, %convert_element_type3A_890, %cond3A_891 : i32
      scf.if %cond3A_892 {
        %mul3A_1117 = arith.constant 16 : i32
        %mul3A_1118 = arith.muli %add3A_882, %mul3A_1117 : i32
        %multiple_of3A_1119 = tpu.assume_multiple %mul3A_1118, 16 : i32
        %get3A_1120 = arith.index_cast %multiple_of3A_1119 : i32 to index
        %get3A_1121 = tpu.vector_load %arg5[%get3A_1120] {strides = array<i32>} : memref<10000xi32, #tpu.memory_space<vmem>>, vector<16xi32>,
        %get3A_1122 = vector.shape_cast %get3A_1121 : vector<16xi32> to vector<16xi32>
        %and3A_1123 = arith.constant 65535 : i32
        %and3A_1124 = vector.broadcast %and3A_1123 : i32 to vector<16xi32>
        %and3A_1125 = arith.andi %get3A_1122, %and3A_1124 : vector<16xi32>
        %dma_start3A_1126 = arith.constant 0 : i32
        %dma_start3A_1127 = arith.constant 0 : i32
        %dma_start3A_1128 = tpu.memref_slice %arg2[%dma_start3A_1126, %dma_start3A_1127] : memref<40000x128xf32, #tpu.memory_space<hbm>> -> memref<40000x128xf32, #tpu.memory_space<hbm>>
        tpu.enqueue_indirect_dma source(%dma_start3A_1128 : memref<40000x128xf32, #tpu.memory_space<hbm>>) target(%arg6 : memref<16x128xf32, #tpu.memory_space<vmem>>) offsets(%and3A_1125 : vector<16xi32>) semaphore(%arg19 : memref<!tpu.dma_semaphore, #tpu.memory_space<semaphore_mem>>)
      } else {
      }
      %mul3A_893 = arith.constant 16 : i32
      %mul3A_894 = arith.muli %add3A_880, %mul3A_893 : i32
      %multiple_of3A_895 = tpu.assume_multiple %mul3A_894, 16 : i32
      %get3A_896 = arith.index_cast %multiple_of3A_895 : i32 to index
      %get3A_897 = tpu.vector_load %arg5[%get3A_896] {strides = array<i32>} : memref<10000xi32, #tpu.memory_space<vmem>>, vector<16xi32>,
      %get3A_898 = vector.shape_cast %get3A_897 : vector<16xi32> to vector<16xi32>
      %and3A_899 = arith.constant 65535 : i32
      %and3A_900 = vector.broadcast %and3A_899 : i32 to vector<16xi32>
      %and3A_901 = arith.andi %get3A_898, %and3A_900 : vector<16xi32>
      %dma_wait3A_902 = arith.constant 0 : i32
      %dma_wait3A_903 = arith.constant 0 : i32
      %dma_wait3A_904 = tpu.memref_slice %arg2[%dma_wait3A_902, %dma_wait3A_903] : memref<40000x128xf32, #tpu.memory_space<hbm>> -> memref<40000x128xf32, #tpu.memory_space<hbm>>
      tpu.wait_indirect_dma semaphore(%arg25 : memref<!tpu.dma_semaphore, #tpu.memory_space<semaphore_mem>>) src(%dma_wait3A_904 : memref<40000x128xf32, #tpu.memory_space<hbm>>) dst(%arg12 : memref<16x128xf32, #tpu.memory_space<vmem>>)
      %mul3A_905 = arith.constant 16 : i32
      %mul3A_906 = arith.muli %add3A_880, %mul3A_905 : i32
      %multiple_of3A_907 = tpu.assume_multiple %mul3A_906, 16 : i32
      %get3A_908 = arith.index_cast %multiple_of3A_907 : i32 to index
      %get3A_909 = tpu.vector_load %arg5[%get3A_908] {strides = array<i32>} : memref<10000xi32, #tpu.memory_space<vmem>>, vector<16xi32>,
      %get3A_910 = vector.shape_cast %get3A_909 : vector<16xi32> to vector<16xi32>
      %shift_right_logical3A_911 = arith.constant 16 : i32
      %shift_right_logical3A_912 = vector.broadcast %shift_right_logical3A_911 : i32 to vector<16xi32>
      %shift_right_logical3A_913 = arith.shrui %get3A_910, %shift_right_logical3A_912 : vector<16xi32>
      %dma_start3A_914 = arith.constant 0 : i32
      %dma_start3A_915 = arith.constant 0 : i32
      %dma_start3A_916 = tpu.memref_slice %arg18[%dma_start3A_914, %dma_start3A_915] : memref<10000x128xf32, #tpu.memory_space<vmem_shared>> -> memref<10000x128xf32, #tpu.memory_space<vmem_shared>>
      tpu.enqueue_indirect_dma source(%arg12 : memref<16x128xf32, #tpu.memory_space<vmem>>) target(%dma_start3A_916 : memref<10000x128xf32, #tpu.memory_space<vmem_shared>>) offsets(%shift_right_logical3A_913 : vector<16xi32>) semaphore(%arg37 : memref<!tpu.dma_semaphore, #tpu.memory_space<semaphore_mem>>) {add = true}
      %mul3A_917 = arith.constant 12 : i32
      %mul3A_918 = arith.muli %add3A_638, %mul3A_917 : i32
      %add3A_919 = arith.constant 7 : i32
      %add3A_920 = arith.addi %mul3A_918, %add3A_919 : i32
      %add3A_921 = arith.constant 6 : i32
      %add3A_922 = arith.addi %add3A_920, %add3A_921 : i32
      %ge3A_923 = arith.constant 6 : i32
      %ge3A_924 = arith.cmpi sge, %add3A_920, %ge3A_923 : i32
      %convert_element_type3A_925 = arith.extui %ge3A_924 : i1 to i32
      %cond3A_926 = arith.constant 0 : i32
      %cond3A_927 = arith.cmpi ne, %convert_element_type3A_925, %cond3A_926 : i32
      scf.if %cond3A_927 {
        %sub3A = arith.constant 6 : i32
        %sub3A_1117 = arith.subi %add3A_920, %sub3A : i32
        %mul3A_1118 = arith.constant 16 : i32
        %mul3A_1119 = arith.muli %sub3A_1117, %mul3A_1118 : i32
        %multiple_of3A_1120 = tpu.assume_multiple %mul3A_1119, 16 : i32
        %get3A_1121 = arith.index_cast %multiple_of3A_1120 : i32 to index
        %get3A_1122 = tpu.vector_load %arg5[%get3A_1121] {strides = array<i32>} : memref<10000xi32, #tpu.memory_space<vmem>>, vector<16xi32>,
        %get3A_1123 = vector.shape_cast %get3A_1122 : vector<16xi32> to vector<16xi32>
        %shift_right_logical3A_1124 = arith.constant 16 : i32
        %shift_right_logical3A_1125 = vector.broadcast %shift_right_logical3A_1124 : i32 to vector<16xi32>
        %shift_right_logical3A_1126 = arith.shrui %get3A_1123, %shift_right_logical3A_1125 : vector<16xi32>
        %dma_wait3A_1127 = arith.constant 0 : i32
        %dma_wait3A_1128 = arith.constant 0 : i32
        %dma_wait3A_1129 = tpu.memref_slice %arg18[%dma_wait3A_1127, %dma_wait3A_1128] : memref<10000x128xf32, #tpu.memory_space<vmem_shared>> -> memref<10000x128xf32, #tpu.memory_space<vmem_shared>>
        tpu.wait_indirect_dma semaphore(%arg32 : memref<!tpu.dma_semaphore, #tpu.memory_space<semaphore_mem>>) src(%arg7 : memref<16x128xf32, #tpu.memory_space<vmem>>) dst(%dma_wait3A_1129 : memref<10000x128xf32, #tpu.memory_space<vmem_shared>>)
      } else {
      }
      %lt3A_928 = arith.constant 625 : i32
      %lt3A_929 = arith.cmpi slt, %add3A_922, %lt3A_928 : i32
      %convert_element_type3A_930 = arith.extui %lt3A_929 : i1 to i32
      %cond3A_931 = arith.constant 0 : i32
      %cond3A_932 = arith.cmpi ne, %convert_element_type3A_930, %cond3A_931 : i32
      scf.if %cond3A_932 {
        %mul3A_1117 = arith.constant 16 : i32
        %mul3A_1118 = arith.muli %add3A_922, %mul3A_1117 : i32
        %multiple_of3A_1119 = tpu.assume_multiple %mul3A_1118, 16 : i32
        %get3A_1120 = arith.index_cast %multiple_of3A_1119 : i32 to index
        %get3A_1121 = tpu.vector_load %arg5[%get3A_1120] {strides = array<i32>} : memref<10000xi32, #tpu.memory_space<vmem>>, vector<16xi32>,
        %get3A_1122 = vector.shape_cast %get3A_1121 : vector<16xi32> to vector<16xi32>
        %and3A_1123 = arith.constant 65535 : i32
        %and3A_1124 = vector.broadcast %and3A_1123 : i32 to vector<16xi32>
        %and3A_1125 = arith.andi %get3A_1122, %and3A_1124 : vector<16xi32>
        %dma_start3A_1126 = arith.constant 0 : i32
        %dma_start3A_1127 = arith.constant 0 : i32
        %dma_start3A_1128 = tpu.memref_slice %arg2[%dma_start3A_1126, %dma_start3A_1127] : memref<40000x128xf32, #tpu.memory_space<hbm>> -> memref<40000x128xf32, #tpu.memory_space<hbm>>
        tpu.enqueue_indirect_dma source(%dma_start3A_1128 : memref<40000x128xf32, #tpu.memory_space<hbm>>) target(%arg7 : memref<16x128xf32, #tpu.memory_space<vmem>>) offsets(%and3A_1125 : vector<16xi32>) semaphore(%arg20 : memref<!tpu.dma_semaphore, #tpu.memory_space<semaphore_mem>>)
      } else {
      }
      %mul3A_933 = arith.constant 16 : i32
      %mul3A_934 = arith.muli %add3A_920, %mul3A_933 : i32
      %multiple_of3A_935 = tpu.assume_multiple %mul3A_934, 16 : i32
      %get3A_936 = arith.index_cast %multiple_of3A_935 : i32 to index
      %get3A_937 = tpu.vector_load %arg5[%get3A_936] {strides = array<i32>} : memref<10000xi32, #tpu.memory_space<vmem>>, vector<16xi32>,
      %get3A_938 = vector.shape_cast %get3A_937 : vector<16xi32> to vector<16xi32>
      %and3A_939 = arith.constant 65535 : i32
      %and3A_940 = vector.broadcast %and3A_939 : i32 to vector<16xi32>
      %and3A_941 = arith.andi %get3A_938, %and3A_940 : vector<16xi32>
      %dma_wait3A_942 = arith.constant 0 : i32
      %dma_wait3A_943 = arith.constant 0 : i32
      %dma_wait3A_944 = tpu.memref_slice %arg2[%dma_wait3A_942, %dma_wait3A_943] : memref<40000x128xf32, #tpu.memory_space<hbm>> -> memref<40000x128xf32, #tpu.memory_space<hbm>>
      tpu.wait_indirect_dma semaphore(%arg26 : memref<!tpu.dma_semaphore, #tpu.memory_space<semaphore_mem>>) src(%dma_wait3A_944 : memref<40000x128xf32, #tpu.memory_space<hbm>>) dst(%arg13 : memref<16x128xf32, #tpu.memory_space<vmem>>)
      %mul3A_945 = arith.constant 16 : i32
      %mul3A_946 = arith.muli %add3A_920, %mul3A_945 : i32
      %multiple_of3A_947 = tpu.assume_multiple %mul3A_946, 16 : i32
      %get3A_948 = arith.index_cast %multiple_of3A_947 : i32 to index
      %get3A_949 = tpu.vector_load %arg5[%get3A_948] {strides = array<i32>} : memref<10000xi32, #tpu.memory_space<vmem>>, vector<16xi32>,
      %get3A_950 = vector.shape_cast %get3A_949 : vector<16xi32> to vector<16xi32>
      %shift_right_logical3A_951 = arith.constant 16 : i32
      %shift_right_logical3A_952 = vector.broadcast %shift_right_logical3A_951 : i32 to vector<16xi32>
      %shift_right_logical3A_953 = arith.shrui %get3A_950, %shift_right_logical3A_952 : vector<16xi32>
      %dma_start3A_954 = arith.constant 0 : i32
      %dma_start3A_955 = arith.constant 0 : i32
      %dma_start3A_956 = tpu.memref_slice %arg18[%dma_start3A_954, %dma_start3A_955] : memref<10000x128xf32, #tpu.memory_space<vmem_shared>> -> memref<10000x128xf32, #tpu.memory_space<vmem_shared>>
      tpu.enqueue_indirect_dma source(%arg13 : memref<16x128xf32, #tpu.memory_space<vmem>>) target(%dma_start3A_956 : memref<10000x128xf32, #tpu.memory_space<vmem_shared>>) offsets(%shift_right_logical3A_953 : vector<16xi32>) semaphore(%arg38 : memref<!tpu.dma_semaphore, #tpu.memory_space<semaphore_mem>>) {add = true}
      %mul3A_957 = arith.constant 12 : i32
      %mul3A_958 = arith.muli %add3A_638, %mul3A_957 : i32
      %add3A_959 = arith.constant 8 : i32
      %add3A_960 = arith.addi %mul3A_958, %add3A_959 : i32
      %add3A_961 = arith.constant 6 : i32
      %add3A_962 = arith.addi %add3A_960, %add3A_961 : i32
      %ge3A_963 = arith.constant 6 : i32
      %ge3A_964 = arith.cmpi sge, %add3A_960, %ge3A_963 : i32
      %convert_element_type3A_965 = arith.extui %ge3A_964 : i1 to i32
      %cond3A_966 = arith.constant 0 : i32
      %cond3A_967 = arith.cmpi ne, %convert_element_type3A_965, %cond3A_966 : i32
      scf.if %cond3A_967 {
        %sub3A = arith.constant 6 : i32
        %sub3A_1117 = arith.subi %add3A_960, %sub3A : i32
        %mul3A_1118 = arith.constant 16 : i32
        %mul3A_1119 = arith.muli %sub3A_1117, %mul3A_1118 : i32
        %multiple_of3A_1120 = tpu.assume_multiple %mul3A_1119, 16 : i32
        %get3A_1121 = arith.index_cast %multiple_of3A_1120 : i32 to index
        %get3A_1122 = tpu.vector_load %arg5[%get3A_1121] {strides = array<i32>} : memref<10000xi32, #tpu.memory_space<vmem>>, vector<16xi32>,
        %get3A_1123 = vector.shape_cast %get3A_1122 : vector<16xi32> to vector<16xi32>
        %shift_right_logical3A_1124 = arith.constant 16 : i32
        %shift_right_logical3A_1125 = vector.broadcast %shift_right_logical3A_1124 : i32 to vector<16xi32>
        %shift_right_logical3A_1126 = arith.shrui %get3A_1123, %shift_right_logical3A_1125 : vector<16xi32>
        %dma_wait3A_1127 = arith.constant 0 : i32
        %dma_wait3A_1128 = arith.constant 0 : i32
        %dma_wait3A_1129 = tpu.memref_slice %arg18[%dma_wait3A_1127, %dma_wait3A_1128] : memref<10000x128xf32, #tpu.memory_space<vmem_shared>> -> memref<10000x128xf32, #tpu.memory_space<vmem_shared>>
        tpu.wait_indirect_dma semaphore(%arg33 : memref<!tpu.dma_semaphore, #tpu.memory_space<semaphore_mem>>) src(%arg8 : memref<16x128xf32, #tpu.memory_space<vmem>>) dst(%dma_wait3A_1129 : memref<10000x128xf32, #tpu.memory_space<vmem_shared>>)
      } else {
      }
      %lt3A_968 = arith.constant 625 : i32
      %lt3A_969 = arith.cmpi slt, %add3A_962, %lt3A_968 : i32
      %convert_element_type3A_970 = arith.extui %lt3A_969 : i1 to i32
      %cond3A_971 = arith.constant 0 : i32
      %cond3A_972 = arith.cmpi ne, %convert_element_type3A_970, %cond3A_971 : i32
      scf.if %cond3A_972 {
        %mul3A_1117 = arith.constant 16 : i32
        %mul3A_1118 = arith.muli %add3A_962, %mul3A_1117 : i32
        %multiple_of3A_1119 = tpu.assume_multiple %mul3A_1118, 16 : i32
        %get3A_1120 = arith.index_cast %multiple_of3A_1119 : i32 to index
        %get3A_1121 = tpu.vector_load %arg5[%get3A_1120] {strides = array<i32>} : memref<10000xi32, #tpu.memory_space<vmem>>, vector<16xi32>,
        %get3A_1122 = vector.shape_cast %get3A_1121 : vector<16xi32> to vector<16xi32>
        %and3A_1123 = arith.constant 65535 : i32
        %and3A_1124 = vector.broadcast %and3A_1123 : i32 to vector<16xi32>
        %and3A_1125 = arith.andi %get3A_1122, %and3A_1124 : vector<16xi32>
        %dma_start3A_1126 = arith.constant 0 : i32
        %dma_start3A_1127 = arith.constant 0 : i32
        %dma_start3A_1128 = tpu.memref_slice %arg2[%dma_start3A_1126, %dma_start3A_1127] : memref<40000x128xf32, #tpu.memory_space<hbm>> -> memref<40000x128xf32, #tpu.memory_space<hbm>>
        tpu.enqueue_indirect_dma source(%dma_start3A_1128 : memref<40000x128xf32, #tpu.memory_space<hbm>>) target(%arg8 : memref<16x128xf32, #tpu.memory_space<vmem>>) offsets(%and3A_1125 : vector<16xi32>) semaphore(%arg21 : memref<!tpu.dma_semaphore, #tpu.memory_space<semaphore_mem>>)
      } else {
      }
      %mul3A_973 = arith.constant 16 : i32
      %mul3A_974 = arith.muli %add3A_960, %mul3A_973 : i32
      %multiple_of3A_975 = tpu.assume_multiple %mul3A_974, 16 : i32
      %get3A_976 = arith.index_cast %multiple_of3A_975 : i32 to index
      %get3A_977 = tpu.vector_load %arg5[%get3A_976] {strides = array<i32>} : memref<10000xi32, #tpu.memory_space<vmem>>, vector<16xi32>,
      %get3A_978 = vector.shape_cast %get3A_977 : vector<16xi32> to vector<16xi32>
      %and3A_979 = arith.constant 65535 : i32
      %and3A_980 = vector.broadcast %and3A_979 : i32 to vector<16xi32>
      %and3A_981 = arith.andi %get3A_978, %and3A_980 : vector<16xi32>
      %dma_wait3A_982 = arith.constant 0 : i32
      %dma_wait3A_983 = arith.constant 0 : i32
      %dma_wait3A_984 = tpu.memref_slice %arg2[%dma_wait3A_982, %dma_wait3A_983] : memref<40000x128xf32, #tpu.memory_space<hbm>> -> memref<40000x128xf32, #tpu.memory_space<hbm>>
      tpu.wait_indirect_dma semaphore(%arg27 : memref<!tpu.dma_semaphore, #tpu.memory_space<semaphore_mem>>) src(%dma_wait3A_984 : memref<40000x128xf32, #tpu.memory_space<hbm>>) dst(%arg14 : memref<16x128xf32, #tpu.memory_space<vmem>>)
      %mul3A_985 = arith.constant 16 : i32
      %mul3A_986 = arith.muli %add3A_960, %mul3A_985 : i32
      %multiple_of3A_987 = tpu.assume_multiple %mul3A_986, 16 : i32
      %get3A_988 = arith.index_cast %multiple_of3A_987 : i32 to index
      %get3A_989 = tpu.vector_load %arg5[%get3A_988] {strides = array<i32>} : memref<10000xi32, #tpu.memory_space<vmem>>, vector<16xi32>,
      %get3A_990 = vector.shape_cast %get3A_989 : vector<16xi32> to vector<16xi32>
      %shift_right_logical3A_991 = arith.constant 16 : i32
      %shift_right_logical3A_992 = vector.broadcast %shift_right_logical3A_991 : i32 to vector<16xi32>
      %shift_right_logical3A_993 = arith.shrui %get3A_990, %shift_right_logical3A_992 : vector<16xi32>
      %dma_start3A_994 = arith.constant 0 : i32
      %dma_start3A_995 = arith.constant 0 : i32
      %dma_start3A_996 = tpu.memref_slice %arg18[%dma_start3A_994, %dma_start3A_995] : memref<10000x128xf32, #tpu.memory_space<vmem_shared>> -> memref<10000x128xf32, #tpu.memory_space<vmem_shared>>
      tpu.enqueue_indirect_dma source(%arg14 : memref<16x128xf32, #tpu.memory_space<vmem>>) target(%dma_start3A_996 : memref<10000x128xf32, #tpu.memory_space<vmem_shared>>) offsets(%shift_right_logical3A_993 : vector<16xi32>) semaphore(%arg39 : memref<!tpu.dma_semaphore, #tpu.memory_space<semaphore_mem>>) {add = true}
      %mul3A_997 = arith.constant 12 : i32
      %mul3A_998 = arith.muli %add3A_638, %mul3A_997 : i32
      %add3A_999 = arith.constant 9 : i32
      %add3A_1000 = arith.addi %mul3A_998, %add3A_999 : i32
      %add3A_1001 = arith.constant 6 : i32
      %add3A_1002 = arith.addi %add3A_1000, %add3A_1001 : i32
      %ge3A_1003 = arith.constant 6 : i32
      %ge3A_1004 = arith.cmpi sge, %add3A_1000, %ge3A_1003 : i32
      %convert_element_type3A_1005 = arith.extui %ge3A_1004 : i1 to i32
      %cond3A_1006 = arith.constant 0 : i32
      %cond3A_1007 = arith.cmpi ne, %convert_element_type3A_1005, %cond3A_1006 : i32
      scf.if %cond3A_1007 {
        %sub3A = arith.constant 6 : i32
        %sub3A_1117 = arith.subi %add3A_1000, %sub3A : i32
        %mul3A_1118 = arith.constant 16 : i32
        %mul3A_1119 = arith.muli %sub3A_1117, %mul3A_1118 : i32
        %multiple_of3A_1120 = tpu.assume_multiple %mul3A_1119, 16 : i32
        %get3A_1121 = arith.index_cast %multiple_of3A_1120 : i32 to index
        %get3A_1122 = tpu.vector_load %arg5[%get3A_1121] {strides = array<i32>} : memref<10000xi32, #tpu.memory_space<vmem>>, vector<16xi32>,
        %get3A_1123 = vector.shape_cast %get3A_1122 : vector<16xi32> to vector<16xi32>
        %shift_right_logical3A_1124 = arith.constant 16 : i32
        %shift_right_logical3A_1125 = vector.broadcast %shift_right_logical3A_1124 : i32 to vector<16xi32>
        %shift_right_logical3A_1126 = arith.shrui %get3A_1123, %shift_right_logical3A_1125 : vector<16xi32>
        %dma_wait3A_1127 = arith.constant 0 : i32
        %dma_wait3A_1128 = arith.constant 0 : i32
        %dma_wait3A_1129 = tpu.memref_slice %arg18[%dma_wait3A_1127, %dma_wait3A_1128] : memref<10000x128xf32, #tpu.memory_space<vmem_shared>> -> memref<10000x128xf32, #tpu.memory_space<vmem_shared>>
        tpu.wait_indirect_dma semaphore(%arg34 : memref<!tpu.dma_semaphore, #tpu.memory_space<semaphore_mem>>) src(%arg9 : memref<16x128xf32, #tpu.memory_space<vmem>>) dst(%dma_wait3A_1129 : memref<10000x128xf32, #tpu.memory_space<vmem_shared>>)
      } else {
      }
      %lt3A_1008 = arith.constant 625 : i32
      %lt3A_1009 = arith.cmpi slt, %add3A_1002, %lt3A_1008 : i32
      %convert_element_type3A_1010 = arith.extui %lt3A_1009 : i1 to i32
      %cond3A_1011 = arith.constant 0 : i32
      %cond3A_1012 = arith.cmpi ne, %convert_element_type3A_1010, %cond3A_1011 : i32
      scf.if %cond3A_1012 {
        %mul3A_1117 = arith.constant 16 : i32
        %mul3A_1118 = arith.muli %add3A_1002, %mul3A_1117 : i32
        %multiple_of3A_1119 = tpu.assume_multiple %mul3A_1118, 16 : i32
        %get3A_1120 = arith.index_cast %multiple_of3A_1119 : i32 to index
        %get3A_1121 = tpu.vector_load %arg5[%get3A_1120] {strides = array<i32>} : memref<10000xi32, #tpu.memory_space<vmem>>, vector<16xi32>,
        %get3A_1122 = vector.shape_cast %get3A_1121 : vector<16xi32> to vector<16xi32>
        %and3A_1123 = arith.constant 65535 : i32
        %and3A_1124 = vector.broadcast %and3A_1123 : i32 to vector<16xi32>
        %and3A_1125 = arith.andi %get3A_1122, %and3A_1124 : vector<16xi32>
        %dma_start3A_1126 = arith.constant 0 : i32
        %dma_start3A_1127 = arith.constant 0 : i32
        %dma_start3A_1128 = tpu.memref_slice %arg2[%dma_start3A_1126, %dma_start3A_1127] : memref<40000x128xf32, #tpu.memory_space<hbm>> -> memref<40000x128xf32, #tpu.memory_space<hbm>>
        tpu.enqueue_indirect_dma source(%dma_start3A_1128 : memref<40000x128xf32, #tpu.memory_space<hbm>>) target(%arg9 : memref<16x128xf32, #tpu.memory_space<vmem>>) offsets(%and3A_1125 : vector<16xi32>) semaphore(%arg22 : memref<!tpu.dma_semaphore, #tpu.memory_space<semaphore_mem>>)
      } else {
      }
      %mul3A_1013 = arith.constant 16 : i32
      %mul3A_1014 = arith.muli %add3A_1000, %mul3A_1013 : i32
      %multiple_of3A_1015 = tpu.assume_multiple %mul3A_1014, 16 : i32
      %get3A_1016 = arith.index_cast %multiple_of3A_1015 : i32 to index
      %get3A_1017 = tpu.vector_load %arg5[%get3A_1016] {strides = array<i32>} : memref<10000xi32, #tpu.memory_space<vmem>>, vector<16xi32>,
      %get3A_1018 = vector.shape_cast %get3A_1017 : vector<16xi32> to vector<16xi32>
      %and3A_1019 = arith.constant 65535 : i32
      %and3A_1020 = vector.broadcast %and3A_1019 : i32 to vector<16xi32>
      %and3A_1021 = arith.andi %get3A_1018, %and3A_1020 : vector<16xi32>
      %dma_wait3A_1022 = arith.constant 0 : i32
      %dma_wait3A_1023 = arith.constant 0 : i32
      %dma_wait3A_1024 = tpu.memref_slice %arg2[%dma_wait3A_1022, %dma_wait3A_1023] : memref<40000x128xf32, #tpu.memory_space<hbm>> -> memref<40000x128xf32, #tpu.memory_space<hbm>>
      tpu.wait_indirect_dma semaphore(%arg28 : memref<!tpu.dma_semaphore, #tpu.memory_space<semaphore_mem>>) src(%dma_wait3A_1024 : memref<40000x128xf32, #tpu.memory_space<hbm>>) dst(%arg15 : memref<16x128xf32, #tpu.memory_space<vmem>>)
      %mul3A_1025 = arith.constant 16 : i32
      %mul3A_1026 = arith.muli %add3A_1000, %mul3A_1025 : i32
      %multiple_of3A_1027 = tpu.assume_multiple %mul3A_1026, 16 : i32
      %get3A_1028 = arith.index_cast %multiple_of3A_1027 : i32 to index
      %get3A_1029 = tpu.vector_load %arg5[%get3A_1028] {strides = array<i32>} : memref<10000xi32, #tpu.memory_space<vmem>>, vector<16xi32>,
      %get3A_1030 = vector.shape_cast %get3A_1029 : vector<16xi32> to vector<16xi32>
      %shift_right_logical3A_1031 = arith.constant 16 : i32
      %shift_right_logical3A_1032 = vector.broadcast %shift_right_logical3A_1031 : i32 to vector<16xi32>
      %shift_right_logical3A_1033 = arith.shrui %get3A_1030, %shift_right_logical3A_1032 : vector<16xi32>
      %dma_start3A_1034 = arith.constant 0 : i32
      %dma_start3A_1035 = arith.constant 0 : i32
      %dma_start3A_1036 = tpu.memref_slice %arg18[%dma_start3A_1034, %dma_start3A_1035] : memref<10000x128xf32, #tpu.memory_space<vmem_shared>> -> memref<10000x128xf32, #tpu.memory_space<vmem_shared>>
      tpu.enqueue_indirect_dma source(%arg15 : memref<16x128xf32, #tpu.memory_space<vmem>>) target(%dma_start3A_1036 : memref<10000x128xf32, #tpu.memory_space<vmem_shared>>) offsets(%shift_right_logical3A_1033 : vector<16xi32>) semaphore(%arg40 : memref<!tpu.dma_semaphore, #tpu.memory_space<semaphore_mem>>) {add = true}
      %mul3A_1037 = arith.constant 12 : i32
      %mul3A_1038 = arith.muli %add3A_638, %mul3A_1037 : i32
      %add3A_1039 = arith.constant 10 : i32
      %add3A_1040 = arith.addi %mul3A_1038, %add3A_1039 : i32
      %add3A_1041 = arith.constant 6 : i32
      %add3A_1042 = arith.addi %add3A_1040, %add3A_1041 : i32
      %ge3A_1043 = arith.constant 6 : i32
      %ge3A_1044 = arith.cmpi sge, %add3A_1040, %ge3A_1043 : i32
      %convert_element_type3A_1045 = arith.extui %ge3A_1044 : i1 to i32
      %cond3A_1046 = arith.constant 0 : i32
      %cond3A_1047 = arith.cmpi ne, %convert_element_type3A_1045, %cond3A_1046 : i32
      scf.if %cond3A_1047 {
        %sub3A = arith.constant 6 : i32
        %sub3A_1117 = arith.subi %add3A_1040, %sub3A : i32
        %mul3A_1118 = arith.constant 16 : i32
        %mul3A_1119 = arith.muli %sub3A_1117, %mul3A_1118 : i32
        %multiple_of3A_1120 = tpu.assume_multiple %mul3A_1119, 16 : i32
        %get3A_1121 = arith.index_cast %multiple_of3A_1120 : i32 to index
        %get3A_1122 = tpu.vector_load %arg5[%get3A_1121] {strides = array<i32>} : memref<10000xi32, #tpu.memory_space<vmem>>, vector<16xi32>,
        %get3A_1123 = vector.shape_cast %get3A_1122 : vector<16xi32> to vector<16xi32>
        %shift_right_logical3A_1124 = arith.constant 16 : i32
        %shift_right_logical3A_1125 = vector.broadcast %shift_right_logical3A_1124 : i32 to vector<16xi32>
        %shift_right_logical3A_1126 = arith.shrui %get3A_1123, %shift_right_logical3A_1125 : vector<16xi32>
        %dma_wait3A_1127 = arith.constant 0 : i32
        %dma_wait3A_1128 = arith.constant 0 : i32
        %dma_wait3A_1129 = tpu.memref_slice %arg18[%dma_wait3A_1127, %dma_wait3A_1128] : memref<10000x128xf32, #tpu.memory_space<vmem_shared>> -> memref<10000x128xf32, #tpu.memory_space<vmem_shared>>
        tpu.wait_indirect_dma semaphore(%arg35 : memref<!tpu.dma_semaphore, #tpu.memory_space<semaphore_mem>>) src(%arg10 : memref<16x128xf32, #tpu.memory_space<vmem>>) dst(%dma_wait3A_1129 : memref<10000x128xf32, #tpu.memory_space<vmem_shared>>)
      } else {
      }
      %lt3A_1048 = arith.constant 625 : i32
      %lt3A_1049 = arith.cmpi slt, %add3A_1042, %lt3A_1048 : i32
      %convert_element_type3A_1050 = arith.extui %lt3A_1049 : i1 to i32
      %cond3A_1051 = arith.constant 0 : i32
      %cond3A_1052 = arith.cmpi ne, %convert_element_type3A_1050, %cond3A_1051 : i32
      scf.if %cond3A_1052 {
        %mul3A_1117 = arith.constant 16 : i32
        %mul3A_1118 = arith.muli %add3A_1042, %mul3A_1117 : i32
        %multiple_of3A_1119 = tpu.assume_multiple %mul3A_1118, 16 : i32
        %get3A_1120 = arith.index_cast %multiple_of3A_1119 : i32 to index
        %get3A_1121 = tpu.vector_load %arg5[%get3A_1120] {strides = array<i32>} : memref<10000xi32, #tpu.memory_space<vmem>>, vector<16xi32>,
        %get3A_1122 = vector.shape_cast %get3A_1121 : vector<16xi32> to vector<16xi32>
        %and3A_1123 = arith.constant 65535 : i32
        %and3A_1124 = vector.broadcast %and3A_1123 : i32 to vector<16xi32>
        %and3A_1125 = arith.andi %get3A_1122, %and3A_1124 : vector<16xi32>
        %dma_start3A_1126 = arith.constant 0 : i32
        %dma_start3A_1127 = arith.constant 0 : i32
        %dma_start3A_1128 = tpu.memref_slice %arg2[%dma_start3A_1126, %dma_start3A_1127] : memref<40000x128xf32, #tpu.memory_space<hbm>> -> memref<40000x128xf32, #tpu.memory_space<hbm>>
        tpu.enqueue_indirect_dma source(%dma_start3A_1128 : memref<40000x128xf32, #tpu.memory_space<hbm>>) target(%arg10 : memref<16x128xf32, #tpu.memory_space<vmem>>) offsets(%and3A_1125 : vector<16xi32>) semaphore(%arg23 : memref<!tpu.dma_semaphore, #tpu.memory_space<semaphore_mem>>)
      } else {
      }
      %mul3A_1053 = arith.constant 16 : i32
      %mul3A_1054 = arith.muli %add3A_1040, %mul3A_1053 : i32
      %multiple_of3A_1055 = tpu.assume_multiple %mul3A_1054, 16 : i32
      %get3A_1056 = arith.index_cast %multiple_of3A_1055 : i32 to index
      %get3A_1057 = tpu.vector_load %arg5[%get3A_1056] {strides = array<i32>} : memref<10000xi32, #tpu.memory_space<vmem>>, vector<16xi32>,
      %get3A_1058 = vector.shape_cast %get3A_1057 : vector<16xi32> to vector<16xi32>
      %and3A_1059 = arith.constant 65535 : i32
      %and3A_1060 = vector.broadcast %and3A_1059 : i32 to vector<16xi32>
      %and3A_1061 = arith.andi %get3A_1058, %and3A_1060 : vector<16xi32>
      %dma_wait3A_1062 = arith.constant 0 : i32
      %dma_wait3A_1063 = arith.constant 0 : i32
      %dma_wait3A_1064 = tpu.memref_slice %arg2[%dma_wait3A_1062, %dma_wait3A_1063] : memref<40000x128xf32, #tpu.memory_space<hbm>> -> memref<40000x128xf32, #tpu.memory_space<hbm>>
      tpu.wait_indirect_dma semaphore(%arg29 : memref<!tpu.dma_semaphore, #tpu.memory_space<semaphore_mem>>) src(%dma_wait3A_1064 : memref<40000x128xf32, #tpu.memory_space<hbm>>) dst(%arg16 : memref<16x128xf32, #tpu.memory_space<vmem>>)
      %mul3A_1065 = arith.constant 16 : i32
      %mul3A_1066 = arith.muli %add3A_1040, %mul3A_1065 : i32
      %multiple_of3A_1067 = tpu.assume_multiple %mul3A_1066, 16 : i32
      %get3A_1068 = arith.index_cast %multiple_of3A_1067 : i32 to index
      %get3A_1069 = tpu.vector_load %arg5[%get3A_1068] {strides = array<i32>} : memref<10000xi32, #tpu.memory_space<vmem>>, vector<16xi32>,
      %get3A_1070 = vector.shape_cast %get3A_1069 : vector<16xi32> to vector<16xi32>
      %shift_right_logical3A_1071 = arith.constant 16 : i32
      %shift_right_logical3A_1072 = vector.broadcast %shift_right_logical3A_1071 : i32 to vector<16xi32>
      %shift_right_logical3A_1073 = arith.shrui %get3A_1070, %shift_right_logical3A_1072 : vector<16xi32>
      %dma_start3A_1074 = arith.constant 0 : i32
      %dma_start3A_1075 = arith.constant 0 : i32
      %dma_start3A_1076 = tpu.memref_slice %arg18[%dma_start3A_1074, %dma_start3A_1075] : memref<10000x128xf32, #tpu.memory_space<vmem_shared>> -> memref<10000x128xf32, #tpu.memory_space<vmem_shared>>
      tpu.enqueue_indirect_dma source(%arg16 : memref<16x128xf32, #tpu.memory_space<vmem>>) target(%dma_start3A_1076 : memref<10000x128xf32, #tpu.memory_space<vmem_shared>>) offsets(%shift_right_logical3A_1073 : vector<16xi32>) semaphore(%arg41 : memref<!tpu.dma_semaphore, #tpu.memory_space<semaphore_mem>>) {add = true}
      %mul3A_1077 = arith.constant 12 : i32
      %mul3A_1078 = arith.muli %add3A_638, %mul3A_1077 : i32
      %add3A_1079 = arith.constant 11 : i32
      %add3A_1080 = arith.addi %mul3A_1078, %add3A_1079 : i32
      %add3A_1081 = arith.constant 6 : i32
      %add3A_1082 = arith.addi %add3A_1080, %add3A_1081 : i32
      %ge3A_1083 = arith.constant 6 : i32
      %ge3A_1084 = arith.cmpi sge, %add3A_1080, %ge3A_1083 : i32
      %convert_element_type3A_1085 = arith.extui %ge3A_1084 : i1 to i32
      %cond3A_1086 = arith.constant 0 : i32
      %cond3A_1087 = arith.cmpi ne, %convert_element_type3A_1085, %cond3A_1086 : i32
      scf.if %cond3A_1087 {
        %sub3A = arith.constant 6 : i32
        %sub3A_1117 = arith.subi %add3A_1080, %sub3A : i32
        %mul3A_1118 = arith.constant 16 : i32
        %mul3A_1119 = arith.muli %sub3A_1117, %mul3A_1118 : i32
        %multiple_of3A_1120 = tpu.assume_multiple %mul3A_1119, 16 : i32
        %get3A_1121 = arith.index_cast %multiple_of3A_1120 : i32 to index
        %get3A_1122 = tpu.vector_load %arg5[%get3A_1121] {strides = array<i32>} : memref<10000xi32, #tpu.memory_space<vmem>>, vector<16xi32>,
        %get3A_1123 = vector.shape_cast %get3A_1122 : vector<16xi32> to vector<16xi32>
        %shift_right_logical3A_1124 = arith.constant 16 : i32
        %shift_right_logical3A_1125 = vector.broadcast %shift_right_logical3A_1124 : i32 to vector<16xi32>
        %shift_right_logical3A_1126 = arith.shrui %get3A_1123, %shift_right_logical3A_1125 : vector<16xi32>
        %dma_wait3A_1127 = arith.constant 0 : i32
        %dma_wait3A_1128 = arith.constant 0 : i32
        %dma_wait3A_1129 = tpu.memref_slice %arg18[%dma_wait3A_1127, %dma_wait3A_1128] : memref<10000x128xf32, #tpu.memory_space<vmem_shared>> -> memref<10000x128xf32, #tpu.memory_space<vmem_shared>>
        tpu.wait_indirect_dma semaphore(%arg36 : memref<!tpu.dma_semaphore, #tpu.memory_space<semaphore_mem>>) src(%arg11 : memref<16x128xf32, #tpu.memory_space<vmem>>) dst(%dma_wait3A_1129 : memref<10000x128xf32, #tpu.memory_space<vmem_shared>>)
      } else {
      }
      %lt3A_1088 = arith.constant 625 : i32
      %lt3A_1089 = arith.cmpi slt, %add3A_1082, %lt3A_1088 : i32
      %convert_element_type3A_1090 = arith.extui %lt3A_1089 : i1 to i32
      %cond3A_1091 = arith.constant 0 : i32
      %cond3A_1092 = arith.cmpi ne, %convert_element_type3A_1090, %cond3A_1091 : i32
      scf.if %cond3A_1092 {
        %mul3A_1117 = arith.constant 16 : i32
        %mul3A_1118 = arith.muli %add3A_1082, %mul3A_1117 : i32
        %multiple_of3A_1119 = tpu.assume_multiple %mul3A_1118, 16 : i32
        %get3A_1120 = arith.index_cast %multiple_of3A_1119 : i32 to index
        %get3A_1121 = tpu.vector_load %arg5[%get3A_1120] {strides = array<i32>} : memref<10000xi32, #tpu.memory_space<vmem>>, vector<16xi32>,
        %get3A_1122 = vector.shape_cast %get3A_1121 : vector<16xi32> to vector<16xi32>
        %and3A_1123 = arith.constant 65535 : i32
        %and3A_1124 = vector.broadcast %and3A_1123 : i32 to vector<16xi32>
        %and3A_1125 = arith.andi %get3A_1122, %and3A_1124 : vector<16xi32>
        %dma_start3A_1126 = arith.constant 0 : i32
        %dma_start3A_1127 = arith.constant 0 : i32
        %dma_start3A_1128 = tpu.memref_slice %arg2[%dma_start3A_1126, %dma_start3A_1127] : memref<40000x128xf32, #tpu.memory_space<hbm>> -> memref<40000x128xf32, #tpu.memory_space<hbm>>
        tpu.enqueue_indirect_dma source(%dma_start3A_1128 : memref<40000x128xf32, #tpu.memory_space<hbm>>) target(%arg11 : memref<16x128xf32, #tpu.memory_space<vmem>>) offsets(%and3A_1125 : vector<16xi32>) semaphore(%arg24 : memref<!tpu.dma_semaphore, #tpu.memory_space<semaphore_mem>>)
      } else {
      }
      %mul3A_1093 = arith.constant 16 : i32
      %mul3A_1094 = arith.muli %add3A_1080, %mul3A_1093 : i32
      %multiple_of3A_1095 = tpu.assume_multiple %mul3A_1094, 16 : i32
      %get3A_1096 = arith.index_cast %multiple_of3A_1095 : i32 to index
      %get3A_1097 = tpu.vector_load %arg5[%get3A_1096] {strides = array<i32>} : memref<10000xi32, #tpu.memory_space<vmem>>, vector<16xi32>,
      %get3A_1098 = vector.shape_cast %get3A_1097 : vector<16xi32> to vector<16xi32>
      %and3A_1099 = arith.constant 65535 : i32
      %and3A_1100 = vector.broadcast %and3A_1099 : i32 to vector<16xi32>
      %and3A_1101 = arith.andi %get3A_1098, %and3A_1100 : vector<16xi32>
      %dma_wait3A_1102 = arith.constant 0 : i32
      %dma_wait3A_1103 = arith.constant 0 : i32
      %dma_wait3A_1104 = tpu.memref_slice %arg2[%dma_wait3A_1102, %dma_wait3A_1103] : memref<40000x128xf32, #tpu.memory_space<hbm>> -> memref<40000x128xf32, #tpu.memory_space<hbm>>
      tpu.wait_indirect_dma semaphore(%arg30 : memref<!tpu.dma_semaphore, #tpu.memory_space<semaphore_mem>>) src(%dma_wait3A_1104 : memref<40000x128xf32, #tpu.memory_space<hbm>>) dst(%arg17 : memref<16x128xf32, #tpu.memory_space<vmem>>)
      %mul3A_1105 = arith.constant 16 : i32
      %mul3A_1106 = arith.muli %add3A_1080, %mul3A_1105 : i32
      %multiple_of3A_1107 = tpu.assume_multiple %mul3A_1106, 16 : i32
      %get3A_1108 = arith.index_cast %multiple_of3A_1107 : i32 to index
      %get3A_1109 = tpu.vector_load %arg5[%get3A_1108] {strides = array<i32>} : memref<10000xi32, #tpu.memory_space<vmem>>, vector<16xi32>,
      %get3A_1110 = vector.shape_cast %get3A_1109 : vector<16xi32> to vector<16xi32>
      %shift_right_logical3A_1111 = arith.constant 16 : i32
      %shift_right_logical3A_1112 = vector.broadcast %shift_right_logical3A_1111 : i32 to vector<16xi32>
      %shift_right_logical3A_1113 = arith.shrui %get3A_1110, %shift_right_logical3A_1112 : vector<16xi32>
      %dma_start3A_1114 = arith.constant 0 : i32
      %dma_start3A_1115 = arith.constant 0 : i32
      %dma_start3A_1116 = tpu.memref_slice %arg18[%dma_start3A_1114, %dma_start3A_1115] : memref<10000x128xf32, #tpu.memory_space<vmem_shared>> -> memref<10000x128xf32, #tpu.memory_space<vmem_shared>>
      tpu.enqueue_indirect_dma source(%arg17 : memref<16x128xf32, #tpu.memory_space<vmem>>) target(%dma_start3A_1116 : memref<10000x128xf32, #tpu.memory_space<vmem_shared>>) offsets(%shift_right_logical3A_1113 : vector<16xi32>) semaphore(%arg42 : memref<!tpu.dma_semaphore, #tpu.memory_space<semaphore_mem>>) {add = true}
    }
    %scan3A_543 = arith.constant 52 : i32
    %get3A_544 = arith.constant 9888 : index
    %get3A_545 = tpu.vector_load %arg5[%get3A_544] {strides = array<i32>} : memref<10000xi32, #tpu.memory_space<vmem>>, vector<16xi32>,
    %get3A_546 = vector.shape_cast %get3A_545 : vector<16xi32> to vector<16xi32>
    %shift_right_logical3A = arith.constant 16 : i32
    %shift_right_logical3A_547 = vector.broadcast %shift_right_logical3A : i32 to vector<16xi32>
    %shift_right_logical3A_548 = arith.shrui %get3A_546, %shift_right_logical3A_547 : vector<16xi32>
    %dma_wait3A_549 = arith.constant 0 : i32
    %dma_wait3A_550 = arith.constant 0 : i32
    %dma_wait3A_551 = tpu.memref_slice %arg18[%dma_wait3A_549, %dma_wait3A_550] : memref<10000x128xf32, #tpu.memory_space<vmem_shared>> -> memref<10000x128xf32, #tpu.memory_space<vmem_shared>>
    tpu.wait_indirect_dma semaphore(%arg37 : memref<!tpu.dma_semaphore, #tpu.memory_space<semaphore_mem>>) src(%arg12 : memref<16x128xf32, #tpu.memory_space<vmem>>) dst(%dma_wait3A_551 : memref<10000x128xf32, #tpu.memory_space<vmem_shared>>)
    %get3A_552 = arith.constant 9984 : index
    %get3A_553 = tpu.vector_load %arg5[%get3A_552] {strides = array<i32>} : memref<10000xi32, #tpu.memory_space<vmem>>, vector<16xi32>,
    %get3A_554 = vector.shape_cast %get3A_553 : vector<16xi32> to vector<16xi32>
    %and3A_555 = arith.constant 65535 : i32
    %and3A_556 = vector.broadcast %and3A_555 : i32 to vector<16xi32>
    %and3A_557 = arith.andi %get3A_554, %and3A_556 : vector<16xi32>
    %dma_wait3A_558 = arith.constant 0 : i32
    %dma_wait3A_559 = arith.constant 0 : i32
    %dma_wait3A_560 = tpu.memref_slice %arg2[%dma_wait3A_558, %dma_wait3A_559] : memref<40000x128xf32, #tpu.memory_space<hbm>> -> memref<40000x128xf32, #tpu.memory_space<hbm>>
    tpu.wait_indirect_dma semaphore(%arg19 : memref<!tpu.dma_semaphore, #tpu.memory_space<semaphore_mem>>) src(%dma_wait3A_560 : memref<40000x128xf32, #tpu.memory_space<hbm>>) dst(%arg6 : memref<16x128xf32, #tpu.memory_space<vmem>>)
    %get3A_561 = arith.constant 9984 : index
    %get3A_562 = tpu.vector_load %arg5[%get3A_561] {strides = array<i32>} : memref<10000xi32, #tpu.memory_space<vmem>>, vector<16xi32>,
    %get3A_563 = vector.shape_cast %get3A_562 : vector<16xi32> to vector<16xi32>
    %shift_right_logical3A_564 = arith.constant 16 : i32
    %shift_right_logical3A_565 = vector.broadcast %shift_right_logical3A_564 : i32 to vector<16xi32>
    %shift_right_logical3A_566 = arith.shrui %get3A_563, %shift_right_logical3A_565 : vector<16xi32>
    %dma_start3A_567 = arith.constant 0 : i32
    %dma_start3A_568 = arith.constant 0 : i32
    %dma_start3A_569 = tpu.memref_slice %arg18[%dma_start3A_567, %dma_start3A_568] : memref<10000x128xf32, #tpu.memory_space<vmem_shared>> -> memref<10000x128xf32, #tpu.memory_space<vmem_shared>>
    tpu.enqueue_indirect_dma source(%arg6 : memref<16x128xf32, #tpu.memory_space<vmem>>) target(%dma_start3A_569 : memref<10000x128xf32, #tpu.memory_space<vmem_shared>>) offsets(%shift_right_logical3A_566 : vector<16xi32>) semaphore(%arg31 : memref<!tpu.dma_semaphore, #tpu.memory_space<semaphore_mem>>) {add = true}
    %get3A_570 = arith.constant 9904 : index
    %get3A_571 = tpu.vector_load %arg5[%get3A_570] {strides = array<i32>} : memref<10000xi32, #tpu.memory_space<vmem>>, vector<16xi32>,
    %get3A_572 = vector.shape_cast %get3A_571 : vector<16xi32> to vector<16xi32>
    %shift_right_logical3A_573 = arith.constant 16 : i32
    %shift_right_logical3A_574 = vector.broadcast %shift_right_logical3A_573 : i32 to vector<16xi32>
    %shift_right_logical3A_575 = arith.shrui %get3A_572, %shift_right_logical3A_574 : vector<16xi32>
    %dma_wait3A_576 = arith.constant 0 : i32
    %dma_wait3A_577 = arith.constant 0 : i32
    %dma_wait3A_578 = tpu.memref_slice %arg18[%dma_wait3A_576, %dma_wait3A_577] : memref<10000x128xf32, #tpu.memory_space<vmem_shared>> -> memref<10000x128xf32, #tpu.memory_space<vmem_shared>>
    tpu.wait_indirect_dma semaphore(%arg38 : memref<!tpu.dma_semaphore, #tpu.memory_space<semaphore_mem>>) src(%arg13 : memref<16x128xf32, #tpu.memory_space<vmem>>) dst(%dma_wait3A_578 : memref<10000x128xf32, #tpu.memory_space<vmem_shared>>)
    %get3A_579 = arith.constant 9920 : index
    %get3A_580 = tpu.vector_load %arg5[%get3A_579] {strides = array<i32>} : memref<10000xi32, #tpu.memory_space<vmem>>, vector<16xi32>,
    %get3A_581 = vector.shape_cast %get3A_580 : vector<16xi32> to vector<16xi32>
    %shift_right_logical3A_582 = arith.constant 16 : i32
    %shift_right_logical3A_583 = vector.broadcast %shift_right_logical3A_582 : i32 to vector<16xi32>
    %shift_right_logical3A_584 = arith.shrui %get3A_581, %shift_right_logical3A_583 : vector<16xi32>
    %dma_wait3A_585 = arith.constant 0 : i32
    %dma_wait3A_586 = arith.constant 0 : i32
    %dma_wait3A_587 = tpu.memref_slice %arg18[%dma_wait3A_585, %dma_wait3A_586] : memref<10000x128xf32, #tpu.memory_space<vmem_shared>> -> memref<10000x128xf32, #tpu.memory_space<vmem_shared>>
    tpu.wait_indirect_dma semaphore(%arg39 : memref<!tpu.dma_semaphore, #tpu.memory_space<semaphore_mem>>) src(%arg14 : memref<16x128xf32, #tpu.memory_space<vmem>>) dst(%dma_wait3A_587 : memref<10000x128xf32, #tpu.memory_space<vmem_shared>>)
    %get3A_588 = arith.constant 9936 : index
    %get3A_589 = tpu.vector_load %arg5[%get3A_588] {strides = array<i32>} : memref<10000xi32, #tpu.memory_space<vmem>>, vector<16xi32>,
    %get3A_590 = vector.shape_cast %get3A_589 : vector<16xi32> to vector<16xi32>
    %shift_right_logical3A_591 = arith.constant 16 : i32
    %shift_right_logical3A_592 = vector.broadcast %shift_right_logical3A_591 : i32 to vector<16xi32>
    %shift_right_logical3A_593 = arith.shrui %get3A_590, %shift_right_logical3A_592 : vector<16xi32>
    %dma_wait3A_594 = arith.constant 0 : i32
    %dma_wait3A_595 = arith.constant 0 : i32
    %dma_wait3A_596 = tpu.memref_slice %arg18[%dma_wait3A_594, %dma_wait3A_595] : memref<10000x128xf32, #tpu.memory_space<vmem_shared>> -> memref<10000x128xf32, #tpu.memory_space<vmem_shared>>
    tpu.wait_indirect_dma semaphore(%arg40 : memref<!tpu.dma_semaphore, #tpu.memory_space<semaphore_mem>>) src(%arg15 : memref<16x128xf32, #tpu.memory_space<vmem>>) dst(%dma_wait3A_596 : memref<10000x128xf32, #tpu.memory_space<vmem_shared>>)
    %get3A_597 = arith.constant 9952 : index
    %get3A_598 = tpu.vector_load %arg5[%get3A_597] {strides = array<i32>} : memref<10000xi32, #tpu.memory_space<vmem>>, vector<16xi32>,
    %get3A_599 = vector.shape_cast %get3A_598 : vector<16xi32> to vector<16xi32>
    %shift_right_logical3A_600 = arith.constant 16 : i32
    %shift_right_logical3A_601 = vector.broadcast %shift_right_logical3A_600 : i32 to vector<16xi32>
    %shift_right_logical3A_602 = arith.shrui %get3A_599, %shift_right_logical3A_601 : vector<16xi32>
    %dma_wait3A_603 = arith.constant 0 : i32
    %dma_wait3A_604 = arith.constant 0 : i32
    %dma_wait3A_605 = tpu.memref_slice %arg18[%dma_wait3A_603, %dma_wait3A_604] : memref<10000x128xf32, #tpu.memory_space<vmem_shared>> -> memref<10000x128xf32, #tpu.memory_space<vmem_shared>>
    tpu.wait_indirect_dma semaphore(%arg41 : memref<!tpu.dma_semaphore, #tpu.memory_space<semaphore_mem>>) src(%arg16 : memref<16x128xf32, #tpu.memory_space<vmem>>) dst(%dma_wait3A_605 : memref<10000x128xf32, #tpu.memory_space<vmem_shared>>)
    %get3A_606 = arith.constant 9968 : index
    %get3A_607 = tpu.vector_load %arg5[%get3A_606] {strides = array<i32>} : memref<10000xi32, #tpu.memory_space<vmem>>, vector<16xi32>,
    %get3A_608 = vector.shape_cast %get3A_607 : vector<16xi32> to vector<16xi32>
    %shift_right_logical3A_609 = arith.constant 16 : i32
    %shift_right_logical3A_610 = vector.broadcast %shift_right_logical3A_609 : i32 to vector<16xi32>
    %shift_right_logical3A_611 = arith.shrui %get3A_608, %shift_right_logical3A_610 : vector<16xi32>
    %dma_wait3A_612 = arith.constant 0 : i32
    %dma_wait3A_613 = arith.constant 0 : i32
    %dma_wait3A_614 = tpu.memref_slice %arg18[%dma_wait3A_612, %dma_wait3A_613] : memref<10000x128xf32, #tpu.memory_space<vmem_shared>> -> memref<10000x128xf32, #tpu.memory_space<vmem_shared>>
    tpu.wait_indirect_dma semaphore(%arg42 : memref<!tpu.dma_semaphore, #tpu.memory_space<semaphore_mem>>) src(%arg17 : memref<16x128xf32, #tpu.memory_space<vmem>>) dst(%dma_wait3A_614 : memref<10000x128xf32, #tpu.memory_space<vmem_shared>>)
    %get3A_615 = arith.constant 9984 : index
    %get3A_616 = tpu.vector_load %arg5[%get3A_615] {strides = array<i32>} : memref<10000xi32, #tpu.memory_space<vmem>>, vector<16xi32>,
    %get3A_617 = vector.shape_cast %get3A_616 : vector<16xi32> to vector<16xi32>
    %shift_right_logical3A_618 = arith.constant 16 : i32
    %shift_right_logical3A_619 = vector.broadcast %shift_right_logical3A_618 : i32 to vector<16xi32>
    %shift_right_logical3A_620 = arith.shrui %get3A_617, %shift_right_logical3A_619 : vector<16xi32>
    %dma_wait3A_621 = arith.constant 0 : i32
    %dma_wait3A_622 = arith.constant 0 : i32
    %dma_wait3A_623 = tpu.memref_slice %arg18[%dma_wait3A_621, %dma_wait3A_622] : memref<10000x128xf32, #tpu.memory_space<vmem_shared>> -> memref<10000x128xf32, #tpu.memory_space<vmem_shared>>
    tpu.wait_indirect_dma semaphore(%arg31 : memref<!tpu.dma_semaphore, #tpu.memory_space<semaphore_mem>>) src(%arg6 : memref<16x128xf32, #tpu.memory_space<vmem>>) dst(%dma_wait3A_623 : memref<10000x128xf32, #tpu.memory_space<vmem_shared>>)
    %barrier3A_624 = arith.constant 0 : index
    tpu.barrier barrier_id(%barrier3A_624)
    %lt3A = arith.constant 15 : i32
    %lt3A_625 = arith.cmpi slt, %arg1, %lt3A : i32
    %convert_element_type3A_626 = arith.extui %lt3A_625 : i1 to i32
    %cond3A_627 = arith.constant 0 : i32
    %cond3A_628 = arith.cmpi ne, %convert_element_type3A_626, %cond3A_627 : i32
    scf.if %cond3A_628 {
      "tpu.region"() ({
        %run_scoped3A = tpu.sem_alloc : memref<!tpu.dma_semaphore, #tpu.memory_space<semaphore_mem>>
        %dma_start3A_634 = arith.constant 0 : i32
        %dma_start3A_635 = tpu.memref_slice %arg4[%arg0, %mul3A_13, %dma_start3A_634] : memref<2x10000x128xf32, #tpu.memory_space<hbm>> -> memref<1x624x128xf32, #tpu.memory_space<hbm>>
        %dma_start3A_636 = tpu.memref_squeeze %dma_start3A_635 : memref<1x624x128xf32, #tpu.memory_space<hbm>> -> memref<624x128xf32, #tpu.memory_space<hbm>>
        %dma_start3A_637 = arith.constant 0 : i32
        %dma_start3A_638 = tpu.memref_slice %arg18[%mul3A_13, %dma_start3A_637] : memref<10000x128xf32, #tpu.memory_space<vmem_shared>> -> memref<624x128xf32, #tpu.memory_space<vmem_shared>>
        tpu.enqueue_dma source(%dma_start3A_638 : memref<624x128xf32, #tpu.memory_space<vmem_shared>>) target(%dma_start3A_636 : memref<624x128xf32, #tpu.memory_space<hbm>>) target_semaphore(%run_scoped3A : memref<!tpu.dma_semaphore, #tpu.memory_space<semaphore_mem>>)
        %dma_wait3A_639 = arith.constant 0 : i32
        %dma_wait3A_640 = tpu.memref_slice %arg4[%arg0, %mul3A_13, %dma_wait3A_639] : memref<2x10000x128xf32, #tpu.memory_space<hbm>> -> memref<1x624x128xf32, #tpu.memory_space<hbm>>
        %dma_wait3A_641 = tpu.memref_squeeze %dma_wait3A_640 : memref<1x624x128xf32, #tpu.memory_space<hbm>> -> memref<624x128xf32, #tpu.memory_space<hbm>>
        %dma_wait3A_642 = arith.constant 0 : i32
        %dma_wait3A_643 = tpu.memref_slice %arg18[%mul3A_13, %dma_wait3A_642] : memref<10000x128xf32, #tpu.memory_space<vmem_shared>> -> memref<624x128xf32, #tpu.memory_space<vmem_shared>>
        tpu.wait_dma2 semaphore(%run_scoped3A : memref<!tpu.dma_semaphore, #tpu.memory_space<semaphore_mem>>) src(%dma_wait3A_643 : memref<624x128xf32, #tpu.memory_space<vmem_shared>>) dst(%dma_wait3A_641 : memref<624x128xf32, #tpu.memory_space<hbm>>)
        tpu.yield
      }) : () -> ()
    } else {
    }
    %eq3A_629 = arith.constant 15 : i32
    %eq3A_630 = arith.cmpi eq, %arg1, %eq3A_629 : i32
    %convert_element_type3A_631 = arith.extui %eq3A_630 : i1 to i32
    %cond3A_632 = arith.constant 0 : i32
    %cond3A_633 = arith.cmpi ne, %convert_element_type3A_631, %cond3A_632 : i32
    scf.if %cond3A_633 {
      "tpu.region"() ({
        %run_scoped3A = tpu.sem_alloc : memref<!tpu.dma_semaphore, #tpu.memory_space<semaphore_mem>>
        %dma_start3A_634 = arith.constant 9360 : i32
        %dma_start3A_635 = arith.constant 0 : i32
        %dma_start3A_636 = tpu.memref_slice %arg4[%arg0, %dma_start3A_634, %dma_start3A_635] : memref<2x10000x128xf32, #tpu.memory_space<hbm>> -> memref<1x640x128xf32, #tpu.memory_space<hbm>>
        %dma_start3A_637 = tpu.memref_squeeze %dma_start3A_636 : memref<1x640x128xf32, #tpu.memory_space<hbm>> -> memref<640x128xf32, #tpu.memory_space<hbm>>
        %dma_start3A_638 = arith.constant 9360 : i32
        %dma_start3A_639 = arith.constant 0 : i32
        %dma_start3A_640 = tpu.memref_slice %arg18[%dma_start3A_638, %dma_start3A_639] : memref<10000x128xf32, #tpu.memory_space<vmem_shared>> -> memref<640x128xf32, #tpu.memory_space<vmem_shared>>
        tpu.enqueue_dma source(%dma_start3A_640 : memref<640x128xf32, #tpu.memory_space<vmem_shared>>) target(%dma_start3A_637 : memref<640x128xf32, #tpu.memory_space<hbm>>) target_semaphore(%run_scoped3A : memref<!tpu.dma_semaphore, #tpu.memory_space<semaphore_mem>>)
        %dma_wait3A_641 = arith.constant 9360 : i32
        %dma_wait3A_642 = arith.constant 0 : i32
        %dma_wait3A_643 = tpu.memref_slice %arg4[%arg0, %dma_wait3A_641, %dma_wait3A_642] : memref<2x10000x128xf32, #tpu.memory_space<hbm>> -> memref<1x640x128xf32, #tpu.memory_space<hbm>>
        %dma_wait3A_644 = tpu.memref_squeeze %dma_wait3A_643 : memref<1x640x128xf32, #tpu.memory_space<hbm>> -> memref<640x128xf32, #tpu.memory_space<hbm>>
        %dma_wait3A_645 = arith.constant 9360 : i32
        %dma_wait3A_646 = arith.constant 0 : i32
        %dma_wait3A_647 = tpu.memref_slice %arg18[%dma_wait3A_645, %dma_wait3A_646] : memref<10000x128xf32, #tpu.memory_space<vmem_shared>> -> memref<640x128xf32, #tpu.memory_space<vmem_shared>>
        tpu.wait_dma2 semaphore(%run_scoped3A : memref<!tpu.dma_semaphore, #tpu.memory_space<semaphore_mem>>) src(%dma_wait3A_647 : memref<640x128xf32, #tpu.memory_space<vmem_shared>>) dst(%dma_wait3A_644 : memref<640x128xf32, #tpu.memory_space<hbm>>)
        tpu.yield
      }) : () -> ()
    } else {
    }
    return
  }
}

module attributes {stable_mosaic.version = 14 : i64} {
  func.func @_idx_prep_body(%arg0: memref<2x2500x128xi32, #tpu.memory_space<vmem>>, %arg1: memref<2500x128xi32, #tpu.memory_space<vmem>>, %arg2: memref<2500x128xi32, #tpu.memory_space<vmem>>) attributes {dimension_semantics = [], scalar_prefetch = 0 : i64, scratch_operands = 0 : i64, tpu.core_type = #tpu.core_type<tc>} {
    %get3A = arith.constant 0 : index
    %get3A_0 = arith.constant 0 : index
    %get3A_1 = arith.constant 0 : index
    %get3A_2 = vector.load %arg0[%get3A, %get3A_0, %get3A_1] : memref<2x2500x128xi32, #tpu.memory_space<vmem>>, vector<2x2500x128xi32>
    %slice3A = vector.extract_strided_slice %get3A_2 {offsets = [1, 0, 0], sizes = [1, 2500, 128], strides = [1, 1, 1]} : vector<2x2500x128xi32> to vector<1x2500x128xi32>
    %squeeze3A = vector.shape_cast %slice3A : vector<1x2500x128xi32> to vector<2500x128xi32>
    %shift_left3A = arith.constant 16 : i32
    %shift_left3A_3 = vector.broadcast %shift_left3A : i32 to vector<2500x128xi32>
    %shift_left3A_4 = arith.shli %squeeze3A, %shift_left3A_3 : vector<2500x128xi32>
    %get3A_5 = arith.constant 0 : index
    %get3A_6 = arith.constant 0 : index
    %get3A_7 = vector.load %arg1[%get3A_5, %get3A_6] : memref<2500x128xi32, #tpu.memory_space<vmem>>, vector<2500x128xi32>
    %mul3A = arith.constant 10000 : i32
    %mul3A_8 = vector.broadcast %mul3A : i32 to vector<2500x128xi32>
    %mul3A_9 = arith.muli %get3A_7, %mul3A_8 : vector<2500x128xi32>
    %add3A = arith.addi %shift_left3A_4, %mul3A_9 : vector<2500x128xi32>
    %slice3A_10 = vector.extract_strided_slice %get3A_2 {offsets = [0, 0, 0], sizes = [1, 2500, 128], strides = [1, 1, 1]} : vector<2x2500x128xi32> to vector<1x2500x128xi32>
    %squeeze3A_11 = vector.shape_cast %slice3A_10 : vector<1x2500x128xi32> to vector<2500x128xi32>
    %add3A_12 = arith.addi %add3A, %squeeze3A_11 : vector<2500x128xi32>
    %swap3A = arith.constant 0 : index
    %swap3A_13 = arith.constant 0 : index
    %swap3A_14 = vector.load %arg2[%swap3A, %swap3A_13] : memref<2500x128xi32, #tpu.memory_space<vmem>>, vector<2500x128xi32>
    tpu.vector_store %arg2[%swap3A, %swap3A_13], %add3A_12 {strides = array<i32>} : memref<2500x128xi32, #tpu.memory_space<vmem>>, vector<2500x128xi32>,
    return
  }
}

module attributes {stable_mosaic.version = 14 : i64} {
  func.func @_h4_body(%arg0: i32, %arg1: memref<1000x128xf32, #tpu.memory_space<vmem>>, %arg2: memref<4x128xf32, #tpu.memory_space<vmem>>, %arg3: memref<4x1000x128xf32, #tpu.memory_space<vmem>>) attributes {dimension_semantics = [#tpu.dimension_semantics<arbitrary>], iteration_bounds = array<i64: 10>, scalar_prefetch = 0 : i64, scratch_operands = 0 : i64, tpu.core_type = #tpu.core_type<tc>, window_params = [{transform_indices = @transform_0, window_bounds = array<i64: 1000, 128>}, {pipeline_mode = #tpu.pipeline_mode<synchronous>, transform_indices = @transform_1, window_bounds = array<i64: 4, 128>}, {transform_indices = @transform_2, window_bounds = array<i64: 4, 1000, 128>}]} {
    %get3A = arith.constant 0 : index
    %get3A_0 = arith.constant 0 : index
    %get3A_1 = vector.load %arg1[%get3A, %get3A_0] : memref<1000x128xf32, #tpu.memory_space<vmem>>, vector<1000x128xf32>
    %get3A_2 = arith.constant 0 : index
    %get3A_3 = arith.constant 0 : index
    %get3A_4 = vector.load %arg2[%get3A_2, %get3A_3] : memref<4x128xf32, #tpu.memory_space<vmem>>, vector<4x128xf32>
    %slice3A = vector.extract_strided_slice %get3A_4 {offsets = [0, 0], sizes = [1, 128], strides = [1, 1]} : vector<4x128xf32> to vector<1x128xf32>
    %squeeze3A = vector.shape_cast %slice3A : vector<1x128xf32> to vector<128xf32>
    %broadcast_in_dim3A = vector.shape_cast %squeeze3A : vector<128xf32> to vector<1x128xf32>
    %add3A = vector.broadcast %broadcast_in_dim3A : vector<1x128xf32> to vector<1000x128xf32>
    %add3A_5 = arith.addf %get3A_1, %add3A : vector<1000x128xf32>
    %max3A = arith.constant 0.000000e+00 : f32
    %max3A_6 = vector.broadcast %max3A : f32 to vector<1000x128xf32>
    %max3A_7 = arith.maximumf %add3A_5, %max3A_6 : vector<1000x128xf32>
    %swap3A = arith.constant 0 : index
    %swap3A_8 = arith.constant 0 : index
    %swap3A_9 = arith.constant 0 : index
    %swap3A_10 = vector.load %arg3[%swap3A, %swap3A_8, %swap3A_9] : memref<4x1000x128xf32, #tpu.memory_space<vmem>>, vector<1x1000x128xf32>
    %swap3A_11 = vector.shape_cast %swap3A_10 : vector<1x1000x128xf32> to vector<1000x128xf32>
    %swap3A_12 = vector.shape_cast %max3A_7 : vector<1000x128xf32> to vector<1x1000x128xf32>
    tpu.vector_store %arg3[%swap3A, %swap3A_8, %swap3A_9], %swap3A_12 {strides = array<i32>} : memref<4x1000x128xf32, #tpu.memory_space<vmem>>, vector<1x1000x128xf32>,
    %slice3A_13 = vector.extract_strided_slice %get3A_4 {offsets = [1, 0], sizes = [1, 128], strides = [1, 1]} : vector<4x128xf32> to vector<1x128xf32>
    %squeeze3A_14 = vector.shape_cast %slice3A_13 : vector<1x128xf32> to vector<128xf32>
    %broadcast_in_dim3A_15 = vector.shape_cast %squeeze3A_14 : vector<128xf32> to vector<1x128xf32>
    %add3A_16 = vector.broadcast %broadcast_in_dim3A_15 : vector<1x128xf32> to vector<1000x128xf32>
    %add3A_17 = arith.addf %get3A_1, %add3A_16 : vector<1000x128xf32>
    %max3A_18 = arith.constant 0.000000e+00 : f32
    %max3A_19 = vector.broadcast %max3A_18 : f32 to vector<1000x128xf32>
    %max3A_20 = arith.maximumf %add3A_17, %max3A_19 : vector<1000x128xf32>
    %swap3A_21 = arith.constant 1 : index
    %swap3A_22 = arith.constant 0 : index
    %swap3A_23 = arith.constant 0 : index
    %swap3A_24 = vector.load %arg3[%swap3A_21, %swap3A_22, %swap3A_23] : memref<4x1000x128xf32, #tpu.memory_space<vmem>>, vector<1x1000x128xf32>
    %swap3A_25 = vector.shape_cast %swap3A_24 : vector<1x1000x128xf32> to vector<1000x128xf32>
    %swap3A_26 = vector.shape_cast %max3A_20 : vector<1000x128xf32> to vector<1x1000x128xf32>
    tpu.vector_store %arg3[%swap3A_21, %swap3A_22, %swap3A_23], %swap3A_26 {strides = array<i32>} : memref<4x1000x128xf32, #tpu.memory_space<vmem>>, vector<1x1000x128xf32>,
    %slice3A_27 = vector.extract_strided_slice %get3A_4 {offsets = [2, 0], sizes = [1, 128], strides = [1, 1]} : vector<4x128xf32> to vector<1x128xf32>
    %squeeze3A_28 = vector.shape_cast %slice3A_27 : vector<1x128xf32> to vector<128xf32>
    %broadcast_in_dim3A_29 = vector.shape_cast %squeeze3A_28 : vector<128xf32> to vector<1x128xf32>
    %add3A_30 = vector.broadcast %broadcast_in_dim3A_29 : vector<1x128xf32> to vector<1000x128xf32>
    %add3A_31 = arith.addf %get3A_1, %add3A_30 : vector<1000x128xf32>
    %max3A_32 = arith.constant 0.000000e+00 : f32
    %max3A_33 = vector.broadcast %max3A_32 : f32 to vector<1000x128xf32>
    %max3A_34 = arith.maximumf %add3A_31, %max3A_33 : vector<1000x128xf32>
    %swap3A_35 = arith.constant 2 : index
    %swap3A_36 = arith.constant 0 : index
    %swap3A_37 = arith.constant 0 : index
    %swap3A_38 = vector.load %arg3[%swap3A_35, %swap3A_36, %swap3A_37] : memref<4x1000x128xf32, #tpu.memory_space<vmem>>, vector<1x1000x128xf32>
    %swap3A_39 = vector.shape_cast %swap3A_38 : vector<1x1000x128xf32> to vector<1000x128xf32>
    %swap3A_40 = vector.shape_cast %max3A_34 : vector<1000x128xf32> to vector<1x1000x128xf32>
    tpu.vector_store %arg3[%swap3A_35, %swap3A_36, %swap3A_37], %swap3A_40 {strides = array<i32>} : memref<4x1000x128xf32, #tpu.memory_space<vmem>>, vector<1x1000x128xf32>,
    %slice3A_41 = vector.extract_strided_slice %get3A_4 {offsets = [3, 0], sizes = [1, 128], strides = [1, 1]} : vector<4x128xf32> to vector<1x128xf32>
    %squeeze3A_42 = vector.shape_cast %slice3A_41 : vector<1x128xf32> to vector<128xf32>
    %broadcast_in_dim3A_43 = vector.shape_cast %squeeze3A_42 : vector<128xf32> to vector<1x128xf32>
    %add3A_44 = vector.broadcast %broadcast_in_dim3A_43 : vector<1x128xf32> to vector<1000x128xf32>
    %add3A_45 = arith.addf %get3A_1, %add3A_44 : vector<1000x128xf32>
    %max3A_46 = arith.constant 0.000000e+00 : f32
    %max3A_47 = vector.broadcast %max3A_46 : f32 to vector<1000x128xf32>
    %max3A_48 = arith.maximumf %add3A_45, %max3A_47 : vector<1000x128xf32>
    %swap3A_49 = arith.constant 3 : index
    %swap3A_50 = arith.constant 0 : index
    %swap3A_51 = arith.constant 0 : index
    %swap3A_52 = vector.load %arg3[%swap3A_49, %swap3A_50, %swap3A_51] : memref<4x1000x128xf32, #tpu.memory_space<vmem>>, vector<1x1000x128xf32>
    %swap3A_53 = vector.shape_cast %swap3A_52 : vector<1x1000x128xf32> to vector<1000x128xf32>
    %swap3A_54 = vector.shape_cast %max3A_48 : vector<1000x128xf32> to vector<1x1000x128xf32>
    tpu.vector_store %arg3[%swap3A_49, %swap3A_50, %swap3A_51], %swap3A_54 {strides = array<i32>} : memref<4x1000x128xf32, #tpu.memory_space<vmem>>, vector<1x1000x128xf32>,
    return
  }
  func.func @transform_0(%arg0: i32) -> (i32, i32) {
    %c0_i32 = arith.constant 0 : i32
    %c0_i32_0 = arith.constant 0 : i32
    return %arg0, %c0_i32 : i32, i32
  }
  func.func @transform_1(%arg0: i32) -> (i32, i32) {
    %c0_i32 = arith.constant 0 : i32
    %c0_i32_0 = arith.constant 0 : i32
    %c0_i32_1 = arith.constant 0 : i32
    return %c0_i32, %c0_i32_0 : i32, i32
  }
  func.func @transform_2(%arg0: i32) -> (i32, i32, i32) {
    %c0_i32 = arith.constant 0 : i32
    %c0_i32_0 = arith.constant 0 : i32
    %c0_i32_1 = arith.constant 0 : i32
    return %c0_i32, %arg0, %c0_i32_0 : i32, i32, i32
  }
}

module attributes {stable_mosaic.version = 14 : i64} {
  func.func @_mlp_h4_body(%arg0: i32, %arg1: memref<1000x128xf32, #tpu.memory_space<vmem>>, %arg2: memref<2x1000x128xf32, #tpu.memory_space<vmem>>, %arg3: memref<128x128xf32, #tpu.memory_space<vmem>>, %arg4: memref<1x128xf32, #tpu.memory_space<vmem>>, %arg5: memref<128x128xf32, #tpu.memory_space<vmem>>, %arg6: memref<1x128xf32, #tpu.memory_space<vmem>>, %arg7: memref<4x128xf32, #tpu.memory_space<vmem>>, %arg8: memref<1000x128xf32, #tpu.memory_space<vmem>>, %arg9: memref<4x1000x128xf32, #tpu.memory_space<vmem>>) attributes {dimension_semantics = [#tpu.dimension_semantics<arbitrary>], iteration_bounds = array<i64: 10>, scalar_prefetch = 0 : i64, scratch_operands = 0 : i64, tpu.core_type = #tpu.core_type<tc>, window_params = [{transform_indices = @transform_0, window_bounds = array<i64: 1000, 128>}, {transform_indices = @transform_1, window_bounds = array<i64: 2, 1000, 128>}, {pipeline_mode = #tpu.pipeline_mode<synchronous>, transform_indices = @transform_2, window_bounds = array<i64: 128, 128>}, {pipeline_mode = #tpu.pipeline_mode<synchronous>, transform_indices = @transform_3, window_bounds = array<i64: 1, 128>}, {pipeline_mode = #tpu.pipeline_mode<synchronous>, transform_indices = @transform_4, window_bounds = array<i64: 128, 128>}, {pipeline_mode = #tpu.pipeline_mode<synchronous>, transform_indices = @transform_5, window_bounds = array<i64: 1, 128>}, {pipeline_mode = #tpu.pipeline_mode<synchronous>, transform_indices = @transform_6, window_bounds = array<i64: 4, 128>}, {transform_indices = @transform_7, window_bounds = array<i64: 1000, 128>}, {transform_indices = @transform_8, window_bounds = array<i64: 4, 1000, 128>}]} {
    %get3A = arith.constant 0 : index
    %get3A_0 = arith.constant 0 : index
    %get3A_1 = arith.constant 0 : index
    %get3A_2 = vector.load %arg2[%get3A, %get3A_0, %get3A_1] : memref<2x1000x128xf32, #tpu.memory_space<vmem>>, vector<2x1000x128xf32>
    %get3A_3 = arith.constant 0 : index
    %get3A_4 = arith.constant 0 : index
    %get3A_5 = vector.load %arg1[%get3A_3, %get3A_4] : memref<1000x128xf32, #tpu.memory_space<vmem>>, vector<1000x128xf32>
    %slice3A = vector.extract_strided_slice %get3A_2 {offsets = [0, 0, 0], sizes = [1, 1000, 128], strides = [1, 1, 1]} : vector<2x1000x128xf32> to vector<1x1000x128xf32>
    %squeeze3A = vector.shape_cast %slice3A : vector<1x1000x128xf32> to vector<1000x128xf32>
    %add3A = arith.addf %get3A_5, %squeeze3A : vector<1000x128xf32>
    %slice3A_6 = vector.extract_strided_slice %get3A_2 {offsets = [1, 0, 0], sizes = [1, 1000, 128], strides = [1, 1, 1]} : vector<2x1000x128xf32> to vector<1x1000x128xf32>
    %squeeze3A_7 = vector.shape_cast %slice3A_6 : vector<1x1000x128xf32> to vector<1000x128xf32>
    %add3A_8 = arith.addf %add3A, %squeeze3A_7 : vector<1000x128xf32>
    %get3A_9 = arith.constant 0 : index
    %get3A_10 = arith.constant 0 : index
    %get3A_11 = vector.load %arg3[%get3A_9, %get3A_10] : memref<128x128xf32, #tpu.memory_space<vmem>>, vector<128x128xf32>
    %dot_general3A = arith.constant dense<0.000000e+00> : vector<1000x128xf32>
    %dot_general3A_12 = tpu.matmul %add3A_8, %get3A_11, %dot_general3A {dimension_numbers = #tpu.dot_dimension_numbers<[1], [0], [0], [1], [0, 0, 1, 1], [], []>, transpose_lhs_hint = false} : vector<1000x128xf32>, vector<128x128xf32>, vector<1000x128xf32> -> vector<1000x128xf32>
    %get3A_13 = arith.constant 0 : index
    %get3A_14 = arith.constant 0 : index
    %get3A_15 = vector.load %arg4[%get3A_13, %get3A_14] : memref<1x128xf32, #tpu.memory_space<vmem>>, vector<1x128xf32>
    %add3A_16 = vector.broadcast %get3A_15 : vector<1x128xf32> to vector<1000x128xf32>
    %add3A_17 = arith.addf %dot_general3A_12, %add3A_16 : vector<1000x128xf32>
    %max3A = arith.constant 0.000000e+00 : f32
    %max3A_18 = vector.broadcast %max3A : f32 to vector<1000x128xf32>
    %max3A_19 = arith.maximumf %add3A_17, %max3A_18 : vector<1000x128xf32>
    %get3A_20 = arith.constant 0 : index
    %get3A_21 = arith.constant 0 : index
    %get3A_22 = vector.load %arg5[%get3A_20, %get3A_21] : memref<128x128xf32, #tpu.memory_space<vmem>>, vector<128x128xf32>
    %dot_general3A_23 = arith.constant dense<0.000000e+00> : vector<1000x128xf32>
    %dot_general3A_24 = tpu.matmul %max3A_19, %get3A_22, %dot_general3A_23 {dimension_numbers = #tpu.dot_dimension_numbers<[1], [0], [0], [1], [0, 0, 1, 1], [], []>, transpose_lhs_hint = false} : vector<1000x128xf32>, vector<128x128xf32>, vector<1000x128xf32> -> vector<1000x128xf32>
    %get3A_25 = arith.constant 0 : index
    %get3A_26 = arith.constant 0 : index
    %get3A_27 = vector.load %arg6[%get3A_25, %get3A_26] : memref<1x128xf32, #tpu.memory_space<vmem>>, vector<1x128xf32>
    %add3A_28 = vector.broadcast %get3A_27 : vector<1x128xf32> to vector<1000x128xf32>
    %add3A_29 = arith.addf %dot_general3A_24, %add3A_28 : vector<1000x128xf32>
    %swap3A = arith.constant 0 : index
    %swap3A_30 = arith.constant 0 : index
    %swap3A_31 = vector.load %arg8[%swap3A, %swap3A_30] : memref<1000x128xf32, #tpu.memory_space<vmem>>, vector<1000x128xf32>
    tpu.vector_store %arg8[%swap3A, %swap3A_30], %add3A_29 {strides = array<i32>} : memref<1000x128xf32, #tpu.memory_space<vmem>>, vector<1000x128xf32>,
    %get3A_32 = arith.constant 0 : index
    %get3A_33 = arith.constant 0 : index
    %get3A_34 = vector.load %arg7[%get3A_32, %get3A_33] : memref<4x128xf32, #tpu.memory_space<vmem>>, vector<4x128xf32>
    %slice3A_35 = vector.extract_strided_slice %get3A_34 {offsets = [0, 0], sizes = [1, 128], strides = [1, 1]} : vector<4x128xf32> to vector<1x128xf32>
    %squeeze3A_36 = vector.shape_cast %slice3A_35 : vector<1x128xf32> to vector<128xf32>
    %broadcast_in_dim3A = vector.shape_cast %squeeze3A_36 : vector<128xf32> to vector<1x128xf32>
    %add3A_37 = vector.broadcast %broadcast_in_dim3A : vector<1x128xf32> to vector<1000x128xf32>
    %add3A_38 = arith.addf %add3A_29, %add3A_37 : vector<1000x128xf32>
    %max3A_39 = arith.constant 0.000000e+00 : f32
    %max3A_40 = vector.broadcast %max3A_39 : f32 to vector<1000x128xf32>
    %max3A_41 = arith.maximumf %add3A_38, %max3A_40 : vector<1000x128xf32>
    %swap3A_42 = arith.constant 0 : index
    %swap3A_43 = arith.constant 0 : index
    %swap3A_44 = arith.constant 0 : index
    %swap3A_45 = vector.load %arg9[%swap3A_42, %swap3A_43, %swap3A_44] : memref<4x1000x128xf32, #tpu.memory_space<vmem>>, vector<1x1000x128xf32>
    %swap3A_46 = vector.shape_cast %swap3A_45 : vector<1x1000x128xf32> to vector<1000x128xf32>
    %swap3A_47 = vector.shape_cast %max3A_41 : vector<1000x128xf32> to vector<1x1000x128xf32>
    tpu.vector_store %arg9[%swap3A_42, %swap3A_43, %swap3A_44], %swap3A_47 {strides = array<i32>} : memref<4x1000x128xf32, #tpu.memory_space<vmem>>, vector<1x1000x128xf32>,
    %slice3A_48 = vector.extract_strided_slice %get3A_34 {offsets = [1, 0], sizes = [1, 128], strides = [1, 1]} : vector<4x128xf32> to vector<1x128xf32>
    %squeeze3A_49 = vector.shape_cast %slice3A_48 : vector<1x128xf32> to vector<128xf32>
    %broadcast_in_dim3A_50 = vector.shape_cast %squeeze3A_49 : vector<128xf32> to vector<1x128xf32>
    %add3A_51 = vector.broadcast %broadcast_in_dim3A_50 : vector<1x128xf32> to vector<1000x128xf32>
    %add3A_52 = arith.addf %add3A_29, %add3A_51 : vector<1000x128xf32>
    %max3A_53 = arith.constant 0.000000e+00 : f32
    %max3A_54 = vector.broadcast %max3A_53 : f32 to vector<1000x128xf32>
    %max3A_55 = arith.maximumf %add3A_52, %max3A_54 : vector<1000x128xf32>
    %swap3A_56 = arith.constant 1 : index
    %swap3A_57 = arith.constant 0 : index
    %swap3A_58 = arith.constant 0 : index
    %swap3A_59 = vector.load %arg9[%swap3A_56, %swap3A_57, %swap3A_58] : memref<4x1000x128xf32, #tpu.memory_space<vmem>>, vector<1x1000x128xf32>
    %swap3A_60 = vector.shape_cast %swap3A_59 : vector<1x1000x128xf32> to vector<1000x128xf32>
    %swap3A_61 = vector.shape_cast %max3A_55 : vector<1000x128xf32> to vector<1x1000x128xf32>
    tpu.vector_store %arg9[%swap3A_56, %swap3A_57, %swap3A_58], %swap3A_61 {strides = array<i32>} : memref<4x1000x128xf32, #tpu.memory_space<vmem>>, vector<1x1000x128xf32>,
    %slice3A_62 = vector.extract_strided_slice %get3A_34 {offsets = [2, 0], sizes = [1, 128], strides = [1, 1]} : vector<4x128xf32> to vector<1x128xf32>
    %squeeze3A_63 = vector.shape_cast %slice3A_62 : vector<1x128xf32> to vector<128xf32>
    %broadcast_in_dim3A_64 = vector.shape_cast %squeeze3A_63 : vector<128xf32> to vector<1x128xf32>
    %add3A_65 = vector.broadcast %broadcast_in_dim3A_64 : vector<1x128xf32> to vector<1000x128xf32>
    %add3A_66 = arith.addf %add3A_29, %add3A_65 : vector<1000x128xf32>
    %max3A_67 = arith.constant 0.000000e+00 : f32
    %max3A_68 = vector.broadcast %max3A_67 : f32 to vector<1000x128xf32>
    %max3A_69 = arith.maximumf %add3A_66, %max3A_68 : vector<1000x128xf32>
    %swap3A_70 = arith.constant 2 : index
    %swap3A_71 = arith.constant 0 : index
    %swap3A_72 = arith.constant 0 : index
    %swap3A_73 = vector.load %arg9[%swap3A_70, %swap3A_71, %swap3A_72] : memref<4x1000x128xf32, #tpu.memory_space<vmem>>, vector<1x1000x128xf32>
    %swap3A_74 = vector.shape_cast %swap3A_73 : vector<1x1000x128xf32> to vector<1000x128xf32>
    %swap3A_75 = vector.shape_cast %max3A_69 : vector<1000x128xf32> to vector<1x1000x128xf32>
    tpu.vector_store %arg9[%swap3A_70, %swap3A_71, %swap3A_72], %swap3A_75 {strides = array<i32>} : memref<4x1000x128xf32, #tpu.memory_space<vmem>>, vector<1x1000x128xf32>,
    %slice3A_76 = vector.extract_strided_slice %get3A_34 {offsets = [3, 0], sizes = [1, 128], strides = [1, 1]} : vector<4x128xf32> to vector<1x128xf32>
    %squeeze3A_77 = vector.shape_cast %slice3A_76 : vector<1x128xf32> to vector<128xf32>
    %broadcast_in_dim3A_78 = vector.shape_cast %squeeze3A_77 : vector<128xf32> to vector<1x128xf32>
    %add3A_79 = vector.broadcast %broadcast_in_dim3A_78 : vector<1x128xf32> to vector<1000x128xf32>
    %add3A_80 = arith.addf %add3A_29, %add3A_79 : vector<1000x128xf32>
    %max3A_81 = arith.constant 0.000000e+00 : f32
    %max3A_82 = vector.broadcast %max3A_81 : f32 to vector<1000x128xf32>
    %max3A_83 = arith.maximumf %add3A_80, %max3A_82 : vector<1000x128xf32>
    %swap3A_84 = arith.constant 3 : index
    %swap3A_85 = arith.constant 0 : index
    %swap3A_86 = arith.constant 0 : index
    %swap3A_87 = vector.load %arg9[%swap3A_84, %swap3A_85, %swap3A_86] : memref<4x1000x128xf32, #tpu.memory_space<vmem>>, vector<1x1000x128xf32>
    %swap3A_88 = vector.shape_cast %swap3A_87 : vector<1x1000x128xf32> to vector<1000x128xf32>
    %swap3A_89 = vector.shape_cast %max3A_83 : vector<1000x128xf32> to vector<1x1000x128xf32>
    tpu.vector_store %arg9[%swap3A_84, %swap3A_85, %swap3A_86], %swap3A_89 {strides = array<i32>} : memref<4x1000x128xf32, #tpu.memory_space<vmem>>, vector<1x1000x128xf32>,
    return
  }
  func.func @transform_0(%arg0: i32) -> (i32, i32) {
    %c0_i32 = arith.constant 0 : i32
    %c0_i32_0 = arith.constant 0 : i32
    return %arg0, %c0_i32 : i32, i32
  }
  func.func @transform_1(%arg0: i32) -> (i32, i32, i32) {
    %c0_i32 = arith.constant 0 : i32
    %c0_i32_0 = arith.constant 0 : i32
    %c0_i32_1 = arith.constant 0 : i32
    return %c0_i32, %arg0, %c0_i32_0 : i32, i32, i32
  }
  func.func @transform_2(%arg0: i32) -> (i32, i32) {
    %c0_i32 = arith.constant 0 : i32
    %c0_i32_0 = arith.constant 0 : i32
    %c0_i32_1 = arith.constant 0 : i32
    return %c0_i32, %c0_i32_0 : i32, i32
  }
  func.func @transform_3(%arg0: i32) -> (i32, i32) {
    %c0_i32 = arith.constant 0 : i32
    %c0_i32_0 = arith.constant 0 : i32
    %c0_i32_1 = arith.constant 0 : i32
    return %c0_i32, %c0_i32_0 : i32, i32
  }
  func.func @transform_4(%arg0: i32) -> (i32, i32) {
    %c0_i32 = arith.constant 0 : i32
    %c0_i32_0 = arith.constant 0 : i32
    %c0_i32_1 = arith.constant 0 : i32
    return %c0_i32, %c0_i32_0 : i32, i32
  }
  func.func @transform_5(%arg0: i32) -> (i32, i32) {
    %c0_i32 = arith.constant 0 : i32
    %c0_i32_0 = arith.constant 0 : i32
    %c0_i32_1 = arith.constant 0 : i32
    return %c0_i32, %c0_i32_0 : i32, i32
  }
  func.func @transform_6(%arg0: i32) -> (i32, i32) {
    %c0_i32 = arith.constant 0 : i32
    %c0_i32_0 = arith.constant 0 : i32
    %c0_i32_1 = arith.constant 0 : i32
    return %c0_i32, %c0_i32_0 : i32, i32
  }
  func.func @transform_7(%arg0: i32) -> (i32, i32) {
    %c0_i32 = arith.constant 0 : i32
    %c0_i32_0 = arith.constant 0 : i32
    return %arg0, %c0_i32 : i32, i32
  }
  func.func @transform_8(%arg0: i32) -> (i32, i32, i32) {
    %c0_i32 = arith.constant 0 : i32
    %c0_i32_0 = arith.constant 0 : i32
    %c0_i32_1 = arith.constant 0 : i32
    return %c0_i32, %arg0, %c0_i32_0 : i32, i32, i32
  }
}

module attributes {stable_mosaic.version = 14 : i64} {
  func.func @_mlp_pool_body(%arg0: i32, %arg1: memref<1000x128xf32, #tpu.memory_space<vmem>>, %arg2: memref<2x1000x128xf32, #tpu.memory_space<vmem>>, %arg3: memref<1x1x1000xi32, #tpu.memory_space<vmem>>, %arg4: memref<128x128xf32, #tpu.memory_space<vmem>>, %arg5: memref<1x128xf32, #tpu.memory_space<vmem>>, %arg6: memref<128x128xf32, #tpu.memory_space<vmem>>, %arg7: memref<1x128xf32, #tpu.memory_space<vmem>>, %arg8: memref<64x128xf32, #tpu.memory_space<vmem>>, %arg9: memref<64x128xf32, #tpu.memory_space<vmem>>, %arg10: memref<64x128xf32, #tpu.memory_space<vmem>>) attributes {dimension_semantics = [#tpu.dimension_semantics<arbitrary>], iteration_bounds = array<i64: 10>, scalar_prefetch = 0 : i64, scratch_operands = 2 : i64, tpu.core_type = #tpu.core_type<tc>, window_params = [{transform_indices = @transform_0, window_bounds = array<i64: 1000, 128>}, {transform_indices = @transform_1, window_bounds = array<i64: 2, 1000, 128>}, {transform_indices = @transform_2, window_bounds = array<i64: 1, 1, 1000>}, {pipeline_mode = #tpu.pipeline_mode<synchronous>, transform_indices = @transform_3, window_bounds = array<i64: 128, 128>}, {pipeline_mode = #tpu.pipeline_mode<synchronous>, transform_indices = @transform_4, window_bounds = array<i64: 1, 128>}, {pipeline_mode = #tpu.pipeline_mode<synchronous>, transform_indices = @transform_5, window_bounds = array<i64: 128, 128>}, {pipeline_mode = #tpu.pipeline_mode<synchronous>, transform_indices = @transform_6, window_bounds = array<i64: 1, 128>}, {pipeline_mode = #tpu.pipeline_mode<synchronous>, transform_indices = @transform_7, window_bounds = array<i64: 64, 128>}]} {
    %get3A = arith.constant 0 : index
    %get3A_0 = arith.constant 0 : index
    %get3A_1 = arith.constant 0 : index
    %get3A_2 = vector.load %arg2[%get3A, %get3A_0, %get3A_1] : memref<2x1000x128xf32, #tpu.memory_space<vmem>>, vector<2x1000x128xf32>
    %get3A_3 = arith.constant 0 : index
    %get3A_4 = arith.constant 0 : index
    %get3A_5 = vector.load %arg1[%get3A_3, %get3A_4] : memref<1000x128xf32, #tpu.memory_space<vmem>>, vector<1000x128xf32>
    %slice3A = vector.extract_strided_slice %get3A_2 {offsets = [0, 0, 0], sizes = [1, 1000, 128], strides = [1, 1, 1]} : vector<2x1000x128xf32> to vector<1x1000x128xf32>
    %squeeze3A = vector.shape_cast %slice3A : vector<1x1000x128xf32> to vector<1000x128xf32>
    %add3A = arith.addf %get3A_5, %squeeze3A : vector<1000x128xf32>
    %slice3A_6 = vector.extract_strided_slice %get3A_2 {offsets = [1, 0, 0], sizes = [1, 1000, 128], strides = [1, 1, 1]} : vector<2x1000x128xf32> to vector<1x1000x128xf32>
    %squeeze3A_7 = vector.shape_cast %slice3A_6 : vector<1x1000x128xf32> to vector<1000x128xf32>
    %add3A_8 = arith.addf %add3A, %squeeze3A_7 : vector<1000x128xf32>
    %get3A_9 = arith.constant 0 : index
    %get3A_10 = arith.constant 0 : index
    %get3A_11 = vector.load %arg4[%get3A_9, %get3A_10] : memref<128x128xf32, #tpu.memory_space<vmem>>, vector<128x128xf32>
    %dot_general3A = arith.constant dense<0.000000e+00> : vector<1000x128xf32>
    %dot_general3A_12 = tpu.matmul %add3A_8, %get3A_11, %dot_general3A {dimension_numbers = #tpu.dot_dimension_numbers<[1], [0], [0], [1], [0, 0, 1, 1], [], []>, transpose_lhs_hint = false} : vector<1000x128xf32>, vector<128x128xf32>, vector<1000x128xf32> -> vector<1000x128xf32>
    %get3A_13 = arith.constant 0 : index
    %get3A_14 = arith.constant 0 : index
    %get3A_15 = vector.load %arg5[%get3A_13, %get3A_14] : memref<1x128xf32, #tpu.memory_space<vmem>>, vector<1x128xf32>
    %add3A_16 = vector.broadcast %get3A_15 : vector<1x128xf32> to vector<1000x128xf32>
    %add3A_17 = arith.addf %dot_general3A_12, %add3A_16 : vector<1000x128xf32>
    %max3A = arith.constant 0.000000e+00 : f32
    %max3A_18 = vector.broadcast %max3A : f32 to vector<1000x128xf32>
    %max3A_19 = arith.maximumf %add3A_17, %max3A_18 : vector<1000x128xf32>
    %get3A_20 = arith.constant 0 : index
    %get3A_21 = arith.constant 0 : index
    %get3A_22 = vector.load %arg6[%get3A_20, %get3A_21] : memref<128x128xf32, #tpu.memory_space<vmem>>, vector<128x128xf32>
    %dot_general3A_23 = arith.constant dense<0.000000e+00> : vector<1000x128xf32>
    %dot_general3A_24 = tpu.matmul %max3A_19, %get3A_22, %dot_general3A_23 {dimension_numbers = #tpu.dot_dimension_numbers<[1], [0], [0], [1], [0, 0, 1, 1], [], []>, transpose_lhs_hint = false} : vector<1000x128xf32>, vector<128x128xf32>, vector<1000x128xf32> -> vector<1000x128xf32>
    %get3A_25 = arith.constant 0 : index
    %get3A_26 = arith.constant 0 : index
    %get3A_27 = vector.load %arg7[%get3A_25, %get3A_26] : memref<1x128xf32, #tpu.memory_space<vmem>>, vector<1x128xf32>
    %add3A_28 = vector.broadcast %get3A_27 : vector<1x128xf32> to vector<1000x128xf32>
    %add3A_29 = arith.addf %dot_general3A_24, %add3A_28 : vector<1000x128xf32>
    %get3A_30 = arith.constant 0 : index
    %get3A_31 = arith.constant 0 : index
    %get3A_32 = arith.constant 0 : index
    %get3A_33 = vector.load %arg3[%get3A_30, %get3A_31, %get3A_32] : memref<1x1x1000xi32, #tpu.memory_space<vmem>>, vector<1x1x1000xi32>
    %get3A_34 = vector.shape_cast %get3A_33 : vector<1x1x1000xi32> to vector<1000xi32>
    %iota3A = tpu.iota {dimensions = array<i32: 0>} : vector<64x1000xi32>
    %broadcast_in_dim3A = vector.shape_cast %get3A_34 : vector<1000xi32> to vector<1x1000xi32>
    %eq3A = vector.broadcast %broadcast_in_dim3A : vector<1x1000xi32> to vector<64x1000xi32>
    %eq3A_35 = arith.cmpi eq, %iota3A, %eq3A : vector<64x1000xi32>
    %convert_element_type3A = arith.extui %eq3A_35 : vector<64x1000xi1> to vector<64x1000xi32>
    %convert_element_type3A_36 = arith.sitofp %convert_element_type3A : vector<64x1000xi32> to vector<64x1000xf32>
    %dot_general3A_37 = arith.constant dense<0.000000e+00> : vector<64x128xf32>
    %dot_general3A_38 = tpu.matmul %convert_element_type3A_36, %add3A_29, %dot_general3A_37 {dimension_numbers = #tpu.dot_dimension_numbers<[1], [0], [0], [1], [0, 0, 1, 1], [], []>, transpose_lhs_hint = false} : vector<64x1000xf32>, vector<1000x128xf32>, vector<64x128xf32> -> vector<64x128xf32>
    %reduce_sum3A = arith.constant dense<0.000000e+00> : vector<64xf32>
    %reduce_sum3A_39 = vector.multi_reduction <add>, %convert_element_type3A_36, %reduce_sum3A [1] : vector<64x1000xf32> to vector<64xf32>
    %eq3A_40 = arith.constant 0 : i32
    %eq3A_41 = arith.cmpi eq, %arg0, %eq3A_40 : i32
    %convert_element_type3A_42 = arith.extui %eq3A_41 : i1 to i32
    %cond3A = arith.constant 0 : i32
    %cond3A_43 = arith.cmpi ne, %convert_element_type3A_42, %cond3A : i32
    scf.if %cond3A_43 {
      %broadcast_in_dim3A_64 = arith.constant 0.000000e+00 : f32
      %broadcast_in_dim3A_65 = vector.broadcast %broadcast_in_dim3A_64 : f32 to vector<64x128xf32>
      %swap3A_66 = arith.constant 0 : index
      %swap3A_67 = arith.constant 0 : index
      %swap3A_68 = vector.load %arg9[%swap3A_66, %swap3A_67] : memref<64x128xf32, #tpu.memory_space<vmem>>, vector<64x128xf32>
      tpu.vector_store %arg9[%swap3A_66, %swap3A_67], %broadcast_in_dim3A_65 {strides = array<i32>} : memref<64x128xf32, #tpu.memory_space<vmem>>, vector<64x128xf32>,
      %broadcast_in_dim3A_69 = arith.constant 0.000000e+00 : f32
      %broadcast_in_dim3A_70 = vector.broadcast %broadcast_in_dim3A_69 : f32 to vector<64x128xf32>
      %swap3A_71 = arith.constant 0 : index
      %swap3A_72 = arith.constant 0 : index
      %swap3A_73 = vector.load %arg10[%swap3A_71, %swap3A_72] : memref<64x128xf32, #tpu.memory_space<vmem>>, vector<64x128xf32>
      tpu.vector_store %arg10[%swap3A_71, %swap3A_72], %broadcast_in_dim3A_70 {strides = array<i32>} : memref<64x128xf32, #tpu.memory_space<vmem>>, vector<64x128xf32>,
    } else {
    }
    %get3A_44 = arith.constant 0 : index
    %get3A_45 = arith.constant 0 : index
    %get3A_46 = vector.load %arg9[%get3A_44, %get3A_45] : memref<64x128xf32, #tpu.memory_space<vmem>>, vector<64x128xf32>
    %add3A_47 = arith.addf %get3A_46, %dot_general3A_38 : vector<64x128xf32>
    %swap3A = arith.constant 0 : index
    %swap3A_48 = arith.constant 0 : index
    %swap3A_49 = vector.load %arg9[%swap3A, %swap3A_48] : memref<64x128xf32, #tpu.memory_space<vmem>>, vector<64x128xf32>
    tpu.vector_store %arg9[%swap3A, %swap3A_48], %add3A_47 {strides = array<i32>} : memref<64x128xf32, #tpu.memory_space<vmem>>, vector<64x128xf32>,
    %get3A_50 = arith.constant 0 : index
    %get3A_51 = arith.constant 0 : index
    %get3A_52 = vector.load %arg10[%get3A_50, %get3A_51] : memref<64x128xf32, #tpu.memory_space<vmem>>, vector<64x128xf32>
    %broadcast_in_dim3A_53 = vector.shape_cast %reduce_sum3A_39 : vector<64xf32> to vector<64x1xf32>
    %add3A_54 = vector.broadcast %broadcast_in_dim3A_53 : vector<64x1xf32> to vector<64x128xf32>
    %add3A_55 = arith.addf %get3A_52, %add3A_54 : vector<64x128xf32>
    %swap3A_56 = arith.constant 0 : index
    %swap3A_57 = arith.constant 0 : index
    %swap3A_58 = vector.load %arg10[%swap3A_56, %swap3A_57] : memref<64x128xf32, #tpu.memory_space<vmem>>, vector<64x128xf32>
    tpu.vector_store %arg10[%swap3A_56, %swap3A_57], %add3A_55 {strides = array<i32>} : memref<64x128xf32, #tpu.memory_space<vmem>>, vector<64x128xf32>,
    %eq3A_59 = arith.constant 9 : i32
    %eq3A_60 = arith.cmpi eq, %arg0, %eq3A_59 : i32
    %convert_element_type3A_61 = arith.extui %eq3A_60 : i1 to i32
    %cond3A_62 = arith.constant 0 : i32
    %cond3A_63 = arith.cmpi ne, %convert_element_type3A_61, %cond3A_62 : i32
    scf.if %cond3A_63 {
      %get3A_64 = arith.constant 0 : index
      %get3A_65 = arith.constant 0 : index
      %get3A_66 = vector.load %arg9[%get3A_64, %get3A_65] : memref<64x128xf32, #tpu.memory_space<vmem>>, vector<64x128xf32>
      %get3A_67 = arith.constant 0 : index
      %get3A_68 = arith.constant 0 : index
      %get3A_69 = vector.load %arg10[%get3A_67, %get3A_68] : memref<64x128xf32, #tpu.memory_space<vmem>>, vector<64x128xf32>
      %max3A_70 = arith.constant 1.000000e+00 : f32
      %max3A_71 = vector.broadcast %max3A_70 : f32 to vector<64x128xf32>
      %max3A_72 = arith.maximumf %get3A_69, %max3A_71 : vector<64x128xf32>
      %div3A = arith.divf %get3A_66, %max3A_72 : vector<64x128xf32>
      %swap3A_73 = arith.constant 0 : index
      %swap3A_74 = arith.constant 0 : index
      %swap3A_75 = vector.load %arg8[%swap3A_73, %swap3A_74] : memref<64x128xf32, #tpu.memory_space<vmem>>, vector<64x128xf32>
      tpu.vector_store %arg8[%swap3A_73, %swap3A_74], %div3A {strides = array<i32>} : memref<64x128xf32, #tpu.memory_space<vmem>>, vector<64x128xf32>,
    } else {
    }
    return
  }
  func.func @transform_0(%arg0: i32) -> (i32, i32) {
    %c0_i32 = arith.constant 0 : i32
    %c0_i32_0 = arith.constant 0 : i32
    return %arg0, %c0_i32 : i32, i32
  }
  func.func @transform_1(%arg0: i32) -> (i32, i32, i32) {
    %c0_i32 = arith.constant 0 : i32
    %c0_i32_0 = arith.constant 0 : i32
    %c0_i32_1 = arith.constant 0 : i32
    return %c0_i32, %arg0, %c0_i32_0 : i32, i32, i32
  }
  func.func @transform_2(%arg0: i32) -> (i32, i32, i32) {
    %c0_i32 = arith.constant 0 : i32
    %c0_i32_0 = arith.constant 0 : i32
    %c0_i32_1 = arith.constant 0 : i32
    return %arg0, %c0_i32, %c0_i32_0 : i32, i32, i32
  }
  func.func @transform_3(%arg0: i32) -> (i32, i32) {
    %c0_i32 = arith.constant 0 : i32
    %c0_i32_0 = arith.constant 0 : i32
    %c0_i32_1 = arith.constant 0 : i32
    return %c0_i32, %c0_i32_0 : i32, i32
  }
  func.func @transform_4(%arg0: i32) -> (i32, i32) {
    %c0_i32 = arith.constant 0 : i32
    %c0_i32_0 = arith.constant 0 : i32
    %c0_i32_1 = arith.constant 0 : i32
    return %c0_i32, %c0_i32_0 : i32, i32
  }
  func.func @transform_5(%arg0: i32) -> (i32, i32) {
    %c0_i32 = arith.constant 0 : i32
    %c0_i32_0 = arith.constant 0 : i32
    %c0_i32_1 = arith.constant 0 : i32
    return %c0_i32, %c0_i32_0 : i32, i32
  }
  func.func @transform_6(%arg0: i32) -> (i32, i32) {
    %c0_i32 = arith.constant 0 : i32
    %c0_i32_0 = arith.constant 0 : i32
    %c0_i32_1 = arith.constant 0 : i32
    return %c0_i32, %c0_i32_0 : i32, i32
  }
  func.func @transform_7(%arg0: i32) -> (i32, i32) {
    %c0_i32 = arith.constant 0 : i32
    %c0_i32_0 = arith.constant 0 : i32
    %c0_i32_1 = arith.constant 0 : i32
    return %c0_i32, %c0_i32_0 : i32, i32
  }
}

</mosaic_0001>

<sc_bundles>
// kernel: kernel.11.cloned.1.call-start
scs
__scs_entry_jumppad:
0x0: {  	(pc) =	sbr.rel $0x88, $3  }
0x1: {  	(tag) =	ssettag $0x0;
	lr =	simm.s32 $0x1  }
0x2: {  	[smem:$0x3F94] =	sst lr;
	_ =	strace $0xD0000000  }
0x3: {  	_ = 	snop  }
0x4: {  	_ = 	snop  }
0x5: {  	_ = 	snop  }
0x6: {  	_ = 	snop  }
0x7: {  	_ = 	snop  }
__scs_overlays_trampoline_lowered:
0x8: {  	[smem:$0x3FA3] =	sst s0  }
0x9: {  	[smem:$0x3FA4] =	sst s1  }
0xa: {  	[smem:$0x3FA5] =	sst s2  }
0xb: {  	[smem:$0x3FA6] =	sst s3  }
0xc: {  	[smem:$0x3FA7] =	sst s4  }
0xd: {  	[smem:$0x3FA8] =	sst s5  }
0xe: {  	[smem:$0x3FA9] =	sst s6  }
0xf: {  	[smem:$0x3FAA] =	sst s7  }
0x10: {  	[smem:$0x3FAB] =	sst s8  }
0x11: {  	[smem:$0x3FAC] =	sst s9;
	s0 =	simm.s32 @!p0 $0x0  }
0x12: {  	s1 =	sld [smem:$0x3F92];
	s0 =	simm.s32 @p0 $0x1  }
0x13: {  	[smem:$0x3FAD] =	sst s0;
	s0 =	simm.s32 @!p1 $0x0  }
0x14: {  	s2 =	sld [smem:$0x3F91];
	s0 =	simm.s32 @p1 $0x1  }
0x15: {  	[smem:$0x3FAE] =	sst s0;
	s0 =	simm.s32 @!p2 $0x0  }
0x16: {  	s3 =	sld [smem:$0x3FDB];
	s0 =	simm.s32 @p2 $0x1  }
0x17: {  	s4 =	simm.s32 $0x1BF5;
	[smem:$0x3FB0] =	sst s0  }
0x18: {  	s0 =	sld [smem:$0x3F93];
	_ =	swait.ge [sflag:s4], $0x0  }
0x19: {  	s7 =	sld [smem:$0x3F94]  }
0x1a: {  	s8 =	sadd.s32 $0xFFFFE003, lr  }
0x1b: {  	s9 =	sadd.s32 $0xFFFFFEF7, lr;
	s5 =	simm.s32 $0xFFFFFFFF;
	p2 =	slt.u32 s8, $0xFFFFF086  }
0x1c: {  	p1 =	slt.u32 s9, $0xF7A;
	s5 =	simm.s32 @!p2 $0x0  }
0x1d: {  	s5 =	simm.s32 @p1 $0x1;
	p0 =	seq.s32 s7, s2  }
0x1e: {  	s7 =	smul.u32 @!p0 $0xF7A, s2;
	p2 =	seq.s32 @!p0 s5, $0x0  }
0x1f: {  	s9 =	smul.u32 $0xF7A, s1;
	s8 =	simm.s32 @!p0 $0x1BF5;
	p2 =	por !p2, p0  }
0x20: {  	[sflag:s8] =	ssyncset.s32 @!p0 $0xFFFFF086;
	s6 =	sadd.s32 @!p0 s3, s7;
	s7 =	simm.s32 @!p0 $0x108  }
0x21: {  	s3 =	sadd.s32 s3, s9;
	s6 =	sadd.s32 @!p0 $0x88, s6;
	s7 =	simm.s32 @p2 $0x1082  }
0x22: {  	[simem:s7], [sflag:s8] =	dma.local @!p0 [hbm:s6], $0xF7A  }
0x23: {  	s9 =	sor.u32 $0xD0000000, s2;
	s6 =	simm.s32 $0x108;
	_ =	swait.ge @!p0 [sflag:s8], $0x0  }
0x24: {  	s3 =	sadd.s32 $0x88, s3;
	s6 =	simm.s32 @!p1 $0x1082;
	[sflag:s4] =	ssyncset.s32 $0xFFFFF086  }
0x25: {  	[simem:s6], [sflag:s4] =	dma.local [hbm:s3], $0xF7A  }
0x26: {  	[smem:$0x3F94] =	sst s1;
	(tag) =	ssettag s2;
	_ =	strace s9  }
0x27: {  	s1 =	sld [smem:$0x3FA4]  }
0x28: {  	s2 =	sld [smem:$0x3FA5]  }
0x29: {  	s4 =	sld [smem:$0x3FA7]  }
0x2a: {  	p0 =	seq.s32 s5, $0x0;
	s5 =	sld [smem:$0x3FA8]  }
0x2b: {  	s6 =	sld [smem:$0x3FA9]  }
0x2c: {  	s7 =	sld [smem:$0x3FAA]  }
0x2d: {  	s3 =	simm.s32 $0x108;
	s8 =	sld [smem:$0x3FAB]  }
0x2e: {  	s3 =	simm.s32 @!p0 $0x1082;
	s9 =	sld [smem:$0x3FAC]  }
0x2f: {  	lr =	sadd.s32 s0, s3;
	s0 =	sld [smem:$0x3FA3]  }
0x30: {  	s3 =	sld [smem:$0x3FA6]  }
0x31: {  	[smem:$0x3FAF] =	sst s10  }
0x32: {  	s10 =	sld [smem:$0x3FAD];
	_ =	sdelay $0x3  }
0x33: {  	p0 =	seq.s32 s10, $0x1;
	s10 =	sld [smem:$0x3FAF];
	_ =	sdelay $0x3  }
0x34: {  	[smem:$0x3FAF] =	sst s10  }
0x35: {  	s10 =	sld [smem:$0x3FAE];
	_ =	sdelay $0x3  }
0x36: {  	p1 =	seq.s32 s10, $0x1;
	s10 =	sld [smem:$0x3FAF];
	_ =	sdelay $0x3  }
0x37: {  	[smem:$0x3FAF] =	sst s10  }
0x38: {  	s10 =	sld [smem:$0x3FB0]  }
0x39: {  	_ = 	snop;
	(pc) =	sbr.ind lr, $3  }
0x3a: {  	_ = 	snop  }
0x3b: {  	_ = 	snop  }
0x3c: {  	p2 =	seq.s32 s10, $0x1;
	s10 =	sld [smem:$0x3FAF]  }
0x3d: {  	_ =	shalt  }
0x3e: {  	_ =	shalt  }
0x3f: {  	_ =	shalt  }
0x40: {  	_ =	shalt  }
0x41: {  	_ =	shalt  }
0x42: {  	_ =	shalt  }
0x43: {  	_ =	shalt  }
0x44: {  	_ =	shalt  }
0x45: {  	_ =	shalt  }
0x46: {  	_ =	shalt  }
0x47: {  	_ =	shalt  }
0x48: {  	_ =	shalt  }
0x49: {  	_ =	shalt  }
0x4a: {  	_ =	shalt  }
0x4b: {  	_ =	shalt  }
0x4c: {  	_ =	shalt  }
0x4d: {  	_ =	shalt  }
0x4e: {  	_ =	shalt  }
0x4f: {  	_ =	shalt  }
0x50: {  	_ =	shalt  }
0x51: {  	_ =	shalt  }
0x52: {  	_ =	shalt  }
0x53: {  	_ =	shalt  }
0x54: {  	_ =	shalt  }
0x55: {  	_ =	shalt  }
0x56: {  	_ =	shalt  }
0x57: {  	_ =	shalt  }
0x58: {  	_ =	shalt  }
0x59: {  	_ =	shalt  }
0x5a: {  	_ =	shalt  }
0x5b: {  	_ =	shalt  }
0x5c: {  	_ =	shalt  }
0x5d: {  	_ =	shalt  }
0x5e: {  	_ =	shalt  }
0x5f: {  	_ =	shalt  }
0x60: {  	_ =	shalt  }
0x61: {  	_ =	shalt  }
0x62: {  	_ =	shalt  }
0x63: {  	_ =	shalt  }
0x64: {  	_ =	shalt  }
0x65: {  	_ =	shalt  }
0x66: {  	_ =	shalt  }
0x67: {  	_ =	shalt  }
0x68: {  	_ =	shalt  }
0x69: {  	_ =	shalt  }
0x6a: {  	_ =	shalt  }
0x6b: {  	_ =	shalt  }
0x6c: {  	_ =	shalt  }
0x6d: {  	_ =	shalt  }
0x6e: {  	_ =	shalt  }
0x6f: {  	_ =	shalt  }
0x70: {  	_ =	shalt  }
0x71: {  	_ =	shalt  }
0x72: {  	_ =	shalt  }
0x73: {  	_ =	shalt  }
0x74: {  	_ =	shalt  }
0x75: {  	_ =	shalt  }
0x76: {  	_ =	shalt  }
0x77: {  	_ =	shalt  }
0x78: {  	_ =	shalt  }
0x79: {  	_ =	shalt  }
0x7a: {  	_ =	shalt  }
0x7b: {  	_ =	shalt  }
0x7c: {  	_ =	shalt  }
0x7d: {  	_ =	shalt  }
0x7e: {  	_ =	shalt  }
0x7f: {  	_ =	shalt  }
0x80: {  	_ =	shalt  }
0x81: {  	_ =	shalt  }
0x82: {  	_ =	shalt  }
0x83: {  	_ =	shalt  }
0x84: {  	_ =	shalt  }
0x85: {  	_ =	shalt  }
0x86: {  	_ =	shalt  }
0x87: {  	_ =	shalt  }
.Lfunc_end0:
.L_simem_size_0:
called_computation.1_lowered:
.L_overlay_start_0:
0x88: {  	s2 =	sld [smem:$0x3FD9]  }
0x89: {  	s3 =	sld [smem:$0x3FFE];
	_ =	sdelay $0x1  }
0x8a: {  	s1 =	srdreg.scid  }
0x8b: {  	s0 =	sand.u32 $0x1, s1  }
0x8c: {  	s16 =	sshll.u32 s0, $0xA;
	s2 =	sadd.s32 s3, s2  }
0x8d: {  	s2 =	sadd.s32 s2, s16  }
0x8e: {  	[smem:$0x3FBB] =	sst s2  }
0x8f: {  	_ = 	snop  }
0x90: {  	(tm) =	ssettm $0x1  }
0x91: {  	s17 =	sld [smem:$0x3FFB];
	_ =	sdelay $0x3  }
0x92: {  	_ =	strace s17  }
0x93: {  	s2 =	sld [smem:$0x3FFC];
	_ =	sdelay $0x3  }
0x94: {  	_ =	strace s2  }
0x95: {  	s2 =	sld [smem:$0x3FFD];
	_ =	sdelay $0x3  }
0x96: {  	_ =	strace s2  }
0x97: {  	_ =	strace $0x8FFFFFFF  }
0x98: {  	s18 =	sld [smem:$0x3FDB];
	_ =	sdelay $0x1  }
0x99: {  	s19 =	simm.s32 $_scs_section_size  }
0x9a: {  	s4 =	simm.s32 $_size__tile_overlayer_lowered;
	s5 =	simm.s32 $_tile_overlayer_lowered  }
0x9b: {  	s22 =	simm.s32 $0x1BFF;
	s21 =	sshll.u32 s5, $0x1;
	s2 =	sadd.s32 s19, s18  }
0x9c: {  	s6 =	simm.s32 $0x0;
	s20 =	sshll.u32 s4, $0x1;
	s4 =	sadd.s32 s21, s2  }
0x9d: {  	[timem:s6], [sflag:s22] =	dma.local [hbm:s4], s20  }
0x9e: {  	_ =	swait.ge [sflag:s22], s20  }
0x9f: {  	s3 =	ssub.s32 $0x0, s20;
	[sflag:s22] =	ssyncset.done $0x0  }
0xa0: {  	[sflag:s22] =	ssyncadd.s32 s3;
	_ =	sdelay $0x1  }
0xa1: {  	s23 =	simm.s32 $0x1B8B  }
0xa2: {  	_ =	swait.ge [sflag:s23], $0x1  }
0xa3: {  	[sflag:s23] =	ssyncset.done $0x0  }
0xa4: {  	s25 =	simm.s32 $0x1B8E;
	s24 =	sld [smem:$0x3FFE];
	[sflag:s23] =	ssyncadd.s32 $0xFFFFFFFF  }
0xa5: {  	s26 =	simm.s32 $execute0_lowered;
	[smem:$0x3FD2] =	sst s25  }
0xa6: {  	s4 =	sshll.u32 s26, $0x1;
	_ =	strace $0x80000049;
	[dreg:$0x1] =	wrdreg $0xFFFFFFFF  }
0xa7: {  	s28 =	simm.s32 $_size_execute0_lowered;
	s2 =	sadd.s32 s2, s4;
	[dreg:$0x0] =	wrdreg $0x0  }
0xa8: {  	s4 =	sshll.u32 s28, $0x1;
	[dreg:$0x2] =	wrdreg s2  }
0xa9: {  	[dreg:$0x3] =	wrdreg s4  }
0xaa: {  	[dreg:$0x4] =	wrdreg $0xC0  }
0xab: {  	_ =	task [dreg:s6], $0x5FFFF  }
0xac: {  	[dreg:$0x1] =	wrdreg $0xFFFFFFFF  }
0xad: {  	[dreg:$0x0] =	wrdreg $0x60  }
0xae: {  	[dreg:$0x2] =	wrdreg s24  }
0xaf: {  	[dreg:$0x3] =	wrdreg $0x87800  }
0xb0: {  	[dreg:$0x4] =	wrdreg $0x9  }
0xb1: {  	_ =	task.clear_ibuf [dreg:s6], $0x5FFFF;
	_ =	strace $0x90000049  }
0xb2: {  	s29 =	simm.s32 $0x9;
	_ =	strace $0x8000004B  }
0xb3: {  	_ =	swait.ge [sflag:s29], $0x1  }
0xb4: {  	[sflag:s29] =	ssyncadd.s32 $0xFFFFFFFF  }
0xb5: {  	_ =	strace $0x9000004B  }
0xb6: {  	_ =	sfence  }
0xb7: {  	s30 =	sld [smem:$0x0];
	_ =	sdelay $0x2  }
0xb8: {  	s31 =	sshll.u32 s1, $0xD;
	s1 =	sshrl.u32 s1, $0x2  }
0xb9: {  	s3 =	sand.u32 $0x4000, s31;
	s1 =	sadd.s32 s1, s30  }
0xba: {  	s0 =	sor.u32 s3, s0;
	s1 =	sshll.u32 s1, $0x11  }
0xbb: {  	s0 =	sor.u32 s1, s0  }
0xbc: {  	s0 =	sadd.s32 $0x8F2B, s0  }
0xbd: {  	[sflag:s0] =	ssyncadd.remote.s32 $0x1  }
0xbe: {  	_ =	sfence.sel $0xFFFF  }
0xbf: {  	[dreg:$0x0] =	wrdreg $0xFFFFFFFF;
	(pc) =	sbr.abs _section_cstart, $3  }
0xc0: {  	[dreg:$0x1] =	wrdreg $0xFFFFFFFF  }
0xc1: {  	_ =	task.clear_ibuf [dreg:s6], $0x2FFFF;
	_ =	strace $0x9FFFFFFF  }
0xc2: {  	(tm) =	ssettm $0x7FFFFFFF  }
0xc3: {  	_ =	shalt  }
tec
execute0_lowered:
.L_overlay_start_1:
0x0: {  	(tag) =	ssettag $0x1  }
0x1: {  	s0 =	srdreg.scid  }
0x2: {  	s1 =	rddreg [dreg:$0x0];
	s0 =	sand.u32 $0x1, s0  }
0x3: {  	s9 =	stileid.u32;
	s2 =	rddreg [dreg:$0x1];
	s3 =	sshll.u32 s0, $0x4  }
0x4: {  	s6 =	smul.u32 $0x4E000, s9;
	s4 =	sor.u32 s9, s3;
	s3 =	simm.s32 $0x0  }
0x5: {  	s18 =	simm.s32 $0x5F80;
	s20 =	simm.s32 $0x6F80;
	[smem:$0x7FF] =	sst s3  }
0x6: {  	s6 =	sshrl.u32 s6, $0x2;
	_ =	strace $0x8000004A;
	[dreg:$0x3] =	wrdreg s18  }
0x7: {  	s28 =	sadd.s32 s6, s2;
	[dreg:$0x4] =	wrdreg s20  }
0x8: {  	s22 =	sadd.s32 $0x800, s28;
	[dreg:$0x5] =	wrdreg s28  }
0x9: {  	s23 =	sadd.s32 $0x1000, s28;
	[dreg:$0x7] =	wrdreg s22  }
0xa: {  	s24 =	sadd.s32 $0x1800, s28;
	[dreg:$0x8] =	wrdreg s23  }
0xb: {  	s7 =	ssub.s32 $0x2, s0;
	s25 =	sadd.s32 $0x2000, s28;
	[dreg:$0x9] =	wrdreg s24  }
0xc: {  	s8 =	sshrl.u32 s7, $0x1;
	s26 =	sadd.s32 $0x2800, s28;
	[dreg:$0xa] =	wrdreg s25  }
0xd: {  	s21 =	ssub.s32 s7, s8;
	s7 =	sadd.s32 $0x3000, s28;
	[dreg:$0xb] =	wrdreg s26  }
0xe: {  	s8 =	sadd.s32 $0x3800, s28;
	[dreg:$0xc] =	wrdreg s7  }
0xf: {  	s10 =	sadd.s32 $0x4000, s28;
	[dreg:$0xd] =	wrdreg s8  }
0x10: {  	s12 =	sadd.s32 $0x4800, s28;
	[dreg:$0xe] =	wrdreg s10  }
0x11: {  	s13 =	sadd.s32 $0x5000, s28;
	[dreg:$0xf] =	wrdreg s12  }
0x12: {  	s14 =	sadd.s32 $0x5800, s28;
	[dreg:$0x10] =	wrdreg s13  }
0x13: {  	s15 =	sadd.s32 $0x6000, s28;
	[dreg:$0x11] =	wrdreg s14  }
0x14: {  	s16 =	sadd.s32 $0x6800, s28;
	[dreg:$0x12] =	wrdreg s15  }
0x15: {  	s17 =	sadd.s32 $0x7000, s28;
	[dreg:$0x13] =	wrdreg s16  }
0x16: {  	s19 =	sadd.s32 $0x7800, s28;
	[dreg:$0x14] =	wrdreg s17  }
0x17: {  	s11 =	smul.u32 $0x13800, s9;
	s21 =	smax.u32 s21, $0x1;
	[dreg:$0x16] =	wrdreg s19  }
0x18: {  	p0 =	sne.s32 s9, $0xF;
	s6 =	sadd.s32 $0xB800, s28;
	[dreg:$0x18] =	wrdreg s21  }
0x19: {  	p1 =	seq.s32 s9, $0xF;
	s9 =	sadd.s32 $0xD000, s28;
	[smem:$0x7EC] =	sst s6  }
0x1a: {  	s18 =	sadd.s32 $0x11800, s28;
	[smem:$0x7EF] =	sst s9  }
0x1b: {  	s20 =	sadd.s32 $0x12800, s28;
	[smem:$0x7F8] =	sst s18  }
0x1c: {  	s22 =	sadd.s32 $0x8000, s28;
	[smem:$0x7FA] =	sst s20  }
0x1d: {  	s23 =	sadd.s32 $0x8800, s28;
	[dreg:$0x1a] =	wrdreg s22  }
0x1e: {  	s24 =	sadd.s32 $0x9000, s28;
	[dreg:$0x1b] =	wrdreg s23  }
0x1f: {  	s25 =	sadd.s32 $0x9800, s28;
	[dreg:$0x1c] =	wrdreg s24  }
0x20: {  	s29 =	simm.s32 $0x2F80;
	s26 =	sadd.s32 $0xA000, s28;
	[dreg:$0x1d] =	wrdreg s25  }
0x21: {  	s30 =	simm.s32 $0x3780;
	s7 =	sadd.s32 $0xC000, s28;
	[dreg:$0x1e] =	wrdreg s26  }
0x22: {  	s31 =	simm.s32 $0x17;
	s8 =	sadd.s32 $0xC800, s28;
	[smem:$0x7ED] =	sst s7  }
0x23: {  	s0 =	smul.u32 $0x138800, s0;
	s10 =	sadd.s32 $0xD800, s28;
	[smem:$0x7EE] =	sst s8  }
0x24: {  	s5 =	smul.u32 $0x4E2, s4;
	s12 =	sadd.s32 $0xE800, s28;
	[smem:$0x7F0] =	sst s10  }
0x25: {  	s4 =	sadd.s32 $0x2800, s1;
	s13 =	sadd.s32 $0xF000, s28;
	[smem:$0x7F2] =	sst s12  }
0x26: {  	s5 =	sadd.s32 s5, s1;
	s14 =	sadd.s32 $0xF800, s28;
	[smem:$0x7F3] =	sst s13  }
0x27: {  	s1 =	sadd.s32 $0xA8A00, s1;
	s15 =	sadd.s32 $0x10000, s28;
	[smem:$0x7F4] =	sst s14  }
0x28: {  	s16 =	sadd.s32 $0x10800, s28;
	s17 =	sadd.s32 $0x11000, s28;
	[smem:$0x7F5] =	sst s15  }
0x29: {  	s19 =	sadd.s32 $0x12000, s28;
	s21 =	sadd.s32 $0x13000, s28;
	[smem:$0x7F6] =	sst s16  }
0x2a: {  	s6 =	simm.s32 $0x4780;
	s9 =	simm.s32 $0x2;
	[smem:$0x7F7] =	sst s17  }
0x2b: {  	s18 =	simm.s32 $0x9;
	s20 =	simm.s32 $0xB;
	[smem:$0x7F9] =	sst s19  }
0x2c: {  	s5 =	sadd.s32 $0x9EC00, s5;
	[smem:$0x7FB] =	sst s21;
	s22 =	sadd.s32 $0x138000, s2  }
0x2d: {  	s24 =	simm.s32 $0x7780;
	s25 =	simm.s32 $0x7F80;
	s26 =	simm.s32 $0x2780  }
0x2e: {  	s7 =	simm.s32 $0x5780;
	s8 =	simm.s32 $0x1;
	s10 =	simm.s32 $0x6780  }
0x2f: {  	s12 =	simm.s32 $0x4;
	s13 =	simm.s32 $0x5;
	s14 =	simm.s32 $0x6  }
0x30: {  	s15 =	simm.s32 $0xD;
	s16 =	simm.s32 $0x7;
	s17 =	simm.s32 $0xE  }
0x31: {  	s19 =	simm.s32 $0x10;
	s23 =	simm.s32 $0x0;
	[dreg:$0x6] =	wrdreg s5  }
0x32: {  	s5 =	sadd.s32 s11, s0;
	s0 =	sshrl.u32 s0, $0x3;
	[smem:$0x7FC] =	sst s22  }
0x33: {  	s11 =	sadd.s32 $0xE000, s28;
	[smem:$0x7FD] =	sst s23;
	s5 =	sshrl.u32 s5, $0x3  }
0x34: {  	s0 =	sadd.s32 s1, s0;
	[smem:$0x7F1] =	sst s11;
	s5 =	sadd.s32 s1, s5  }
0x35: {  	s21 =	simm.s32 $0x12;
	s0 =	sadd.s32 $0x24900, s0;
	[dreg:$0x15] =	wrdreg s5  }
0x36: {  	s22 =	simm.s32 $0xC;
	s1 =	sadd.s32 $0xA800, s28;
	[dreg:$0x17] =	wrdreg s0  }
0x37: {  	s0 =	sadd.s32 $0x124800, s2;
	[dreg:$0x1f] =	wrdreg s1;
	s5 =	sadd.s32 $0xB000, s28  }
0x38: {  	s11 =	simm.s32 $0x3;
	s0 =	sshrl.u32 @p1 s0, $0x3;
	[smem:$0x7EB] =	sst s5  }
0x39: {  	v0 =	vimm.f32 $0.0e+00;
	vm0 =	vmmov $0xffff;
	s1 =	simm.s32 $0x3F80;
	[dreg:$0x19] =	wrdreg s0;
	s0 =	simm.s32 $0x4F80  }
.LBB2_1:
0x3a: {  	s5 =	rddreg [dreg:$0x6];
	s23 =	simm.s32 $0x19  }
0x3b: {  	[tilespmem:s3], [sflag:$0x19] =	stream.linear.gather [hbm4b:s5+s3], $0x2710, $0x38;
	[tilespmem:$0x1C000] =	vst v63  }
0x3c: {  	_ =	swait.ge [sflag:s23], $0x2710  }
0x3d: {  	[sflag:s23] =	ssyncset.done $0x0  }
0x3e: {  	s5 =	simm.s32 $0x0;
	[sflag:s23] =	ssyncadd.s32 $0xFFFFD8F0;
	s23 =	simm.s32 $0x200  }
.LBB2_2:
0x3f: {  	p2 =	sne.s32 s23, $0x1E00;
	[tilespmem:s5+$0x77F0] =	vst v0  }
0x40: {  	[tilespmem:s5+$0x7780] =	vst v0  }
0x41: {  	[tilespmem:s5+$0x7790] =	vst v0  }
.Ltmp0:
0x42: {  	[tilespmem:s5+$0x77A0] =	vst v0;
	(pc) =	sbr.rel @p2 .LBB2_2-.Ltmp0, $4  }
0x43: {  	[tilespmem:s5+$0x77B0] =	vst v0  }
0x44: {  	[tilespmem:s5+$0x77C0] =	vst v0  }
0x45: {  	[tilespmem:s5+$0x77D0] =	vst v0  }
0x46: {  	[tilespmem:s5+$0x77E0] =	vst v0;
	s5 =	sshra.s32 s23, $0x2;
	s23 =	sadd.s32 $0x200, s23  }
0x47: {  	[tilespmem:s5+$0x77F0] =	vst v0  }
0x48: {  	[tilespmem:s5+$0x7780] =	vst v0  }
0x49: {  	[tilespmem:s5+$0x7790] =	vst v0  }
0x4a: {  	[tilespmem:s5+$0x77A0] =	vst v0  }
0x4b: {  	[tilespmem:s5+$0x77B0] =	vst v0  }
0x4c: {  	[tilespmem:s5+$0x77C0] =	vst v0  }
0x4d: {  	[tilespmem:s5+$0x77D0] =	vst v0  }
0x4e: {  	[tilespmem:s5+$0x77E0] =	vst v0;
	s5 =	simm.s32 $0x0;
	s23 =	simm.s32 $0x200  }
.LBB2_4:
0x4f: {  	p2 =	sne.s32 s23, $0x1E00;
	[tilespmem:s5+$0x7FF0] =	vst v0  }
0x50: {  	[tilespmem:s5+$0x7F80] =	vst v0  }
0x51: {  	[tilespmem:s5+$0x7F90] =	vst v0  }
.Ltmp1:
0x52: {  	[tilespmem:s5+$0x7FA0] =	vst v0;
	(pc) =	sbr.rel @p2 .LBB2_4-.Ltmp1, $4  }
0x53: {  	[tilespmem:s5+$0x7FB0] =	vst v0  }
0x54: {  	[tilespmem:s5+$0x7FC0] =	vst v0  }
0x55: {  	[tilespmem:s5+$0x7FD0] =	vst v0  }
0x56: {  	[tilespmem:s5+$0x7FE0] =	vst v0;
	s5 =	sshra.s32 s23, $0x2;
	s23 =	sadd.s32 $0x200, s23  }
0x57: {  	[tilespmem:s5+$0x7FF0] =	vst v0  }
0x58: {  	[tilespmem:s5+$0x7F80] =	vst v0  }
0x59: {  	[tilespmem:s5+$0x7F90] =	vst v0  }
0x5a: {  	[tilespmem:s5+$0x7FA0] =	vst v0  }
0x5b: {  	[tilespmem:s5+$0x7FB0] =	vst v0  }
0x5c: {  	[tilespmem:s5+$0x7FC0] =	vst v0  }
0x5d: {  	[tilespmem:s5+$0x7FD0] =	vst v0  }
0x5e: {  	[tilespmem:s5+$0x7FE0] =	vst v0;
	s23 =	rddreg [dreg:$0x7]  }
0x5f: {  	[spmem:s28] =	stream.linear.scatter [tilespmem:s24], [sflag:$0x17], $0x800, $0x38;
	[tilespmem:$0x1C000] =	vst v63  }
0x60: {  	s28 =	rddreg [dreg:$0x8]  }
0x61: {  	[spmem:s23] =	stream.linear.scatter [tilespmem:s25], [sflag:$0x18], $0x800, $0x38;
	[tilespmem:$0x1C000] =	vst v63  }
0x62: {  	s23 =	rddreg [dreg:$0x9]  }
0x63: {  	[spmem:s28] =	stream.linear.scatter [tilespmem:s24], [sflag:$0x17], $0x800, $0x38;
	[tilespmem:$0x1C000] =	vst v63  }
0x64: {  	s28 =	rddreg [dreg:$0xa]  }
0x65: {  	[spmem:s23] =	stream.linear.scatter [tilespmem:s25], [sflag:$0x18], $0x800, $0x38;
	[tilespmem:$0x1C000] =	vst v63  }
0x66: {  	s23 =	rddreg [dreg:$0xb]  }
0x67: {  	[spmem:s28] =	stream.linear.scatter [tilespmem:s24], [sflag:$0x17], $0x800, $0x38;
	[tilespmem:$0x1C000] =	vst v63  }
0x68: {  	s28 =	rddreg [dreg:$0xc]  }
0x69: {  	[spmem:s23] =	stream.linear.scatter [tilespmem:s25], [sflag:$0x18], $0x800, $0x38;
	[tilespmem:$0x1C000] =	vst v63  }
0x6a: {  	s23 =	rddreg [dreg:$0xd]  }
0x6b: {  	[spmem:s28] =	stream.linear.scatter [tilespmem:s24], [sflag:$0x17], $0x800, $0x38;
	[tilespmem:$0x1C000] =	vst v63  }
0x6c: {  	s28 =	rddreg [dreg:$0xe]  }
0x6d: {  	[spmem:s23] =	stream.linear.scatter [tilespmem:s25], [sflag:$0x18], $0x800, $0x38;
	[tilespmem:$0x1C000] =	vst v63  }
0x6e: {  	s23 =	rddreg [dreg:$0xf]  }
0x6f: {  	[spmem:s28] =	stream.linear.scatter [tilespmem:s24], [sflag:$0x17], $0x800, $0x38;
	[tilespmem:$0x1C000] =	vst v63  }
0x70: {  	s28 =	rddreg [dreg:$0x10]  }
0x71: {  	[spmem:s23] =	stream.linear.scatter [tilespmem:s25], [sflag:$0x18], $0x800, $0x38;
	[tilespmem:$0x1C000] =	vst v63  }
0x72: {  	s23 =	rddreg [dreg:$0x11]  }
0x73: {  	[spmem:s28] =	stream.linear.scatter [tilespmem:s24], [sflag:$0x17], $0x800, $0x38;
	[tilespmem:$0x1C000] =	vst v63  }
0x74: {  	s28 =	rddreg [dreg:$0x12]  }
0x75: {  	[spmem:s23] =	stream.linear.scatter [tilespmem:s25], [sflag:$0x18], $0x800, $0x38;
	[tilespmem:$0x1C000] =	vst v63  }
0x76: {  	s23 =	rddreg [dreg:$0x13]  }
0x77: {  	[spmem:s28] =	stream.linear.scatter [tilespmem:s24], [sflag:$0x17], $0x800, $0x38;
	[tilespmem:$0x1C000] =	vst v63  }
0x78: {  	s28 =	rddreg [dreg:$0x14]  }
0x79: {  	[spmem:s23] =	stream.linear.scatter [tilespmem:s25], [sflag:$0x18], $0x800, $0x38;
	[tilespmem:$0x1C000] =	vst v63  }
0x7a: {  	s23 =	rddreg [dreg:$0x16]  }
0x7b: {  	[spmem:s28] =	stream.linear.scatter [tilespmem:s24], [sflag:$0x17], $0x800, $0x38;
	[tilespmem:$0x1C000] =	vst v63  }
0x7c: {  	s28 =	rddreg [dreg:$0x1a]  }
0x7d: {  	[spmem:s23] =	stream.linear.scatter [tilespmem:s25], [sflag:$0x18], $0x800, $0x38;
	[tilespmem:$0x1C000] =	vst v63  }
0x7e: {  	s23 =	rddreg [dreg:$0x1b]  }
0x7f: {  	[spmem:s28] =	stream.linear.scatter [tilespmem:s24], [sflag:$0x17], $0x800, $0x38;
	[tilespmem:$0x1C000] =	vst v63  }
0x80: {  	s28 =	rddreg [dreg:$0x1c]  }
0x81: {  	[spmem:s23] =	stream.linear.scatter [tilespmem:s25], [sflag:$0x18], $0x800, $0x38;
	[tilespmem:$0x1C000] =	vst v63  }
0x82: {  	s23 =	rddreg [dreg:$0x1d]  }
0x83: {  	[spmem:s28] =	stream.linear.scatter [tilespmem:s24], [sflag:$0x17], $0x800, $0x38;
	[tilespmem:$0x1C000] =	vst v63  }
0x84: {  	s28 =	rddreg [dreg:$0x1e]  }
0x85: {  	[spmem:s23] =	stream.linear.scatter [tilespmem:s25], [sflag:$0x18], $0x800, $0x38;
	[tilespmem:$0x1C000] =	vst v63  }
0x86: {  	s23 =	rddreg [dreg:$0x1f]  }
0x87: {  	[spmem:s28] =	stream.linear.scatter [tilespmem:s24], [sflag:$0x17], $0x800, $0x38;
	[tilespmem:$0x1C000] =	vst v63  }
0x88: {  	s28 =	sld [smem:$0x7EB]  }
0x89: {  	[spmem:s23] =	stream.linear.scatter [tilespmem:s25], [sflag:$0x18], $0x800, $0x38;
	[tilespmem:$0x1C000] =	vst v63  }
0x8a: {  	s23 =	sld [smem:$0x7EC]  }
0x8b: {  	[spmem:s28] =	stream.linear.scatter [tilespmem:s24], [sflag:$0x17], $0x800, $0x38;
	[tilespmem:$0x1C000] =	vst v63  }
0x8c: {  	s28 =	sld [smem:$0x7ED]  }
0x8d: {  	[spmem:s23] =	stream.linear.scatter [tilespmem:s25], [sflag:$0x18], $0x800, $0x38;
	[tilespmem:$0x1C000] =	vst v63  }
0x8e: {  	s23 =	sld [smem:$0x7EE]  }
0x8f: {  	[spmem:s28] =	stream.linear.scatter [tilespmem:s24], [sflag:$0x17], $0x800, $0x38;
	[tilespmem:$0x1C000] =	vst v63  }
0x90: {  	s28 =	sld [smem:$0x7EF]  }
0x91: {  	[spmem:s23] =	stream.linear.scatter [tilespmem:s25], [sflag:$0x18], $0x800, $0x38;
	[tilespmem:$0x1C000] =	vst v63  }
0x92: {  	s23 =	sld [smem:$0x7F0]  }
0x93: {  	[spmem:s28] =	stream.linear.scatter [tilespmem:s24], [sflag:$0x17], $0x800, $0x38;
	[tilespmem:$0x1C000] =	vst v63  }
0x94: {  	s28 =	sld [smem:$0x7F1]  }
0x95: {  	[spmem:s23] =	stream.linear.scatter [tilespmem:s25], [sflag:$0x18], $0x800, $0x38;
	[tilespmem:$0x1C000] =	vst v63  }
0x96: {  	s23 =	sld [smem:$0x7F2]  }
0x97: {  	[spmem:s28] =	stream.linear.scatter [tilespmem:s24], [sflag:$0x17], $0x800, $0x38;
	[tilespmem:$0x1C000] =	vst v63  }
0x98: {  	s28 =	sld [smem:$0x7F3]  }
0x99: {  	[spmem:s23] =	stream.linear.scatter [tilespmem:s25], [sflag:$0x18], $0x800, $0x38;
	[tilespmem:$0x1C000] =	vst v63  }
0x9a: {  	s23 =	sld [smem:$0x7F4]  }
0x9b: {  	[spmem:s28] =	stream.linear.scatter [tilespmem:s24], [sflag:$0x17], $0x800, $0x38;
	[tilespmem:$0x1C000] =	vst v63  }
0x9c: {  	s28 =	sld [smem:$0x7F5]  }
0x9d: {  	[spmem:s23] =	stream.linear.scatter [tilespmem:s25], [sflag:$0x18], $0x800, $0x38;
	[tilespmem:$0x1C000] =	vst v63  }
0x9e: {  	s23 =	sld [smem:$0x7F6]  }
0x9f: {  	[spmem:s28] =	stream.linear.scatter [tilespmem:s24], [sflag:$0x17], $0x800, $0x38;
	[tilespmem:$0x1C000] =	vst v63  }
0xa0: {  	s28 =	sld [smem:$0x7F7]  }
0xa1: {  	[spmem:s23] =	stream.linear.scatter [tilespmem:s25], [sflag:$0x18], $0x800, $0x38;
	[tilespmem:$0x1C000] =	vst v63  }
0xa2: {  	s23 =	sld [smem:$0x7F8]  }
0xa3: {  	[spmem:s28] =	stream.linear.scatter [tilespmem:s24], [sflag:$0x17], $0x800, $0x38;
	[tilespmem:$0x1C000] =	vst v63  }
0xa4: {  	s28 =	sld [smem:$0x7F9]  }
0xa5: {  	[spmem:s23] =	stream.linear.scatter [tilespmem:s25], [sflag:$0x18], $0x800, $0x38;
	[tilespmem:$0x1C000] =	vst v63  }
0xa6: {  	s23 =	sld [smem:$0x7FA]  }
0xa7: {  	[spmem:s28] =	stream.linear.scatter [tilespmem:s24], [sflag:$0x17], $0x800, $0x38;
	[tilespmem:$0x1C000] =	vst v63  }
0xa8: {  	s28 =	sld [smem:$0x7FB]  }
0xa9: {  	[spmem:s23] =	stream.linear.scatter [tilespmem:s25], [sflag:$0x18], $0x800, $0x38;
	[tilespmem:$0x1C000] =	vst v63  }
0xaa: {  	s23 =	sld [smem:$0x7FC]  }
0xab: {  	[spmem:s28] =	stream.linear.scatter [tilespmem:s24], [sflag:$0x17], $0x800, $0x38;
	[tilespmem:$0x1C000] =	vst v63  }
0xac: {  	s5 =	simm.s32 @!p0 $0x7F80  }
0xad: {  	[spmem:s23] =	stream.linear.scatter @!p0 [tilespmem:s5], [sflag:$0x18], $0x800, $0x38;
	[tilespmem:$0x1C000] =	vst v63  }
0xae: {  	v1 =	vld [tilespmem:$0x0];
	_ =	sdelay $0x4  }
0xaf: {  	v1 =	vand.u32 $0xFFFF, v1;
	_ =	sdelay $0x4  }
0xb0: {  	[tilespmem:s26], [sflag:$0x1] =	stream.indirect_vreg.gather [hbm4b:s4+s3], $0x80, v1, vm0, $0xb8;
	[tilespmem:$0x1C000] =	vst v63  }
0xb1: {  	v1 =	vld [tilespmem:$0x10];
	_ =	sdelay $0x4  }
0xb2: {  	v1 =	vand.u32 $0xFFFF, v1;
	_ =	sdelay $0x4  }
0xb3: {  	[tilespmem:s29], [sflag:$0x2] =	stream.indirect_vreg.gather [hbm4b:s4+s3], $0x80, v1, vm0, $0xb8;
	[tilespmem:$0x1C000] =	vst v63  }
0xb4: {  	v1 =	vld [tilespmem:$0x20];
	_ =	sdelay $0x4  }
0xb5: {  	v1 =	vand.u32 $0xFFFF, v1;
	_ =	sdelay $0x4  }
0xb6: {  	[tilespmem:s30], [sflag:$0x3] =	stream.indirect_vreg.gather [hbm4b:s4+s3], $0x80, v1, vm0, $0xb8;
	[tilespmem:$0x1C000] =	vst v63  }
0xb7: {  	v1 =	vld [tilespmem:$0x30];
	_ =	sdelay $0x4  }
0xb8: {  	v1 =	vand.u32 $0xFFFF, v1;
	_ =	sdelay $0x4  }
0xb9: {  	[tilespmem:s1], [sflag:$0x4] =	stream.indirect_vreg.gather [hbm4b:s4+s3], $0x80, v1, vm0, $0xb8;
	[tilespmem:$0x1C000] =	vst v63  }
0xba: {  	v1 =	vld [tilespmem:$0x40];
	_ =	sdelay $0x4  }
0xbb: {  	v1 =	vand.u32 $0xFFFF, v1;
	_ =	sdelay $0x4  }
0xbc: {  	[tilespmem:s6], [sflag:$0x5] =	stream.indirect_vreg.gather [hbm4b:s4+s3], $0x80, v1, vm0, $0xb8;
	[tilespmem:$0x1C000] =	vst v63  }
0xbd: {  	v1 =	vld [tilespmem:$0x50];
	_ =	sdelay $0x4  }
0xbe: {  	v1 =	vand.u32 $0xFFFF, v1;
	_ =	sdelay $0x4  }
0xbf: {  	[tilespmem:s0], [sflag:$0x6] =	stream.indirect_vreg.gather [hbm4b:s4+s3], $0x80, v1, vm0, $0xb8;
	[tilespmem:$0x1C000] =	vst v63  }
0xc0: {  	_ =	swait.ge [sflag:s31], $0x800  }
0xc1: {  	[sflag:s31] =	ssyncset.done $0x0  }
0xc2: {  	s29 =	simm.s32 $0x18;
	[sflag:s31] =	ssyncadd.s32 $0xFFFFF800  }
0xc3: {  	_ =	swait.ge [sflag:s29], $0x800  }
0xc4: {  	[sflag:s29] =	ssyncset.done $0x0  }
0xc5: {  	[sflag:s29] =	ssyncadd.s32 $0xFFFFF800  }
0xc6: {  	_ =	swait.ge [sflag:s31], $0x800  }
0xc7: {  	[sflag:s31] =	ssyncset.done $0x0  }
0xc8: {  	[sflag:s31] =	ssyncadd.s32 $0xFFFFF800  }
0xc9: {  	_ =	swait.ge [sflag:s29], $0x800  }
0xca: {  	[sflag:s29] =	ssyncset.done $0x0  }
0xcb: {  	[sflag:s29] =	ssyncadd.s32 $0xFFFFF800  }
0xcc: {  	_ =	swait.ge [sflag:s31], $0x800  }
0xcd: {  	[sflag:s31] =	ssyncset.done $0x0  }
0xce: {  	[sflag:s31] =	ssyncadd.s32 $0xFFFFF800  }
0xcf: {  	_ =	swait.ge [sflag:s29], $0x800  }
0xd0: {  	[sflag:s29] =	ssyncset.done $0x0  }
0xd1: {  	[sflag:s29] =	ssyncadd.s32 $0xFFFFF800  }
0xd2: {  	_ =	swait.ge [sflag:s31], $0x800  }
0xd3: {  	[sflag:s31] =	ssyncset.done $0x0  }
0xd4: {  	[sflag:s31] =	ssyncadd.s32 $0xFFFFF800  }
0xd5: {  	_ =	swait.ge [sflag:s29], $0x800  }
0xd6: {  	[sflag:s29] =	ssyncset.done $0x0  }
0xd7: {  	[sflag:s29] =	ssyncadd.s32 $0xFFFFF800  }
0xd8: {  	_ =	swait.ge [sflag:s31], $0x800  }
0xd9: {  	[sflag:s31] =	ssyncset.done $0x0  }
0xda: {  	[sflag:s31] =	ssyncadd.s32 $0xFFFFF800  }
0xdb: {  	_ =	swait.ge [sflag:s29], $0x800  }
0xdc: {  	[sflag:s29] =	ssyncset.done $0x0  }
0xdd: {  	[sflag:s29] =	ssyncadd.s32 $0xFFFFF800  }
0xde: {  	_ =	swait.ge [sflag:s31], $0x800  }
0xdf: {  	[sflag:s31] =	ssyncset.done $0x0  }
0xe0: {  	[sflag:s31] =	ssyncadd.s32 $0xFFFFF800  }
0xe1: {  	_ =	swait.ge [sflag:s29], $0x800  }
0xe2: {  	[sflag:s29] =	ssyncset.done $0x0  }
0xe3: {  	[sflag:s29] =	ssyncadd.s32 $0xFFFFF800  }
0xe4: {  	_ =	swait.ge [sflag:s31], $0x800  }
0xe5: {  	[sflag:s31] =	ssyncset.done $0x0  }
0xe6: {  	[sflag:s31] =	ssyncadd.s32 $0xFFFFF800  }
0xe7: {  	_ =	swait.ge [sflag:s29], $0x800  }
0xe8: {  	[sflag:s29] =	ssyncset.done $0x0  }
0xe9: {  	[sflag:s29] =	ssyncadd.s32 $0xFFFFF800  }
0xea: {  	_ =	swait.ge [sflag:s31], $0x800  }
0xeb: {  	[sflag:s31] =	ssyncset.done $0x0  }
0xec: {  	[sflag:s31] =	ssyncadd.s32 $0xFFFFF800  }
0xed: {  	_ =	swait.ge [sflag:s29], $0x800  }
0xee: {  	[sflag:s29] =	ssyncset.done $0x0  }
0xef: {  	[sflag:s29] =	ssyncadd.s32 $0xFFFFF800  }
0xf0: {  	_ =	swait.ge [sflag:s31], $0x800  }
0xf1: {  	[sflag:s31] =	ssyncset.done $0x0  }
0xf2: {  	[sflag:s31] =	ssyncadd.s32 $0xFFFFF800  }
0xf3: {  	_ =	swait.ge [sflag:s29], $0x800  }
0xf4: {  	[sflag:s29] =	ssyncset.done $0x0  }
0xf5: {  	[sflag:s29] =	ssyncadd.s32 $0xFFFFF800  }
0xf6: {  	_ =	swait.ge [sflag:s31], $0x800  }
0xf7: {  	[sflag:s31] =	ssyncset.done $0x0  }
0xf8: {  	[sflag:s31] =	ssyncadd.s32 $0xFFFFF800  }
0xf9: {  	_ =	swait.ge [sflag:s29], $0x800  }
0xfa: {  	[sflag:s29] =	ssyncset.done $0x0  }
0xfb: {  	[sflag:s29] =	ssyncadd.s32 $0xFFFFF800  }
0xfc: {  	_ =	swait.ge [sflag:s31], $0x800  }
0xfd: {  	[sflag:s31] =	ssyncset.done $0x0  }
0xfe: {  	[sflag:s31] =	ssyncadd.s32 $0xFFFFF800  }
0xff: {  	_ =	swait.ge [sflag:s29], $0x800  }
0x100: {  	[sflag:s29] =	ssyncset.done $0x0  }
0x101: {  	[sflag:s29] =	ssyncadd.s32 $0xFFFFF800  }
0x102: {  	_ =	swait.ge [sflag:s31], $0x800  }
0x103: {  	[sflag:s31] =	ssyncset.done $0x0  }
0x104: {  	[sflag:s31] =	ssyncadd.s32 $0xFFFFF800  }
0x105: {  	_ =	swait.ge [sflag:s29], $0x800  }
0x106: {  	[sflag:s29] =	ssyncset.done $0x0  }
0x107: {  	[sflag:s29] =	ssyncadd.s32 $0xFFFFF800  }
0x108: {  	_ =	swait.ge [sflag:s31], $0x800  }
0x109: {  	[sflag:s31] =	ssyncset.done $0x0  }
0x10a: {  	[sflag:s31] =	ssyncadd.s32 $0xFFFFF800  }
0x10b: {  	_ =	swait.ge [sflag:s29], $0x800  }
0x10c: {  	[sflag:s29] =	ssyncset.done $0x0  }
0x10d: {  	[sflag:s29] =	ssyncadd.s32 $0xFFFFF800  }
0x10e: {  	_ =	swait.ge [sflag:s31], $0x800  }
0x10f: {  	[sflag:s31] =	ssyncset.done $0x0  }
0x110: {  	[sflag:s31] =	ssyncadd.s32 $0xFFFFF800  }
0x111: {  	_ =	swait.ge [sflag:s29], $0x800  }
0x112: {  	[sflag:s29] =	ssyncset.done $0x0  }
0x113: {  	[sflag:s29] =	ssyncadd.s32 $0xFFFFF800  }
0x114: {  	_ =	swait.ge [sflag:s31], $0x800  }
0x115: {  	[sflag:s31] =	ssyncset.done $0x0  }
0x116: {  	[sflag:s31] =	ssyncadd.s32 $0xFFFFF800  }
0x117: {  	_ =	swait.ge [sflag:s29], $0x800  }
0x118: {  	[sflag:s29] =	ssyncset.done $0x0  }
0x119: {  	[sflag:s29] =	ssyncadd.s32 $0xFFFFF800  }
0x11a: {  	_ =	swait.ge [sflag:s31], $0x800  }
0x11b: {  	[sflag:s31] =	ssyncset.done $0x0  }
0x11c: {  	[sflag:s31] =	ssyncadd.s32 $0xFFFFF800  }
0x11d: {  	_ =	swait.ge [sflag:s29], $0x800  }
0x11e: {  	[sflag:s29] =	ssyncset.done $0x0  }
0x11f: {  	[sflag:s29] =	ssyncadd.s32 $0xFFFFF800  }
0x120: {  	_ =	swait.ge [sflag:s31], $0x800  }
0x121: {  	[sflag:s31] =	ssyncset.done $0x0  }
0x122: {  	[sflag:s31] =	ssyncadd.s32 $0xFFFFF800  }
0x123: {  	_ =	swait.ge [sflag:s29], $0x800  }
0x124: {  	[sflag:s29] =	ssyncset.done $0x0  }
0x125: {  	[sflag:s29] =	ssyncadd.s32 $0xFFFFF800  }
0x126: {  	_ =	swait.ge [sflag:s31], $0x800  }
0x127: {  	[sflag:s31] =	ssyncset.done $0x0  }
0x128: {  	[sflag:s31] =	ssyncadd.s32 $0xFFFFF800  }
0x129: {  	_ =	swait.ge [sflag:s29], $0x800  }
0x12a: {  	[sflag:s29] =	ssyncset.done $0x0  }
0x12b: {  	[sflag:s29] =	ssyncadd.s32 $0xFFFFF800  }
0x12c: {  	_ =	swait.ge [sflag:s31], $0x800  }
0x12d: {  	[sflag:s31] =	ssyncset.done $0x0  }
0x12e: {  	[sflag:s31] =	ssyncadd.s32 $0xFFFFF800  }
0x12f: {  	_ =	swait.ge [sflag:s29], $0x800  }
0x130: {  	[sflag:s29] =	ssyncset.done $0x0  }
0x131: {  	[sflag:s29] =	ssyncadd.s32 $0xFFFFF800  }
0x132: {  	_ =	swait.ge [sflag:s31], $0x800  }
0x133: {  	[sflag:s31] =	ssyncset.done $0x0  }
0x134: {  	s5 =	simm.s32 @!p0 $0x18;
	[sflag:s31] =	ssyncadd.s32 $0xFFFFF800  }
0x135: {  	s23 =	simm.s32 $0x90;
	_ =	swait.ge @!p0 [sflag:s5], $0x800  }
0x136: {  	s30 =	simm.s32 $0x2F80;
	s1 =	simm.s32 $0x3F80;
	[sflag:s5] =	ssyncset.done @!p0 $0x0  }
0x137: {  	s6 =	simm.s32 $0x4780;
	s0 =	simm.s32 $0x4F80;
	[sflag:s5] =	ssyncadd.s32 @!p0 $0xFFFFF800  }
0x138: {  	s31 =	simm.s32 $0x3780;
	s5 =	simm.s32 $0x3;
	[bflag:$0x0] =	sbarrier.arrive $0xFFFF  }
.LBB2_6:
0x139: {  	p2 =	seq.s32 s5, $0x3  }
0x13a: {  	s28 =	simm.s32 @!p2 $0x13  }
0x13b: {  	_ =	swait.ge @!p2 [sflag:s28], $0x800  }
0x13c: {  	[sflag:s28] =	ssyncset.done @!p2 $0x0  }
0x13d: {  	[sflag:s28] =	ssyncadd.s32 @!p2 $0xFFFFF800  }
0x13e: {  	v1 =	vld [tilespmem:s23+$0xFFFFFFD0];
	_ =	sdelay $0x4  }
0x13f: {  	v1 =	vand.u32 $0xFFFF, v1;
	_ =	sdelay $0x4  }
0x140: {  	[tilespmem:s7], [sflag:$0x7] =	stream.indirect_vreg.gather [hbm4b:s4+s3], $0x80, v1, vm0, $0xb8;
	[tilespmem:$0x1C000] =	vst v63  }
0x141: {  	_ =	swait.ge [sflag:s8], $0x800  }
0x142: {  	[sflag:s8] =	ssyncset.done $0x0  }
0x143: {  	[sflag:s8] =	ssyncadd.s32 $0xFFFFF800  }
0x144: {  	v1 =	vld [tilespmem:s23+$0xFFFFFF70];
	_ =	sdelay $0x4  }
0x145: {  	v1 =	vshrl.u32 v1, $0x10;
	_ =	sdelay $0x3  }
0x146: {  	s28 =	simm.s32 @!p2 $0x14  }
0x147: {  	[spmem:s2] =	stream.indirect_vreg.scatter.add.f32 [tilespmem:s26], [sflag:$0xD], $0x80, v1, vm0, $0xb8;
	[tilespmem:$0x1C000] =	vst v63  }
0x148: {  	_ =	swait.ge @!p2 [sflag:s28], $0x800  }
0x149: {  	[sflag:s28] =	ssyncset.done @!p2 $0x0  }
0x14a: {  	[sflag:s28] =	ssyncadd.s32 @!p2 $0xFFFFF800  }
0x14b: {  	v1 =	vld [tilespmem:s23+$0xFFFFFFE0];
	_ =	sdelay $0x4  }
0x14c: {  	v1 =	vand.u32 $0xFFFF, v1;
	_ =	sdelay $0x3  }
0x14d: {  	s29 =	rddreg [dreg:$0x3]  }
0x14e: {  	[tilespmem:s29], [sflag:$0x8] =	stream.indirect_vreg.gather [hbm4b:s4+s3], $0x80, v1, vm0, $0xb8;
	[tilespmem:$0x1C000] =	vst v63  }
0x14f: {  	_ =	swait.ge [sflag:s9], $0x800  }
0x150: {  	[sflag:s9] =	ssyncset.done $0x0  }
0x151: {  	[sflag:s9] =	ssyncadd.s32 $0xFFFFF800  }
0x152: {  	v1 =	vld [tilespmem:s23+$0xFFFFFF80];
	_ =	sdelay $0x4  }
0x153: {  	v1 =	vshrl.u32 v1, $0x10;
	_ =	sdelay $0x1  }
0x154: {  	s29 =	sadd.s32 $0xFFFFFFFF, s5  }
0x155: {  	p3 =	slt.u32 s29, $0x6  }
0x156: {  	s28 =	simm.s32 @!p3 $0x15  }
0x157: {  	[spmem:s2] =	stream.indirect_vreg.scatter.add.f32 [tilespmem:s30], [sflag:$0xE], $0x80, v1, vm0, $0xb8;
	[tilespmem:$0x1C000] =	vst v63  }
0x158: {  	_ =	swait.ge @!p3 [sflag:s28], $0x800  }
0x159: {  	[sflag:s28] =	ssyncset.done @!p3 $0x0  }
0x15a: {  	[sflag:s28] =	ssyncadd.s32 @!p3 $0xFFFFF800  }
0x15b: {  	v1 =	vld [tilespmem:s23+$0xFFFFFFF0];
	_ =	sdelay $0x4  }
0x15c: {  	v1 =	vand.u32 $0xFFFF, v1;
	_ =	sdelay $0x4  }
0x15d: {  	[tilespmem:s10], [sflag:$0x9] =	stream.indirect_vreg.gather [hbm4b:s4+s3], $0x80, v1, vm0, $0xb8;
	[tilespmem:$0x1C000] =	vst v63  }
0x15e: {  	_ =	swait.ge [sflag:s11], $0x800  }
0x15f: {  	[sflag:s11] =	ssyncset.done $0x0  }
0x160: {  	[sflag:s11] =	ssyncadd.s32 $0xFFFFF800  }
0x161: {  	v1 =	vld [tilespmem:s23+$0xFFFFFF90];
	_ =	sdelay $0x4  }
0x162: {  	v1 =	vshrl.u32 v1, $0x10;
	_ =	sdelay $0x2  }
0x163: {  	p3 =	slt.u32 s5, $0x6  }
0x164: {  	s28 =	simm.s32 @!p3 $0x16  }
0x165: {  	[spmem:s2] =	stream.indirect_vreg.scatter.add.f32 [tilespmem:s31], [sflag:$0xF], $0x80, v1, vm0, $0xb8;
	[tilespmem:$0x1C000] =	vst v63  }
0x166: {  	_ =	swait.ge @!p3 [sflag:s28], $0x800  }
0x167: {  	[sflag:s28] =	ssyncset.done @!p3 $0x0  }
0x168: {  	[sflag:s28] =	ssyncadd.s32 @!p3 $0xFFFFF800  }
0x169: {  	v1 =	vld [tilespmem:s23+$0x0];
	_ =	sdelay $0x4  }
0x16a: {  	v1 =	vand.u32 $0xFFFF, v1;
	_ =	sdelay $0x3  }
0x16b: {  	s29 =	rddreg [dreg:$0x4]  }
0x16c: {  	[tilespmem:s29], [sflag:$0xA] =	stream.indirect_vreg.gather [hbm4b:s4+s3], $0x80, v1, vm0, $0xb8;
	[tilespmem:$0x1C000] =	vst v63  }
0x16d: {  	_ =	swait.ge [sflag:s12], $0x800  }
0x16e: {  	[sflag:s12] =	ssyncset.done $0x0  }
0x16f: {  	[sflag:s12] =	ssyncadd.s32 $0xFFFFF800  }
0x170: {  	v1 =	vld [tilespmem:s23+$0xFFFFFFA0];
	_ =	sdelay $0x4  }
0x171: {  	v1 =	vshrl.u32 v1, $0x10;
	_ =	sdelay $0x3  }
0x172: {  	s28 =	simm.s32 @!p2 $0x17  }
0x173: {  	[spmem:s2] =	stream.indirect_vreg.scatter.add.f32 [tilespmem:s1], [sflag:$0x10], $0x80, v1, vm0, $0xb8;
	[tilespmem:$0x1C000] =	vst v63  }
0x174: {  	_ =	swait.ge @!p2 [sflag:s28], $0x800  }
0x175: {  	[sflag:s28] =	ssyncset.done @!p2 $0x0  }
0x176: {  	[sflag:s28] =	ssyncadd.s32 @!p2 $0xFFFFF800  }
0x177: {  	v1 =	vld [tilespmem:s23+$0x10];
	_ =	sdelay $0x4  }
0x178: {  	v1 =	vand.u32 $0xFFFF, v1;
	_ =	sdelay $0x4  }
0x179: {  	[tilespmem:s24], [sflag:$0xB] =	stream.indirect_vreg.gather [hbm4b:s4+s3], $0x80, v1, vm0, $0xb8;
	[tilespmem:$0x1C000] =	vst v63  }
0x17a: {  	_ =	swait.ge [sflag:s13], $0x800  }
0x17b: {  	[sflag:s13] =	ssyncset.done $0x0  }
0x17c: {  	[sflag:s13] =	ssyncadd.s32 $0xFFFFF800  }
0x17d: {  	v1 =	vld [tilespmem:s23+$0xFFFFFFB0];
	_ =	sdelay $0x4  }
0x17e: {  	v1 =	vshrl.u32 v1, $0x10;
	_ =	sdelay $0x3  }
0x17f: {  	s28 =	simm.s32 @!p2 $0x18  }
0x180: {  	[spmem:s2] =	stream.indirect_vreg.scatter.add.f32 [tilespmem:s6], [sflag:$0x11], $0x80, v1, vm0, $0xb8;
	[tilespmem:$0x1C000] =	vst v63  }
0x181: {  	_ =	swait.ge @!p2 [sflag:s28], $0x800  }
0x182: {  	[sflag:s28] =	ssyncset.done @!p2 $0x0  }
0x183: {  	[sflag:s28] =	ssyncadd.s32 @!p2 $0xFFFFF800  }
0x184: {  	v1 =	vld [tilespmem:s23+$0x20];
	_ =	sdelay $0x4  }
0x185: {  	v1 =	vand.u32 $0xFFFF, v1;
	_ =	sdelay $0x4  }
0x186: {  	[tilespmem:s25], [sflag:$0xC] =	stream.indirect_vreg.gather [hbm4b:s4+s3], $0x80, v1, vm0, $0xb8;
	[tilespmem:$0x1C000] =	vst v63  }
0x187: {  	_ =	swait.ge [sflag:s14], $0x800  }
0x188: {  	[sflag:s14] =	ssyncset.done $0x0  }
0x189: {  	[sflag:s14] =	ssyncadd.s32 $0xFFFFF800  }
0x18a: {  	v1 =	vld [tilespmem:s23+$0xFFFFFFC0];
	_ =	sdelay $0x4  }
0x18b: {  	v1 =	vshrl.u32 v1, $0x10;
	_ =	sdelay $0x4  }
0x18c: {  	[spmem:s2] =	stream.indirect_vreg.scatter.add.f32 [tilespmem:s0], [sflag:$0x12], $0x80, v1, vm0, $0xb8;
	[tilespmem:$0x1C000] =	vst v63  }
0x18d: {  	_ =	swait.ge [sflag:s15], $0x800  }
0x18e: {  	[sflag:s15] =	ssyncset.done $0x0  }
0x18f: {  	[sflag:s15] =	ssyncadd.s32 $0xFFFFF800  }
0x190: {  	v1 =	vld [tilespmem:s23+$0x30];
	_ =	sdelay $0x4  }
0x191: {  	v1 =	vand.u32 $0xFFFF, v1;
	_ =	sdelay $0x4  }
0x192: {  	[tilespmem:s26], [sflag:$0x1] =	stream.indirect_vreg.gather [hbm4b:s4+s3], $0x80, v1, vm0, $0xb8;
	[tilespmem:$0x1C000] =	vst v63  }
0x193: {  	_ =	swait.ge [sflag:s16], $0x800  }
0x194: {  	[sflag:s16] =	ssyncset.done $0x0  }
0x195: {  	[sflag:s16] =	ssyncadd.s32 $0xFFFFF800  }
0x196: {  	v1 =	vld [tilespmem:s23+$0xFFFFFFD0];
	_ =	sdelay $0x4  }
0x197: {  	v1 =	vshrl.u32 v1, $0x10;
	_ =	sdelay $0x4  }
0x198: {  	[spmem:s2] =	stream.indirect_vreg.scatter.add.f32 [tilespmem:s7], [sflag:$0x13], $0x80, v1, vm0, $0xb8;
	[tilespmem:$0x1C000] =	vst v63  }
0x199: {  	_ =	swait.ge [sflag:s17], $0x800  }
0x19a: {  	p2 =	seq.s32 s5, $0x267;
	[sflag:s17] =	ssyncset.done $0x0  }
0x19b: {  	s28 =	simm.s32 @p2 $0x8;
	[sflag:s17] =	ssyncadd.s32 $0xFFFFF800  }
0x19c: {  	_ =	swait.ge @p2 [sflag:s28], $0x800  }
0x19d: {  	[sflag:s28] =	ssyncset.done @p2 $0x0  }
0x19e: {  	[sflag:s28] =	ssyncadd.s32 @p2 $0xFFFFF800  }
0x19f: {  	v1 =	vld @p2 [tilespmem:s23+$0xFFFFFFE0];
	_ =	sdelay $0x4  }
0x1a0: {  	v1 =	vshrl.u32 @p2 v1, $0x10;
	_ =	sdelay $0x3  }
0x1a1: {  	vm2 =	vmmov @p2 $0xffff;
	s28 =	simm.s32 @p2 $0x5F80  }
0x1a2: {  	[spmem:s2] =	stream.indirect_vreg.scatter.add.f32 @p2 [tilespmem:s28], [sflag:$0x14], $0x80, v1, vm2, $0xb8;
	[tilespmem:$0x1C000] =	vst v63  }
0x1a3: {  	s28 =	simm.s32 @p2 $0xF  }
0x1a4: {  	_ =	swait.ge @p2 [sflag:s28], $0x800  }
0x1a5: {  	[sflag:s28] =	ssyncset.done @p2 $0x0  }
0x1a6: {  	[sflag:s28] =	ssyncadd.s32 @p2 $0xFFFFF800  }
0x1a7: {  	v1 =	vld @!p2 [tilespmem:s23+$0x40];
	_ =	sdelay $0x4  }
0x1a8: {  	v1 =	vand.u32 @!p2 $0xFFFF, v1;
	_ =	sdelay $0x3  }
0x1a9: {  	vm1 =	vmmov @!p2 $0xffff;
	s29 =	simm.s32 @!p2 $0x2F80;
	s28 =	simm.s32 @!p2 $0x0  }
0x1aa: {  	[tilespmem:s29], [sflag:$0x2] =	stream.indirect_vreg.gather @!p2 [hbm4b:s4+s28], $0x80, v1, vm1, $0xb8;
	[tilespmem:$0x1C000] =	vst v63  }
0x1ab: {  	s29 =	simm.s32 @!p2 $0x8  }
0x1ac: {  	_ =	swait.ge @!p2 [sflag:s29], $0x800  }
0x1ad: {  	[sflag:s29] =	ssyncset.done @!p2 $0x0  }
0x1ae: {  	[sflag:s29] =	ssyncadd.s32 @!p2 $0xFFFFF800  }
0x1af: {  	v1 =	vld @!p2 [tilespmem:s23+$0xFFFFFFE0];
	_ =	sdelay $0x4  }
0x1b0: {  	v1 =	vshrl.u32 @!p2 v1, $0x10;
	_ =	sdelay $0x3  }
0x1b1: {  	s29 =	simm.s32 @!p2 $0x5F80  }
0x1b2: {  	[spmem:s2] =	stream.indirect_vreg.scatter.add.f32 @!p2 [tilespmem:s29], [sflag:$0x14], $0x80, v1, vm1, $0xb8;
	[tilespmem:$0x1C000] =	vst v63  }
0x1b3: {  	s29 =	simm.s32 @!p2 $0xF  }
0x1b4: {  	_ =	swait.ge @!p2 [sflag:s29], $0x800  }
0x1b5: {  	[sflag:s29] =	ssyncset.done @!p2 $0x0  }
0x1b6: {  	[sflag:s29] =	ssyncadd.s32 @!p2 $0xFFFFF800  }
0x1b7: {  	v1 =	vld @!p2 [tilespmem:s23+$0x50];
	_ =	sdelay $0x4  }
0x1b8: {  	v1 =	vand.u32 @!p2 $0xFFFF, v1;
	_ =	sdelay $0x3  }
0x1b9: {  	s29 =	simm.s32 @!p2 $0x3780  }
0x1ba: {  	[tilespmem:s29], [sflag:$0x3] =	stream.indirect_vreg.gather @!p2 [hbm4b:s4+s28], $0x80, v1, vm1, $0xb8;
	[tilespmem:$0x1C000] =	vst v63  }
0x1bb: {  	_ =	swait.ge [sflag:s18], $0x800  }
0x1bc: {  	[sflag:s18] =	ssyncset.done $0x0  }
0x1bd: {  	[sflag:s18] =	ssyncadd.s32 $0xFFFFF800  }
0x1be: {  	v1 =	vld [tilespmem:s23+$0xFFFFFFF0];
	_ =	sdelay $0x4  }
0x1bf: {  	v1 =	vshrl.u32 v1, $0x10;
	_ =	sdelay $0x4  }
0x1c0: {  	[spmem:s2] =	stream.indirect_vreg.scatter.add.f32 [tilespmem:s10], [sflag:$0x15], $0x80, v1, vm0, $0xb8;
	[tilespmem:$0x1C000] =	vst v63  }
0x1c1: {  	_ =	swait.ge [sflag:s19], $0x800  }
0x1c2: {  	[sflag:s19] =	ssyncset.done $0x0  }
0x1c3: {  	s29 =	simm.s32 @p2 $0xA;
	[sflag:s19] =	ssyncadd.s32 $0xFFFFF800  }
0x1c4: {  	_ =	swait.ge @p2 [sflag:s29], $0x800  }
0x1c5: {  	[sflag:s29] =	ssyncset.done @p2 $0x0  }
0x1c6: {  	[sflag:s29] =	ssyncadd.s32 @p2 $0xFFFFF800  }
0x1c7: {  	v1 =	vld @p2 [tilespmem:s23+$0x0];
	_ =	sdelay $0x4  }
0x1c8: {  	v1 =	vshrl.u32 @p2 v1, $0x10;
	_ =	sdelay $0x3  }
0x1c9: {  	s29 =	simm.s32 @p2 $0x6F80  }
0x1ca: {  	[spmem:s2] =	stream.indirect_vreg.scatter.add.f32 @p2 [tilespmem:s29], [sflag:$0x16], $0x80, v1, vm2, $0xb8;
	[tilespmem:$0x1C000] =	vst v63  }
0x1cb: {  	s29 =	simm.s32 @p2 $0x11  }
0x1cc: {  	_ =	swait.ge @p2 [sflag:s29], $0x800  }
0x1cd: {  	[sflag:s29] =	ssyncset.done @p2 $0x0  }
0x1ce: {  	[sflag:s29] =	ssyncadd.s32 @p2 $0xFFFFF800  }
0x1cf: {  	v1 =	vld @!p2 [tilespmem:s23+$0x60];
	_ =	sdelay $0x4  }
0x1d0: {  	v1 =	vand.u32 @!p2 $0xFFFF, v1;
	_ =	sdelay $0x3  }
0x1d1: {  	s29 =	simm.s32 @!p2 $0x3F80  }
0x1d2: {  	[tilespmem:s29], [sflag:$0x4] =	stream.indirect_vreg.gather @!p2 [hbm4b:s4+s28], $0x80, v1, vm1, $0xb8;
	[tilespmem:$0x1C000] =	vst v63  }
0x1d3: {  	s29 =	simm.s32 @!p2 $0xA  }
0x1d4: {  	_ =	swait.ge @!p2 [sflag:s29], $0x800  }
0x1d5: {  	[sflag:s29] =	ssyncset.done @!p2 $0x0  }
0x1d6: {  	[sflag:s29] =	ssyncadd.s32 @!p2 $0xFFFFF800  }
0x1d7: {  	v1 =	vld @!p2 [tilespmem:s23+$0x0];
	_ =	sdelay $0x4  }
0x1d8: {  	v1 =	vshrl.u32 @!p2 v1, $0x10;
	_ =	sdelay $0x3  }
0x1d9: {  	s29 =	simm.s32 @!p2 $0x6F80  }
0x1da: {  	[spmem:s2] =	stream.indirect_vreg.scatter.add.f32 @!p2 [tilespmem:s29], [sflag:$0x16], $0x80, v1, vm1, $0xb8;
	[tilespmem:$0x1C000] =	vst v63  }
0x1db: {  	s29 =	simm.s32 @!p2 $0x11  }
0x1dc: {  	_ =	swait.ge @!p2 [sflag:s29], $0x800  }
0x1dd: {  	[sflag:s29] =	ssyncset.done @!p2 $0x0  }
0x1de: {  	[sflag:s29] =	ssyncadd.s32 @!p2 $0xFFFFF800  }
0x1df: {  	v1 =	vld @!p2 [tilespmem:s23+$0x70];
	_ =	sdelay $0x4  }
0x1e0: {  	v1 =	vand.u32 @!p2 $0xFFFF, v1;
	_ =	sdelay $0x3  }
0x1e1: {  	s29 =	simm.s32 @!p2 $0x4780  }
0x1e2: {  	[tilespmem:s29], [sflag:$0x5] =	stream.indirect_vreg.gather @!p2 [hbm4b:s4+s28], $0x80, v1, vm1, $0xb8;
	[tilespmem:$0x1C000] =	vst v63  }
0x1e3: {  	_ =	swait.ge [sflag:s20], $0x800  }
0x1e4: {  	[sflag:s20] =	ssyncset.done $0x0  }
0x1e5: {  	[sflag:s20] =	ssyncadd.s32 $0xFFFFF800  }
0x1e6: {  	v1 =	vld [tilespmem:s23+$0x10];
	_ =	sdelay $0x4  }
0x1e7: {  	v1 =	vshrl.u32 v1, $0x10;
	_ =	sdelay $0x4  }
0x1e8: {  	[spmem:s2] =	stream.indirect_vreg.scatter.add.f32 [tilespmem:s24], [sflag:$0x17], $0x80, v1, vm0, $0xb8;
	[tilespmem:$0x1C000] =	vst v63  }
0x1e9: {  	_ =	swait.ge [sflag:s21], $0x800  }
0x1ea: {  	[sflag:s21] =	ssyncset.done $0x0  }
0x1eb: {  	[sflag:s21] =	ssyncadd.s32 $0xFFFFF800  }
0x1ec: {  	v1 =	vld @!p2 [tilespmem:s23+$0x80];
	_ =	sdelay $0x4  }
0x1ed: {  	v1 =	vand.u32 @!p2 $0xFFFF, v1;
	_ =	sdelay $0x3  }
0x1ee: {  	s29 =	simm.s32 @!p2 $0x4F80  }
0x1ef: {  	[tilespmem:s29], [sflag:$0x6] =	stream.indirect_vreg.gather @!p2 [hbm4b:s4+s28], $0x80, v1, vm1, $0xb8;
	[tilespmem:$0x1C000] =	vst v63  }
0x1f0: {  	_ =	swait.ge [sflag:s22], $0x800  }
0x1f1: {  	[sflag:s22] =	ssyncset.done $0x0  }
0x1f2: {  	[sflag:s22] =	ssyncadd.s32 $0xFFFFF800  }
0x1f3: {  	v1 =	vld [tilespmem:s23+$0x20];
	_ =	sdelay $0x3  }
0x1f4: {  	s5 =	sadd.s32 $0xC, s5  }
0x1f5: {  	p2 =	sne.s32 s5, $0x273;
	v1 =	vshrl.u32 v1, $0x10  }
.Ltmp2:
0x1f6: {  	_ = 	snop;
	(pc) =	sbr.rel @p2 .LBB2_6-.Ltmp2, $3  }
0x1f7: {  	_ =	sdelay $0x1  }
0x1f8: {  	s23 =	sadd.s32 $0xC0, s23  }
0x1f9: {  	[spmem:s2] =	stream.indirect_vreg.scatter.add.f32 [tilespmem:s25], [sflag:$0x18], $0x80, v1, vm0, $0xb8;
	[tilespmem:$0x1C000] =	vst v63  }
0x1fa: {  	s0 =	simm.s32 $0x13  }
0x1fb: {  	_ =	swait.ge [sflag:s0], $0x800  }
0x1fc: {  	[sflag:s0] =	ssyncset.done $0x0  }
0x1fd: {  	[sflag:s0] =	ssyncadd.s32 $0xFFFFF800  }
0x1fe: {  	_ =	swait.ge [sflag:s8], $0x800  }
0x1ff: {  	[sflag:s8] =	ssyncset.done $0x0  }
0x200: {  	[sflag:s8] =	ssyncadd.s32 $0xFFFFF800  }
0x201: {  	v1 =	vld [tilespmem:$0x2700];
	_ =	sdelay $0x4  }
0x202: {  	v1 =	vshrl.u32 v1, $0x10;
	_ =	sdelay $0x3  }
0x203: {  	s1 =	simm.s32 $0x14  }
0x204: {  	[spmem:s2] =	stream.indirect_vreg.scatter.add.f32 [tilespmem:s26], [sflag:$0xD], $0x80, v1, vm0, $0xb8;
	[tilespmem:$0x1C000] =	vst v63  }
0x205: {  	_ =	swait.ge [sflag:s1], $0x800  }
0x206: {  	[sflag:s1] =	ssyncset.done $0x0  }
0x207: {  	s5 =	simm.s32 $0x15;
	[sflag:s1] =	ssyncadd.s32 $0xFFFFF800  }
0x208: {  	_ =	swait.ge [sflag:s5], $0x800  }
0x209: {  	[sflag:s5] =	ssyncset.done $0x0  }
0x20a: {  	s6 =	simm.s32 $0x16;
	[sflag:s5] =	ssyncadd.s32 $0xFFFFF800  }
0x20b: {  	_ =	swait.ge [sflag:s6], $0x800  }
0x20c: {  	[sflag:s6] =	ssyncset.done $0x0  }
0x20d: {  	s31 =	simm.s32 $0x17;
	[sflag:s6] =	ssyncadd.s32 $0xFFFFF800  }
0x20e: {  	_ =	swait.ge [sflag:s31], $0x800  }
0x20f: {  	[sflag:s31] =	ssyncset.done $0x0  }
0x210: {  	s23 =	simm.s32 $0x18;
	[sflag:s31] =	ssyncadd.s32 $0xFFFFF800  }
0x211: {  	_ =	swait.ge [sflag:s23], $0x800  }
0x212: {  	[sflag:s23] =	ssyncset.done $0x0  }
0x213: {  	[sflag:s23] =	ssyncadd.s32 $0xFFFFF800  }
0x214: {  	_ =	swait.ge [sflag:s15], $0x800  }
0x215: {  	[sflag:s15] =	ssyncset.done $0x0  }
0x216: {  	[sflag:s15] =	ssyncadd.s32 $0xFFFFF800  }
0x217: {  	[bflag:$0x0] =	sbarrier.arrive $0xFFFF  }
0x218: {  	s23 =	rddreg [dreg:$0x17]  }
0x219: {  	s5 =	simm.s32 @p1 $0x1FD9;
	s28 =	rddreg [dreg:$0x19]  }
0x21a: {  	[hbm:s23], [sflag:s5] =	dma.local @p1 [spmem:s28], $0x2800  }
0x21b: {  	s5 =	simm.s32 @p1 $0x19  }
0x21c: {  	_ =	swait.ge @p1 [sflag:s5], $0x2800  }
0x21d: {  	s23 =	stileid.u32;
	s28 =	rddreg [dreg:$0x5]  }
0x21e: {  	s23 =	sshll.u32 @!p1 s23, $0x6;
	[sflag:s5] =	ssyncset.done @p1 $0x0;
	s29 =	rddreg [dreg:$0x15]  }
0x21f: {  	[sflag:s5] =	ssyncadd.s32 @p1 $0xFFFFD800;
	s5 =	sor.u32 @!p1 $0x1C19, s23;
	s23 =	sshrl.u32 @!p1 s28, $0x3  }
0x220: {  	[hbm:s29], [sflag:s5] =	dma.local @!p1 [spmem:s23], $0x2700  }
0x221: {  	s5 =	simm.s32 @!p1 $0x19  }
0x222: {  	_ =	swait.ge @!p1 [sflag:s5], $0x2700  }
0x223: {  	s1 =	sld [smem:$0x7FD];
	_ =	sdelay $0x2  }
0x224: {  	s6 =	rddreg [dreg:$0x18];
	s0 =	sadd.s32 $0x1, s1  }
0x225: {  	p2 =	sne.s32 s0, s6  }
.Ltmp3:
0x226: {  	_ = 	snop;
	(pc) =	sbr.rel @p2 .LBB2_1-.Ltmp3, $4  }
0x227: {  	_ = 	snop  }
0x228: {  	s30 =	simm.s32 $0x3780;
	[sflag:s5] =	ssyncset.done @!p1 $0x0  }
0x229: {  	s29 =	simm.s32 $0x2F80;
	[sflag:s5] =	ssyncadd.s32 @!p1 $0xFFFFD900;
	s1 =	simm.s32 $0x3F80  }
0x22a: {  	[smem:$0x7FD] =	sst s0;
	s6 =	simm.s32 $0x4780;
	s0 =	simm.s32 $0x4F80  }
0x22b: {  	_ =	sfence.sel $0x180000  }
0x22c: {  	[bflag:$0x0] =	sbarrier.arrive $0xFFFF  }
0x22d: {  	_ =	strace $0x9000004A  }
0x22e: {  	s0 =	stileid.u32;
	[bflag:$0x2] =	sbarrier.arrive $0xFFFF  }
0x22f: {  	p0 =	sne.s32 s0, $0x0;
	s0 =	rddreg [dreg:$0x2]  }
0x230: {  	s0 =	sadd.s32 @!p0 $0x100000, s0  }
0x231: {  	[sflag:s0] =	ssyncadd.tile.s32 @!p0 $0x1;
	_ =	shalt  }
.Lfunc_end2:
_tile_overlayer_lowered:
.L_overlay_start_2:
0x232: {  	(tag) =	ssettag $0x2  }
0x233: {  	s0 =	rddreg [dreg:$0x0];
	s2 =	stileid.u32  }
0x234: {  	s1 =	rddreg [dreg:$0x1];
	p0 =	sne.s32 s2, $0x0  }
0x235: {  	s3 =	rddreg [dreg:$0x2];
	[bflag:$0x3] =	sbarrier.arrive $0xFFFF;
	s2 =	simm.s32 @!p0 $0x1C19  }
0x236: {  	[timem:s3], [sflag:s2] =	dma.local @!p0 [hbm:s0], s1  }
0x237: {  	s0 =	simm.s32 @!p0 $0x19  }
0x238: {  	_ =	swait.ge @!p0 [sflag:s0], s1  }
0x239: {  	s1 =	ssub.s32 @!p0 $0x0, s1;
	[sflag:s0] =	ssyncset.done @!p0 $0x0  }
0x23a: {  	[sflag:s0] =	ssyncadd.s32 @!p0 s1  }
0x23b: {  	[bflag:$0x3] =	sbarrier.arrive $0xFFFF  }
0x23c: {  	_ =	shalt  }

// kernel: kernel.8.cloned.1.call-start
scs
__scs_entry_jumppad:
0x0: {  	(pc) =	sbr.rel $0x88, $3  }
0x1: {  	(tag) =	ssettag $0x0;
	lr =	simm.s32 $0x1  }
0x2: {  	[smem:$0x3F94] =	sst lr;
	_ =	strace $0xD0000000  }
0x3: {  	_ = 	snop  }
0x4: {  	_ = 	snop  }
0x5: {  	_ = 	snop  }
0x6: {  	_ = 	snop  }
0x7: {  	_ = 	snop  }
__scs_overlays_trampoline_lowered:
0x8: {  	[smem:$0x3FA3] =	sst s0  }
0x9: {  	[smem:$0x3FA4] =	sst s1  }
0xa: {  	[smem:$0x3FA5] =	sst s2  }
0xb: {  	[smem:$0x3FA6] =	sst s3  }
0xc: {  	[smem:$0x3FA7] =	sst s4  }
0xd: {  	[smem:$0x3FA8] =	sst s5  }
0xe: {  	[smem:$0x3FA9] =	sst s6  }
0xf: {  	[smem:$0x3FAA] =	sst s7  }
0x10: {  	[smem:$0x3FAB] =	sst s8  }
0x11: {  	[smem:$0x3FAC] =	sst s9;
	s0 =	simm.s32 @!p0 $0x0  }
0x12: {  	s1 =	sld [smem:$0x3F92];
	s0 =	simm.s32 @p0 $0x1  }
0x13: {  	[smem:$0x3FAD] =	sst s0;
	s0 =	simm.s32 @!p1 $0x0  }
0x14: {  	s2 =	sld [smem:$0x3F91];
	s0 =	simm.s32 @p1 $0x1  }
0x15: {  	[smem:$0x3FAE] =	sst s0;
	s0 =	simm.s32 @!p2 $0x0  }
0x16: {  	s3 =	sld [smem:$0x3FDB];
	s0 =	simm.s32 @p2 $0x1  }
0x17: {  	s4 =	simm.s32 $0x1BF5;
	[smem:$0x3FB0] =	sst s0  }
0x18: {  	s0 =	sld [smem:$0x3F93];
	_ =	swait.ge [sflag:s4], $0x0  }
0x19: {  	s7 =	sld [smem:$0x3F94]  }
0x1a: {  	s8 =	sadd.s32 $0xFFFFE003, lr  }
0x1b: {  	s9 =	sadd.s32 $0xFFFFFEF7, lr;
	s5 =	simm.s32 $0xFFFFFFFF;
	p2 =	slt.u32 s8, $0xFFFFF086  }
0x1c: {  	p1 =	slt.u32 s9, $0xF7A;
	s5 =	simm.s32 @!p2 $0x0  }
0x1d: {  	s5 =	simm.s32 @p1 $0x1;
	p0 =	seq.s32 s7, s2  }
0x1e: {  	s7 =	smul.u32 @!p0 $0xF7A, s2;
	p2 =	seq.s32 @!p0 s5, $0x0  }
0x1f: {  	s9 =	smul.u32 $0xF7A, s1;
	s8 =	simm.s32 @!p0 $0x1BF5;
	p2 =	por !p2, p0  }
0x20: {  	[sflag:s8] =	ssyncset.s32 @!p0 $0xFFFFF086;
	s6 =	sadd.s32 @!p0 s3, s7;
	s7 =	simm.s32 @!p0 $0x108  }
0x21: {  	s3 =	sadd.s32 s3, s9;
	s6 =	sadd.s32 @!p0 $0x88, s6;
	s7 =	simm.s32 @p2 $0x1082  }
0x22: {  	[simem:s7], [sflag:s8] =	dma.local @!p0 [hbm:s6], $0xF7A  }
0x23: {  	s9 =	sor.u32 $0xD0000000, s2;
	s6 =	simm.s32 $0x108;
	_ =	swait.ge @!p0 [sflag:s8], $0x0  }
0x24: {  	s3 =	sadd.s32 $0x88, s3;
	s6 =	simm.s32 @!p1 $0x1082;
	[sflag:s4] =	ssyncset.s32 $0xFFFFF086  }
0x25: {  	[simem:s6], [sflag:s4] =	dma.local [hbm:s3], $0xF7A  }
0x26: {  	[smem:$0x3F94] =	sst s1;
	(tag) =	ssettag s2;
	_ =	strace s9  }
0x27: {  	s1 =	sld [smem:$0x3FA4]  }
0x28: {  	s2 =	sld [smem:$0x3FA5]  }
0x29: {  	s4 =	sld [smem:$0x3FA7]  }
0x2a: {  	p0 =	seq.s32 s5, $0x0;
	s5 =	sld [smem:$0x3FA8]  }
0x2b: {  	s6 =	sld [smem:$0x3FA9]  }
0x2c: {  	s7 =	sld [smem:$0x3FAA]  }
0x2d: {  	s3 =	simm.s32 $0x108;
	s8 =	sld [smem:$0x3FAB]  }
0x2e: {  	s3 =	simm.s32 @!p0 $0x1082;
	s9 =	sld [smem:$0x3FAC]  }
0x2f: {  	lr =	sadd.s32 s0, s3;
	s0 =	sld [smem:$0x3FA3]  }
0x30: {  	s3 =	sld [smem:$0x3FA6]  }
0x31: {  	[smem:$0x3FAF] =	sst s10  }
0x32: {  	s10 =	sld [smem:$0x3FAD];
	_ =	sdelay $0x3  }
0x33: {  	p0 =	seq.s32 s10, $0x1;
	s10 =	sld [smem:$0x3FAF];
	_ =	sdelay $0x3  }
0x34: {  	[smem:$0x3FAF] =	sst s10  }
0x35: {  	s10 =	sld [smem:$0x3FAE];
	_ =	sdelay $0x3  }
0x36: {  	p1 =	seq.s32 s10, $0x1;
	s10 =	sld [smem:$0x3FAF];
	_ =	sdelay $0x3  }
0x37: {  	[smem:$0x3FAF] =	sst s10  }
0x38: {  	s10 =	sld [smem:$0x3FB0]  }
0x39: {  	_ = 	snop;
	(pc) =	sbr.ind lr, $3  }
0x3a: {  	_ = 	snop  }
0x3b: {  	_ = 	snop  }
0x3c: {  	p2 =	seq.s32 s10, $0x1;
	s10 =	sld [smem:$0x3FAF]  }
0x3d: {  	_ =	shalt  }
0x3e: {  	_ =	shalt  }
0x3f: {  	_ =	shalt  }
0x40: {  	_ =	shalt  }
0x41: {  	_ =	shalt  }
0x42: {  	_ =	shalt  }
0x43: {  	_ =	shalt  }
0x44: {  	_ =	shalt  }
0x45: {  	_ =	shalt  }
0x46: {  	_ =	shalt  }
0x47: {  	_ =	shalt  }
0x48: {  	_ =	shalt  }
0x49: {  	_ =	shalt  }
0x4a: {  	_ =	shalt  }
0x4b: {  	_ =	shalt  }
0x4c: {  	_ =	shalt  }
0x4d: {  	_ =	shalt  }
0x4e: {  	_ =	shalt  }
0x4f: {  	_ =	shalt  }
0x50: {  	_ =	shalt  }
0x51: {  	_ =	shalt  }
0x52: {  	_ =	shalt  }
0x53: {  	_ =	shalt  }
0x54: {  	_ =	shalt  }
0x55: {  	_ =	shalt  }
0x56: {  	_ =	shalt  }
0x57: {  	_ =	shalt  }
0x58: {  	_ =	shalt  }
0x59: {  	_ =	shalt  }
0x5a: {  	_ =	shalt  }
0x5b: {  	_ =	shalt  }
0x5c: {  	_ =	shalt  }
0x5d: {  	_ =	shalt  }
0x5e: {  	_ =	shalt  }
0x5f: {  	_ =	shalt  }
0x60: {  	_ =	shalt  }
0x61: {  	_ =	shalt  }
0x62: {  	_ =	shalt  }
0x63: {  	_ =	shalt  }
0x64: {  	_ =	shalt  }
0x65: {  	_ =	shalt  }
0x66: {  	_ =	shalt  }
0x67: {  	_ =	shalt  }
0x68: {  	_ =	shalt  }
0x69: {  	_ =	shalt  }
0x6a: {  	_ =	shalt  }
0x6b: {  	_ =	shalt  }
0x6c: {  	_ =	shalt  }
0x6d: {  	_ =	shalt  }
0x6e: {  	_ =	shalt  }
0x6f: {  	_ =	shalt  }
0x70: {  	_ =	shalt  }
0x71: {  	_ =	shalt  }
0x72: {  	_ =	shalt  }
0x73: {  	_ =	shalt  }
0x74: {  	_ =	shalt  }
0x75: {  	_ =	shalt  }
0x76: {  	_ =	shalt  }
0x77: {  	_ =	shalt  }
0x78: {  	_ =	shalt  }
0x79: {  	_ =	shalt  }
0x7a: {  	_ =	shalt  }
0x7b: {  	_ =	shalt  }
0x7c: {  	_ =	shalt  }
0x7d: {  	_ =	shalt  }
0x7e: {  	_ =	shalt  }
0x7f: {  	_ =	shalt  }
0x80: {  	_ =	shalt  }
0x81: {  	_ =	shalt  }
0x82: {  	_ =	shalt  }
0x83: {  	_ =	shalt  }
0x84: {  	_ =	shalt  }
0x85: {  	_ =	shalt  }
0x86: {  	_ =	shalt  }
0x87: {  	_ =	shalt  }
.Lfunc_end0:
.L_simem_size_0:
called_computation_lowered:
.L_overlay_start_0:
0x88: {  	s2 =	sld [smem:$0x3FD9]  }
0x89: {  	s3 =	sld [smem:$0x3FFE];
	_ =	sdelay $0x1  }
0x8a: {  	s1 =	srdreg.scid  }
0x8b: {  	s0 =	sand.u32 $0x1, s1  }
0x8c: {  	s16 =	sshll.u32 s0, $0xA;
	s2 =	sadd.s32 s3, s2  }
0x8d: {  	s2 =	sadd.s32 s2, s16  }
0x8e: {  	[smem:$0x3FBB] =	sst s2  }
0x8f: {  	_ = 	snop  }
0x90: {  	(tm) =	ssettm $0x1  }
0x91: {  	s17 =	sld [smem:$0x3FFB];
	_ =	sdelay $0x3  }
0x92: {  	_ =	strace s17  }
0x93: {  	s2 =	sld [smem:$0x3FFC];
	_ =	sdelay $0x3  }
0x94: {  	_ =	strace s2  }
0x95: {  	s2 =	sld [smem:$0x3FFD];
	_ =	sdelay $0x3  }
0x96: {  	_ =	strace s2  }
0x97: {  	_ =	strace $0x8FFFFFFF  }
0x98: {  	s18 =	sld [smem:$0x3FDB];
	_ =	sdelay $0x1  }
0x99: {  	s19 =	simm.s32 $_scs_section_size  }
0x9a: {  	s4 =	simm.s32 $_size__tile_overlayer_lowered;
	s5 =	simm.s32 $_tile_overlayer_lowered  }
0x9b: {  	s22 =	simm.s32 $0x1BFF;
	s21 =	sshll.u32 s5, $0x1;
	s2 =	sadd.s32 s19, s18  }
0x9c: {  	s6 =	simm.s32 $0x0;
	s20 =	sshll.u32 s4, $0x1;
	s4 =	sadd.s32 s21, s2  }
0x9d: {  	[timem:s6], [sflag:s22] =	dma.local [hbm:s4], s20  }
0x9e: {  	_ =	swait.ge [sflag:s22], s20  }
0x9f: {  	s3 =	ssub.s32 $0x0, s20;
	[sflag:s22] =	ssyncset.done $0x0  }
0xa0: {  	[sflag:s22] =	ssyncadd.s32 s3;
	_ =	sdelay $0x1  }
0xa1: {  	s23 =	simm.s32 $0x1B8B  }
0xa2: {  	_ =	swait.ge [sflag:s23], $0x1  }
0xa3: {  	[sflag:s23] =	ssyncset.done $0x0  }
0xa4: {  	s25 =	simm.s32 $0x1B8E;
	s24 =	sld [smem:$0x3FFE];
	[sflag:s23] =	ssyncadd.s32 $0xFFFFFFFF  }
0xa5: {  	s26 =	simm.s32 $execute0_lowered;
	[smem:$0x3FD2] =	sst s25  }
0xa6: {  	s4 =	sshll.u32 s26, $0x1;
	_ =	strace $0x80000046;
	[dreg:$0x1] =	wrdreg $0xFFFFFFFF  }
0xa7: {  	s28 =	simm.s32 $_size_execute0_lowered;
	s2 =	sadd.s32 s2, s4;
	[dreg:$0x0] =	wrdreg $0x0  }
0xa8: {  	s4 =	sshll.u32 s28, $0x1;
	[dreg:$0x2] =	wrdreg s2  }
0xa9: {  	[dreg:$0x3] =	wrdreg s4  }
0xaa: {  	[dreg:$0x4] =	wrdreg $0xC0  }
0xab: {  	_ =	task [dreg:s6], $0x5FFFF  }
0xac: {  	[dreg:$0x1] =	wrdreg $0xFFFFFFFF  }
0xad: {  	[dreg:$0x0] =	wrdreg $0x60  }
0xae: {  	[dreg:$0x2] =	wrdreg s24  }
0xaf: {  	[dreg:$0x3] =	wrdreg $0x87800  }
0xb0: {  	[dreg:$0x4] =	wrdreg $0x9  }
0xb1: {  	_ =	task.clear_ibuf [dreg:s6], $0x5FFFF;
	_ =	strace $0x90000046  }
0xb2: {  	s29 =	simm.s32 $0x9;
	_ =	strace $0x80000048  }
0xb3: {  	_ =	swait.ge [sflag:s29], $0x1  }
0xb4: {  	[sflag:s29] =	ssyncadd.s32 $0xFFFFFFFF  }
0xb5: {  	_ =	strace $0x90000048  }
0xb6: {  	_ =	sfence  }
0xb7: {  	s30 =	sld [smem:$0x0];
	_ =	sdelay $0x2  }
0xb8: {  	s31 =	sshll.u32 s1, $0xD;
	s1 =	sshrl.u32 s1, $0x2  }
0xb9: {  	s3 =	sand.u32 $0x4000, s31;
	s1 =	sadd.s32 s1, s30  }
0xba: {  	s0 =	sor.u32 s3, s0;
	s1 =	sshll.u32 s1, $0x11  }
0xbb: {  	s0 =	sor.u32 s1, s0  }
0xbc: {  	s0 =	sadd.s32 $0x8F2B, s0  }
0xbd: {  	[sflag:s0] =	ssyncadd.remote.s32 $0x1  }
0xbe: {  	_ =	sfence.sel $0xFFFF  }
0xbf: {  	[dreg:$0x0] =	wrdreg $0xFFFFFFFF;
	(pc) =	sbr.abs _section_cstart, $3  }
0xc0: {  	[dreg:$0x1] =	wrdreg $0xFFFFFFFF  }
0xc1: {  	_ =	task.clear_ibuf [dreg:s6], $0x2FFFF;
	_ =	strace $0x9FFFFFFF  }
0xc2: {  	(tm) =	ssettm $0x7FFFFFFF  }
0xc3: {  	_ =	shalt  }
tec
execute0_lowered:
.L_overlay_start_1:
0x0: {  	(tag) =	ssettag $0x1  }
0x1: {  	s0 =	srdreg.scid  }
0x2: {  	s1 =	rddreg [dreg:$0x0];
	s0 =	sand.u32 $0x1, s0  }
0x3: {  	s9 =	stileid.u32;
	s2 =	rddreg [dreg:$0x1];
	s3 =	sshll.u32 s0, $0x4  }
0x4: {  	s6 =	smul.u32 $0x4E000, s9;
	s4 =	sor.u32 s9, s3;
	s3 =	simm.s32 $0x0  }
0x5: {  	s18 =	simm.s32 $0x5F80;
	s20 =	simm.s32 $0x6F80;
	[smem:$0x7FF] =	sst s3  }
0x6: {  	s6 =	sshrl.u32 s6, $0x2;
	_ =	strace $0x80000047;
	[dreg:$0x3] =	wrdreg s18  }
0x7: {  	s28 =	sadd.s32 s6, s2;
	[dreg:$0x4] =	wrdreg s20  }
0x8: {  	s22 =	sadd.s32 $0x800, s28;
	[dreg:$0x5] =	wrdreg s28  }
0x9: {  	s23 =	sadd.s32 $0x1000, s28;
	[dreg:$0x7] =	wrdreg s22  }
0xa: {  	s24 =	sadd.s32 $0x1800, s28;
	[dreg:$0x8] =	wrdreg s23  }
0xb: {  	s7 =	ssub.s32 $0x2, s0;
	s25 =	sadd.s32 $0x2000, s28;
	[dreg:$0x9] =	wrdreg s24  }
0xc: {  	s8 =	sshrl.u32 s7, $0x1;
	s26 =	sadd.s32 $0x2800, s28;
	[dreg:$0xa] =	wrdreg s25  }
0xd: {  	s21 =	ssub.s32 s7, s8;
	s7 =	sadd.s32 $0x3000, s28;
	[dreg:$0xb] =	wrdreg s26  }
0xe: {  	s8 =	sadd.s32 $0x3800, s28;
	[dreg:$0xc] =	wrdreg s7  }
0xf: {  	s10 =	sadd.s32 $0x4000, s28;
	[dreg:$0xd] =	wrdreg s8  }
0x10: {  	s12 =	sadd.s32 $0x4800, s28;
	[dreg:$0xe] =	wrdreg s10  }
0x11: {  	s13 =	sadd.s32 $0x5000, s28;
	[dreg:$0xf] =	wrdreg s12  }
0x12: {  	s14 =	sadd.s32 $0x5800, s28;
	[dreg:$0x10] =	wrdreg s13  }
0x13: {  	s15 =	sadd.s32 $0x6000, s28;
	[dreg:$0x11] =	wrdreg s14  }
0x14: {  	s16 =	sadd.s32 $0x6800, s28;
	[dreg:$0x12] =	wrdreg s15  }
0x15: {  	s17 =	sadd.s32 $0x7000, s28;
	[dreg:$0x13] =	wrdreg s16  }
0x16: {  	s19 =	sadd.s32 $0x7800, s28;
	[dreg:$0x14] =	wrdreg s17  }
0x17: {  	s11 =	smul.u32 $0x13800, s9;
	s21 =	smax.u32 s21, $0x1;
	[dreg:$0x16] =	wrdreg s19  }
0x18: {  	p0 =	sne.s32 s9, $0xF;
	s6 =	sadd.s32 $0xB800, s28;
	[dreg:$0x18] =	wrdreg s21  }
0x19: {  	p1 =	seq.s32 s9, $0xF;
	s9 =	sadd.s32 $0xD000, s28;
	[smem:$0x7EC] =	sst s6  }
0x1a: {  	s18 =	sadd.s32 $0x11800, s28;
	[smem:$0x7EF] =	sst s9  }
0x1b: {  	s20 =	sadd.s32 $0x12800, s28;
	[smem:$0x7F8] =	sst s18  }
0x1c: {  	s22 =	sadd.s32 $0x8000, s28;
	[smem:$0x7FA] =	sst s20  }
0x1d: {  	s23 =	sadd.s32 $0x8800, s28;
	[dreg:$0x1a] =	wrdreg s22  }
0x1e: {  	s24 =	sadd.s32 $0x9000, s28;
	[dreg:$0x1b] =	wrdreg s23  }
0x1f: {  	s25 =	sadd.s32 $0x9800, s28;
	[dreg:$0x1c] =	wrdreg s24  }
0x20: {  	s29 =	simm.s32 $0x2F80;
	s26 =	sadd.s32 $0xA000, s28;
	[dreg:$0x1d] =	wrdreg s25  }
0x21: {  	s30 =	simm.s32 $0x3780;
	s7 =	sadd.s32 $0xC000, s28;
	[dreg:$0x1e] =	wrdreg s26  }
0x22: {  	s31 =	simm.s32 $0x17;
	s8 =	sadd.s32 $0xC800, s28;
	[smem:$0x7ED] =	sst s7  }
0x23: {  	s0 =	smul.u32 $0x138800, s0;
	s10 =	sadd.s32 $0xD800, s28;
	[smem:$0x7EE] =	sst s8  }
0x24: {  	s5 =	smul.u32 $0x4E2, s4;
	s12 =	sadd.s32 $0xE800, s28;
	[smem:$0x7F0] =	sst s10  }
0x25: {  	s4 =	sadd.s32 $0x2800, s1;
	s13 =	sadd.s32 $0xF000, s28;
	[smem:$0x7F2] =	sst s12  }
0x26: {  	s5 =	sadd.s32 s5, s1;
	s14 =	sadd.s32 $0xF800, s28;
	[smem:$0x7F3] =	sst s13  }
0x27: {  	s1 =	sadd.s32 $0xA8A00, s1;
	s15 =	sadd.s32 $0x10000, s28;
	[smem:$0x7F4] =	sst s14  }
0x28: {  	s16 =	sadd.s32 $0x10800, s28;
	s17 =	sadd.s32 $0x11000, s28;
	[smem:$0x7F5] =	sst s15  }
0x29: {  	s19 =	sadd.s32 $0x12000, s28;
	s21 =	sadd.s32 $0x13000, s28;
	[smem:$0x7F6] =	sst s16  }
0x2a: {  	s6 =	simm.s32 $0x4780;
	s9 =	simm.s32 $0x2;
	[smem:$0x7F7] =	sst s17  }
0x2b: {  	s18 =	simm.s32 $0x9;
	s20 =	simm.s32 $0xB;
	[smem:$0x7F9] =	sst s19  }
0x2c: {  	s5 =	sadd.s32 $0x9EC00, s5;
	[smem:$0x7FB] =	sst s21;
	s22 =	sadd.s32 $0x138000, s2  }
0x2d: {  	s24 =	simm.s32 $0x7780;
	s25 =	simm.s32 $0x7F80;
	s26 =	simm.s32 $0x2780  }
0x2e: {  	s7 =	simm.s32 $0x5780;
	s8 =	simm.s32 $0x1;
	s10 =	simm.s32 $0x6780  }
0x2f: {  	s12 =	simm.s32 $0x4;
	s13 =	simm.s32 $0x5;
	s14 =	simm.s32 $0x6  }
0x30: {  	s15 =	simm.s32 $0xD;
	s16 =	simm.s32 $0x7;
	s17 =	simm.s32 $0xE  }
0x31: {  	s19 =	simm.s32 $0x10;
	s23 =	simm.s32 $0x0;
	[dreg:$0x6] =	wrdreg s5  }
0x32: {  	s5 =	sadd.s32 s11, s0;
	s0 =	sshrl.u32 s0, $0x3;
	[smem:$0x7FC] =	sst s22  }
0x33: {  	s11 =	sadd.s32 $0xE000, s28;
	[smem:$0x7FD] =	sst s23;
	s5 =	sshrl.u32 s5, $0x3  }
0x34: {  	s0 =	sadd.s32 s1, s0;
	[smem:$0x7F1] =	sst s11;
	s5 =	sadd.s32 s1, s5  }
0x35: {  	s21 =	simm.s32 $0x12;
	s0 =	sadd.s32 $0x24900, s0;
	[dreg:$0x15] =	wrdreg s5  }
0x36: {  	s22 =	simm.s32 $0xC;
	s1 =	sadd.s32 $0xA800, s28;
	[dreg:$0x17] =	wrdreg s0  }
0x37: {  	s0 =	sadd.s32 $0x124800, s2;
	[dreg:$0x1f] =	wrdreg s1;
	s5 =	sadd.s32 $0xB000, s28  }
0x38: {  	s11 =	simm.s32 $0x3;
	s0 =	sshrl.u32 @p1 s0, $0x3;
	[smem:$0x7EB] =	sst s5  }
0x39: {  	v0 =	vimm.f32 $0.0e+00;
	vm0 =	vmmov $0xffff;
	s1 =	simm.s32 $0x3F80;
	[dreg:$0x19] =	wrdreg s0;
	s0 =	simm.s32 $0x4F80  }
.LBB2_1:
0x3a: {  	s5 =	rddreg [dreg:$0x6];
	s23 =	simm.s32 $0x19  }
0x3b: {  	[tilespmem:s3], [sflag:$0x19] =	stream.linear.gather [hbm4b:s5+s3], $0x2710, $0x38;
	[tilespmem:$0x1C000] =	vst v63  }
0x3c: {  	_ =	swait.ge [sflag:s23], $0x2710  }
0x3d: {  	[sflag:s23] =	ssyncset.done $0x0  }
0x3e: {  	s5 =	simm.s32 $0x0;
	[sflag:s23] =	ssyncadd.s32 $0xFFFFD8F0;
	s23 =	simm.s32 $0x200  }
.LBB2_2:
0x3f: {  	p2 =	sne.s32 s23, $0x1E00;
	[tilespmem:s5+$0x77F0] =	vst v0  }
0x40: {  	[tilespmem:s5+$0x7780] =	vst v0  }
0x41: {  	[tilespmem:s5+$0x7790] =	vst v0  }
.Ltmp0:
0x42: {  	[tilespmem:s5+$0x77A0] =	vst v0;
	(pc) =	sbr.rel @p2 .LBB2_2-.Ltmp0, $4  }
0x43: {  	[tilespmem:s5+$0x77B0] =	vst v0  }
0x44: {  	[tilespmem:s5+$0x77C0] =	vst v0  }
0x45: {  	[tilespmem:s5+$0x77D0] =	vst v0  }
0x46: {  	[tilespmem:s5+$0x77E0] =	vst v0;
	s5 =	sshra.s32 s23, $0x2;
	s23 =	sadd.s32 $0x200, s23  }
0x47: {  	[tilespmem:s5+$0x77F0] =	vst v0  }
0x48: {  	[tilespmem:s5+$0x7780] =	vst v0  }
0x49: {  	[tilespmem:s5+$0x7790] =	vst v0  }
0x4a: {  	[tilespmem:s5+$0x77A0] =	vst v0  }
0x4b: {  	[tilespmem:s5+$0x77B0] =	vst v0  }
0x4c: {  	[tilespmem:s5+$0x77C0] =	vst v0  }
0x4d: {  	[tilespmem:s5+$0x77D0] =	vst v0  }
0x4e: {  	[tilespmem:s5+$0x77E0] =	vst v0;
	s5 =	simm.s32 $0x0;
	s23 =	simm.s32 $0x200  }
.LBB2_4:
0x4f: {  	p2 =	sne.s32 s23, $0x1E00;
	[tilespmem:s5+$0x7FF0] =	vst v0  }
0x50: {  	[tilespmem:s5+$0x7F80] =	vst v0  }
0x51: {  	[tilespmem:s5+$0x7F90] =	vst v0  }
.Ltmp1:
0x52: {  	[tilespmem:s5+$0x7FA0] =	vst v0;
	(pc) =	sbr.rel @p2 .LBB2_4-.Ltmp1, $4  }
0x53: {  	[tilespmem:s5+$0x7FB0] =	vst v0  }
0x54: {  	[tilespmem:s5+$0x7FC0] =	vst v0  }
0x55: {  	[tilespmem:s5+$0x7FD0] =	vst v0  }
0x56: {  	[tilespmem:s5+$0x7FE0] =	vst v0;
	s5 =	sshra.s32 s23, $0x2;
	s23 =	sadd.s32 $0x200, s23  }
0x57: {  	[tilespmem:s5+$0x7FF0] =	vst v0  }
0x58: {  	[tilespmem:s5+$0x7F80] =	vst v0  }
0x59: {  	[tilespmem:s5+$0x7F90] =	vst v0  }
0x5a: {  	[tilespmem:s5+$0x7FA0] =	vst v0  }
0x5b: {  	[tilespmem:s5+$0x7FB0] =	vst v0  }
0x5c: {  	[tilespmem:s5+$0x7FC0] =	vst v0  }
0x5d: {  	[tilespmem:s5+$0x7FD0] =	vst v0  }
0x5e: {  	[tilespmem:s5+$0x7FE0] =	vst v0;
	s23 =	rddreg [dreg:$0x7]  }
0x5f: {  	[spmem:s28] =	stream.linear.scatter [tilespmem:s24], [sflag:$0x17], $0x800, $0x38;
	[tilespmem:$0x1C000] =	vst v63  }
0x60: {  	s28 =	rddreg [dreg:$0x8]  }
0x61: {  	[spmem:s23] =	stream.linear.scatter [tilespmem:s25], [sflag:$0x18], $0x800, $0x38;
	[tilespmem:$0x1C000] =	vst v63  }
0x62: {  	s23 =	rddreg [dreg:$0x9]  }
0x63: {  	[spmem:s28] =	stream.linear.scatter [tilespmem:s24], [sflag:$0x17], $0x800, $0x38;
	[tilespmem:$0x1C000] =	vst v63  }
0x64: {  	s28 =	rddreg [dreg:$0xa]  }
0x65: {  	[spmem:s23] =	stream.linear.scatter [tilespmem:s25], [sflag:$0x18], $0x800, $0x38;
	[tilespmem:$0x1C000] =	vst v63  }
0x66: {  	s23 =	rddreg [dreg:$0xb]  }
0x67: {  	[spmem:s28] =	stream.linear.scatter [tilespmem:s24], [sflag:$0x17], $0x800, $0x38;
	[tilespmem:$0x1C000] =	vst v63  }
0x68: {  	s28 =	rddreg [dreg:$0xc]  }
0x69: {  	[spmem:s23] =	stream.linear.scatter [tilespmem:s25], [sflag:$0x18], $0x800, $0x38;
	[tilespmem:$0x1C000] =	vst v63  }
0x6a: {  	s23 =	rddreg [dreg:$0xd]  }
0x6b: {  	[spmem:s28] =	stream.linear.scatter [tilespmem:s24], [sflag:$0x17], $0x800, $0x38;
	[tilespmem:$0x1C000] =	vst v63  }
0x6c: {  	s28 =	rddreg [dreg:$0xe]  }
0x6d: {  	[spmem:s23] =	stream.linear.scatter [tilespmem:s25], [sflag:$0x18], $0x800, $0x38;
	[tilespmem:$0x1C000] =	vst v63  }
0x6e: {  	s23 =	rddreg [dreg:$0xf]  }
0x6f: {  	[spmem:s28] =	stream.linear.scatter [tilespmem:s24], [sflag:$0x17], $0x800, $0x38;
	[tilespmem:$0x1C000] =	vst v63  }
0x70: {  	s28 =	rddreg [dreg:$0x10]  }
0x71: {  	[spmem:s23] =	stream.linear.scatter [tilespmem:s25], [sflag:$0x18], $0x800, $0x38;
	[tilespmem:$0x1C000] =	vst v63  }
0x72: {  	s23 =	rddreg [dreg:$0x11]  }
0x73: {  	[spmem:s28] =	stream.linear.scatter [tilespmem:s24], [sflag:$0x17], $0x800, $0x38;
	[tilespmem:$0x1C000] =	vst v63  }
0x74: {  	s28 =	rddreg [dreg:$0x12]  }
0x75: {  	[spmem:s23] =	stream.linear.scatter [tilespmem:s25], [sflag:$0x18], $0x800, $0x38;
	[tilespmem:$0x1C000] =	vst v63  }
0x76: {  	s23 =	rddreg [dreg:$0x13]  }
0x77: {  	[spmem:s28] =	stream.linear.scatter [tilespmem:s24], [sflag:$0x17], $0x800, $0x38;
	[tilespmem:$0x1C000] =	vst v63  }
0x78: {  	s28 =	rddreg [dreg:$0x14]  }
0x79: {  	[spmem:s23] =	stream.linear.scatter [tilespmem:s25], [sflag:$0x18], $0x800, $0x38;
	[tilespmem:$0x1C000] =	vst v63  }
0x7a: {  	s23 =	rddreg [dreg:$0x16]  }
0x7b: {  	[spmem:s28] =	stream.linear.scatter [tilespmem:s24], [sflag:$0x17], $0x800, $0x38;
	[tilespmem:$0x1C000] =	vst v63  }
0x7c: {  	s28 =	rddreg [dreg:$0x1a]  }
0x7d: {  	[spmem:s23] =	stream.linear.scatter [tilespmem:s25], [sflag:$0x18], $0x800, $0x38;
	[tilespmem:$0x1C000] =	vst v63  }
0x7e: {  	s23 =	rddreg [dreg:$0x1b]  }
0x7f: {  	[spmem:s28] =	stream.linear.scatter [tilespmem:s24], [sflag:$0x17], $0x800, $0x38;
	[tilespmem:$0x1C000] =	vst v63  }
0x80: {  	s28 =	rddreg [dreg:$0x1c]  }
0x81: {  	[spmem:s23] =	stream.linear.scatter [tilespmem:s25], [sflag:$0x18], $0x800, $0x38;
	[tilespmem:$0x1C000] =	vst v63  }
0x82: {  	s23 =	rddreg [dreg:$0x1d]  }
0x83: {  	[spmem:s28] =	stream.linear.scatter [tilespmem:s24], [sflag:$0x17], $0x800, $0x38;
	[tilespmem:$0x1C000] =	vst v63  }
0x84: {  	s28 =	rddreg [dreg:$0x1e]  }
0x85: {  	[spmem:s23] =	stream.linear.scatter [tilespmem:s25], [sflag:$0x18], $0x800, $0x38;
	[tilespmem:$0x1C000] =	vst v63  }
0x86: {  	s23 =	rddreg [dreg:$0x1f]  }
0x87: {  	[spmem:s28] =	stream.linear.scatter [tilespmem:s24], [sflag:$0x17], $0x800, $0x38;
	[tilespmem:$0x1C000] =	vst v63  }
0x88: {  	s28 =	sld [smem:$0x7EB]  }
0x89: {  	[spmem:s23] =	stream.linear.scatter [tilespmem:s25], [sflag:$0x18], $0x800, $0x38;
	[tilespmem:$0x1C000] =	vst v63  }
0x8a: {  	s23 =	sld [smem:$0x7EC]  }
0x8b: {  	[spmem:s28] =	stream.linear.scatter [tilespmem:s24], [sflag:$0x17], $0x800, $0x38;
	[tilespmem:$0x1C000] =	vst v63  }
0x8c: {  	s28 =	sld [smem:$0x7ED]  }
0x8d: {  	[spmem:s23] =	stream.linear.scatter [tilespmem:s25], [sflag:$0x18], $0x800, $0x38;
	[tilespmem:$0x1C000] =	vst v63  }
0x8e: {  	s23 =	sld [smem:$0x7EE]  }
0x8f: {  	[spmem:s28] =	stream.linear.scatter [tilespmem:s24], [sflag:$0x17], $0x800, $0x38;
	[tilespmem:$0x1C000] =	vst v63  }
0x90: {  	s28 =	sld [smem:$0x7EF]  }
0x91: {  	[spmem:s23] =	stream.linear.scatter [tilespmem:s25], [sflag:$0x18], $0x800, $0x38;
	[tilespmem:$0x1C000] =	vst v63  }
0x92: {  	s23 =	sld [smem:$0x7F0]  }
0x93: {  	[spmem:s28] =	stream.linear.scatter [tilespmem:s24], [sflag:$0x17], $0x800, $0x38;
	[tilespmem:$0x1C000] =	vst v63  }
0x94: {  	s28 =	sld [smem:$0x7F1]  }
0x95: {  	[spmem:s23] =	stream.linear.scatter [tilespmem:s25], [sflag:$0x18], $0x800, $0x38;
	[tilespmem:$0x1C000] =	vst v63  }
0x96: {  	s23 =	sld [smem:$0x7F2]  }
0x97: {  	[spmem:s28] =	stream.linear.scatter [tilespmem:s24], [sflag:$0x17], $0x800, $0x38;
	[tilespmem:$0x1C000] =	vst v63  }
0x98: {  	s28 =	sld [smem:$0x7F3]  }
0x99: {  	[spmem:s23] =	stream.linear.scatter [tilespmem:s25], [sflag:$0x18], $0x800, $0x38;
	[tilespmem:$0x1C000] =	vst v63  }
0x9a: {  	s23 =	sld [smem:$0x7F4]  }
0x9b: {  	[spmem:s28] =	stream.linear.scatter [tilespmem:s24], [sflag:$0x17], $0x800, $0x38;
	[tilespmem:$0x1C000] =	vst v63  }
0x9c: {  	s28 =	sld [smem:$0x7F5]  }
0x9d: {  	[spmem:s23] =	stream.linear.scatter [tilespmem:s25], [sflag:$0x18], $0x800, $0x38;
	[tilespmem:$0x1C000] =	vst v63  }
0x9e: {  	s23 =	sld [smem:$0x7F6]  }
0x9f: {  	[spmem:s28] =	stream.linear.scatter [tilespmem:s24], [sflag:$0x17], $0x800, $0x38;
	[tilespmem:$0x1C000] =	vst v63  }
0xa0: {  	s28 =	sld [smem:$0x7F7]  }
0xa1: {  	[spmem:s23] =	stream.linear.scatter [tilespmem:s25], [sflag:$0x18], $0x800, $0x38;
	[tilespmem:$0x1C000] =	vst v63  }
0xa2: {  	s23 =	sld [smem:$0x7F8]  }
0xa3: {  	[spmem:s28] =	stream.linear.scatter [tilespmem:s24], [sflag:$0x17], $0x800, $0x38;
	[tilespmem:$0x1C000] =	vst v63  }
0xa4: {  	s28 =	sld [smem:$0x7F9]  }
0xa5: {  	[spmem:s23] =	stream.linear.scatter [tilespmem:s25], [sflag:$0x18], $0x800, $0x38;
	[tilespmem:$0x1C000] =	vst v63  }
0xa6: {  	s23 =	sld [smem:$0x7FA]  }
0xa7: {  	[spmem:s28] =	stream.linear.scatter [tilespmem:s24], [sflag:$0x17], $0x800, $0x38;
	[tilespmem:$0x1C000] =	vst v63  }
0xa8: {  	s28 =	sld [smem:$0x7FB]  }
0xa9: {  	[spmem:s23] =	stream.linear.scatter [tilespmem:s25], [sflag:$0x18], $0x800, $0x38;
	[tilespmem:$0x1C000] =	vst v63  }
0xaa: {  	s23 =	sld [smem:$0x7FC]  }
0xab: {  	[spmem:s28] =	stream.linear.scatter [tilespmem:s24], [sflag:$0x17], $0x800, $0x38;
	[tilespmem:$0x1C000] =	vst v63  }
0xac: {  	s5 =	simm.s32 @!p0 $0x7F80  }
0xad: {  	[spmem:s23] =	stream.linear.scatter @!p0 [tilespmem:s5], [sflag:$0x18], $0x800, $0x38;
	[tilespmem:$0x1C000] =	vst v63  }
0xae: {  	v1 =	vld [tilespmem:$0x0];
	_ =	sdelay $0x4  }
0xaf: {  	v1 =	vand.u32 $0xFFFF, v1;
	_ =	sdelay $0x4  }
0xb0: {  	[tilespmem:s26], [sflag:$0x1] =	stream.indirect_vreg.gather [hbm4b:s4+s3], $0x80, v1, vm0, $0xb8;
	[tilespmem:$0x1C000] =	vst v63  }
0xb1: {  	v1 =	vld [tilespmem:$0x10];
	_ =	sdelay $0x4  }
0xb2: {  	v1 =	vand.u32 $0xFFFF, v1;
	_ =	sdelay $0x4  }
0xb3: {  	[tilespmem:s29], [sflag:$0x2] =	stream.indirect_vreg.gather [hbm4b:s4+s3], $0x80, v1, vm0, $0xb8;
	[tilespmem:$0x1C000] =	vst v63  }
0xb4: {  	v1 =	vld [tilespmem:$0x20];
	_ =	sdelay $0x4  }
0xb5: {  	v1 =	vand.u32 $0xFFFF, v1;
	_ =	sdelay $0x4  }
0xb6: {  	[tilespmem:s30], [sflag:$0x3] =	stream.indirect_vreg.gather [hbm4b:s4+s3], $0x80, v1, vm0, $0xb8;
	[tilespmem:$0x1C000] =	vst v63  }
0xb7: {  	v1 =	vld [tilespmem:$0x30];
	_ =	sdelay $0x4  }
0xb8: {  	v1 =	vand.u32 $0xFFFF, v1;
	_ =	sdelay $0x4  }
0xb9: {  	[tilespmem:s1], [sflag:$0x4] =	stream.indirect_vreg.gather [hbm4b:s4+s3], $0x80, v1, vm0, $0xb8;
	[tilespmem:$0x1C000] =	vst v63  }
0xba: {  	v1 =	vld [tilespmem:$0x40];
	_ =	sdelay $0x4  }
0xbb: {  	v1 =	vand.u32 $0xFFFF, v1;
	_ =	sdelay $0x4  }
0xbc: {  	[tilespmem:s6], [sflag:$0x5] =	stream.indirect_vreg.gather [hbm4b:s4+s3], $0x80, v1, vm0, $0xb8;
	[tilespmem:$0x1C000] =	vst v63  }
0xbd: {  	v1 =	vld [tilespmem:$0x50];
	_ =	sdelay $0x4  }
0xbe: {  	v1 =	vand.u32 $0xFFFF, v1;
	_ =	sdelay $0x4  }
0xbf: {  	[tilespmem:s0], [sflag:$0x6] =	stream.indirect_vreg.gather [hbm4b:s4+s3], $0x80, v1, vm0, $0xb8;
	[tilespmem:$0x1C000] =	vst v63  }
0xc0: {  	_ =	swait.ge [sflag:s31], $0x800  }
0xc1: {  	[sflag:s31] =	ssyncset.done $0x0  }
0xc2: {  	s29 =	simm.s32 $0x18;
	[sflag:s31] =	ssyncadd.s32 $0xFFFFF800  }
0xc3: {  	_ =	swait.ge [sflag:s29], $0x800  }
0xc4: {  	[sflag:s29] =	ssyncset.done $0x0  }
0xc5: {  	[sflag:s29] =	ssyncadd.s32 $0xFFFFF800  }
0xc6: {  	_ =	swait.ge [sflag:s31], $0x800  }
0xc7: {  	[sflag:s31] =	ssyncset.done $0x0  }
0xc8: {  	[sflag:s31] =	ssyncadd.s32 $0xFFFFF800  }
0xc9: {  	_ =	swait.ge [sflag:s29], $0x800  }
0xca: {  	[sflag:s29] =	ssyncset.done $0x0  }
0xcb: {  	[sflag:s29] =	ssyncadd.s32 $0xFFFFF800  }
0xcc: {  	_ =	swait.ge [sflag:s31], $0x800  }
0xcd: {  	[sflag:s31] =	ssyncset.done $0x0  }
0xce: {  	[sflag:s31] =	ssyncadd.s32 $0xFFFFF800  }
0xcf: {  	_ =	swait.ge [sflag:s29], $0x800  }
0xd0: {  	[sflag:s29] =	ssyncset.done $0x0  }
0xd1: {  	[sflag:s29] =	ssyncadd.s32 $0xFFFFF800  }
0xd2: {  	_ =	swait.ge [sflag:s31], $0x800  }
0xd3: {  	[sflag:s31] =	ssyncset.done $0x0  }
0xd4: {  	[sflag:s31] =	ssyncadd.s32 $0xFFFFF800  }
0xd5: {  	_ =	swait.ge [sflag:s29], $0x800  }
0xd6: {  	[sflag:s29] =	ssyncset.done $0x0  }
0xd7: {  	[sflag:s29] =	ssyncadd.s32 $0xFFFFF800  }
0xd8: {  	_ =	swait.ge [sflag:s31], $0x800  }
0xd9: {  	[sflag:s31] =	ssyncset.done $0x0  }
0xda: {  	[sflag:s31] =	ssyncadd.s32 $0xFFFFF800  }
0xdb: {  	_ =	swait.ge [sflag:s29], $0x800  }
0xdc: {  	[sflag:s29] =	ssyncset.done $0x0  }
0xdd: {  	[sflag:s29] =	ssyncadd.s32 $0xFFFFF800  }
0xde: {  	_ =	swait.ge [sflag:s31], $0x800  }
0xdf: {  	[sflag:s31] =	ssyncset.done $0x0  }
0xe0: {  	[sflag:s31] =	ssyncadd.s32 $0xFFFFF800  }
0xe1: {  	_ =	swait.ge [sflag:s29], $0x800  }
0xe2: {  	[sflag:s29] =	ssyncset.done $0x0  }
0xe3: {  	[sflag:s29] =	ssyncadd.s32 $0xFFFFF800  }
0xe4: {  	_ =	swait.ge [sflag:s31], $0x800  }
0xe5: {  	[sflag:s31] =	ssyncset.done $0x0  }
0xe6: {  	[sflag:s31] =	ssyncadd.s32 $0xFFFFF800  }
0xe7: {  	_ =	swait.ge [sflag:s29], $0x800  }
0xe8: {  	[sflag:s29] =	ssyncset.done $0x0  }
0xe9: {  	[sflag:s29] =	ssyncadd.s32 $0xFFFFF800  }
0xea: {  	_ =	swait.ge [sflag:s31], $0x800  }
0xeb: {  	[sflag:s31] =	ssyncset.done $0x0  }
0xec: {  	[sflag:s31] =	ssyncadd.s32 $0xFFFFF800  }
0xed: {  	_ =	swait.ge [sflag:s29], $0x800  }
0xee: {  	[sflag:s29] =	ssyncset.done $0x0  }
0xef: {  	[sflag:s29] =	ssyncadd.s32 $0xFFFFF800  }
0xf0: {  	_ =	swait.ge [sflag:s31], $0x800  }
0xf1: {  	[sflag:s31] =	ssyncset.done $0x0  }
0xf2: {  	[sflag:s31] =	ssyncadd.s32 $0xFFFFF800  }
0xf3: {  	_ =	swait.ge [sflag:s29], $0x800  }
0xf4: {  	[sflag:s29] =	ssyncset.done $0x0  }
0xf5: {  	[sflag:s29] =	ssyncadd.s32 $0xFFFFF800  }
0xf6: {  	_ =	swait.ge [sflag:s31], $0x800  }
0xf7: {  	[sflag:s31] =	ssyncset.done $0x0  }
0xf8: {  	[sflag:s31] =	ssyncadd.s32 $0xFFFFF800  }
0xf9: {  	_ =	swait.ge [sflag:s29], $0x800  }
0xfa: {  	[sflag:s29] =	ssyncset.done $0x0  }
0xfb: {  	[sflag:s29] =	ssyncadd.s32 $0xFFFFF800  }
0xfc: {  	_ =	swait.ge [sflag:s31], $0x800  }
0xfd: {  	[sflag:s31] =	ssyncset.done $0x0  }
0xfe: {  	[sflag:s31] =	ssyncadd.s32 $0xFFFFF800  }
0xff: {  	_ =	swait.ge [sflag:s29], $0x800  }
0x100: {  	[sflag:s29] =	ssyncset.done $0x0  }
0x101: {  	[sflag:s29] =	ssyncadd.s32 $0xFFFFF800  }
0x102: {  	_ =	swait.ge [sflag:s31], $0x800  }
0x103: {  	[sflag:s31] =	ssyncset.done $0x0  }
0x104: {  	[sflag:s31] =	ssyncadd.s32 $0xFFFFF800  }
0x105: {  	_ =	swait.ge [sflag:s29], $0x800  }
0x106: {  	[sflag:s29] =	ssyncset.done $0x0  }
0x107: {  	[sflag:s29] =	ssyncadd.s32 $0xFFFFF800  }
0x108: {  	_ =	swait.ge [sflag:s31], $0x800  }
0x109: {  	[sflag:s31] =	ssyncset.done $0x0  }
0x10a: {  	[sflag:s31] =	ssyncadd.s32 $0xFFFFF800  }
0x10b: {  	_ =	swait.ge [sflag:s29], $0x800  }
0x10c: {  	[sflag:s29] =	ssyncset.done $0x0  }
0x10d: {  	[sflag:s29] =	ssyncadd.s32 $0xFFFFF800  }
0x10e: {  	_ =	swait.ge [sflag:s31], $0x800  }
0x10f: {  	[sflag:s31] =	ssyncset.done $0x0  }
0x110: {  	[sflag:s31] =	ssyncadd.s32 $0xFFFFF800  }
0x111: {  	_ =	swait.ge [sflag:s29], $0x800  }
0x112: {  	[sflag:s29] =	ssyncset.done $0x0  }
0x113: {  	[sflag:s29] =	ssyncadd.s32 $0xFFFFF800  }
0x114: {  	_ =	swait.ge [sflag:s31], $0x800  }
0x115: {  	[sflag:s31] =	ssyncset.done $0x0  }
0x116: {  	[sflag:s31] =	ssyncadd.s32 $0xFFFFF800  }
0x117: {  	_ =	swait.ge [sflag:s29], $0x800  }
0x118: {  	[sflag:s29] =	ssyncset.done $0x0  }
0x119: {  	[sflag:s29] =	ssyncadd.s32 $0xFFFFF800  }
0x11a: {  	_ =	swait.ge [sflag:s31], $0x800  }
0x11b: {  	[sflag:s31] =	ssyncset.done $0x0  }
0x11c: {  	[sflag:s31] =	ssyncadd.s32 $0xFFFFF800  }
0x11d: {  	_ =	swait.ge [sflag:s29], $0x800  }
0x11e: {  	[sflag:s29] =	ssyncset.done $0x0  }
0x11f: {  	[sflag:s29] =	ssyncadd.s32 $0xFFFFF800  }
0x120: {  	_ =	swait.ge [sflag:s31], $0x800  }
0x121: {  	[sflag:s31] =	ssyncset.done $0x0  }
0x122: {  	[sflag:s31] =	ssyncadd.s32 $0xFFFFF800  }
0x123: {  	_ =	swait.ge [sflag:s29], $0x800  }
0x124: {  	[sflag:s29] =	ssyncset.done $0x0  }
0x125: {  	[sflag:s29] =	ssyncadd.s32 $0xFFFFF800  }
0x126: {  	_ =	swait.ge [sflag:s31], $0x800  }
0x127: {  	[sflag:s31] =	ssyncset.done $0x0  }
0x128: {  	[sflag:s31] =	ssyncadd.s32 $0xFFFFF800  }
0x129: {  	_ =	swait.ge [sflag:s29], $0x800  }
0x12a: {  	[sflag:s29] =	ssyncset.done $0x0  }
0x12b: {  	[sflag:s29] =	ssyncadd.s32 $0xFFFFF800  }
0x12c: {  	_ =	swait.ge [sflag:s31], $0x800  }
0x12d: {  	[sflag:s31] =	ssyncset.done $0x0  }
0x12e: {  	[sflag:s31] =	ssyncadd.s32 $0xFFFFF800  }
0x12f: {  	_ =	swait.ge [sflag:s29], $0x800  }
0x130: {  	[sflag:s29] =	ssyncset.done $0x0  }
0x131: {  	[sflag:s29] =	ssyncadd.s32 $0xFFFFF800  }
0x132: {  	_ =	swait.ge [sflag:s31], $0x800  }
0x133: {  	[sflag:s31] =	ssyncset.done $0x0  }
0x134: {  	s5 =	simm.s32 @!p0 $0x18;
	[sflag:s31] =	ssyncadd.s32 $0xFFFFF800  }
0x135: {  	s23 =	simm.s32 $0x90;
	_ =	swait.ge @!p0 [sflag:s5], $0x800  }
0x136: {  	s30 =	simm.s32 $0x2F80;
	s1 =	simm.s32 $0x3F80;
	[sflag:s5] =	ssyncset.done @!p0 $0x0  }
0x137: {  	s6 =	simm.s32 $0x4780;
	s0 =	simm.s32 $0x4F80;
	[sflag:s5] =	ssyncadd.s32 @!p0 $0xFFFFF800  }
0x138: {  	s31 =	simm.s32 $0x3780;
	s5 =	simm.s32 $0x3;
	[bflag:$0x0] =	sbarrier.arrive $0xFFFF  }
.LBB2_6:
0x139: {  	p2 =	seq.s32 s5, $0x3  }
0x13a: {  	s28 =	simm.s32 @!p2 $0x13  }
0x13b: {  	_ =	swait.ge @!p2 [sflag:s28], $0x800  }
0x13c: {  	[sflag:s28] =	ssyncset.done @!p2 $0x0  }
0x13d: {  	[sflag:s28] =	ssyncadd.s32 @!p2 $0xFFFFF800  }
0x13e: {  	v1 =	vld [tilespmem:s23+$0xFFFFFFD0];
	_ =	sdelay $0x4  }
0x13f: {  	v1 =	vand.u32 $0xFFFF, v1;
	_ =	sdelay $0x4  }
0x140: {  	[tilespmem:s7], [sflag:$0x7] =	stream.indirect_vreg.gather [hbm4b:s4+s3], $0x80, v1, vm0, $0xb8;
	[tilespmem:$0x1C000] =	vst v63  }
0x141: {  	_ =	swait.ge [sflag:s8], $0x800  }
0x142: {  	[sflag:s8] =	ssyncset.done $0x0  }
0x143: {  	[sflag:s8] =	ssyncadd.s32 $0xFFFFF800  }
0x144: {  	v1 =	vld [tilespmem:s23+$0xFFFFFF70];
	_ =	sdelay $0x4  }
0x145: {  	v1 =	vshrl.u32 v1, $0x10;
	_ =	sdelay $0x3  }
0x146: {  	s28 =	simm.s32 @!p2 $0x14  }
0x147: {  	[spmem:s2] =	stream.indirect_vreg.scatter.add.f32 [tilespmem:s26], [sflag:$0xD], $0x80, v1, vm0, $0xb8;
	[tilespmem:$0x1C000] =	vst v63  }
0x148: {  	_ =	swait.ge @!p2 [sflag:s28], $0x800  }
0x149: {  	[sflag:s28] =	ssyncset.done @!p2 $0x0  }
0x14a: {  	[sflag:s28] =	ssyncadd.s32 @!p2 $0xFFFFF800  }
0x14b: {  	v1 =	vld [tilespmem:s23+$0xFFFFFFE0];
	_ =	sdelay $0x4  }
0x14c: {  	v1 =	vand.u32 $0xFFFF, v1;
	_ =	sdelay $0x3  }
0x14d: {  	s29 =	rddreg [dreg:$0x3]  }
0x14e: {  	[tilespmem:s29], [sflag:$0x8] =	stream.indirect_vreg.gather [hbm4b:s4+s3], $0x80, v1, vm0, $0xb8;
	[tilespmem:$0x1C000] =	vst v63  }
0x14f: {  	_ =	swait.ge [sflag:s9], $0x800  }
0x150: {  	[sflag:s9] =	ssyncset.done $0x0  }
0x151: {  	[sflag:s9] =	ssyncadd.s32 $0xFFFFF800  }
0x152: {  	v1 =	vld [tilespmem:s23+$0xFFFFFF80];
	_ =	sdelay $0x4  }
0x153: {  	v1 =	vshrl.u32 v1, $0x10;
	_ =	sdelay $0x1  }
0x154: {  	s29 =	sadd.s32 $0xFFFFFFFF, s5  }
0x155: {  	p3 =	slt.u32 s29, $0x6  }
0x156: {  	s28 =	simm.s32 @!p3 $0x15  }
0x157: {  	[spmem:s2] =	stream.indirect_vreg.scatter.add.f32 [tilespmem:s30], [sflag:$0xE], $0x80, v1, vm0, $0xb8;
	[tilespmem:$0x1C000] =	vst v63  }
0x158: {  	_ =	swait.ge @!p3 [sflag:s28], $0x800  }
0x159: {  	[sflag:s28] =	ssyncset.done @!p3 $0x0  }
0x15a: {  	[sflag:s28] =	ssyncadd.s32 @!p3 $0xFFFFF800  }
0x15b: {  	v1 =	vld [tilespmem:s23+$0xFFFFFFF0];
	_ =	sdelay $0x4  }
0x15c: {  	v1 =	vand.u32 $0xFFFF, v1;
	_ =	sdelay $0x4  }
0x15d: {  	[tilespmem:s10], [sflag:$0x9] =	stream.indirect_vreg.gather [hbm4b:s4+s3], $0x80, v1, vm0, $0xb8;
	[tilespmem:$0x1C000] =	vst v63  }
0x15e: {  	_ =	swait.ge [sflag:s11], $0x800  }
0x15f: {  	[sflag:s11] =	ssyncset.done $0x0  }
0x160: {  	[sflag:s11] =	ssyncadd.s32 $0xFFFFF800  }
0x161: {  	v1 =	vld [tilespmem:s23+$0xFFFFFF90];
	_ =	sdelay $0x4  }
0x162: {  	v1 =	vshrl.u32 v1, $0x10;
	_ =	sdelay $0x2  }
0x163: {  	p3 =	slt.u32 s5, $0x6  }
0x164: {  	s28 =	simm.s32 @!p3 $0x16  }
0x165: {  	[spmem:s2] =	stream.indirect_vreg.scatter.add.f32 [tilespmem:s31], [sflag:$0xF], $0x80, v1, vm0, $0xb8;
	[tilespmem:$0x1C000] =	vst v63  }
0x166: {  	_ =	swait.ge @!p3 [sflag:s28], $0x800  }
0x167: {  	[sflag:s28] =	ssyncset.done @!p3 $0x0  }
0x168: {  	[sflag:s28] =	ssyncadd.s32 @!p3 $0xFFFFF800  }
0x169: {  	v1 =	vld [tilespmem:s23+$0x0];
	_ =	sdelay $0x4  }
0x16a: {  	v1 =	vand.u32 $0xFFFF, v1;
	_ =	sdelay $0x3  }
0x16b: {  	s29 =	rddreg [dreg:$0x4]  }
0x16c: {  	[tilespmem:s29], [sflag:$0xA] =	stream.indirect_vreg.gather [hbm4b:s4+s3], $0x80, v1, vm0, $0xb8;
	[tilespmem:$0x1C000] =	vst v63  }
0x16d: {  	_ =	swait.ge [sflag:s12], $0x800  }
0x16e: {  	[sflag:s12] =	ssyncset.done $0x0  }
0x16f: {  	[sflag:s12] =	ssyncadd.s32 $0xFFFFF800  }
0x170: {  	v1 =	vld [tilespmem:s23+$0xFFFFFFA0];
	_ =	sdelay $0x4  }
0x171: {  	v1 =	vshrl.u32 v1, $0x10;
	_ =	sdelay $0x3  }
0x172: {  	s28 =	simm.s32 @!p2 $0x17  }
0x173: {  	[spmem:s2] =	stream.indirect_vreg.scatter.add.f32 [tilespmem:s1], [sflag:$0x10], $0x80, v1, vm0, $0xb8;
	[tilespmem:$0x1C000] =	vst v63  }
0x174: {  	_ =	swait.ge @!p2 [sflag:s28], $0x800  }
0x175: {  	[sflag:s28] =	ssyncset.done @!p2 $0x0  }
0x176: {  	[sflag:s28] =	ssyncadd.s32 @!p2 $0xFFFFF800  }
0x177: {  	v1 =	vld [tilespmem:s23+$0x10];
	_ =	sdelay $0x4  }
0x178: {  	v1 =	vand.u32 $0xFFFF, v1;
	_ =	sdelay $0x4  }
0x179: {  	[tilespmem:s24], [sflag:$0xB] =	stream.indirect_vreg.gather [hbm4b:s4+s3], $0x80, v1, vm0, $0xb8;
	[tilespmem:$0x1C000] =	vst v63  }
0x17a: {  	_ =	swait.ge [sflag:s13], $0x800  }
0x17b: {  	[sflag:s13] =	ssyncset.done $0x0  }
0x17c: {  	[sflag:s13] =	ssyncadd.s32 $0xFFFFF800  }
0x17d: {  	v1 =	vld [tilespmem:s23+$0xFFFFFFB0];
	_ =	sdelay $0x4  }
0x17e: {  	v1 =	vshrl.u32 v1, $0x10;
	_ =	sdelay $0x3  }
0x17f: {  	s28 =	simm.s32 @!p2 $0x18  }
0x180: {  	[spmem:s2] =	stream.indirect_vreg.scatter.add.f32 [tilespmem:s6], [sflag:$0x11], $0x80, v1, vm0, $0xb8;
	[tilespmem:$0x1C000] =	vst v63  }
0x181: {  	_ =	swait.ge @!p2 [sflag:s28], $0x800  }
0x182: {  	[sflag:s28] =	ssyncset.done @!p2 $0x0  }
0x183: {  	[sflag:s28] =	ssyncadd.s32 @!p2 $0xFFFFF800  }
0x184: {  	v1 =	vld [tilespmem:s23+$0x20];
	_ =	sdelay $0x4  }
0x185: {  	v1 =	vand.u32 $0xFFFF, v1;
	_ =	sdelay $0x4  }
0x186: {  	[tilespmem:s25], [sflag:$0xC] =	stream.indirect_vreg.gather [hbm4b:s4+s3], $0x80, v1, vm0, $0xb8;
	[tilespmem:$0x1C000] =	vst v63  }
0x187: {  	_ =	swait.ge [sflag:s14], $0x800  }
0x188: {  	[sflag:s14] =	ssyncset.done $0x0  }
0x189: {  	[sflag:s14] =	ssyncadd.s32 $0xFFFFF800  }
0x18a: {  	v1 =	vld [tilespmem:s23+$0xFFFFFFC0];
	_ =	sdelay $0x4  }
0x18b: {  	v1 =	vshrl.u32 v1, $0x10;
	_ =	sdelay $0x4  }
0x18c: {  	[spmem:s2] =	stream.indirect_vreg.scatter.add.f32 [tilespmem:s0], [sflag:$0x12], $0x80, v1, vm0, $0xb8;
	[tilespmem:$0x1C000] =	vst v63  }
0x18d: {  	_ =	swait.ge [sflag:s15], $0x800  }
0x18e: {  	[sflag:s15] =	ssyncset.done $0x0  }
0x18f: {  	[sflag:s15] =	ssyncadd.s32 $0xFFFFF800  }
0x190: {  	v1 =	vld [tilespmem:s23+$0x30];
	_ =	sdelay $0x4  }
0x191: {  	v1 =	vand.u32 $0xFFFF, v1;
	_ =	sdelay $0x4  }
0x192: {  	[tilespmem:s26], [sflag:$0x1] =	stream.indirect_vreg.gather [hbm4b:s4+s3], $0x80, v1, vm0, $0xb8;
	[tilespmem:$0x1C000] =	vst v63  }
0x193: {  	_ =	swait.ge [sflag:s16], $0x800  }
0x194: {  	[sflag:s16] =	ssyncset.done $0x0  }
0x195: {  	[sflag:s16] =	ssyncadd.s32 $0xFFFFF800  }
0x196: {  	v1 =	vld [tilespmem:s23+$0xFFFFFFD0];
	_ =	sdelay $0x4  }
0x197: {  	v1 =	vshrl.u32 v1, $0x10;
	_ =	sdelay $0x4  }
0x198: {  	[spmem:s2] =	stream.indirect_vreg.scatter.add.f32 [tilespmem:s7], [sflag:$0x13], $0x80, v1, vm0, $0xb8;
	[tilespmem:$0x1C000] =	vst v63  }
0x199: {  	_ =	swait.ge [sflag:s17], $0x800  }
0x19a: {  	p2 =	seq.s32 s5, $0x267;
	[sflag:s17] =	ssyncset.done $0x0  }
0x19b: {  	s28 =	simm.s32 @p2 $0x8;
	[sflag:s17] =	ssyncadd.s32 $0xFFFFF800  }
0x19c: {  	_ =	swait.ge @p2 [sflag:s28], $0x800  }
0x19d: {  	[sflag:s28] =	ssyncset.done @p2 $0x0  }
0x19e: {  	[sflag:s28] =	ssyncadd.s32 @p2 $0xFFFFF800  }
0x19f: {  	v1 =	vld @p2 [tilespmem:s23+$0xFFFFFFE0];
	_ =	sdelay $0x4  }
0x1a0: {  	v1 =	vshrl.u32 @p2 v1, $0x10;
	_ =	sdelay $0x3  }
0x1a1: {  	vm2 =	vmmov @p2 $0xffff;
	s28 =	simm.s32 @p2 $0x5F80  }
0x1a2: {  	[spmem:s2] =	stream.indirect_vreg.scatter.add.f32 @p2 [tilespmem:s28], [sflag:$0x14], $0x80, v1, vm2, $0xb8;
	[tilespmem:$0x1C000] =	vst v63  }
0x1a3: {  	s28 =	simm.s32 @p2 $0xF  }
0x1a4: {  	_ =	swait.ge @p2 [sflag:s28], $0x800  }
0x1a5: {  	[sflag:s28] =	ssyncset.done @p2 $0x0  }
0x1a6: {  	[sflag:s28] =	ssyncadd.s32 @p2 $0xFFFFF800  }
0x1a7: {  	v1 =	vld @!p2 [tilespmem:s23+$0x40];
	_ =	sdelay $0x4  }
0x1a8: {  	v1 =	vand.u32 @!p2 $0xFFFF, v1;
	_ =	sdelay $0x3  }
0x1a9: {  	vm1 =	vmmov @!p2 $0xffff;
	s29 =	simm.s32 @!p2 $0x2F80;
	s28 =	simm.s32 @!p2 $0x0  }
0x1aa: {  	[tilespmem:s29], [sflag:$0x2] =	stream.indirect_vreg.gather @!p2 [hbm4b:s4+s28], $0x80, v1, vm1, $0xb8;
	[tilespmem:$0x1C000] =	vst v63  }
0x1ab: {  	s29 =	simm.s32 @!p2 $0x8  }
0x1ac: {  	_ =	swait.ge @!p2 [sflag:s29], $0x800  }
0x1ad: {  	[sflag:s29] =	ssyncset.done @!p2 $0x0  }
0x1ae: {  	[sflag:s29] =	ssyncadd.s32 @!p2 $0xFFFFF800  }
0x1af: {  	v1 =	vld @!p2 [tilespmem:s23+$0xFFFFFFE0];
	_ =	sdelay $0x4  }
0x1b0: {  	v1 =	vshrl.u32 @!p2 v1, $0x10;
	_ =	sdelay $0x3  }
0x1b1: {  	s29 =	simm.s32 @!p2 $0x5F80  }
0x1b2: {  	[spmem:s2] =	stream.indirect_vreg.scatter.add.f32 @!p2 [tilespmem:s29], [sflag:$0x14], $0x80, v1, vm1, $0xb8;
	[tilespmem:$0x1C000] =	vst v63  }
0x1b3: {  	s29 =	simm.s32 @!p2 $0xF  }
0x1b4: {  	_ =	swait.ge @!p2 [sflag:s29], $0x800  }
0x1b5: {  	[sflag:s29] =	ssyncset.done @!p2 $0x0  }
0x1b6: {  	[sflag:s29] =	ssyncadd.s32 @!p2 $0xFFFFF800  }
0x1b7: {  	v1 =	vld @!p2 [tilespmem:s23+$0x50];
	_ =	sdelay $0x4  }
0x1b8: {  	v1 =	vand.u32 @!p2 $0xFFFF, v1;
	_ =	sdelay $0x3  }
0x1b9: {  	s29 =	simm.s32 @!p2 $0x3780  }
0x1ba: {  	[tilespmem:s29], [sflag:$0x3] =	stream.indirect_vreg.gather @!p2 [hbm4b:s4+s28], $0x80, v1, vm1, $0xb8;
	[tilespmem:$0x1C000] =	vst v63  }
0x1bb: {  	_ =	swait.ge [sflag:s18], $0x800  }
0x1bc: {  	[sflag:s18] =	ssyncset.done $0x0  }
0x1bd: {  	[sflag:s18] =	ssyncadd.s32 $0xFFFFF800  }
0x1be: {  	v1 =	vld [tilespmem:s23+$0xFFFFFFF0];
	_ =	sdelay $0x4  }
0x1bf: {  	v1 =	vshrl.u32 v1, $0x10;
	_ =	sdelay $0x4  }
0x1c0: {  	[spmem:s2] =	stream.indirect_vreg.scatter.add.f32 [tilespmem:s10], [sflag:$0x15], $0x80, v1, vm0, $0xb8;
	[tilespmem:$0x1C000] =	vst v63  }
0x1c1: {  	_ =	swait.ge [sflag:s19], $0x800  }
0x1c2: {  	[sflag:s19] =	ssyncset.done $0x0  }
0x1c3: {  	s29 =	simm.s32 @p2 $0xA;
	[sflag:s19] =	ssyncadd.s32 $0xFFFFF800  }
0x1c4: {  	_ =	swait.ge @p2 [sflag:s29], $0x800  }
0x1c5: {  	[sflag:s29] =	ssyncset.done @p2 $0x0  }
0x1c6: {  	[sflag:s29] =	ssyncadd.s32 @p2 $0xFFFFF800  }
0x1c7: {  	v1 =	vld @p2 [tilespmem:s23+$0x0];
	_ =	sdelay $0x4  }
0x1c8: {  	v1 =	vshrl.u32 @p2 v1, $0x10;
	_ =	sdelay $0x3  }
0x1c9: {  	s29 =	simm.s32 @p2 $0x6F80  }
0x1ca: {  	[spmem:s2] =	stream.indirect_vreg.scatter.add.f32 @p2 [tilespmem:s29], [sflag:$0x16], $0x80, v1, vm2, $0xb8;
	[tilespmem:$0x1C000] =	vst v63  }
0x1cb: {  	s29 =	simm.s32 @p2 $0x11  }
0x1cc: {  	_ =	swait.ge @p2 [sflag:s29], $0x800  }
0x1cd: {  	[sflag:s29] =	ssyncset.done @p2 $0x0  }
0x1ce: {  	[sflag:s29] =	ssyncadd.s32 @p2 $0xFFFFF800  }
0x1cf: {  	v1 =	vld @!p2 [tilespmem:s23+$0x60];
	_ =	sdelay $0x4  }
0x1d0: {  	v1 =	vand.u32 @!p2 $0xFFFF, v1;
	_ =	sdelay $0x3  }
0x1d1: {  	s29 =	simm.s32 @!p2 $0x3F80  }
0x1d2: {  	[tilespmem:s29], [sflag:$0x4] =	stream.indirect_vreg.gather @!p2 [hbm4b:s4+s28], $0x80, v1, vm1, $0xb8;
	[tilespmem:$0x1C000] =	vst v63  }
0x1d3: {  	s29 =	simm.s32 @!p2 $0xA  }
0x1d4: {  	_ =	swait.ge @!p2 [sflag:s29], $0x800  }
0x1d5: {  	[sflag:s29] =	ssyncset.done @!p2 $0x0  }
0x1d6: {  	[sflag:s29] =	ssyncadd.s32 @!p2 $0xFFFFF800  }
0x1d7: {  	v1 =	vld @!p2 [tilespmem:s23+$0x0];
	_ =	sdelay $0x4  }
0x1d8: {  	v1 =	vshrl.u32 @!p2 v1, $0x10;
	_ =	sdelay $0x3  }
0x1d9: {  	s29 =	simm.s32 @!p2 $0x6F80  }
0x1da: {  	[spmem:s2] =	stream.indirect_vreg.scatter.add.f32 @!p2 [tilespmem:s29], [sflag:$0x16], $0x80, v1, vm1, $0xb8;
	[tilespmem:$0x1C000] =	vst v63  }
0x1db: {  	s29 =	simm.s32 @!p2 $0x11  }
0x1dc: {  	_ =	swait.ge @!p2 [sflag:s29], $0x800  }
0x1dd: {  	[sflag:s29] =	ssyncset.done @!p2 $0x0  }
0x1de: {  	[sflag:s29] =	ssyncadd.s32 @!p2 $0xFFFFF800  }
0x1df: {  	v1 =	vld @!p2 [tilespmem:s23+$0x70];
	_ =	sdelay $0x4  }
0x1e0: {  	v1 =	vand.u32 @!p2 $0xFFFF, v1;
	_ =	sdelay $0x3  }
0x1e1: {  	s29 =	simm.s32 @!p2 $0x4780  }
0x1e2: {  	[tilespmem:s29], [sflag:$0x5] =	stream.indirect_vreg.gather @!p2 [hbm4b:s4+s28], $0x80, v1, vm1, $0xb8;
	[tilespmem:$0x1C000] =	vst v63  }
0x1e3: {  	_ =	swait.ge [sflag:s20], $0x800  }
0x1e4: {  	[sflag:s20] =	ssyncset.done $0x0  }
0x1e5: {  	[sflag:s20] =	ssyncadd.s32 $0xFFFFF800  }
0x1e6: {  	v1 =	vld [tilespmem:s23+$0x10];
	_ =	sdelay $0x4  }
0x1e7: {  	v1 =	vshrl.u32 v1, $0x10;
	_ =	sdelay $0x4  }
0x1e8: {  	[spmem:s2] =	stream.indirect_vreg.scatter.add.f32 [tilespmem:s24], [sflag:$0x17], $0x80, v1, vm0, $0xb8;
	[tilespmem:$0x1C000] =	vst v63  }
0x1e9: {  	_ =	swait.ge [sflag:s21], $0x800  }
0x1ea: {  	[sflag:s21] =	ssyncset.done $0x0  }
0x1eb: {  	[sflag:s21] =	ssyncadd.s32 $0xFFFFF800  }
0x1ec: {  	v1 =	vld @!p2 [tilespmem:s23+$0x80];
	_ =	sdelay $0x4  }
0x1ed: {  	v1 =	vand.u32 @!p2 $0xFFFF, v1;
	_ =	sdelay $0x3  }
0x1ee: {  	s29 =	simm.s32 @!p2 $0x4F80  }
0x1ef: {  	[tilespmem:s29], [sflag:$0x6] =	stream.indirect_vreg.gather @!p2 [hbm4b:s4+s28], $0x80, v1, vm1, $0xb8;
	[tilespmem:$0x1C000] =	vst v63  }
0x1f0: {  	_ =	swait.ge [sflag:s22], $0x800  }
0x1f1: {  	[sflag:s22] =	ssyncset.done $0x0  }
0x1f2: {  	[sflag:s22] =	ssyncadd.s32 $0xFFFFF800  }
0x1f3: {  	v1 =	vld [tilespmem:s23+$0x20];
	_ =	sdelay $0x3  }
0x1f4: {  	s5 =	sadd.s32 $0xC, s5  }
0x1f5: {  	p2 =	sne.s32 s5, $0x273;
	v1 =	vshrl.u32 v1, $0x10  }
.Ltmp2:
0x1f6: {  	_ = 	snop;
	(pc) =	sbr.rel @p2 .LBB2_6-.Ltmp2, $3  }
0x1f7: {  	_ =	sdelay $0x1  }
0x1f8: {  	s23 =	sadd.s32 $0xC0, s23  }
0x1f9: {  	[spmem:s2] =	stream.indirect_vreg.scatter.add.f32 [tilespmem:s25], [sflag:$0x18], $0x80, v1, vm0, $0xb8;
	[tilespmem:$0x1C000] =	vst v63  }
0x1fa: {  	s0 =	simm.s32 $0x13  }
0x1fb: {  	_ =	swait.ge [sflag:s0], $0x800  }
0x1fc: {  	[sflag:s0] =	ssyncset.done $0x0  }
0x1fd: {  	[sflag:s0] =	ssyncadd.s32 $0xFFFFF800  }
0x1fe: {  	_ =	swait.ge [sflag:s8], $0x800  }
0x1ff: {  	[sflag:s8] =	ssyncset.done $0x0  }
0x200: {  	[sflag:s8] =	ssyncadd.s32 $0xFFFFF800  }
0x201: {  	v1 =	vld [tilespmem:$0x2700];
	_ =	sdelay $0x4  }
0x202: {  	v1 =	vshrl.u32 v1, $0x10;
	_ =	sdelay $0x3  }
0x203: {  	s1 =	simm.s32 $0x14  }
0x204: {  	[spmem:s2] =	stream.indirect_vreg.scatter.add.f32 [tilespmem:s26], [sflag:$0xD], $0x80, v1, vm0, $0xb8;
	[tilespmem:$0x1C000] =	vst v63  }
0x205: {  	_ =	swait.ge [sflag:s1], $0x800  }
0x206: {  	[sflag:s1] =	ssyncset.done $0x0  }
0x207: {  	s5 =	simm.s32 $0x15;
	[sflag:s1] =	ssyncadd.s32 $0xFFFFF800  }
0x208: {  	_ =	swait.ge [sflag:s5], $0x800  }
0x209: {  	[sflag:s5] =	ssyncset.done $0x0  }
0x20a: {  	s6 =	simm.s32 $0x16;
	[sflag:s5] =	ssyncadd.s32 $0xFFFFF800  }
0x20b: {  	_ =	swait.ge [sflag:s6], $0x800  }
0x20c: {  	[sflag:s6] =	ssyncset.done $0x0  }
0x20d: {  	s31 =	simm.s32 $0x17;
	[sflag:s6] =	ssyncadd.s32 $0xFFFFF800  }
0x20e: {  	_ =	swait.ge [sflag:s31], $0x800  }
0x20f: {  	[sflag:s31] =	ssyncset.done $0x0  }
0x210: {  	s23 =	simm.s32 $0x18;
	[sflag:s31] =	ssyncadd.s32 $0xFFFFF800  }
0x211: {  	_ =	swait.ge [sflag:s23], $0x800  }
0x212: {  	[sflag:s23] =	ssyncset.done $0x0  }
0x213: {  	[sflag:s23] =	ssyncadd.s32 $0xFFFFF800  }
0x214: {  	_ =	swait.ge [sflag:s15], $0x800  }
0x215: {  	[sflag:s15] =	ssyncset.done $0x0  }
0x216: {  	[sflag:s15] =	ssyncadd.s32 $0xFFFFF800  }
0x217: {  	[bflag:$0x0] =	sbarrier.arrive $0xFFFF  }
0x218: {  	s23 =	rddreg [dreg:$0x17]  }
0x219: {  	s5 =	simm.s32 @p1 $0x1FD9;
	s28 =	rddreg [dreg:$0x19]  }
0x21a: {  	[hbm:s23], [sflag:s5] =	dma.local @p1 [spmem:s28], $0x2800  }
0x21b: {  	s5 =	simm.s32 @p1 $0x19  }
0x21c: {  	_ =	swait.ge @p1 [sflag:s5], $0x2800  }
0x21d: {  	s23 =	stileid.u32;
	s28 =	rddreg [dreg:$0x5]  }
0x21e: {  	s23 =	sshll.u32 @!p1 s23, $0x6;
	[sflag:s5] =	ssyncset.done @p1 $0x0;
	s29 =	rddreg [dreg:$0x15]  }
0x21f: {  	[sflag:s5] =	ssyncadd.s32 @p1 $0xFFFFD800;
	s5 =	sor.u32 @!p1 $0x1C19, s23;
	s23 =	sshrl.u32 @!p1 s28, $0x3  }
0x220: {  	[hbm:s29], [sflag:s5] =	dma.local @!p1 [spmem:s23], $0x2700  }
0x221: {  	s5 =	simm.s32 @!p1 $0x19  }
0x222: {  	_ =	swait.ge @!p1 [sflag:s5], $0x2700  }
0x223: {  	s1 =	sld [smem:$0x7FD];
	_ =	sdelay $0x2  }
0x224: {  	s6 =	rddreg [dreg:$0x18];
	s0 =	sadd.s32 $0x1, s1  }
0x225: {  	p2 =	sne.s32 s0, s6  }
.Ltmp3:
0x226: {  	_ = 	snop;
	(pc) =	sbr.rel @p2 .LBB2_1-.Ltmp3, $4  }
0x227: {  	_ = 	snop  }
0x228: {  	s30 =	simm.s32 $0x3780;
	[sflag:s5] =	ssyncset.done @!p1 $0x0  }
0x229: {  	s29 =	simm.s32 $0x2F80;
	[sflag:s5] =	ssyncadd.s32 @!p1 $0xFFFFD900;
	s1 =	simm.s32 $0x3F80  }
0x22a: {  	[smem:$0x7FD] =	sst s0;
	s6 =	simm.s32 $0x4780;
	s0 =	simm.s32 $0x4F80  }
0x22b: {  	_ =	sfence.sel $0x180000  }
0x22c: {  	[bflag:$0x0] =	sbarrier.arrive $0xFFFF  }
0x22d: {  	_ =	strace $0x90000047  }
0x22e: {  	s0 =	stileid.u32;
	[bflag:$0x2] =	sbarrier.arrive $0xFFFF  }
0x22f: {  	p0 =	sne.s32 s0, $0x0;
	s0 =	rddreg [dreg:$0x2]  }
0x230: {  	s0 =	sadd.s32 @!p0 $0x100000, s0  }
0x231: {  	[sflag:s0] =	ssyncadd.tile.s32 @!p0 $0x1;
	_ =	shalt  }
.Lfunc_end2:
_tile_overlayer_lowered:
.L_overlay_start_2:
0x232: {  	(tag) =	ssettag $0x2  }
0x233: {  	s0 =	rddreg [dreg:$0x0];
	s2 =	stileid.u32  }
0x234: {  	s1 =	rddreg [dreg:$0x1];
	p0 =	sne.s32 s2, $0x0  }
0x235: {  	s3 =	rddreg [dreg:$0x2];
	[bflag:$0x3] =	sbarrier.arrive $0xFFFF;
	s2 =	simm.s32 @!p0 $0x1C19  }
0x236: {  	[timem:s3], [sflag:s2] =	dma.local @!p0 [hbm:s0], s1  }
0x237: {  	s0 =	simm.s32 @!p0 $0x19  }
0x238: {  	_ =	swait.ge @!p0 [sflag:s0], s1  }
0x239: {  	s1 =	ssub.s32 @!p0 $0x0, s1;
	[sflag:s0] =	ssyncset.done @!p0 $0x0  }
0x23a: {  	[sflag:s0] =	ssyncadd.s32 @!p0 s1  }
0x23b: {  	[bflag:$0x3] =	sbarrier.arrive $0xFFFF  }
0x23c: {  	_ =	shalt  }

</sc_bundles>
